<compile_context>
chip_gen: v7x
topology: tpu7x:2x2x1
jax: 0.10.2.dev20260603
libtpu: 0.0.44.dev20260713+nightly
codegen_flags: <defaults>
</compile_context>

<pallas_src>
import functools

import jax
import jax.numpy as jnp
from jax import lax
from jax.experimental import pallas as pl
from jax.experimental.pallas import tpu as pltpu
from jax.experimental.pallas import tpu_sc as plsc

N = 10000
E = 320000
NG = 64
NPAD = 10112
SLICE = NPAD // 16
E_PAD = 327680
EROWS = E_PAD // 128
ROWS_PER_TILE = EROWS // 32
CH = 8
CHB = 8
RMM = 1264
R = 2000
F32 = jnp.float32

_mesh = plsc.VectorSubcoreMesh(core_axis_name="c", subcore_axis_name="s")



def _deg_body(dst_hbm, out_hbm, dst_v, ones_v, zero_v, drain_v, acc_sh, ssem):
    c = lax.axis_index("c")
    s = lax.axis_index("s")
    for j in range(640 // 16):
        zero_v[pl.ds(j * 16, 16)] = jnp.zeros((16,), F32)
    for j in range(128 // 16):
        ones_v[pl.ds(j * 16, 16)] = jnp.full((16,), 1.0, F32)
    pltpu.sync_copy(zero_v, acc_sh.at[pl.ds(s * 640, 640)])
    plsc.subcore_barrier()

    row0 = c * (EROWS // 2) + s * ROWS_PER_TILE

    def body(i, carry):
        pltpu.sync_copy(dst_hbm.at[pl.ds(row0 + i * CH, CH)], dst_v)
        for j in range(CH):
            pltpu.async_copy(ones_v, acc_sh.at[dst_v.at[j]], ssem, add=True)
        return carry

    lax.fori_loop(0, ROWS_PER_TILE // CH, body, 0)
    pltpu.make_async_copy(out_hbm.at[0, pl.ds(0, ROWS_PER_TILE * 128)],
                          drain_v, ssem).wait()
    plsc.subcore_barrier()
    pltpu.sync_copy(acc_sh.at[pl.ds(s * 640, 640)],
                    out_hbm.at[c, pl.ds(s * 640, 640)])


_deg_kernel = functools.partial(
    pl.kernel,
    out_type=jax.ShapeDtypeStruct((2, 10240), F32),
    mesh=_mesh,
    scratch_types=[
        pltpu.VMEM((CH, 128), jnp.int32),
        pltpu.VMEM((128,), F32),
        pltpu.VMEM((640,), F32),
        pltpu.VMEM((ROWS_PER_TILE * 128,), F32),
        pltpu.VMEM_SHARED((10240,), F32),
        pltpu.SemaphoreType.DMA,
    ],
)(_deg_body)



def _agg2_body(g_hbm, zeros_hbm, idx_hbm, out_hbm,
               idx_v, r0, r1, acc_sh, g0, g1, s0, s1):
    c = lax.axis_index("c")
    s = lax.axis_index("s")
    @pl.when(c == 0)
    def _():
        pltpu.sync_copy(g_hbm.at[pl.ds(s * SLICE, SLICE)],
                        acc_sh.at[pl.ds(s * SLICE, SLICE)])

    @pl.when(c == 1)
    def _():
        pltpu.sync_copy(zeros_hbm.at[pl.ds(s * SLICE, SLICE)],
                        acc_sh.at[pl.ds(s * SLICE, SLICE)])

    plsc.subcore_barrier()

    rows = (r0, r1)
    gsem = (g0, g1)
    ssem = (s0, s1)
    row_base = c * (EROWS // 2) + s * ROWS_PER_TILE
    half = ROWS_PER_TILE // 2

    def _wait_g(b):
        pltpu.make_async_copy(g_hbm.at[pl.ds(0, 128)], rows[b], gsem[b]).wait()

    def _wait_s(b):
        pltpu.make_async_copy(g_hbm.at[pl.ds(0, 128)], rows[b], ssem[b]).wait()

    def _run_half(hbase, first_half):
        if not first_half:
            _wait_s(0)
            _wait_s(1)
        pltpu.sync_copy(idx_hbm.at[pl.ds(row_base + hbase, half)], idx_v)
        pltpu.async_copy(g_hbm.at[idx_v.at[0, 0]], rows[0], gsem[0])

        def body(k, carry):
            @pl.when(k > 0)
            def _():
                _wait_s(1)
            pltpu.async_copy(g_hbm.at[idx_v.at[2 * k + 1, 0]],
                             rows[1], gsem[1])
            _wait_g(0)
            pltpu.async_copy(rows[0], acc_sh.at[idx_v.at[2 * k, 1]],
                             ssem[0], add=True)

            @pl.when(k < half // 2 - 1)
            def _():
                _wait_s(0)
                pltpu.async_copy(g_hbm.at[idx_v.at[2 * k + 2, 0]],
                                 rows[0], gsem[0])
            _wait_g(1)
            pltpu.async_copy(rows[1], acc_sh.at[idx_v.at[2 * k + 1, 1]],
                             ssem[1], add=True)
            return carry

        lax.fori_loop(0, half // 2, body, 0)

    _run_half(0, True)
    _run_half(half, False)
    _wait_s(0)
    _wait_s(1)
    plsc.subcore_barrier()
    pltpu.sync_copy(acc_sh.at[pl.ds(s * SLICE, SLICE)],
                    out_hbm.at[c, pl.ds(s * SLICE, SLICE)])


_agg128 = functools.partial(
    pl.kernel,
    out_type=jax.ShapeDtypeStruct((2, NPAD, 128), F32),
    mesh=_mesh,
    compiler_params=pltpu.CompilerParams(use_tc_tiling_on_sc=False),
    scratch_types=(
        [pltpu.VMEM((ROWS_PER_TILE // 2, 2, 128), jnp.int32)]
        + [pltpu.VMEM((128, 128), F32) for _ in range(2)]
        + [pltpu.VMEM_SHARED((NPAD, 128), F32)]
        + [pltpu.SemaphoreType.DMA] * 4
    ),
)(_agg2_body)



def _aggn_body(fw, g_hbm, zeros_hbm, idx_hbm, out_hbm,
               idx_v, r0, r1, r2, r3, acc_sh,
               g0, g1, g2, g3, s0, s1, s2, s3):
    c = lax.axis_index("c")
    s = lax.axis_index("s")
    @pl.when(c == 0)
    def _():
        pltpu.sync_copy(g_hbm.at[pl.ds(s * SLICE, SLICE)],
                        acc_sh.at[pl.ds(s * SLICE, SLICE)])

    @pl.when(c == 1)
    def _():
        pltpu.sync_copy(zeros_hbm.at[pl.ds(s * SLICE, SLICE)],
                        acc_sh.at[pl.ds(s * SLICE, SLICE)])

    plsc.subcore_barrier()

    rows = (r0, r1, r2, r3)
    gsem = (g0, g1, g2, g3)
    ssem = (s0, s1, s2, s3)
    row_base = c * (EROWS // 2) + s * ROWS_PER_TILE
    pltpu.sync_copy(idx_hbm.at[pl.ds(row_base, ROWS_PER_TILE)], idx_v)

    def _wait_g(b):
        pltpu.make_async_copy(g_hbm.at[pl.ds(0, 128)], rows[b], gsem[b]).wait()

    def _wait_s(b):
        pltpu.make_async_copy(g_hbm.at[pl.ds(0, 128)], rows[b], ssem[b]).wait()

    for j in range(3):
        pltpu.async_copy(g_hbm.at[idx_v.at[j, 0]], rows[j], gsem[j])

    def quad(k, carry):
        for u4 in range(4):
            j = 4 * k + u4
            b = u4
            b2 = (u4 + 3) % 4
            _wait_g(b)
            pltpu.async_copy(rows[b], acc_sh.at[idx_v.at[j, 1]],
                             ssem[b], add=True)
            j2 = j + 3

            @pl.when(jnp.logical_and(j >= 1, j2 < ROWS_PER_TILE))
            def _():
                _wait_s(b2)

            @pl.when(j2 < ROWS_PER_TILE)
            def _():
                pltpu.async_copy(g_hbm.at[idx_v.at[j2, 0]],
                                 rows[b2], gsem[b2])
        return carry

    lax.fori_loop(0, ROWS_PER_TILE // 4, quad, 0)
    for b in range(4):
        _wait_s(b)
    plsc.subcore_barrier()
    pltpu.sync_copy(acc_sh.at[pl.ds(s * SLICE, SLICE)],
                    out_hbm.at[c, pl.ds(s * SLICE, SLICE)])


def _make_aggn(fw):
    return functools.partial(
        pl.kernel,
        out_type=jax.ShapeDtypeStruct((2, NPAD, fw), F32),
        mesh=_mesh,
        compiler_params=pltpu.CompilerParams(use_tc_tiling_on_sc=False),
        scratch_types=(
            [pltpu.VMEM((ROWS_PER_TILE, 2, 128), jnp.int32)]
            + [pltpu.VMEM((128, fw), F32) for _ in range(4)]
            + [pltpu.VMEM_SHARED((NPAD, fw), F32)]
            + [pltpu.SemaphoreType.DMA] * 8
        ),
    )(functools.partial(_aggn_body, fw))


_agg64 = _make_aggn(64)
_agg32 = _make_aggn(32)



def _mm_first_body(x_ref, w_ref, deg_ref, o_ref):
    d = deg_ref[:, 0] + deg_ref[:, 1] + 1.0
    dinv = lax.rsqrt(d)
    g = jnp.dot(x_ref[...], w_ref[...], preferred_element_type=F32)
    o_ref[...] = g * dinv[:, None]


def _mm_mid_body(acc_ref, deg_ref, b_ref, w_ref, o_ref):
    d = deg_ref[:, 0] + deg_ref[:, 1] + 1.0
    dinv = lax.rsqrt(d)
    h = acc_ref[0] + acc_ref[1]
    a = jnp.maximum(dinv[:, None] * h + b_ref[...], 0.0)
    g = jnp.dot(a, w_ref[...], preferred_element_type=F32)
    o_ref[...] = g * dinv[:, None]


def _pool_body(acc_ref, deg_ref, b_ref, batch_ref, wfc_ref, bfc_ref,
               o_ref, pooled_scr):
    i = pl.program_id(0)

    @pl.when(i == 0)
    def _():
        pooled_scr[...] = jnp.zeros((NG, NG), F32)

    d = deg_ref[:, 0] + deg_ref[:, 1] + 1.0
    dinv = lax.rsqrt(d)
    h = acc_ref[0] + acc_ref[1]
    a = jnp.maximum(dinv[:, None] * h + b_ref[...], 0.0)
    ax = jnp.concatenate([a, jnp.ones((R, 32), F32)], axis=-1)
    gid = batch_ref[...]
    oh = (gid == lax.broadcasted_iota(jnp.int32, (R, NG), 1)).astype(F32)
    pooled_scr[...] += lax.dot_general(
        oh, ax, (((0,), (0,)), ((), ())), preferred_element_type=F32)

    @pl.when(i == pl.num_programs(0) - 1)
    def _():
        pooled = pooled_scr[...]
        counts = jnp.maximum(pooled[:, 32:33], 1.0)
        mean = pooled[:, :32] / counts
        o_ref[...] = jnp.dot(mean, wfc_ref[...],
                             preferred_element_type=F32) + bfc_ref[...]


def _mm_first(x, w, deg):
    return pl.pallas_call(
        _mm_first_body,
        grid=(NPAD // RMM,),
        in_specs=[
            pl.BlockSpec((RMM, x.shape[1]), lambda i: (i, 0)),
            pl.BlockSpec(w.shape, lambda i: (0, 0)),
            pl.BlockSpec((RMM, 2), lambda i: (i, 0)),
        ],
        out_specs=pl.BlockSpec((RMM, 128), lambda i: (i, 0)),
        out_shape=jax.ShapeDtypeStruct((NPAD, 128), F32),
    )(x, w, deg)


def _mm_mid(acc, deg, b, w):
    fin = acc.shape[2]
    fout = w.shape[1]
    return pl.pallas_call(
        _mm_mid_body,
        grid=(NPAD // RMM,),
        in_specs=[
            pl.BlockSpec((2, RMM, fin), lambda i: (0, i, 0)),
            pl.BlockSpec((RMM, 2), lambda i: (i, 0)),
            pl.BlockSpec(b.shape, lambda i: (0, 0)),
            pl.BlockSpec(w.shape, lambda i: (0, 0)),
        ],
        out_specs=pl.BlockSpec((RMM, fout), lambda i: (i, 0)),
        out_shape=jax.ShapeDtypeStruct((NPAD, fout), F32),
    )(acc, deg, b, w)


def _pool(acc, deg, b, batch2d, wfc, bfc):
    return pl.pallas_call(
        _pool_body,
        grid=(N // R,),
        in_specs=[
            pl.BlockSpec((2, R, 32), lambda i: (0, i, 0)),
            pl.BlockSpec((R, 2), lambda i: (i, 0)),
            pl.BlockSpec(b.shape, lambda i: (0, 0)),
            pl.BlockSpec((R, 1), lambda i: (i, 0)),
            pl.BlockSpec(wfc.shape, lambda i: (0, 0)),
            pl.BlockSpec(bfc.shape, lambda i: (0, 0)),
        ],
        out_specs=pl.BlockSpec((NG, 10), lambda i: (0, 0)),
        out_shape=jax.ShapeDtypeStruct((NG, 10), F32),
        scratch_shapes=[pltpu.VMEM((NG, NG), F32)],
    )(acc, deg, b, batch2d, wfc, bfc)



def kernel(x, edge_index, batch, W1, b1, W2, b2, W3, b3, W4, b4, W5, b5,
           Wfc, bfc):
    src = edge_index[0].astype(jnp.int32)
    dst = edge_index[1].astype(jnp.int32)
    npad = E_PAD - E
    pad_src = (jnp.arange(npad, dtype=jnp.int32) * 13) % N
    pad_dst = N + (jnp.arange(npad, dtype=jnp.int32) % (NPAD - N))
    src2 = jnp.concatenate([src, pad_src]).reshape(EROWS, 128)
    dst2 = jnp.concatenate([dst, pad_dst]).reshape(EROWS, 128)
    idx3 = jnp.stack([src2, dst2], axis=1)

    batch2d = batch.astype(jnp.int32).reshape(N, 1)
    zeros = jnp.zeros((NPAD, 128), F32)
    zeros64 = jnp.zeros((NPAD, 64), F32)
    zeros32 = jnp.zeros((NPAD, 32), F32)
    b1r = b1.reshape(1, -1)
    b2r = b2.reshape(1, -1)
    b3r = b3.reshape(1, -1)
    b4r = b4.reshape(1, -1)
    b5r = b5.reshape(1, -1)
    bfcr = bfc.reshape(1, -1)

    deg = _deg_kernel(dst2).T

    g = _mm_first(x, W1, deg)
    acc = _agg128(g, zeros, idx3)
    g = _mm_mid(acc, deg, b1r, W2)
    acc = _agg128(g, zeros, idx3)
    g = _mm_mid(acc, deg, b2r, W3)
    acc = _agg128(g, zeros, idx3)
    g = _mm_mid(acc, deg, b3r, W4)
    acc = _agg64(g, zeros64, idx3)
    g = _mm_mid(acc, deg, b4r, W5)
    acc = _agg32(g, zeros32, idx3)

    return _pool(acc, deg, b5r, batch2d, Wfc, bfcr)

# --- scband reference (transcript-rebuilt; emitter-appended) ---
"""Pipeline reference for scband-gcn5-13065290514766 (READ-ONLY COPY).

The authoritative reference and input builder live on the scoring server;
editing this copy changes nothing except your own understanding.
"""

import jax, jax.numpy as jnp
import numpy as np

N_NODES = 10000
N_EDGES = 320000
NUM_GRAPHS = 64
NUM_FEATURES = 128
NUM_CLASSES = 10


def _glorot(key, shape):
    fan_in = shape[0]
    return jax.random.normal(key, shape, dtype=jnp.float32) * (1.0 / np.sqrt(fan_in))


def setup_inputs(seed: int = 0) -> dict:
    key = jax.random.key(seed)
    ks = jax.random.split(key, 16)
    x = jax.random.normal(ks[0], (N_NODES, NUM_FEATURES), dtype=jnp.float32)
    edge_index = jax.random.randint(ks[1], (2, N_EDGES), 0, N_NODES, dtype=jnp.int64)
    batch = jnp.sort(jax.random.randint(ks[2], (N_NODES,), 0, NUM_GRAPHS, dtype=jnp.int64))
    W1 = _glorot(ks[3], (128, 128)); b1 = jnp.zeros((128,), jnp.float32)
    W2 = _glorot(ks[4], (128, 128)); b2 = jnp.zeros((128,), jnp.float32)
    W3 = _glorot(ks[5], (128, 128)); b3 = jnp.zeros((128,), jnp.float32)
    W4 = _glorot(ks[6], (128, 64)); b4 = jnp.zeros((64,), jnp.float32)
    W5 = _glorot(ks[7], (64, 32)); b5 = jnp.zeros((32,), jnp.float32)
    Wfc = _glorot(ks[8], (32, NUM_CLASSES)); bfc = jnp.zeros((NUM_CLASSES,), jnp.float32)
    return {"x": x, "edge_index": edge_index, "batch": batch,
            "W1": W1, "b1": b1, "W2": W2, "b2": b2, "W3": W3, "b3": b3,
            "W4": W4, "b4": b4, "W5": W5, "b5": b5, "Wfc": Wfc, "bfc": bfc}


def gcn_conv(x, edge_index, W, b):
    num_nodes = x.shape[0]
    loops = jnp.arange(num_nodes, dtype=edge_index.dtype)
    src = jnp.concatenate([edge_index[0], loops])
    dst = jnp.concatenate([edge_index[1], loops])
    ones = jnp.ones(src.shape[0], dtype=x.dtype)
    deg = jax.ops.segment_sum(ones, dst, num_segments=num_nodes)
    dinv = jnp.where(deg > 0, jax.lax.rsqrt(jnp.maximum(deg, 1e-12)), 0.0)
    norm = dinv[src] * dinv[dst]
    h = x @ W
    msgs = h[src] * norm[:, None]
    out = jax.ops.segment_sum(msgs, dst, num_segments=num_nodes)
    return out + b


def global_mean_pool(x, batch, num_graphs):
    sums = jax.ops.segment_sum(x, batch, num_segments=num_graphs)
    counts = jax.ops.segment_sum(jnp.ones((x.shape[0],), x.dtype), batch, num_segments=num_graphs)
    return sums / jnp.maximum(counts, 1.0)[:, None]


def reference(x, edge_index, batch, W1, b1, W2, b2, W3, b3, W4, b4, W5, b5, Wfc, bfc):
    h = jax.nn.relu(gcn_conv(x, edge_index, W1, b1))
    h = jax.nn.relu(gcn_conv(h, edge_index, W2, b2))
    h = jax.nn.relu(gcn_conv(h, edge_index, W3, b3))
    h = jax.nn.relu(gcn_conv(h, edge_index, W4, b4))
    h = jax.nn.relu(gcn_conv(h, edge_index, W5, b5))
    pooled = global_mean_pool(h, batch, NUM_GRAPHS)
    # dropout is identity in eval mode (training=False)
    out = pooled @ Wfc + bfc
    return out

if __name__ == "__main__":
    import jax
    _d = setup_inputs()
    print(jax.jit(kernel)(*tuple(_d.values())))

</pallas_src>

<mosaic_0001>
#map = affine_map<(d0, d1) -> (0, 0)>
module attributes {stable_mosaic.version = 14 : i64} {
  func.func @_deg_body(%arg0: i32, %arg1: i32, %arg2: memref<2560x128xi32, #tpu.memory_space<hbm>>, %arg3: memref<2x10240xf32, #tpu.memory_space<hbm>>, %arg4: memref<8x128xi32, #tpu.memory_space<vmem>>, %arg5: memref<128xf32, #tpu.memory_space<vmem>>, %arg6: memref<640xf32, #tpu.memory_space<vmem>>, %arg7: memref<10240xf32, #tpu.memory_space<vmem>>, %arg8: memref<10240xf32, #tpu.memory_space<vmem_shared>>, %arg9: memref<!tpu.dma_semaphore, #tpu.memory_space<semaphore_mem>>) attributes {dimension_semantics = [#tpu.dimension_semantics<core_parallel>, #tpu.dimension_semantics<subcore_parallel>], iteration_bounds = array<i64: 2, 16>, scalar_prefetch = 0 : i64, scratch_operands = 6 : i64, tpu.core_type = #tpu.core_type<sc_vector_subcore>, window_params = [{transform_indices = #map}, {transform_indices = #map}]} {
    %broadcast_in_dim3A = arith.constant 0.000000e+00 : f32
    %broadcast_in_dim3A_0 = vector.broadcast %broadcast_in_dim3A : f32 to vector<16xf32>
    %swap3A = arith.constant 0 : index
    %swap3A_1 = tpu.vector_load %arg6[%swap3A] {strides = array<i32>} : memref<640xf32, #tpu.memory_space<vmem>>, vector<16xf32>,
    %swap3A_2 = vector.shape_cast %swap3A_1 : vector<16xf32> to vector<16xf32>
    %swap3A_3 = vector.shape_cast %broadcast_in_dim3A_0 : vector<16xf32> to vector<16xf32>
    tpu.vector_store %arg6[%swap3A], %swap3A_3 {strides = array<i32>} : memref<640xf32, #tpu.memory_space<vmem>>, vector<16xf32>,
    %broadcast_in_dim3A_4 = arith.constant 0.000000e+00 : f32
    %broadcast_in_dim3A_5 = vector.broadcast %broadcast_in_dim3A_4 : f32 to vector<16xf32>
    %swap3A_6 = arith.constant 16 : index
    %swap3A_7 = tpu.vector_load %arg6[%swap3A_6] {strides = array<i32>} : memref<640xf32, #tpu.memory_space<vmem>>, vector<16xf32>,
    %swap3A_8 = vector.shape_cast %swap3A_7 : vector<16xf32> to vector<16xf32>
    %swap3A_9 = vector.shape_cast %broadcast_in_dim3A_5 : vector<16xf32> to vector<16xf32>
    tpu.vector_store %arg6[%swap3A_6], %swap3A_9 {strides = array<i32>} : memref<640xf32, #tpu.memory_space<vmem>>, vector<16xf32>,
    %broadcast_in_dim3A_10 = arith.constant 0.000000e+00 : f32
    %broadcast_in_dim3A_11 = vector.broadcast %broadcast_in_dim3A_10 : f32 to vector<16xf32>
    %swap3A_12 = arith.constant 32 : index
    %swap3A_13 = tpu.vector_load %arg6[%swap3A_12] {strides = array<i32>} : memref<640xf32, #tpu.memory_space<vmem>>, vector<16xf32>,
    %swap3A_14 = vector.shape_cast %swap3A_13 : vector<16xf32> to vector<16xf32>
    %swap3A_15 = vector.shape_cast %broadcast_in_dim3A_11 : vector<16xf32> to vector<16xf32>
    tpu.vector_store %arg6[%swap3A_12], %swap3A_15 {strides = array<i32>} : memref<640xf32, #tpu.memory_space<vmem>>, vector<16xf32>,
    %broadcast_in_dim3A_16 = arith.constant 0.000000e+00 : f32
    %broadcast_in_dim3A_17 = vector.broadcast %broadcast_in_dim3A_16 : f32 to vector<16xf32>
    %swap3A_18 = arith.constant 48 : index
    %swap3A_19 = tpu.vector_load %arg6[%swap3A_18] {strides = array<i32>} : memref<640xf32, #tpu.memory_space<vmem>>, vector<16xf32>,
    %swap3A_20 = vector.shape_cast %swap3A_19 : vector<16xf32> to vector<16xf32>
    %swap3A_21 = vector.shape_cast %broadcast_in_dim3A_17 : vector<16xf32> to vector<16xf32>
    tpu.vector_store %arg6[%swap3A_18], %swap3A_21 {strides = array<i32>} : memref<640xf32, #tpu.memory_space<vmem>>, vector<16xf32>,
    %broadcast_in_dim3A_22 = arith.constant 0.000000e+00 : f32
    %broadcast_in_dim3A_23 = vector.broadcast %broadcast_in_dim3A_22 : f32 to vector<16xf32>
    %swap3A_24 = arith.constant 64 : index
    %swap3A_25 = tpu.vector_load %arg6[%swap3A_24] {strides = array<i32>} : memref<640xf32, #tpu.memory_space<vmem>>, vector<16xf32>,
    %swap3A_26 = vector.shape_cast %swap3A_25 : vector<16xf32> to vector<16xf32>
    %swap3A_27 = vector.shape_cast %broadcast_in_dim3A_23 : vector<16xf32> to vector<16xf32>
    tpu.vector_store %arg6[%swap3A_24], %swap3A_27 {strides = array<i32>} : memref<640xf32, #tpu.memory_space<vmem>>, vector<16xf32>,
    %broadcast_in_dim3A_28 = arith.constant 0.000000e+00 : f32
    %broadcast_in_dim3A_29 = vector.broadcast %broadcast_in_dim3A_28 : f32 to vector<16xf32>
    %swap3A_30 = arith.constant 80 : index
    %swap3A_31 = tpu.vector_load %arg6[%swap3A_30] {strides = array<i32>} : memref<640xf32, #tpu.memory_space<vmem>>, vector<16xf32>,
    %swap3A_32 = vector.shape_cast %swap3A_31 : vector<16xf32> to vector<16xf32>
    %swap3A_33 = vector.shape_cast %broadcast_in_dim3A_29 : vector<16xf32> to vector<16xf32>
    tpu.vector_store %arg6[%swap3A_30], %swap3A_33 {strides = array<i32>} : memref<640xf32, #tpu.memory_space<vmem>>, vector<16xf32>,
    %broadcast_in_dim3A_34 = arith.constant 0.000000e+00 : f32
    %broadcast_in_dim3A_35 = vector.broadcast %broadcast_in_dim3A_34 : f32 to vector<16xf32>
    %swap3A_36 = arith.constant 96 : index
    %swap3A_37 = tpu.vector_load %arg6[%swap3A_36] {strides = array<i32>} : memref<640xf32, #tpu.memory_space<vmem>>, vector<16xf32>,
    %swap3A_38 = vector.shape_cast %swap3A_37 : vector<16xf32> to vector<16xf32>
    %swap3A_39 = vector.shape_cast %broadcast_in_dim3A_35 : vector<16xf32> to vector<16xf32>
    tpu.vector_store %arg6[%swap3A_36], %swap3A_39 {strides = array<i32>} : memref<640xf32, #tpu.memory_space<vmem>>, vector<16xf32>,
    %broadcast_in_dim3A_40 = arith.constant 0.000000e+00 : f32
    %broadcast_in_dim3A_41 = vector.broadcast %broadcast_in_dim3A_40 : f32 to vector<16xf32>
    %swap3A_42 = arith.constant 112 : index
    %swap3A_43 = tpu.vector_load %arg6[%swap3A_42] {strides = array<i32>} : memref<640xf32, #tpu.memory_space<vmem>>, vector<16xf32>,
    %swap3A_44 = vector.shape_cast %swap3A_43 : vector<16xf32> to vector<16xf32>
    %swap3A_45 = vector.shape_cast %broadcast_in_dim3A_41 : vector<16xf32> to vector<16xf32>
    tpu.vector_store %arg6[%swap3A_42], %swap3A_45 {strides = array<i32>} : memref<640xf32, #tpu.memory_space<vmem>>, vector<16xf32>,
    %broadcast_in_dim3A_46 = arith.constant 0.000000e+00 : f32
    %broadcast_in_dim3A_47 = vector.broadcast %broadcast_in_dim3A_46 : f32 to vector<16xf32>
    %swap3A_48 = arith.constant 128 : index
    %swap3A_49 = tpu.vector_load %arg6[%swap3A_48] {strides = array<i32>} : memref<640xf32, #tpu.memory_space<vmem>>, vector<16xf32>,
    %swap3A_50 = vector.shape_cast %swap3A_49 : vector<16xf32> to vector<16xf32>
    %swap3A_51 = vector.shape_cast %broadcast_in_dim3A_47 : vector<16xf32> to vector<16xf32>
    tpu.vector_store %arg6[%swap3A_48], %swap3A_51 {strides = array<i32>} : memref<640xf32, #tpu.memory_space<vmem>>, vector<16xf32>,
    %broadcast_in_dim3A_52 = arith.constant 0.000000e+00 : f32
    %broadcast_in_dim3A_53 = vector.broadcast %broadcast_in_dim3A_52 : f32 to vector<16xf32>
    %swap3A_54 = arith.constant 144 : index
    %swap3A_55 = tpu.vector_load %arg6[%swap3A_54] {strides = array<i32>} : memref<640xf32, #tpu.memory_space<vmem>>, vector<16xf32>,
    %swap3A_56 = vector.shape_cast %swap3A_55 : vector<16xf32> to vector<16xf32>
    %swap3A_57 = vector.shape_cast %broadcast_in_dim3A_53 : vector<16xf32> to vector<16xf32>
    tpu.vector_store %arg6[%swap3A_54], %swap3A_57 {strides = array<i32>} : memref<640xf32, #tpu.memory_space<vmem>>, vector<16xf32>,
    %broadcast_in_dim3A_58 = arith.constant 0.000000e+00 : f32
    %broadcast_in_dim3A_59 = vector.broadcast %broadcast_in_dim3A_58 : f32 to vector<16xf32>
    %swap3A_60 = arith.constant 160 : index
    %swap3A_61 = tpu.vector_load %arg6[%swap3A_60] {strides = array<i32>} : memref<640xf32, #tpu.memory_space<vmem>>, vector<16xf32>,
    %swap3A_62 = vector.shape_cast %swap3A_61 : vector<16xf32> to vector<16xf32>
    %swap3A_63 = vector.shape_cast %broadcast_in_dim3A_59 : vector<16xf32> to vector<16xf32>
    tpu.vector_store %arg6[%swap3A_60], %swap3A_63 {strides = array<i32>} : memref<640xf32, #tpu.memory_space<vmem>>, vector<16xf32>,
    %broadcast_in_dim3A_64 = arith.constant 0.000000e+00 : f32
    %broadcast_in_dim3A_65 = vector.broadcast %broadcast_in_dim3A_64 : f32 to vector<16xf32>
    %swap3A_66 = arith.constant 176 : index
    %swap3A_67 = tpu.vector_load %arg6[%swap3A_66] {strides = array<i32>} : memref<640xf32, #tpu.memory_space<vmem>>, vector<16xf32>,
    %swap3A_68 = vector.shape_cast %swap3A_67 : vector<16xf32> to vector<16xf32>
    %swap3A_69 = vector.shape_cast %broadcast_in_dim3A_65 : vector<16xf32> to vector<16xf32>
    tpu.vector_store %arg6[%swap3A_66], %swap3A_69 {strides = array<i32>} : memref<640xf32, #tpu.memory_space<vmem>>, vector<16xf32>,
    %broadcast_in_dim3A_70 = arith.constant 0.000000e+00 : f32
    %broadcast_in_dim3A_71 = vector.broadcast %broadcast_in_dim3A_70 : f32 to vector<16xf32>
    %swap3A_72 = arith.constant 192 : index
    %swap3A_73 = tpu.vector_load %arg6[%swap3A_72] {strides = array<i32>} : memref<640xf32, #tpu.memory_space<vmem>>, vector<16xf32>,
    %swap3A_74 = vector.shape_cast %swap3A_73 : vector<16xf32> to vector<16xf32>
    %swap3A_75 = vector.shape_cast %broadcast_in_dim3A_71 : vector<16xf32> to vector<16xf32>
    tpu.vector_store %arg6[%swap3A_72], %swap3A_75 {strides = array<i32>} : memref<640xf32, #tpu.memory_space<vmem>>, vector<16xf32>,
    %broadcast_in_dim3A_76 = arith.constant 0.000000e+00 : f32
    %broadcast_in_dim3A_77 = vector.broadcast %broadcast_in_dim3A_76 : f32 to vector<16xf32>
    %swap3A_78 = arith.constant 208 : index
    %swap3A_79 = tpu.vector_load %arg6[%swap3A_78] {strides = array<i32>} : memref<640xf32, #tpu.memory_space<vmem>>, vector<16xf32>,
    %swap3A_80 = vector.shape_cast %swap3A_79 : vector<16xf32> to vector<16xf32>
    %swap3A_81 = vector.shape_cast %broadcast_in_dim3A_77 : vector<16xf32> to vector<16xf32>
    tpu.vector_store %arg6[%swap3A_78], %swap3A_81 {strides = array<i32>} : memref<640xf32, #tpu.memory_space<vmem>>, vector<16xf32>,
    %broadcast_in_dim3A_82 = arith.constant 0.000000e+00 : f32
    %broadcast_in_dim3A_83 = vector.broadcast %broadcast_in_dim3A_82 : f32 to vector<16xf32>
    %swap3A_84 = arith.constant 224 : index
    %swap3A_85 = tpu.vector_load %arg6[%swap3A_84] {strides = array<i32>} : memref<640xf32, #tpu.memory_space<vmem>>, vector<16xf32>,
    %swap3A_86 = vector.shape_cast %swap3A_85 : vector<16xf32> to vector<16xf32>
    %swap3A_87 = vector.shape_cast %broadcast_in_dim3A_83 : vector<16xf32> to vector<16xf32>
    tpu.vector_store %arg6[%swap3A_84], %swap3A_87 {strides = array<i32>} : memref<640xf32, #tpu.memory_space<vmem>>, vector<16xf32>,
    %broadcast_in_dim3A_88 = arith.constant 0.000000e+00 : f32
    %broadcast_in_dim3A_89 = vector.broadcast %broadcast_in_dim3A_88 : f32 to vector<16xf32>
    %swap3A_90 = arith.constant 240 : index
    %swap3A_91 = tpu.vector_load %arg6[%swap3A_90] {strides = array<i32>} : memref<640xf32, #tpu.memory_space<vmem>>, vector<16xf32>,
    %swap3A_92 = vector.shape_cast %swap3A_91 : vector<16xf32> to vector<16xf32>
    %swap3A_93 = vector.shape_cast %broadcast_in_dim3A_89 : vector<16xf32> to vector<16xf32>
    tpu.vector_store %arg6[%swap3A_90], %swap3A_93 {strides = array<i32>} : memref<640xf32, #tpu.memory_space<vmem>>, vector<16xf32>,
    %broadcast_in_dim3A_94 = arith.constant 0.000000e+00 : f32
    %broadcast_in_dim3A_95 = vector.broadcast %broadcast_in_dim3A_94 : f32 to vector<16xf32>
    %swap3A_96 = arith.constant 256 : index
    %swap3A_97 = tpu.vector_load %arg6[%swap3A_96] {strides = array<i32>} : memref<640xf32, #tpu.memory_space<vmem>>, vector<16xf32>,
    %swap3A_98 = vector.shape_cast %swap3A_97 : vector<16xf32> to vector<16xf32>
    %swap3A_99 = vector.shape_cast %broadcast_in_dim3A_95 : vector<16xf32> to vector<16xf32>
    tpu.vector_store %arg6[%swap3A_96], %swap3A_99 {strides = array<i32>} : memref<640xf32, #tpu.memory_space<vmem>>, vector<16xf32>,
    %broadcast_in_dim3A_100 = arith.constant 0.000000e+00 : f32
    %broadcast_in_dim3A_101 = vector.broadcast %broadcast_in_dim3A_100 : f32 to vector<16xf32>
    %swap3A_102 = arith.constant 272 : index
    %swap3A_103 = tpu.vector_load %arg6[%swap3A_102] {strides = array<i32>} : memref<640xf32, #tpu.memory_space<vmem>>, vector<16xf32>,
    %swap3A_104 = vector.shape_cast %swap3A_103 : vector<16xf32> to vector<16xf32>
    %swap3A_105 = vector.shape_cast %broadcast_in_dim3A_101 : vector<16xf32> to vector<16xf32>
    tpu.vector_store %arg6[%swap3A_102], %swap3A_105 {strides = array<i32>} : memref<640xf32, #tpu.memory_space<vmem>>, vector<16xf32>,
    %broadcast_in_dim3A_106 = arith.constant 0.000000e+00 : f32
    %broadcast_in_dim3A_107 = vector.broadcast %broadcast_in_dim3A_106 : f32 to vector<16xf32>
    %swap3A_108 = arith.constant 288 : index
    %swap3A_109 = tpu.vector_load %arg6[%swap3A_108] {strides = array<i32>} : memref<640xf32, #tpu.memory_space<vmem>>, vector<16xf32>,
    %swap3A_110 = vector.shape_cast %swap3A_109 : vector<16xf32> to vector<16xf32>
    %swap3A_111 = vector.shape_cast %broadcast_in_dim3A_107 : vector<16xf32> to vector<16xf32>
    tpu.vector_store %arg6[%swap3A_108], %swap3A_111 {strides = array<i32>} : memref<640xf32, #tpu.memory_space<vmem>>, vector<16xf32>,
    %broadcast_in_dim3A_112 = arith.constant 0.000000e+00 : f32
    %broadcast_in_dim3A_113 = vector.broadcast %broadcast_in_dim3A_112 : f32 to vector<16xf32>
    %swap3A_114 = arith.constant 304 : index
    %swap3A_115 = tpu.vector_load %arg6[%swap3A_114] {strides = array<i32>} : memref<640xf32, #tpu.memory_space<vmem>>, vector<16xf32>,
    %swap3A_116 = vector.shape_cast %swap3A_115 : vector<16xf32> to vector<16xf32>
    %swap3A_117 = vector.shape_cast %broadcast_in_dim3A_113 : vector<16xf32> to vector<16xf32>
    tpu.vector_store %arg6[%swap3A_114], %swap3A_117 {strides = array<i32>} : memref<640xf32, #tpu.memory_space<vmem>>, vector<16xf32>,
    %broadcast_in_dim3A_118 = arith.constant 0.000000e+00 : f32
    %broadcast_in_dim3A_119 = vector.broadcast %broadcast_in_dim3A_118 : f32 to vector<16xf32>
    %swap3A_120 = arith.constant 320 : index
    %swap3A_121 = tpu.vector_load %arg6[%swap3A_120] {strides = array<i32>} : memref<640xf32, #tpu.memory_space<vmem>>, vector<16xf32>,
    %swap3A_122 = vector.shape_cast %swap3A_121 : vector<16xf32> to vector<16xf32>
    %swap3A_123 = vector.shape_cast %broadcast_in_dim3A_119 : vector<16xf32> to vector<16xf32>
    tpu.vector_store %arg6[%swap3A_120], %swap3A_123 {strides = array<i32>} : memref<640xf32, #tpu.memory_space<vmem>>, vector<16xf32>,
    %broadcast_in_dim3A_124 = arith.constant 0.000000e+00 : f32
    %broadcast_in_dim3A_125 = vector.broadcast %broadcast_in_dim3A_124 : f32 to vector<16xf32>
    %swap3A_126 = arith.constant 336 : index
    %swap3A_127 = tpu.vector_load %arg6[%swap3A_126] {strides = array<i32>} : memref<640xf32, #tpu.memory_space<vmem>>, vector<16xf32>,
    %swap3A_128 = vector.shape_cast %swap3A_127 : vector<16xf32> to vector<16xf32>
    %swap3A_129 = vector.shape_cast %broadcast_in_dim3A_125 : vector<16xf32> to vector<16xf32>
    tpu.vector_store %arg6[%swap3A_126], %swap3A_129 {strides = array<i32>} : memref<640xf32, #tpu.memory_space<vmem>>, vector<16xf32>,
    %broadcast_in_dim3A_130 = arith.constant 0.000000e+00 : f32
    %broadcast_in_dim3A_131 = vector.broadcast %broadcast_in_dim3A_130 : f32 to vector<16xf32>
    %swap3A_132 = arith.constant 352 : index
    %swap3A_133 = tpu.vector_load %arg6[%swap3A_132] {strides = array<i32>} : memref<640xf32, #tpu.memory_space<vmem>>, vector<16xf32>,
    %swap3A_134 = vector.shape_cast %swap3A_133 : vector<16xf32> to vector<16xf32>
    %swap3A_135 = vector.shape_cast %broadcast_in_dim3A_131 : vector<16xf32> to vector<16xf32>
    tpu.vector_store %arg6[%swap3A_132], %swap3A_135 {strides = array<i32>} : memref<640xf32, #tpu.memory_space<vmem>>, vector<16xf32>,
    %broadcast_in_dim3A_136 = arith.constant 0.000000e+00 : f32
    %broadcast_in_dim3A_137 = vector.broadcast %broadcast_in_dim3A_136 : f32 to vector<16xf32>
    %swap3A_138 = arith.constant 368 : index
    %swap3A_139 = tpu.vector_load %arg6[%swap3A_138] {strides = array<i32>} : memref<640xf32, #tpu.memory_space<vmem>>, vector<16xf32>,
    %swap3A_140 = vector.shape_cast %swap3A_139 : vector<16xf32> to vector<16xf32>
    %swap3A_141 = vector.shape_cast %broadcast_in_dim3A_137 : vector<16xf32> to vector<16xf32>
    tpu.vector_store %arg6[%swap3A_138], %swap3A_141 {strides = array<i32>} : memref<640xf32, #tpu.memory_space<vmem>>, vector<16xf32>,
    %broadcast_in_dim3A_142 = arith.constant 0.000000e+00 : f32
    %broadcast_in_dim3A_143 = vector.broadcast %broadcast_in_dim3A_142 : f32 to vector<16xf32>
    %swap3A_144 = arith.constant 384 : index
    %swap3A_145 = tpu.vector_load %arg6[%swap3A_144] {strides = array<i32>} : memref<640xf32, #tpu.memory_space<vmem>>, vector<16xf32>,
    %swap3A_146 = vector.shape_cast %swap3A_145 : vector<16xf32> to vector<16xf32>
    %swap3A_147 = vector.shape_cast %broadcast_in_dim3A_143 : vector<16xf32> to vector<16xf32>
    tpu.vector_store %arg6[%swap3A_144], %swap3A_147 {strides = array<i32>} : memref<640xf32, #tpu.memory_space<vmem>>, vector<16xf32>,
    %broadcast_in_dim3A_148 = arith.constant 0.000000e+00 : f32
    %broadcast_in_dim3A_149 = vector.broadcast %broadcast_in_dim3A_148 : f32 to vector<16xf32>
    %swap3A_150 = arith.constant 400 : index
    %swap3A_151 = tpu.vector_load %arg6[%swap3A_150] {strides = array<i32>} : memref<640xf32, #tpu.memory_space<vmem>>, vector<16xf32>,
    %swap3A_152 = vector.shape_cast %swap3A_151 : vector<16xf32> to vector<16xf32>
    %swap3A_153 = vector.shape_cast %broadcast_in_dim3A_149 : vector<16xf32> to vector<16xf32>
    tpu.vector_store %arg6[%swap3A_150], %swap3A_153 {strides = array<i32>} : memref<640xf32, #tpu.memory_space<vmem>>, vector<16xf32>,
    %broadcast_in_dim3A_154 = arith.constant 0.000000e+00 : f32
    %broadcast_in_dim3A_155 = vector.broadcast %broadcast_in_dim3A_154 : f32 to vector<16xf32>
    %swap3A_156 = arith.constant 416 : index
    %swap3A_157 = tpu.vector_load %arg6[%swap3A_156] {strides = array<i32>} : memref<640xf32, #tpu.memory_space<vmem>>, vector<16xf32>,
    %swap3A_158 = vector.shape_cast %swap3A_157 : vector<16xf32> to vector<16xf32>
    %swap3A_159 = vector.shape_cast %broadcast_in_dim3A_155 : vector<16xf32> to vector<16xf32>
    tpu.vector_store %arg6[%swap3A_156], %swap3A_159 {strides = array<i32>} : memref<640xf32, #tpu.memory_space<vmem>>, vector<16xf32>,
    %broadcast_in_dim3A_160 = arith.constant 0.000000e+00 : f32
    %broadcast_in_dim3A_161 = vector.broadcast %broadcast_in_dim3A_160 : f32 to vector<16xf32>
    %swap3A_162 = arith.constant 432 : index
    %swap3A_163 = tpu.vector_load %arg6[%swap3A_162] {strides = array<i32>} : memref<640xf32, #tpu.memory_space<vmem>>, vector<16xf32>,
    %swap3A_164 = vector.shape_cast %swap3A_163 : vector<16xf32> to vector<16xf32>
    %swap3A_165 = vector.shape_cast %broadcast_in_dim3A_161 : vector<16xf32> to vector<16xf32>
    tpu.vector_store %arg6[%swap3A_162], %swap3A_165 {strides = array<i32>} : memref<640xf32, #tpu.memory_space<vmem>>, vector<16xf32>,
    %broadcast_in_dim3A_166 = arith.constant 0.000000e+00 : f32
    %broadcast_in_dim3A_167 = vector.broadcast %broadcast_in_dim3A_166 : f32 to vector<16xf32>
    %swap3A_168 = arith.constant 448 : index
    %swap3A_169 = tpu.vector_load %arg6[%swap3A_168] {strides = array<i32>} : memref<640xf32, #tpu.memory_space<vmem>>, vector<16xf32>,
    %swap3A_170 = vector.shape_cast %swap3A_169 : vector<16xf32> to vector<16xf32>
    %swap3A_171 = vector.shape_cast %broadcast_in_dim3A_167 : vector<16xf32> to vector<16xf32>
    tpu.vector_store %arg6[%swap3A_168], %swap3A_171 {strides = array<i32>} : memref<640xf32, #tpu.memory_space<vmem>>, vector<16xf32>,
    %broadcast_in_dim3A_172 = arith.constant 0.000000e+00 : f32
    %broadcast_in_dim3A_173 = vector.broadcast %broadcast_in_dim3A_172 : f32 to vector<16xf32>
    %swap3A_174 = arith.constant 464 : index
    %swap3A_175 = tpu.vector_load %arg6[%swap3A_174] {strides = array<i32>} : memref<640xf32, #tpu.memory_space<vmem>>, vector<16xf32>,
    %swap3A_176 = vector.shape_cast %swap3A_175 : vector<16xf32> to vector<16xf32>
    %swap3A_177 = vector.shape_cast %broadcast_in_dim3A_173 : vector<16xf32> to vector<16xf32>
    tpu.vector_store %arg6[%swap3A_174], %swap3A_177 {strides = array<i32>} : memref<640xf32, #tpu.memory_space<vmem>>, vector<16xf32>,
    %broadcast_in_dim3A_178 = arith.constant 0.000000e+00 : f32
    %broadcast_in_dim3A_179 = vector.broadcast %broadcast_in_dim3A_178 : f32 to vector<16xf32>
    %swap3A_180 = arith.constant 480 : index
    %swap3A_181 = tpu.vector_load %arg6[%swap3A_180] {strides = array<i32>} : memref<640xf32, #tpu.memory_space<vmem>>, vector<16xf32>,
    %swap3A_182 = vector.shape_cast %swap3A_181 : vector<16xf32> to vector<16xf32>
    %swap3A_183 = vector.shape_cast %broadcast_in_dim3A_179 : vector<16xf32> to vector<16xf32>
    tpu.vector_store %arg6[%swap3A_180], %swap3A_183 {strides = array<i32>} : memref<640xf32, #tpu.memory_space<vmem>>, vector<16xf32>,
    %broadcast_in_dim3A_184 = arith.constant 0.000000e+00 : f32
    %broadcast_in_dim3A_185 = vector.broadcast %broadcast_in_dim3A_184 : f32 to vector<16xf32>
    %swap3A_186 = arith.constant 496 : index
    %swap3A_187 = tpu.vector_load %arg6[%swap3A_186] {strides = array<i32>} : memref<640xf32, #tpu.memory_space<vmem>>, vector<16xf32>,
    %swap3A_188 = vector.shape_cast %swap3A_187 : vector<16xf32> to vector<16xf32>
    %swap3A_189 = vector.shape_cast %broadcast_in_dim3A_185 : vector<16xf32> to vector<16xf32>
    tpu.vector_store %arg6[%swap3A_186], %swap3A_189 {strides = array<i32>} : memref<640xf32, #tpu.memory_space<vmem>>, vector<16xf32>,
    %broadcast_in_dim3A_190 = arith.constant 0.000000e+00 : f32
    %broadcast_in_dim3A_191 = vector.broadcast %broadcast_in_dim3A_190 : f32 to vector<16xf32>
    %swap3A_192 = arith.constant 512 : index
    %swap3A_193 = tpu.vector_load %arg6[%swap3A_192] {strides = array<i32>} : memref<640xf32, #tpu.memory_space<vmem>>, vector<16xf32>,
    %swap3A_194 = vector.shape_cast %swap3A_193 : vector<16xf32> to vector<16xf32>
    %swap3A_195 = vector.shape_cast %broadcast_in_dim3A_191 : vector<16xf32> to vector<16xf32>
    tpu.vector_store %arg6[%swap3A_192], %swap3A_195 {strides = array<i32>} : memref<640xf32, #tpu.memory_space<vmem>>, vector<16xf32>,
    %broadcast_in_dim3A_196 = arith.constant 0.000000e+00 : f32
    %broadcast_in_dim3A_197 = vector.broadcast %broadcast_in_dim3A_196 : f32 to vector<16xf32>
    %swap3A_198 = arith.constant 528 : index
    %swap3A_199 = tpu.vector_load %arg6[%swap3A_198] {strides = array<i32>} : memref<640xf32, #tpu.memory_space<vmem>>, vector<16xf32>,
    %swap3A_200 = vector.shape_cast %swap3A_199 : vector<16xf32> to vector<16xf32>
    %swap3A_201 = vector.shape_cast %broadcast_in_dim3A_197 : vector<16xf32> to vector<16xf32>
    tpu.vector_store %arg6[%swap3A_198], %swap3A_201 {strides = array<i32>} : memref<640xf32, #tpu.memory_space<vmem>>, vector<16xf32>,
    %broadcast_in_dim3A_202 = arith.constant 0.000000e+00 : f32
    %broadcast_in_dim3A_203 = vector.broadcast %broadcast_in_dim3A_202 : f32 to vector<16xf32>
    %swap3A_204 = arith.constant 544 : index
    %swap3A_205 = tpu.vector_load %arg6[%swap3A_204] {strides = array<i32>} : memref<640xf32, #tpu.memory_space<vmem>>, vector<16xf32>,
    %swap3A_206 = vector.shape_cast %swap3A_205 : vector<16xf32> to vector<16xf32>
    %swap3A_207 = vector.shape_cast %broadcast_in_dim3A_203 : vector<16xf32> to vector<16xf32>
    tpu.vector_store %arg6[%swap3A_204], %swap3A_207 {strides = array<i32>} : memref<640xf32, #tpu.memory_space<vmem>>, vector<16xf32>,
    %broadcast_in_dim3A_208 = arith.constant 0.000000e+00 : f32
    %broadcast_in_dim3A_209 = vector.broadcast %broadcast_in_dim3A_208 : f32 to vector<16xf32>
    %swap3A_210 = arith.constant 560 : index
    %swap3A_211 = tpu.vector_load %arg6[%swap3A_210] {strides = array<i32>} : memref<640xf32, #tpu.memory_space<vmem>>, vector<16xf32>,
    %swap3A_212 = vector.shape_cast %swap3A_211 : vector<16xf32> to vector<16xf32>
    %swap3A_213 = vector.shape_cast %broadcast_in_dim3A_209 : vector<16xf32> to vector<16xf32>
    tpu.vector_store %arg6[%swap3A_210], %swap3A_213 {strides = array<i32>} : memref<640xf32, #tpu.memory_space<vmem>>, vector<16xf32>,
    %broadcast_in_dim3A_214 = arith.constant 0.000000e+00 : f32
    %broadcast_in_dim3A_215 = vector.broadcast %broadcast_in_dim3A_214 : f32 to vector<16xf32>
    %swap3A_216 = arith.constant 576 : index
    %swap3A_217 = tpu.vector_load %arg6[%swap3A_216] {strides = array<i32>} : memref<640xf32, #tpu.memory_space<vmem>>, vector<16xf32>,
    %swap3A_218 = vector.shape_cast %swap3A_217 : vector<16xf32> to vector<16xf32>
    %swap3A_219 = vector.shape_cast %broadcast_in_dim3A_215 : vector<16xf32> to vector<16xf32>
    tpu.vector_store %arg6[%swap3A_216], %swap3A_219 {strides = array<i32>} : memref<640xf32, #tpu.memory_space<vmem>>, vector<16xf32>,
    %broadcast_in_dim3A_220 = arith.constant 0.000000e+00 : f32
    %broadcast_in_dim3A_221 = vector.broadcast %broadcast_in_dim3A_220 : f32 to vector<16xf32>
    %swap3A_222 = arith.constant 592 : index
    %swap3A_223 = tpu.vector_load %arg6[%swap3A_222] {strides = array<i32>} : memref<640xf32, #tpu.memory_space<vmem>>, vector<16xf32>,
    %swap3A_224 = vector.shape_cast %swap3A_223 : vector<16xf32> to vector<16xf32>
    %swap3A_225 = vector.shape_cast %broadcast_in_dim3A_221 : vector<16xf32> to vector<16xf32>
    tpu.vector_store %arg6[%swap3A_222], %swap3A_225 {strides = array<i32>} : memref<640xf32, #tpu.memory_space<vmem>>, vector<16xf32>,
    %broadcast_in_dim3A_226 = arith.constant 0.000000e+00 : f32
    %broadcast_in_dim3A_227 = vector.broadcast %broadcast_in_dim3A_226 : f32 to vector<16xf32>
    %swap3A_228 = arith.constant 608 : index
    %swap3A_229 = tpu.vector_load %arg6[%swap3A_228] {strides = array<i32>} : memref<640xf32, #tpu.memory_space<vmem>>, vector<16xf32>,
    %swap3A_230 = vector.shape_cast %swap3A_229 : vector<16xf32> to vector<16xf32>
    %swap3A_231 = vector.shape_cast %broadcast_in_dim3A_227 : vector<16xf32> to vector<16xf32>
    tpu.vector_store %arg6[%swap3A_228], %swap3A_231 {strides = array<i32>} : memref<640xf32, #tpu.memory_space<vmem>>, vector<16xf32>,
    %broadcast_in_dim3A_232 = arith.constant 0.000000e+00 : f32
    %broadcast_in_dim3A_233 = vector.broadcast %broadcast_in_dim3A_232 : f32 to vector<16xf32>
    %swap3A_234 = arith.constant 624 : index
    %swap3A_235 = tpu.vector_load %arg6[%swap3A_234] {strides = array<i32>} : memref<640xf32, #tpu.memory_space<vmem>>, vector<16xf32>,
    %swap3A_236 = vector.shape_cast %swap3A_235 : vector<16xf32> to vector<16xf32>
    %swap3A_237 = vector.shape_cast %broadcast_in_dim3A_233 : vector<16xf32> to vector<16xf32>
    tpu.vector_store %arg6[%swap3A_234], %swap3A_237 {strides = array<i32>} : memref<640xf32, #tpu.memory_space<vmem>>, vector<16xf32>,
    %broadcast_in_dim3A_238 = arith.constant 1.000000e+00 : f32
    %broadcast_in_dim3A_239 = vector.broadcast %broadcast_in_dim3A_238 : f32 to vector<16xf32>
    %swap3A_240 = arith.constant 0 : index
    %swap3A_241 = tpu.vector_load %arg5[%swap3A_240] {strides = array<i32>} : memref<128xf32, #tpu.memory_space<vmem>>, vector<16xf32>,
    %swap3A_242 = vector.shape_cast %swap3A_241 : vector<16xf32> to vector<16xf32>
    %swap3A_243 = vector.shape_cast %broadcast_in_dim3A_239 : vector<16xf32> to vector<16xf32>
    tpu.vector_store %arg5[%swap3A_240], %swap3A_243 {strides = array<i32>} : memref<128xf32, #tpu.memory_space<vmem>>, vector<16xf32>,
    %broadcast_in_dim3A_244 = arith.constant 1.000000e+00 : f32
    %broadcast_in_dim3A_245 = vector.broadcast %broadcast_in_dim3A_244 : f32 to vector<16xf32>
    %swap3A_246 = arith.constant 16 : index
    %swap3A_247 = tpu.vector_load %arg5[%swap3A_246] {strides = array<i32>} : memref<128xf32, #tpu.memory_space<vmem>>, vector<16xf32>,
    %swap3A_248 = vector.shape_cast %swap3A_247 : vector<16xf32> to vector<16xf32>
    %swap3A_249 = vector.shape_cast %broadcast_in_dim3A_245 : vector<16xf32> to vector<16xf32>
    tpu.vector_store %arg5[%swap3A_246], %swap3A_249 {strides = array<i32>} : memref<128xf32, #tpu.memory_space<vmem>>, vector<16xf32>,
    %broadcast_in_dim3A_250 = arith.constant 1.000000e+00 : f32
    %broadcast_in_dim3A_251 = vector.broadcast %broadcast_in_dim3A_250 : f32 to vector<16xf32>
    %swap3A_252 = arith.constant 32 : index
    %swap3A_253 = tpu.vector_load %arg5[%swap3A_252] {strides = array<i32>} : memref<128xf32, #tpu.memory_space<vmem>>, vector<16xf32>,
    %swap3A_254 = vector.shape_cast %swap3A_253 : vector<16xf32> to vector<16xf32>
    %swap3A_255 = vector.shape_cast %broadcast_in_dim3A_251 : vector<16xf32> to vector<16xf32>
    tpu.vector_store %arg5[%swap3A_252], %swap3A_255 {strides = array<i32>} : memref<128xf32, #tpu.memory_space<vmem>>, vector<16xf32>,
    %broadcast_in_dim3A_256 = arith.constant 1.000000e+00 : f32
    %broadcast_in_dim3A_257 = vector.broadcast %broadcast_in_dim3A_256 : f32 to vector<16xf32>
    %swap3A_258 = arith.constant 48 : index
    %swap3A_259 = tpu.vector_load %arg5[%swap3A_258] {strides = array<i32>} : memref<128xf32, #tpu.memory_space<vmem>>, vector<16xf32>,
    %swap3A_260 = vector.shape_cast %swap3A_259 : vector<16xf32> to vector<16xf32>
    %swap3A_261 = vector.shape_cast %broadcast_in_dim3A_257 : vector<16xf32> to vector<16xf32>
    tpu.vector_store %arg5[%swap3A_258], %swap3A_261 {strides = array<i32>} : memref<128xf32, #tpu.memory_space<vmem>>, vector<16xf32>,
    %broadcast_in_dim3A_262 = arith.constant 1.000000e+00 : f32
    %broadcast_in_dim3A_263 = vector.broadcast %broadcast_in_dim3A_262 : f32 to vector<16xf32>
    %swap3A_264 = arith.constant 64 : index
    %swap3A_265 = tpu.vector_load %arg5[%swap3A_264] {strides = array<i32>} : memref<128xf32, #tpu.memory_space<vmem>>, vector<16xf32>,
    %swap3A_266 = vector.shape_cast %swap3A_265 : vector<16xf32> to vector<16xf32>
    %swap3A_267 = vector.shape_cast %broadcast_in_dim3A_263 : vector<16xf32> to vector<16xf32>
    tpu.vector_store %arg5[%swap3A_264], %swap3A_267 {strides = array<i32>} : memref<128xf32, #tpu.memory_space<vmem>>, vector<16xf32>,
    %broadcast_in_dim3A_268 = arith.constant 1.000000e+00 : f32
    %broadcast_in_dim3A_269 = vector.broadcast %broadcast_in_dim3A_268 : f32 to vector<16xf32>
    %swap3A_270 = arith.constant 80 : index
    %swap3A_271 = tpu.vector_load %arg5[%swap3A_270] {strides = array<i32>} : memref<128xf32, #tpu.memory_space<vmem>>, vector<16xf32>,
    %swap3A_272 = vector.shape_cast %swap3A_271 : vector<16xf32> to vector<16xf32>
    %swap3A_273 = vector.shape_cast %broadcast_in_dim3A_269 : vector<16xf32> to vector<16xf32>
    tpu.vector_store %arg5[%swap3A_270], %swap3A_273 {strides = array<i32>} : memref<128xf32, #tpu.memory_space<vmem>>, vector<16xf32>,
    %broadcast_in_dim3A_274 = arith.constant 1.000000e+00 : f32
    %broadcast_in_dim3A_275 = vector.broadcast %broadcast_in_dim3A_274 : f32 to vector<16xf32>
    %swap3A_276 = arith.constant 96 : index
    %swap3A_277 = tpu.vector_load %arg5[%swap3A_276] {strides = array<i32>} : memref<128xf32, #tpu.memory_space<vmem>>, vector<16xf32>,
    %swap3A_278 = vector.shape_cast %swap3A_277 : vector<16xf32> to vector<16xf32>
    %swap3A_279 = vector.shape_cast %broadcast_in_dim3A_275 : vector<16xf32> to vector<16xf32>
    tpu.vector_store %arg5[%swap3A_276], %swap3A_279 {strides = array<i32>} : memref<128xf32, #tpu.memory_space<vmem>>, vector<16xf32>,
    %broadcast_in_dim3A_280 = arith.constant 1.000000e+00 : f32
    %broadcast_in_dim3A_281 = vector.broadcast %broadcast_in_dim3A_280 : f32 to vector<16xf32>
    %swap3A_282 = arith.constant 112 : index
    %swap3A_283 = tpu.vector_load %arg5[%swap3A_282] {strides = array<i32>} : memref<128xf32, #tpu.memory_space<vmem>>, vector<16xf32>,
    %swap3A_284 = vector.shape_cast %swap3A_283 : vector<16xf32> to vector<16xf32>
    %swap3A_285 = vector.shape_cast %broadcast_in_dim3A_281 : vector<16xf32> to vector<16xf32>
    tpu.vector_store %arg5[%swap3A_282], %swap3A_285 {strides = array<i32>} : memref<128xf32, #tpu.memory_space<vmem>>, vector<16xf32>,
    %mul3A = arith.constant 640 : i32
    %mul3A_286 = arith.muli %arg1, %mul3A : i32
    "tpu.region"() ({
      %run_scoped3A = tpu.sem_alloc : memref<!tpu.dma_semaphore, #tpu.memory_space<semaphore_mem>>
      %dma_start3A = tpu.memref_slice %arg8[%mul3A_286] : memref<10240xf32, #tpu.memory_space<vmem_shared>> -> memref<640xf32, #tpu.memory_space<vmem_shared>>
      %dma_start3A_307 = tpu.memref_slice %arg8[%mul3A_286] : memref<10240xf32, #tpu.memory_space<vmem_shared>> -> memref<640xf32, #tpu.memory_space<vmem_shared>>
      tpu.enqueue_dma source(%arg6 : memref<640xf32, #tpu.memory_space<vmem>>) target(%dma_start3A_307 : memref<640xf32, #tpu.memory_space<vmem_shared>>) target_semaphore(%run_scoped3A : memref<!tpu.dma_semaphore, #tpu.memory_space<semaphore_mem>>)
      %dma_wait3A_308 = tpu.memref_slice %arg8[%mul3A_286] : memref<10240xf32, #tpu.memory_space<vmem_shared>> -> memref<640xf32, #tpu.memory_space<vmem_shared>>
      %dma_wait3A_309 = tpu.memref_slice %arg8[%mul3A_286] : memref<10240xf32, #tpu.memory_space<vmem_shared>> -> memref<640xf32, #tpu.memory_space<vmem_shared>>
      tpu.wait_dma2 semaphore(%run_scoped3A : memref<!tpu.dma_semaphore, #tpu.memory_space<semaphore_mem>>) src(%arg6 : memref<640xf32, #tpu.memory_space<vmem>>) dst(%dma_wait3A_309 : memref<640xf32, #tpu.memory_space<vmem_shared>>)
      tpu.yield
    }) : () -> ()
    %barrier3A = arith.constant 0 : index
    tpu.barrier barrier_id(%barrier3A)
    %mul3A_287 = arith.constant 1280 : i32
    %mul3A_288 = arith.muli %arg0, %mul3A_287 : i32
    %mul3A_289 = arith.constant 80 : i32
    %mul3A_290 = arith.muli %arg1, %mul3A_289 : i32
    %add3A = arith.addi %mul3A_288, %mul3A_290 : i32
    %scan3A = arith.constant 0 : i32
    %scan3A_291 = arith.constant 0 : i32
    %scan3A_292 = arith.constant 10 : i32
    %scan3A_293 = arith.addi %scan3A_291, %scan3A_292 : i32
    %scan3A_294 = arith.constant 1 : i32
    scf.for %scan3A_307 = %scan3A_291 to %scan3A_293 step %scan3A_294  : i32 {
      %mul3A_308 = arith.constant 8 : i32
      %mul3A_309 = arith.muli %scan3A_307, %mul3A_308 : i32
      %add3A_310 = arith.addi %add3A, %mul3A_309 : i32
      "tpu.region"() ({
        %run_scoped3A = tpu.sem_alloc : memref<!tpu.dma_semaphore, #tpu.memory_space<semaphore_mem>>
        %dma_start3A_358 = arith.constant 0 : i32
        %dma_start3A_359 = tpu.memref_slice %arg2[%add3A_310, %dma_start3A_358] : memref<2560x128xi32, #tpu.memory_space<hbm>> -> memref<8x128xi32, #tpu.memory_space<hbm>>
        %dma_start3A_360 = arith.constant 0 : i32
        %dma_start3A_361 = tpu.memref_slice %arg2[%add3A_310, %dma_start3A_360] : memref<2560x128xi32, #tpu.memory_space<hbm>> -> memref<8x128xi32, #tpu.memory_space<hbm>>
        tpu.enqueue_dma source(%dma_start3A_361 : memref<8x128xi32, #tpu.memory_space<hbm>>) target(%arg4 : memref<8x128xi32, #tpu.memory_space<vmem>>) target_semaphore(%run_scoped3A : memref<!tpu.dma_semaphore, #tpu.memory_space<semaphore_mem>>)
        %dma_wait3A_362 = arith.constant 0 : i32
        %dma_wait3A_363 = tpu.memref_slice %arg2[%add3A_310, %dma_wait3A_362] : memref<2560x128xi32, #tpu.memory_space<hbm>> -> memref<8x128xi32, #tpu.memory_space<hbm>>
        %dma_wait3A_364 = arith.constant 0 : i32
        %dma_wait3A_365 = tpu.memref_slice %arg2[%add3A_310, %dma_wait3A_364] : memref<2560x128xi32, #tpu.memory_space<hbm>> -> memref<8x128xi32, #tpu.memory_space<hbm>>
        tpu.wait_dma2 semaphore(%run_scoped3A : memref<!tpu.dma_semaphore, #tpu.memory_space<semaphore_mem>>) src(%dma_wait3A_365 : memref<8x128xi32, #tpu.memory_space<hbm>>) dst(%arg4 : memref<8x128xi32, #tpu.memory_space<vmem>>)
        tpu.yield
      }) : () -> ()
      %dma_start3A = arith.constant 0 : i32
      %dma_start3A_311 = arith.constant 0 : i32
      %dma_start3A_312 = tpu.memref_slice %arg4[%dma_start3A, %dma_start3A_311] : memref<8x128xi32, #tpu.memory_space<vmem>> -> memref<1x128xi32, #tpu.memory_space<vmem>>
      %dma_start3A_313 = tpu.memref_squeeze %dma_start3A_312 : memref<1x128xi32, #tpu.memory_space<vmem>> -> memref<128xi32, #tpu.memory_space<vmem>>
      %dma_start3A_314 = arith.constant 0 : i32
      %dma_start3A_315 = tpu.memref_slice %arg8[%dma_start3A_314] : memref<10240xf32, #tpu.memory_space<vmem_shared>> -> memref<10240xf32, #tpu.memory_space<vmem_shared>>
      tpu.enqueue_indirect_dma source(%arg5 : memref<128xf32, #tpu.memory_space<vmem>>) target(%dma_start3A_315 : memref<10240xf32, #tpu.memory_space<vmem_shared>>) offsets(%dma_start3A_313 : memref<128xi32, #tpu.memory_space<vmem>>) semaphore(%arg9 : memref<!tpu.dma_semaphore, #tpu.memory_space<semaphore_mem>>) {add = true}
      %dma_start3A_316 = arith.constant 1 : i32
      %dma_start3A_317 = arith.constant 0 : i32
      %dma_start3A_318 = tpu.memref_slice %arg4[%dma_start3A_316, %dma_start3A_317] : memref<8x128xi32, #tpu.memory_space<vmem>> -> memref<1x128xi32, #tpu.memory_space<vmem>>
      %dma_start3A_319 = tpu.memref_squeeze %dma_start3A_318 : memref<1x128xi32, #tpu.memory_space<vmem>> -> memref<128xi32, #tpu.memory_space<vmem>>
      %dma_start3A_320 = arith.constant 0 : i32
      %dma_start3A_321 = tpu.memref_slice %arg8[%dma_start3A_320] : memref<10240xf32, #tpu.memory_space<vmem_shared>> -> memref<10240xf32, #tpu.memory_space<vmem_shared>>
      tpu.enqueue_indirect_dma source(%arg5 : memref<128xf32, #tpu.memory_space<vmem>>) target(%dma_start3A_321 : memref<10240xf32, #tpu.memory_space<vmem_shared>>) offsets(%dma_start3A_319 : memref<128xi32, #tpu.memory_space<vmem>>) semaphore(%arg9 : memref<!tpu.dma_semaphore, #tpu.memory_space<semaphore_mem>>) {add = true}
      %dma_start3A_322 = arith.constant 2 : i32
      %dma_start3A_323 = arith.constant 0 : i32
      %dma_start3A_324 = tpu.memref_slice %arg4[%dma_start3A_322, %dma_start3A_323] : memref<8x128xi32, #tpu.memory_space<vmem>> -> memref<1x128xi32, #tpu.memory_space<vmem>>
      %dma_start3A_325 = tpu.memref_squeeze %dma_start3A_324 : memref<1x128xi32, #tpu.memory_space<vmem>> -> memref<128xi32, #tpu.memory_space<vmem>>
      %dma_start3A_326 = arith.constant 0 : i32
      %dma_start3A_327 = tpu.memref_slice %arg8[%dma_start3A_326] : memref<10240xf32, #tpu.memory_space<vmem_shared>> -> memref<10240xf32, #tpu.memory_space<vmem_shared>>
      tpu.enqueue_indirect_dma source(%arg5 : memref<128xf32, #tpu.memory_space<vmem>>) target(%dma_start3A_327 : memref<10240xf32, #tpu.memory_space<vmem_shared>>) offsets(%dma_start3A_325 : memref<128xi32, #tpu.memory_space<vmem>>) semaphore(%arg9 : memref<!tpu.dma_semaphore, #tpu.memory_space<semaphore_mem>>) {add = true}
      %dma_start3A_328 = arith.constant 3 : i32
      %dma_start3A_329 = arith.constant 0 : i32
      %dma_start3A_330 = tpu.memref_slice %arg4[%dma_start3A_328, %dma_start3A_329] : memref<8x128xi32, #tpu.memory_space<vmem>> -> memref<1x128xi32, #tpu.memory_space<vmem>>
      %dma_start3A_331 = tpu.memref_squeeze %dma_start3A_330 : memref<1x128xi32, #tpu.memory_space<vmem>> -> memref<128xi32, #tpu.memory_space<vmem>>
      %dma_start3A_332 = arith.constant 0 : i32
      %dma_start3A_333 = tpu.memref_slice %arg8[%dma_start3A_332] : memref<10240xf32, #tpu.memory_space<vmem_shared>> -> memref<10240xf32, #tpu.memory_space<vmem_shared>>
      tpu.enqueue_indirect_dma source(%arg5 : memref<128xf32, #tpu.memory_space<vmem>>) target(%dma_start3A_333 : memref<10240xf32, #tpu.memory_space<vmem_shared>>) offsets(%dma_start3A_331 : memref<128xi32, #tpu.memory_space<vmem>>) semaphore(%arg9 : memref<!tpu.dma_semaphore, #tpu.memory_space<semaphore_mem>>) {add = true}
      %dma_start3A_334 = arith.constant 4 : i32
      %dma_start3A_335 = arith.constant 0 : i32
      %dma_start3A_336 = tpu.memref_slice %arg4[%dma_start3A_334, %dma_start3A_335] : memref<8x128xi32, #tpu.memory_space<vmem>> -> memref<1x128xi32, #tpu.memory_space<vmem>>
      %dma_start3A_337 = tpu.memref_squeeze %dma_start3A_336 : memref<1x128xi32, #tpu.memory_space<vmem>> -> memref<128xi32, #tpu.memory_space<vmem>>
      %dma_start3A_338 = arith.constant 0 : i32
      %dma_start3A_339 = tpu.memref_slice %arg8[%dma_start3A_338] : memref<10240xf32, #tpu.memory_space<vmem_shared>> -> memref<10240xf32, #tpu.memory_space<vmem_shared>>
      tpu.enqueue_indirect_dma source(%arg5 : memref<128xf32, #tpu.memory_space<vmem>>) target(%dma_start3A_339 : memref<10240xf32, #tpu.memory_space<vmem_shared>>) offsets(%dma_start3A_337 : memref<128xi32, #tpu.memory_space<vmem>>) semaphore(%arg9 : memref<!tpu.dma_semaphore, #tpu.memory_space<semaphore_mem>>) {add = true}
      %dma_start3A_340 = arith.constant 5 : i32
      %dma_start3A_341 = arith.constant 0 : i32
      %dma_start3A_342 = tpu.memref_slice %arg4[%dma_start3A_340, %dma_start3A_341] : memref<8x128xi32, #tpu.memory_space<vmem>> -> memref<1x128xi32, #tpu.memory_space<vmem>>
      %dma_start3A_343 = tpu.memref_squeeze %dma_start3A_342 : memref<1x128xi32, #tpu.memory_space<vmem>> -> memref<128xi32, #tpu.memory_space<vmem>>
      %dma_start3A_344 = arith.constant 0 : i32
      %dma_start3A_345 = tpu.memref_slice %arg8[%dma_start3A_344] : memref<10240xf32, #tpu.memory_space<vmem_shared>> -> memref<10240xf32, #tpu.memory_space<vmem_shared>>
      tpu.enqueue_indirect_dma source(%arg5 : memref<128xf32, #tpu.memory_space<vmem>>) target(%dma_start3A_345 : memref<10240xf32, #tpu.memory_space<vmem_shared>>) offsets(%dma_start3A_343 : memref<128xi32, #tpu.memory_space<vmem>>) semaphore(%arg9 : memref<!tpu.dma_semaphore, #tpu.memory_space<semaphore_mem>>) {add = true}
      %dma_start3A_346 = arith.constant 6 : i32
      %dma_start3A_347 = arith.constant 0 : i32
      %dma_start3A_348 = tpu.memref_slice %arg4[%dma_start3A_346, %dma_start3A_347] : memref<8x128xi32, #tpu.memory_space<vmem>> -> memref<1x128xi32, #tpu.memory_space<vmem>>
      %dma_start3A_349 = tpu.memref_squeeze %dma_start3A_348 : memref<1x128xi32, #tpu.memory_space<vmem>> -> memref<128xi32, #tpu.memory_space<vmem>>
      %dma_start3A_350 = arith.constant 0 : i32
      %dma_start3A_351 = tpu.memref_slice %arg8[%dma_start3A_350] : memref<10240xf32, #tpu.memory_space<vmem_shared>> -> memref<10240xf32, #tpu.memory_space<vmem_shared>>
      tpu.enqueue_indirect_dma source(%arg5 : memref<128xf32, #tpu.memory_space<vmem>>) target(%dma_start3A_351 : memref<10240xf32, #tpu.memory_space<vmem_shared>>) offsets(%dma_start3A_349 : memref<128xi32, #tpu.memory_space<vmem>>) semaphore(%arg9 : memref<!tpu.dma_semaphore, #tpu.memory_space<semaphore_mem>>) {add = true}
      %dma_start3A_352 = arith.constant 7 : i32
      %dma_start3A_353 = arith.constant 0 : i32
      %dma_start3A_354 = tpu.memref_slice %arg4[%dma_start3A_352, %dma_start3A_353] : memref<8x128xi32, #tpu.memory_space<vmem>> -> memref<1x128xi32, #tpu.memory_space<vmem>>
      %dma_start3A_355 = tpu.memref_squeeze %dma_start3A_354 : memref<1x128xi32, #tpu.memory_space<vmem>> -> memref<128xi32, #tpu.memory_space<vmem>>
      %dma_start3A_356 = arith.constant 0 : i32
      %dma_start3A_357 = tpu.memref_slice %arg8[%dma_start3A_356] : memref<10240xf32, #tpu.memory_space<vmem_shared>> -> memref<10240xf32, #tpu.memory_space<vmem_shared>>
      tpu.enqueue_indirect_dma source(%arg5 : memref<128xf32, #tpu.memory_space<vmem>>) target(%dma_start3A_357 : memref<10240xf32, #tpu.memory_space<vmem_shared>>) offsets(%dma_start3A_355 : memref<128xi32, #tpu.memory_space<vmem>>) semaphore(%arg9 : memref<!tpu.dma_semaphore, #tpu.memory_space<semaphore_mem>>) {add = true}
    }
    %scan3A_295 = arith.constant 10 : i32
    %dma_wait3A = arith.constant 0 : i32
    %dma_wait3A_296 = arith.constant 0 : i32
    %dma_wait3A_297 = tpu.memref_slice %arg3[%dma_wait3A, %dma_wait3A_296] : memref<2x10240xf32, #tpu.memory_space<hbm>> -> memref<1x10240xf32, #tpu.memory_space<hbm>>
    %dma_wait3A_298 = tpu.memref_squeeze %dma_wait3A_297 : memref<1x10240xf32, #tpu.memory_space<hbm>> -> memref<10240xf32, #tpu.memory_space<hbm>>
    %dma_wait3A_299 = arith.constant 0 : i32
    %dma_wait3A_300 = tpu.memref_slice %arg3[%dma_wait3A, %dma_wait3A_299] : memref<2x10240xf32, #tpu.memory_space<hbm>> -> memref<1x10240xf32, #tpu.memory_space<hbm>>
    %dma_wait3A_301 = tpu.memref_squeeze %dma_wait3A_300 : memref<1x10240xf32, #tpu.memory_space<hbm>> -> memref<10240xf32, #tpu.memory_space<hbm>>
    tpu.wait_dma2 semaphore(%arg9 : memref<!tpu.dma_semaphore, #tpu.memory_space<semaphore_mem>>) src(%dma_wait3A_301 : memref<10240xf32, #tpu.memory_space<hbm>>) dst(%arg7 : memref<10240xf32, #tpu.memory_space<vmem>>)
    %barrier3A_302 = arith.constant 0 : index
    tpu.barrier barrier_id(%barrier3A_302)
    %mul3A_303 = arith.constant 640 : i32
    %mul3A_304 = arith.muli %arg1, %mul3A_303 : i32
    %mul3A_305 = arith.constant 640 : i32
    %mul3A_306 = arith.muli %arg1, %mul3A_305 : i32
    "tpu.region"() ({
      %run_scoped3A = tpu.sem_alloc : memref<!tpu.dma_semaphore, #tpu.memory_space<semaphore_mem>>
      %dma_start3A = tpu.memref_slice %arg3[%arg0, %mul3A_306] : memref<2x10240xf32, #tpu.memory_space<hbm>> -> memref<1x640xf32, #tpu.memory_space<hbm>>
      %dma_start3A_307 = tpu.memref_squeeze %dma_start3A : memref<1x640xf32, #tpu.memory_space<hbm>> -> memref<640xf32, #tpu.memory_space<hbm>>
      %dma_start3A_308 = tpu.memref_slice %arg8[%mul3A_304] : memref<10240xf32, #tpu.memory_space<vmem_shared>> -> memref<640xf32, #tpu.memory_space<vmem_shared>>
      tpu.enqueue_dma source(%dma_start3A_308 : memref<640xf32, #tpu.memory_space<vmem_shared>>) target(%dma_start3A_307 : memref<640xf32, #tpu.memory_space<hbm>>) target_semaphore(%run_scoped3A : memref<!tpu.dma_semaphore, #tpu.memory_space<semaphore_mem>>)
      %dma_wait3A_309 = tpu.memref_slice %arg3[%arg0, %mul3A_306] : memref<2x10240xf32, #tpu.memory_space<hbm>> -> memref<1x640xf32, #tpu.memory_space<hbm>>
      %dma_wait3A_310 = tpu.memref_squeeze %dma_wait3A_309 : memref<1x640xf32, #tpu.memory_space<hbm>> -> memref<640xf32, #tpu.memory_space<hbm>>
      %dma_wait3A_311 = tpu.memref_slice %arg8[%mul3A_304] : memref<10240xf32, #tpu.memory_space<vmem_shared>> -> memref<640xf32, #tpu.memory_space<vmem_shared>>
      tpu.wait_dma2 semaphore(%run_scoped3A : memref<!tpu.dma_semaphore, #tpu.memory_space<semaphore_mem>>) src(%dma_wait3A_311 : memref<640xf32, #tpu.memory_space<vmem_shared>>) dst(%dma_wait3A_310 : memref<640xf32, #tpu.memory_space<hbm>>)
      tpu.yield
    }) : () -> ()
    return
  }
}

#map = affine_map<(d0, d1) -> (0, 0)>
#map1 = affine_map<(d0, d1) -> (0, 0, 0)>
module attributes {stable_mosaic.version = 14 : i64} {
  func.func @_agg2_body(%arg0: i32, %arg1: i32, %arg2: memref<10112x128xf32, #tpu.memory_space<hbm>>, %arg3: memref<10112x128xf32, #tpu.memory_space<hbm>>, %arg4: memref<2560x2x128xi32, #tpu.memory_space<hbm>>, %arg5: memref<2x10112x128xf32, #tpu.memory_space<hbm>>, %arg6: memref<40x2x128xi32, #tpu.memory_space<vmem>>, %arg7: memref<128x128xf32, #tpu.memory_space<vmem>>, %arg8: memref<128x128xf32, #tpu.memory_space<vmem>>, %arg9: memref<10112x128xf32, #tpu.memory_space<vmem_shared>>, %arg10: memref<!tpu.dma_semaphore, #tpu.memory_space<semaphore_mem>>, %arg11: memref<!tpu.dma_semaphore, #tpu.memory_space<semaphore_mem>>, %arg12: memref<!tpu.dma_semaphore, #tpu.memory_space<semaphore_mem>>, %arg13: memref<!tpu.dma_semaphore, #tpu.memory_space<semaphore_mem>>) attributes {dimension_semantics = [#tpu.dimension_semantics<core_parallel>, #tpu.dimension_semantics<subcore_parallel>], iteration_bounds = array<i64: 2, 16>, scalar_prefetch = 0 : i64, scratch_operands = 8 : i64, tpu.core_type = #tpu.core_type<sc_vector_subcore>, window_params = [{transform_indices = #map}, {transform_indices = #map}, {transform_indices = #map1}, {transform_indices = #map1}]} {
    %eq3A = arith.constant 0 : i32
    %eq3A_0 = arith.cmpi eq, %arg0, %eq3A : i32
    %convert_element_type3A = arith.extui %eq3A_0 : i1 to i32
    %cond3A = arith.constant 0 : i32
    %cond3A_1 = arith.cmpi ne, %convert_element_type3A, %cond3A : i32
    scf.if %cond3A_1 {
      %mul3A_68 = arith.constant 632 : i32
      %mul3A_69 = arith.muli %arg1, %mul3A_68 : i32
      %mul3A_70 = arith.constant 632 : i32
      %mul3A_71 = arith.muli %arg1, %mul3A_70 : i32
      "tpu.region"() ({
        %run_scoped3A = tpu.sem_alloc : memref<!tpu.dma_semaphore, #tpu.memory_space<semaphore_mem>>
        %dma_start3A_72 = arith.constant 0 : i32
        %dma_start3A_73 = tpu.memref_slice %arg9[%mul3A_71, %dma_start3A_72] : memref<10112x128xf32, #tpu.memory_space<vmem_shared>> -> memref<632x128xf32, #tpu.memory_space<vmem_shared>>
        %dma_start3A_74 = arith.constant 0 : i32
        %dma_start3A_75 = tpu.memref_slice %arg2[%mul3A_69, %dma_start3A_74] : memref<10112x128xf32, #tpu.memory_space<hbm>> -> memref<632x128xf32, #tpu.memory_space<hbm>>
        tpu.enqueue_dma source(%dma_start3A_75 : memref<632x128xf32, #tpu.memory_space<hbm>>) target(%dma_start3A_73 : memref<632x128xf32, #tpu.memory_space<vmem_shared>>) target_semaphore(%run_scoped3A : memref<!tpu.dma_semaphore, #tpu.memory_space<semaphore_mem>>)
        %dma_wait3A_76 = arith.constant 0 : i32
        %dma_wait3A_77 = tpu.memref_slice %arg9[%mul3A_71, %dma_wait3A_76] : memref<10112x128xf32, #tpu.memory_space<vmem_shared>> -> memref<632x128xf32, #tpu.memory_space<vmem_shared>>
        %dma_wait3A_78 = arith.constant 0 : i32
        %dma_wait3A_79 = tpu.memref_slice %arg2[%mul3A_69, %dma_wait3A_78] : memref<10112x128xf32, #tpu.memory_space<hbm>> -> memref<632x128xf32, #tpu.memory_space<hbm>>
        tpu.wait_dma2 semaphore(%run_scoped3A : memref<!tpu.dma_semaphore, #tpu.memory_space<semaphore_mem>>) src(%dma_wait3A_79 : memref<632x128xf32, #tpu.memory_space<hbm>>) dst(%dma_wait3A_77 : memref<632x128xf32, #tpu.memory_space<vmem_shared>>)
        tpu.yield
      }) : () -> ()
    } else {
    }
    %eq3A_2 = arith.constant 1 : i32
    %eq3A_3 = arith.cmpi eq, %arg0, %eq3A_2 : i32
    %convert_element_type3A_4 = arith.extui %eq3A_3 : i1 to i32
    %cond3A_5 = arith.constant 0 : i32
    %cond3A_6 = arith.cmpi ne, %convert_element_type3A_4, %cond3A_5 : i32
    scf.if %cond3A_6 {
      %mul3A_68 = arith.constant 632 : i32
      %mul3A_69 = arith.muli %arg1, %mul3A_68 : i32
      %mul3A_70 = arith.constant 632 : i32
      %mul3A_71 = arith.muli %arg1, %mul3A_70 : i32
      "tpu.region"() ({
        %run_scoped3A = tpu.sem_alloc : memref<!tpu.dma_semaphore, #tpu.memory_space<semaphore_mem>>
        %dma_start3A_72 = arith.constant 0 : i32
        %dma_start3A_73 = tpu.memref_slice %arg9[%mul3A_71, %dma_start3A_72] : memref<10112x128xf32, #tpu.memory_space<vmem_shared>> -> memref<632x128xf32, #tpu.memory_space<vmem_shared>>
        %dma_start3A_74 = arith.constant 0 : i32
        %dma_start3A_75 = tpu.memref_slice %arg3[%mul3A_69, %dma_start3A_74] : memref<10112x128xf32, #tpu.memory_space<hbm>> -> memref<632x128xf32, #tpu.memory_space<hbm>>
        tpu.enqueue_dma source(%dma_start3A_75 : memref<632x128xf32, #tpu.memory_space<hbm>>) target(%dma_start3A_73 : memref<632x128xf32, #tpu.memory_space<vmem_shared>>) target_semaphore(%run_scoped3A : memref<!tpu.dma_semaphore, #tpu.memory_space<semaphore_mem>>)
        %dma_wait3A_76 = arith.constant 0 : i32
        %dma_wait3A_77 = tpu.memref_slice %arg9[%mul3A_71, %dma_wait3A_76] : memref<10112x128xf32, #tpu.memory_space<vmem_shared>> -> memref<632x128xf32, #tpu.memory_space<vmem_shared>>
        %dma_wait3A_78 = arith.constant 0 : i32
        %dma_wait3A_79 = tpu.memref_slice %arg3[%mul3A_69, %dma_wait3A_78] : memref<10112x128xf32, #tpu.memory_space<hbm>> -> memref<632x128xf32, #tpu.memory_space<hbm>>
        tpu.wait_dma2 semaphore(%run_scoped3A : memref<!tpu.dma_semaphore, #tpu.memory_space<semaphore_mem>>) src(%dma_wait3A_79 : memref<632x128xf32, #tpu.memory_space<hbm>>) dst(%dma_wait3A_77 : memref<632x128xf32, #tpu.memory_space<vmem_shared>>)
        tpu.yield
      }) : () -> ()
    } else {
    }
    %barrier3A = arith.constant 0 : index
    tpu.barrier barrier_id(%barrier3A)
    %mul3A = arith.constant 1280 : i32
    %mul3A_7 = arith.muli %arg0, %mul3A : i32
    %mul3A_8 = arith.constant 80 : i32
    %mul3A_9 = arith.muli %arg1, %mul3A_8 : i32
    %add3A = arith.addi %mul3A_7, %mul3A_9 : i32
    %add3A_10 = arith.constant 0 : i32
    %add3A_11 = arith.addi %add3A, %add3A_10 : i32
    "tpu.region"() ({
      %run_scoped3A = tpu.sem_alloc : memref<!tpu.dma_semaphore, #tpu.memory_space<semaphore_mem>>
      %dma_start3A_68 = arith.constant 0 : i32
      %dma_start3A_69 = arith.constant 0 : i32
      %dma_start3A_70 = tpu.memref_slice %arg4[%add3A_11, %dma_start3A_68, %dma_start3A_69] : memref<2560x2x128xi32, #tpu.memory_space<hbm>> -> memref<40x2x128xi32, #tpu.memory_space<hbm>>
      %dma_start3A_71 = arith.constant 0 : i32
      %dma_start3A_72 = arith.constant 0 : i32
      %dma_start3A_73 = tpu.memref_slice %arg4[%add3A_11, %dma_start3A_71, %dma_start3A_72] : memref<2560x2x128xi32, #tpu.memory_space<hbm>> -> memref<40x2x128xi32, #tpu.memory_space<hbm>>
      tpu.enqueue_dma source(%dma_start3A_73 : memref<40x2x128xi32, #tpu.memory_space<hbm>>) target(%arg6 : memref<40x2x128xi32, #tpu.memory_space<vmem>>) target_semaphore(%run_scoped3A : memref<!tpu.dma_semaphore, #tpu.memory_space<semaphore_mem>>)
      %dma_wait3A_74 = arith.constant 0 : i32
      %dma_wait3A_75 = arith.constant 0 : i32
      %dma_wait3A_76 = tpu.memref_slice %arg4[%add3A_11, %dma_wait3A_74, %dma_wait3A_75] : memref<2560x2x128xi32, #tpu.memory_space<hbm>> -> memref<40x2x128xi32, #tpu.memory_space<hbm>>
      %dma_wait3A_77 = arith.constant 0 : i32
      %dma_wait3A_78 = arith.constant 0 : i32
      %dma_wait3A_79 = tpu.memref_slice %arg4[%add3A_11, %dma_wait3A_77, %dma_wait3A_78] : memref<2560x2x128xi32, #tpu.memory_space<hbm>> -> memref<40x2x128xi32, #tpu.memory_space<hbm>>
      tpu.wait_dma2 semaphore(%run_scoped3A : memref<!tpu.dma_semaphore, #tpu.memory_space<semaphore_mem>>) src(%dma_wait3A_79 : memref<40x2x128xi32, #tpu.memory_space<hbm>>) dst(%arg6 : memref<40x2x128xi32, #tpu.memory_space<vmem>>)
      tpu.yield
    }) : () -> ()
    %dma_start3A = arith.constant 0 : i32
    %dma_start3A_12 = arith.constant 0 : i32
    %dma_start3A_13 = arith.constant 0 : i32
    %dma_start3A_14 = tpu.memref_slice %arg6[%dma_start3A, %dma_start3A_12, %dma_start3A_13] : memref<40x2x128xi32, #tpu.memory_space<vmem>> -> memref<1x1x128xi32, #tpu.memory_space<vmem>>
    %dma_start3A_15 = tpu.memref_squeeze %dma_start3A_14 : memref<1x1x128xi32, #tpu.memory_space<vmem>> -> memref<128xi32, #tpu.memory_space<vmem>>
    %dma_start3A_16 = arith.constant 0 : i32
    %dma_start3A_17 = arith.constant 0 : i32
    %dma_start3A_18 = tpu.memref_slice %arg2[%dma_start3A_16, %dma_start3A_17] : memref<10112x128xf32, #tpu.memory_space<hbm>> -> memref<10112x128xf32, #tpu.memory_space<hbm>>
    tpu.enqueue_indirect_dma source(%dma_start3A_18 : memref<10112x128xf32, #tpu.memory_space<hbm>>) target(%arg7 : memref<128x128xf32, #tpu.memory_space<vmem>>) offsets(%dma_start3A_15 : memref<128xi32, #tpu.memory_space<vmem>>) semaphore(%arg10 : memref<!tpu.dma_semaphore, #tpu.memory_space<semaphore_mem>>)
    %scan3A = arith.constant 0 : i32
    %scan3A_19 = arith.constant 0 : i32
    %scan3A_20 = arith.constant 20 : i32
    %scan3A_21 = arith.addi %scan3A_19, %scan3A_20 : i32
    %scan3A_22 = arith.constant 1 : i32
    scf.for %scan3A_68 = %scan3A_19 to %scan3A_21 step %scan3A_22  : i32 {
      %gt3A = arith.constant 0 : i32
      %gt3A_69 = arith.cmpi sgt, %scan3A_68, %gt3A : i32
      %convert_element_type3A_70 = arith.extui %gt3A_69 : i1 to i32
      %cond3A_71 = arith.constant 0 : i32
      %cond3A_72 = arith.cmpi ne, %convert_element_type3A_70, %cond3A_71 : i32
      scf.if %cond3A_72 {
        %dma_wait3A_120 = arith.constant 0 : i32
        %dma_wait3A_121 = arith.constant 0 : i32
        %dma_wait3A_122 = tpu.memref_slice %arg2[%dma_wait3A_120, %dma_wait3A_121] : memref<10112x128xf32, #tpu.memory_space<hbm>> -> memref<128x128xf32, #tpu.memory_space<hbm>>
        %dma_wait3A_123 = arith.constant 0 : i32
        %dma_wait3A_124 = arith.constant 0 : i32
        %dma_wait3A_125 = tpu.memref_slice %arg2[%dma_wait3A_123, %dma_wait3A_124] : memref<10112x128xf32, #tpu.memory_space<hbm>> -> memref<128x128xf32, #tpu.memory_space<hbm>>
        tpu.wait_dma2 semaphore(%arg13 : memref<!tpu.dma_semaphore, #tpu.memory_space<semaphore_mem>>) src(%dma_wait3A_125 : memref<128x128xf32, #tpu.memory_space<hbm>>) dst(%arg8 : memref<128x128xf32, #tpu.memory_space<vmem>>)
      } else {
      }
      %mul3A_73 = arith.constant 2 : i32
      %mul3A_74 = arith.muli %mul3A_73, %scan3A_68 : i32
      %add3A_75 = arith.constant 1 : i32
      %add3A_76 = arith.addi %mul3A_74, %add3A_75 : i32
      %dma_start3A_77 = arith.constant 0 : i32
      %dma_start3A_78 = arith.constant 0 : i32
      %dma_start3A_79 = tpu.memref_slice %arg6[%add3A_76, %dma_start3A_77, %dma_start3A_78] : memref<40x2x128xi32, #tpu.memory_space<vmem>> -> memref<1x1x128xi32, #tpu.memory_space<vmem>>
      %dma_start3A_80 = tpu.memref_squeeze %dma_start3A_79 : memref<1x1x128xi32, #tpu.memory_space<vmem>> -> memref<128xi32, #tpu.memory_space<vmem>>
      %dma_start3A_81 = arith.constant 0 : i32
      %dma_start3A_82 = arith.constant 0 : i32
      %dma_start3A_83 = tpu.memref_slice %arg2[%dma_start3A_81, %dma_start3A_82] : memref<10112x128xf32, #tpu.memory_space<hbm>> -> memref<10112x128xf32, #tpu.memory_space<hbm>>
      tpu.enqueue_indirect_dma source(%dma_start3A_83 : memref<10112x128xf32, #tpu.memory_space<hbm>>) target(%arg8 : memref<128x128xf32, #tpu.memory_space<vmem>>) offsets(%dma_start3A_80 : memref<128xi32, #tpu.memory_space<vmem>>) semaphore(%arg11 : memref<!tpu.dma_semaphore, #tpu.memory_space<semaphore_mem>>)
      %dma_wait3A_84 = arith.constant 0 : i32
      %dma_wait3A_85 = arith.constant 0 : i32
      %dma_wait3A_86 = tpu.memref_slice %arg2[%dma_wait3A_84, %dma_wait3A_85] : memref<10112x128xf32, #tpu.memory_space<hbm>> -> memref<128x128xf32, #tpu.memory_space<hbm>>
      %dma_wait3A_87 = arith.constant 0 : i32
      %dma_wait3A_88 = arith.constant 0 : i32
      %dma_wait3A_89 = tpu.memref_slice %arg2[%dma_wait3A_87, %dma_wait3A_88] : memref<10112x128xf32, #tpu.memory_space<hbm>> -> memref<128x128xf32, #tpu.memory_space<hbm>>
      tpu.wait_dma2 semaphore(%arg10 : memref<!tpu.dma_semaphore, #tpu.memory_space<semaphore_mem>>) src(%dma_wait3A_89 : memref<128x128xf32, #tpu.memory_space<hbm>>) dst(%arg7 : memref<128x128xf32, #tpu.memory_space<vmem>>)
      %mul3A_90 = arith.constant 2 : i32
      %mul3A_91 = arith.muli %mul3A_90, %scan3A_68 : i32
      %dma_start3A_92 = arith.constant 1 : i32
      %dma_start3A_93 = arith.constant 0 : i32
      %dma_start3A_94 = tpu.memref_slice %arg6[%mul3A_91, %dma_start3A_92, %dma_start3A_93] : memref<40x2x128xi32, #tpu.memory_space<vmem>> -> memref<1x1x128xi32, #tpu.memory_space<vmem>>
      %dma_start3A_95 = tpu.memref_squeeze %dma_start3A_94 : memref<1x1x128xi32, #tpu.memory_space<vmem>> -> memref<128xi32, #tpu.memory_space<vmem>>
      %dma_start3A_96 = arith.constant 0 : i32
      %dma_start3A_97 = arith.constant 0 : i32
      %dma_start3A_98 = tpu.memref_slice %arg9[%dma_start3A_96, %dma_start3A_97] : memref<10112x128xf32, #tpu.memory_space<vmem_shared>> -> memref<10112x128xf32, #tpu.memory_space<vmem_shared>>
      tpu.enqueue_indirect_dma source(%arg7 : memref<128x128xf32, #tpu.memory_space<vmem>>) target(%dma_start3A_98 : memref<10112x128xf32, #tpu.memory_space<vmem_shared>>) offsets(%dma_start3A_95 : memref<128xi32, #tpu.memory_space<vmem>>) semaphore(%arg12 : memref<!tpu.dma_semaphore, #tpu.memory_space<semaphore_mem>>) {add = true}
      %lt3A = arith.constant 19 : i32
      %lt3A_99 = arith.cmpi slt, %scan3A_68, %lt3A : i32
      %convert_element_type3A_100 = arith.extui %lt3A_99 : i1 to i32
      %cond3A_101 = arith.constant 0 : i32
      %cond3A_102 = arith.cmpi ne, %convert_element_type3A_100, %cond3A_101 : i32
      scf.if %cond3A_102 {
        %dma_wait3A_120 = arith.constant 0 : i32
        %dma_wait3A_121 = arith.constant 0 : i32
        %dma_wait3A_122 = tpu.memref_slice %arg2[%dma_wait3A_120, %dma_wait3A_121] : memref<10112x128xf32, #tpu.memory_space<hbm>> -> memref<128x128xf32, #tpu.memory_space<hbm>>
        %dma_wait3A_123 = arith.constant 0 : i32
        %dma_wait3A_124 = arith.constant 0 : i32
        %dma_wait3A_125 = tpu.memref_slice %arg2[%dma_wait3A_123, %dma_wait3A_124] : memref<10112x128xf32, #tpu.memory_space<hbm>> -> memref<128x128xf32, #tpu.memory_space<hbm>>
        tpu.wait_dma2 semaphore(%arg12 : memref<!tpu.dma_semaphore, #tpu.memory_space<semaphore_mem>>) src(%dma_wait3A_125 : memref<128x128xf32, #tpu.memory_space<hbm>>) dst(%arg7 : memref<128x128xf32, #tpu.memory_space<vmem>>)
        %mul3A_126 = arith.constant 2 : i32
        %mul3A_127 = arith.muli %mul3A_126, %scan3A_68 : i32
        %add3A_128 = arith.constant 2 : i32
        %add3A_129 = arith.addi %mul3A_127, %add3A_128 : i32
        %dma_start3A_130 = arith.constant 0 : i32
        %dma_start3A_131 = arith.constant 0 : i32
        %dma_start3A_132 = tpu.memref_slice %arg6[%add3A_129, %dma_start3A_130, %dma_start3A_131] : memref<40x2x128xi32, #tpu.memory_space<vmem>> -> memref<1x1x128xi32, #tpu.memory_space<vmem>>
        %dma_start3A_133 = tpu.memref_squeeze %dma_start3A_132 : memref<1x1x128xi32, #tpu.memory_space<vmem>> -> memref<128xi32, #tpu.memory_space<vmem>>
        %dma_start3A_134 = arith.constant 0 : i32
        %dma_start3A_135 = arith.constant 0 : i32
        %dma_start3A_136 = tpu.memref_slice %arg2[%dma_start3A_134, %dma_start3A_135] : memref<10112x128xf32, #tpu.memory_space<hbm>> -> memref<10112x128xf32, #tpu.memory_space<hbm>>
        tpu.enqueue_indirect_dma source(%dma_start3A_136 : memref<10112x128xf32, #tpu.memory_space<hbm>>) target(%arg7 : memref<128x128xf32, #tpu.memory_space<vmem>>) offsets(%dma_start3A_133 : memref<128xi32, #tpu.memory_space<vmem>>) semaphore(%arg10 : memref<!tpu.dma_semaphore, #tpu.memory_space<semaphore_mem>>)
      } else {
      }
      %dma_wait3A_103 = arith.constant 0 : i32
      %dma_wait3A_104 = arith.constant 0 : i32
      %dma_wait3A_105 = tpu.memref_slice %arg2[%dma_wait3A_103, %dma_wait3A_104] : memref<10112x128xf32, #tpu.memory_space<hbm>> -> memref<128x128xf32, #tpu.memory_space<hbm>>
      %dma_wait3A_106 = arith.constant 0 : i32
      %dma_wait3A_107 = arith.constant 0 : i32
      %dma_wait3A_108 = tpu.memref_slice %arg2[%dma_wait3A_106, %dma_wait3A_107] : memref<10112x128xf32, #tpu.memory_space<hbm>> -> memref<128x128xf32, #tpu.memory_space<hbm>>
      tpu.wait_dma2 semaphore(%arg11 : memref<!tpu.dma_semaphore, #tpu.memory_space<semaphore_mem>>) src(%dma_wait3A_108 : memref<128x128xf32, #tpu.memory_space<hbm>>) dst(%arg8 : memref<128x128xf32, #tpu.memory_space<vmem>>)
      %mul3A_109 = arith.constant 2 : i32
      %mul3A_110 = arith.muli %mul3A_109, %scan3A_68 : i32
      %add3A_111 = arith.constant 1 : i32
      %add3A_112 = arith.addi %mul3A_110, %add3A_111 : i32
      %dma_start3A_113 = arith.constant 1 : i32
      %dma_start3A_114 = arith.constant 0 : i32
      %dma_start3A_115 = tpu.memref_slice %arg6[%add3A_112, %dma_start3A_113, %dma_start3A_114] : memref<40x2x128xi32, #tpu.memory_space<vmem>> -> memref<1x1x128xi32, #tpu.memory_space<vmem>>
      %dma_start3A_116 = tpu.memref_squeeze %dma_start3A_115 : memref<1x1x128xi32, #tpu.memory_space<vmem>> -> memref<128xi32, #tpu.memory_space<vmem>>
      %dma_start3A_117 = arith.constant 0 : i32
      %dma_start3A_118 = arith.constant 0 : i32
      %dma_start3A_119 = tpu.memref_slice %arg9[%dma_start3A_117, %dma_start3A_118] : memref<10112x128xf32, #tpu.memory_space<vmem_shared>> -> memref<10112x128xf32, #tpu.memory_space<vmem_shared>>
      tpu.enqueue_indirect_dma source(%arg8 : memref<128x128xf32, #tpu.memory_space<vmem>>) target(%dma_start3A_119 : memref<10112x128xf32, #tpu.memory_space<vmem_shared>>) offsets(%dma_start3A_116 : memref<128xi32, #tpu.memory_space<vmem>>) semaphore(%arg13 : memref<!tpu.dma_semaphore, #tpu.memory_space<semaphore_mem>>) {add = true}
    }
    %scan3A_23 = arith.constant 20 : i32
    %dma_wait3A = arith.constant 0 : i32
    %dma_wait3A_24 = arith.constant 0 : i32
    %dma_wait3A_25 = tpu.memref_slice %arg2[%dma_wait3A, %dma_wait3A_24] : memref<10112x128xf32, #tpu.memory_space<hbm>> -> memref<128x128xf32, #tpu.memory_space<hbm>>
    %dma_wait3A_26 = arith.constant 0 : i32
    %dma_wait3A_27 = arith.constant 0 : i32
    %dma_wait3A_28 = tpu.memref_slice %arg2[%dma_wait3A_26, %dma_wait3A_27] : memref<10112x128xf32, #tpu.memory_space<hbm>> -> memref<128x128xf32, #tpu.memory_space<hbm>>
    tpu.wait_dma2 semaphore(%arg12 : memref<!tpu.dma_semaphore, #tpu.memory_space<semaphore_mem>>) src(%dma_wait3A_28 : memref<128x128xf32, #tpu.memory_space<hbm>>) dst(%arg7 : memref<128x128xf32, #tpu.memory_space<vmem>>)
    %dma_wait3A_29 = arith.constant 0 : i32
    %dma_wait3A_30 = arith.constant 0 : i32
    %dma_wait3A_31 = tpu.memref_slice %arg2[%dma_wait3A_29, %dma_wait3A_30] : memref<10112x128xf32, #tpu.memory_space<hbm>> -> memref<128x128xf32, #tpu.memory_space<hbm>>
    %dma_wait3A_32 = arith.constant 0 : i32
    %dma_wait3A_33 = arith.constant 0 : i32
    %dma_wait3A_34 = tpu.memref_slice %arg2[%dma_wait3A_32, %dma_wait3A_33] : memref<10112x128xf32, #tpu.memory_space<hbm>> -> memref<128x128xf32, #tpu.memory_space<hbm>>
    tpu.wait_dma2 semaphore(%arg13 : memref<!tpu.dma_semaphore, #tpu.memory_space<semaphore_mem>>) src(%dma_wait3A_34 : memref<128x128xf32, #tpu.memory_space<hbm>>) dst(%arg8 : memref<128x128xf32, #tpu.memory_space<vmem>>)
    %add3A_35 = arith.constant 40 : i32
    %add3A_36 = arith.addi %add3A, %add3A_35 : i32
    "tpu.region"() ({
      %run_scoped3A = tpu.sem_alloc : memref<!tpu.dma_semaphore, #tpu.memory_space<semaphore_mem>>
      %dma_start3A_68 = arith.constant 0 : i32
      %dma_start3A_69 = arith.constant 0 : i32
      %dma_start3A_70 = tpu.memref_slice %arg4[%add3A_36, %dma_start3A_68, %dma_start3A_69] : memref<2560x2x128xi32, #tpu.memory_space<hbm>> -> memref<40x2x128xi32, #tpu.memory_space<hbm>>
      %dma_start3A_71 = arith.constant 0 : i32
      %dma_start3A_72 = arith.constant 0 : i32
      %dma_start3A_73 = tpu.memref_slice %arg4[%add3A_36, %dma_start3A_71, %dma_start3A_72] : memref<2560x2x128xi32, #tpu.memory_space<hbm>> -> memref<40x2x128xi32, #tpu.memory_space<hbm>>
      tpu.enqueue_dma source(%dma_start3A_73 : memref<40x2x128xi32, #tpu.memory_space<hbm>>) target(%arg6 : memref<40x2x128xi32, #tpu.memory_space<vmem>>) target_semaphore(%run_scoped3A : memref<!tpu.dma_semaphore, #tpu.memory_space<semaphore_mem>>)
      %dma_wait3A_74 = arith.constant 0 : i32
      %dma_wait3A_75 = arith.constant 0 : i32
      %dma_wait3A_76 = tpu.memref_slice %arg4[%add3A_36, %dma_wait3A_74, %dma_wait3A_75] : memref<2560x2x128xi32, #tpu.memory_space<hbm>> -> memref<40x2x128xi32, #tpu.memory_space<hbm>>
      %dma_wait3A_77 = arith.constant 0 : i32
      %dma_wait3A_78 = arith.constant 0 : i32
      %dma_wait3A_79 = tpu.memref_slice %arg4[%add3A_36, %dma_wait3A_77, %dma_wait3A_78] : memref<2560x2x128xi32, #tpu.memory_space<hbm>> -> memref<40x2x128xi32, #tpu.memory_space<hbm>>
      tpu.wait_dma2 semaphore(%run_scoped3A : memref<!tpu.dma_semaphore, #tpu.memory_space<semaphore_mem>>) src(%dma_wait3A_79 : memref<40x2x128xi32, #tpu.memory_space<hbm>>) dst(%arg6 : memref<40x2x128xi32, #tpu.memory_space<vmem>>)
      tpu.yield
    }) : () -> ()
    %dma_start3A_37 = arith.constant 0 : i32
    %dma_start3A_38 = arith.constant 0 : i32
    %dma_start3A_39 = arith.constant 0 : i32
    %dma_start3A_40 = tpu.memref_slice %arg6[%dma_start3A_37, %dma_start3A_38, %dma_start3A_39] : memref<40x2x128xi32, #tpu.memory_space<vmem>> -> memref<1x1x128xi32, #tpu.memory_space<vmem>>
    %dma_start3A_41 = tpu.memref_squeeze %dma_start3A_40 : memref<1x1x128xi32, #tpu.memory_space<vmem>> -> memref<128xi32, #tpu.memory_space<vmem>>
    %dma_start3A_42 = arith.constant 0 : i32
    %dma_start3A_43 = arith.constant 0 : i32
    %dma_start3A_44 = tpu.memref_slice %arg2[%dma_start3A_42, %dma_start3A_43] : memref<10112x128xf32, #tpu.memory_space<hbm>> -> memref<10112x128xf32, #tpu.memory_space<hbm>>
    tpu.enqueue_indirect_dma source(%dma_start3A_44 : memref<10112x128xf32, #tpu.memory_space<hbm>>) target(%arg7 : memref<128x128xf32, #tpu.memory_space<vmem>>) offsets(%dma_start3A_41 : memref<128xi32, #tpu.memory_space<vmem>>) semaphore(%arg10 : memref<!tpu.dma_semaphore, #tpu.memory_space<semaphore_mem>>)
    %scan3A_45 = arith.constant 0 : i32
    %scan3A_46 = arith.constant 0 : i32
    %scan3A_47 = arith.constant 20 : i32
    %scan3A_48 = arith.addi %scan3A_46, %scan3A_47 : i32
    %scan3A_49 = arith.constant 1 : i32
    scf.for %scan3A_68 = %scan3A_46 to %scan3A_48 step %scan3A_49  : i32 {
      %gt3A = arith.constant 0 : i32
      %gt3A_69 = arith.cmpi sgt, %scan3A_68, %gt3A : i32
      %convert_element_type3A_70 = arith.extui %gt3A_69 : i1 to i32
      %cond3A_71 = arith.constant 0 : i32
      %cond3A_72 = arith.cmpi ne, %convert_element_type3A_70, %cond3A_71 : i32
      scf.if %cond3A_72 {
        %dma_wait3A_120 = arith.constant 0 : i32
        %dma_wait3A_121 = arith.constant 0 : i32
        %dma_wait3A_122 = tpu.memref_slice %arg2[%dma_wait3A_120, %dma_wait3A_121] : memref<10112x128xf32, #tpu.memory_space<hbm>> -> memref<128x128xf32, #tpu.memory_space<hbm>>
        %dma_wait3A_123 = arith.constant 0 : i32
        %dma_wait3A_124 = arith.constant 0 : i32
        %dma_wait3A_125 = tpu.memref_slice %arg2[%dma_wait3A_123, %dma_wait3A_124] : memref<10112x128xf32, #tpu.memory_space<hbm>> -> memref<128x128xf32, #tpu.memory_space<hbm>>
        tpu.wait_dma2 semaphore(%arg13 : memref<!tpu.dma_semaphore, #tpu.memory_space<semaphore_mem>>) src(%dma_wait3A_125 : memref<128x128xf32, #tpu.memory_space<hbm>>) dst(%arg8 : memref<128x128xf32, #tpu.memory_space<vmem>>)
      } else {
      }
      %mul3A_73 = arith.constant 2 : i32
      %mul3A_74 = arith.muli %mul3A_73, %scan3A_68 : i32
      %add3A_75 = arith.constant 1 : i32
      %add3A_76 = arith.addi %mul3A_74, %add3A_75 : i32
      %dma_start3A_77 = arith.constant 0 : i32
      %dma_start3A_78 = arith.constant 0 : i32
      %dma_start3A_79 = tpu.memref_slice %arg6[%add3A_76, %dma_start3A_77, %dma_start3A_78] : memref<40x2x128xi32, #tpu.memory_space<vmem>> -> memref<1x1x128xi32, #tpu.memory_space<vmem>>
      %dma_start3A_80 = tpu.memref_squeeze %dma_start3A_79 : memref<1x1x128xi32, #tpu.memory_space<vmem>> -> memref<128xi32, #tpu.memory_space<vmem>>
      %dma_start3A_81 = arith.constant 0 : i32
      %dma_start3A_82 = arith.constant 0 : i32
      %dma_start3A_83 = tpu.memref_slice %arg2[%dma_start3A_81, %dma_start3A_82] : memref<10112x128xf32, #tpu.memory_space<hbm>> -> memref<10112x128xf32, #tpu.memory_space<hbm>>
      tpu.enqueue_indirect_dma source(%dma_start3A_83 : memref<10112x128xf32, #tpu.memory_space<hbm>>) target(%arg8 : memref<128x128xf32, #tpu.memory_space<vmem>>) offsets(%dma_start3A_80 : memref<128xi32, #tpu.memory_space<vmem>>) semaphore(%arg11 : memref<!tpu.dma_semaphore, #tpu.memory_space<semaphore_mem>>)
      %dma_wait3A_84 = arith.constant 0 : i32
      %dma_wait3A_85 = arith.constant 0 : i32
      %dma_wait3A_86 = tpu.memref_slice %arg2[%dma_wait3A_84, %dma_wait3A_85] : memref<10112x128xf32, #tpu.memory_space<hbm>> -> memref<128x128xf32, #tpu.memory_space<hbm>>
      %dma_wait3A_87 = arith.constant 0 : i32
      %dma_wait3A_88 = arith.constant 0 : i32
      %dma_wait3A_89 = tpu.memref_slice %arg2[%dma_wait3A_87, %dma_wait3A_88] : memref<10112x128xf32, #tpu.memory_space<hbm>> -> memref<128x128xf32, #tpu.memory_space<hbm>>
      tpu.wait_dma2 semaphore(%arg10 : memref<!tpu.dma_semaphore, #tpu.memory_space<semaphore_mem>>) src(%dma_wait3A_89 : memref<128x128xf32, #tpu.memory_space<hbm>>) dst(%arg7 : memref<128x128xf32, #tpu.memory_space<vmem>>)
      %mul3A_90 = arith.constant 2 : i32
      %mul3A_91 = arith.muli %mul3A_90, %scan3A_68 : i32
      %dma_start3A_92 = arith.constant 1 : i32
      %dma_start3A_93 = arith.constant 0 : i32
      %dma_start3A_94 = tpu.memref_slice %arg6[%mul3A_91, %dma_start3A_92, %dma_start3A_93] : memref<40x2x128xi32, #tpu.memory_space<vmem>> -> memref<1x1x128xi32, #tpu.memory_space<vmem>>
      %dma_start3A_95 = tpu.memref_squeeze %dma_start3A_94 : memref<1x1x128xi32, #tpu.memory_space<vmem>> -> memref<128xi32, #tpu.memory_space<vmem>>
      %dma_start3A_96 = arith.constant 0 : i32
      %dma_start3A_97 = arith.constant 0 : i32
      %dma_start3A_98 = tpu.memref_slice %arg9[%dma_start3A_96, %dma_start3A_97] : memref<10112x128xf32, #tpu.memory_space<vmem_shared>> -> memref<10112x128xf32, #tpu.memory_space<vmem_shared>>
      tpu.enqueue_indirect_dma source(%arg7 : memref<128x128xf32, #tpu.memory_space<vmem>>) target(%dma_start3A_98 : memref<10112x128xf32, #tpu.memory_space<vmem_shared>>) offsets(%dma_start3A_95 : memref<128xi32, #tpu.memory_space<vmem>>) semaphore(%arg12 : memref<!tpu.dma_semaphore, #tpu.memory_space<semaphore_mem>>) {add = true}
      %lt3A = arith.constant 19 : i32
      %lt3A_99 = arith.cmpi slt, %scan3A_68, %lt3A : i32
      %convert_element_type3A_100 = arith.extui %lt3A_99 : i1 to i32
      %cond3A_101 = arith.constant 0 : i32
      %cond3A_102 = arith.cmpi ne, %convert_element_type3A_100, %cond3A_101 : i32
      scf.if %cond3A_102 {
        %dma_wait3A_120 = arith.constant 0 : i32
        %dma_wait3A_121 = arith.constant 0 : i32
        %dma_wait3A_122 = tpu.memref_slice %arg2[%dma_wait3A_120, %dma_wait3A_121] : memref<10112x128xf32, #tpu.memory_space<hbm>> -> memref<128x128xf32, #tpu.memory_space<hbm>>
        %dma_wait3A_123 = arith.constant 0 : i32
        %dma_wait3A_124 = arith.constant 0 : i32
        %dma_wait3A_125 = tpu.memref_slice %arg2[%dma_wait3A_123, %dma_wait3A_124] : memref<10112x128xf32, #tpu.memory_space<hbm>> -> memref<128x128xf32, #tpu.memory_space<hbm>>
        tpu.wait_dma2 semaphore(%arg12 : memref<!tpu.dma_semaphore, #tpu.memory_space<semaphore_mem>>) src(%dma_wait3A_125 : memref<128x128xf32, #tpu.memory_space<hbm>>) dst(%arg7 : memref<128x128xf32, #tpu.memory_space<vmem>>)
        %mul3A_126 = arith.constant 2 : i32
        %mul3A_127 = arith.muli %mul3A_126, %scan3A_68 : i32
        %add3A_128 = arith.constant 2 : i32
        %add3A_129 = arith.addi %mul3A_127, %add3A_128 : i32
        %dma_start3A_130 = arith.constant 0 : i32
        %dma_start3A_131 = arith.constant 0 : i32
        %dma_start3A_132 = tpu.memref_slice %arg6[%add3A_129, %dma_start3A_130, %dma_start3A_131] : memref<40x2x128xi32, #tpu.memory_space<vmem>> -> memref<1x1x128xi32, #tpu.memory_space<vmem>>
        %dma_start3A_133 = tpu.memref_squeeze %dma_start3A_132 : memref<1x1x128xi32, #tpu.memory_space<vmem>> -> memref<128xi32, #tpu.memory_space<vmem>>
        %dma_start3A_134 = arith.constant 0 : i32
        %dma_start3A_135 = arith.constant 0 : i32
        %dma_start3A_136 = tpu.memref_slice %arg2[%dma_start3A_134, %dma_start3A_135] : memref<10112x128xf32, #tpu.memory_space<hbm>> -> memref<10112x128xf32, #tpu.memory_space<hbm>>
        tpu.enqueue_indirect_dma source(%dma_start3A_136 : memref<10112x128xf32, #tpu.memory_space<hbm>>) target(%arg7 : memref<128x128xf32, #tpu.memory_space<vmem>>) offsets(%dma_start3A_133 : memref<128xi32, #tpu.memory_space<vmem>>) semaphore(%arg10 : memref<!tpu.dma_semaphore, #tpu.memory_space<semaphore_mem>>)
      } else {
      }
      %dma_wait3A_103 = arith.constant 0 : i32
      %dma_wait3A_104 = arith.constant 0 : i32
      %dma_wait3A_105 = tpu.memref_slice %arg2[%dma_wait3A_103, %dma_wait3A_104] : memref<10112x128xf32, #tpu.memory_space<hbm>> -> memref<128x128xf32, #tpu.memory_space<hbm>>
      %dma_wait3A_106 = arith.constant 0 : i32
      %dma_wait3A_107 = arith.constant 0 : i32
      %dma_wait3A_108 = tpu.memref_slice %arg2[%dma_wait3A_106, %dma_wait3A_107] : memref<10112x128xf32, #tpu.memory_space<hbm>> -> memref<128x128xf32, #tpu.memory_space<hbm>>
      tpu.wait_dma2 semaphore(%arg11 : memref<!tpu.dma_semaphore, #tpu.memory_space<semaphore_mem>>) src(%dma_wait3A_108 : memref<128x128xf32, #tpu.memory_space<hbm>>) dst(%arg8 : memref<128x128xf32, #tpu.memory_space<vmem>>)
      %mul3A_109 = arith.constant 2 : i32
      %mul3A_110 = arith.muli %mul3A_109, %scan3A_68 : i32
      %add3A_111 = arith.constant 1 : i32
      %add3A_112 = arith.addi %mul3A_110, %add3A_111 : i32
      %dma_start3A_113 = arith.constant 1 : i32
      %dma_start3A_114 = arith.constant 0 : i32
      %dma_start3A_115 = tpu.memref_slice %arg6[%add3A_112, %dma_start3A_113, %dma_start3A_114] : memref<40x2x128xi32, #tpu.memory_space<vmem>> -> memref<1x1x128xi32, #tpu.memory_space<vmem>>
      %dma_start3A_116 = tpu.memref_squeeze %dma_start3A_115 : memref<1x1x128xi32, #tpu.memory_space<vmem>> -> memref<128xi32, #tpu.memory_space<vmem>>
      %dma_start3A_117 = arith.constant 0 : i32
      %dma_start3A_118 = arith.constant 0 : i32
      %dma_start3A_119 = tpu.memref_slice %arg9[%dma_start3A_117, %dma_start3A_118] : memref<10112x128xf32, #tpu.memory_space<vmem_shared>> -> memref<10112x128xf32, #tpu.memory_space<vmem_shared>>
      tpu.enqueue_indirect_dma source(%arg8 : memref<128x128xf32, #tpu.memory_space<vmem>>) target(%dma_start3A_119 : memref<10112x128xf32, #tpu.memory_space<vmem_shared>>) offsets(%dma_start3A_116 : memref<128xi32, #tpu.memory_space<vmem>>) semaphore(%arg13 : memref<!tpu.dma_semaphore, #tpu.memory_space<semaphore_mem>>) {add = true}
    }
    %scan3A_50 = arith.constant 20 : i32
    %dma_wait3A_51 = arith.constant 0 : i32
    %dma_wait3A_52 = arith.constant 0 : i32
    %dma_wait3A_53 = tpu.memref_slice %arg2[%dma_wait3A_51, %dma_wait3A_52] : memref<10112x128xf32, #tpu.memory_space<hbm>> -> memref<128x128xf32, #tpu.memory_space<hbm>>
    %dma_wait3A_54 = arith.constant 0 : i32
    %dma_wait3A_55 = arith.constant 0 : i32
    %dma_wait3A_56 = tpu.memref_slice %arg2[%dma_wait3A_54, %dma_wait3A_55] : memref<10112x128xf32, #tpu.memory_space<hbm>> -> memref<128x128xf32, #tpu.memory_space<hbm>>
    tpu.wait_dma2 semaphore(%arg12 : memref<!tpu.dma_semaphore, #tpu.memory_space<semaphore_mem>>) src(%dma_wait3A_56 : memref<128x128xf32, #tpu.memory_space<hbm>>) dst(%arg7 : memref<128x128xf32, #tpu.memory_space<vmem>>)
    %dma_wait3A_57 = arith.constant 0 : i32
    %dma_wait3A_58 = arith.constant 0 : i32
    %dma_wait3A_59 = tpu.memref_slice %arg2[%dma_wait3A_57, %dma_wait3A_58] : memref<10112x128xf32, #tpu.memory_space<hbm>> -> memref<128x128xf32, #tpu.memory_space<hbm>>
    %dma_wait3A_60 = arith.constant 0 : i32
    %dma_wait3A_61 = arith.constant 0 : i32
    %dma_wait3A_62 = tpu.memref_slice %arg2[%dma_wait3A_60, %dma_wait3A_61] : memref<10112x128xf32, #tpu.memory_space<hbm>> -> memref<128x128xf32, #tpu.memory_space<hbm>>
    tpu.wait_dma2 semaphore(%arg13 : memref<!tpu.dma_semaphore, #tpu.memory_space<semaphore_mem>>) src(%dma_wait3A_62 : memref<128x128xf32, #tpu.memory_space<hbm>>) dst(%arg8 : memref<128x128xf32, #tpu.memory_space<vmem>>)
    %barrier3A_63 = arith.constant 0 : index
    tpu.barrier barrier_id(%barrier3A_63)
    %mul3A_64 = arith.constant 632 : i32
    %mul3A_65 = arith.muli %arg1, %mul3A_64 : i32
    %mul3A_66 = arith.constant 632 : i32
    %mul3A_67 = arith.muli %arg1, %mul3A_66 : i32
    "tpu.region"() ({
      %run_scoped3A = tpu.sem_alloc : memref<!tpu.dma_semaphore, #tpu.memory_space<semaphore_mem>>
      %dma_start3A_68 = arith.constant 0 : i32
      %dma_start3A_69 = tpu.memref_slice %arg5[%arg0, %mul3A_67, %dma_start3A_68] : memref<2x10112x128xf32, #tpu.memory_space<hbm>> -> memref<1x632x128xf32, #tpu.memory_space<hbm>>
      %dma_start3A_70 = tpu.memref_squeeze %dma_start3A_69 : memref<1x632x128xf32, #tpu.memory_space<hbm>> -> memref<632x128xf32, #tpu.memory_space<hbm>>
      %dma_start3A_71 = arith.constant 0 : i32
      %dma_start3A_72 = tpu.memref_slice %arg9[%mul3A_65, %dma_start3A_71] : memref<10112x128xf32, #tpu.memory_space<vmem_shared>> -> memref<632x128xf32, #tpu.memory_space<vmem_shared>>
      tpu.enqueue_dma source(%dma_start3A_72 : memref<632x128xf32, #tpu.memory_space<vmem_shared>>) target(%dma_start3A_70 : memref<632x128xf32, #tpu.memory_space<hbm>>) target_semaphore(%run_scoped3A : memref<!tpu.dma_semaphore, #tpu.memory_space<semaphore_mem>>)
      %dma_wait3A_73 = arith.constant 0 : i32
      %dma_wait3A_74 = tpu.memref_slice %arg5[%arg0, %mul3A_67, %dma_wait3A_73] : memref<2x10112x128xf32, #tpu.memory_space<hbm>> -> memref<1x632x128xf32, #tpu.memory_space<hbm>>
      %dma_wait3A_75 = tpu.memref_squeeze %dma_wait3A_74 : memref<1x632x128xf32, #tpu.memory_space<hbm>> -> memref<632x128xf32, #tpu.memory_space<hbm>>
      %dma_wait3A_76 = arith.constant 0 : i32
      %dma_wait3A_77 = tpu.memref_slice %arg9[%mul3A_65, %dma_wait3A_76] : memref<10112x128xf32, #tpu.memory_space<vmem_shared>> -> memref<632x128xf32, #tpu.memory_space<vmem_shared>>
      tpu.wait_dma2 semaphore(%run_scoped3A : memref<!tpu.dma_semaphore, #tpu.memory_space<semaphore_mem>>) src(%dma_wait3A_77 : memref<632x128xf32, #tpu.memory_space<vmem_shared>>) dst(%dma_wait3A_75 : memref<632x128xf32, #tpu.memory_space<hbm>>)
      tpu.yield
    }) : () -> ()
    return
  }
}

#map = affine_map<(d0, d1) -> (0, 0)>
#map1 = affine_map<(d0, d1) -> (0, 0, 0)>
module attributes {stable_mosaic.version = 14 : i64} {
  func.func @_agg2_body(%arg0: i32, %arg1: i32, %arg2: memref<10112x128xf32, #tpu.memory_space<hbm>>, %arg3: memref<10112x128xf32, #tpu.memory_space<hbm>>, %arg4: memref<2560x2x128xi32, #tpu.memory_space<hbm>>, %arg5: memref<2x10112x128xf32, #tpu.memory_space<hbm>>, %arg6: memref<40x2x128xi32, #tpu.memory_space<vmem>>, %arg7: memref<128x128xf32, #tpu.memory_space<vmem>>, %arg8: memref<128x128xf32, #tpu.memory_space<vmem>>, %arg9: memref<10112x128xf32, #tpu.memory_space<vmem_shared>>, %arg10: memref<!tpu.dma_semaphore, #tpu.memory_space<semaphore_mem>>, %arg11: memref<!tpu.dma_semaphore, #tpu.memory_space<semaphore_mem>>, %arg12: memref<!tpu.dma_semaphore, #tpu.memory_space<semaphore_mem>>, %arg13: memref<!tpu.dma_semaphore, #tpu.memory_space<semaphore_mem>>) attributes {dimension_semantics = [#tpu.dimension_semantics<core_parallel>, #tpu.dimension_semantics<subcore_parallel>], iteration_bounds = array<i64: 2, 16>, scalar_prefetch = 0 : i64, scratch_operands = 8 : i64, tpu.core_type = #tpu.core_type<sc_vector_subcore>, window_params = [{transform_indices = #map}, {transform_indices = #map}, {transform_indices = #map1}, {transform_indices = #map1}]} {
    %eq3A = arith.constant 0 : i32
    %eq3A_0 = arith.cmpi eq, %arg0, %eq3A : i32
    %convert_element_type3A = arith.extui %eq3A_0 : i1 to i32
    %cond3A = arith.constant 0 : i32
    %cond3A_1 = arith.cmpi ne, %convert_element_type3A, %cond3A : i32
    scf.if %cond3A_1 {
      %mul3A_68 = arith.constant 632 : i32
      %mul3A_69 = arith.muli %arg1, %mul3A_68 : i32
      %mul3A_70 = arith.constant 632 : i32
      %mul3A_71 = arith.muli %arg1, %mul3A_70 : i32
      "tpu.region"() ({
        %run_scoped3A = tpu.sem_alloc : memref<!tpu.dma_semaphore, #tpu.memory_space<semaphore_mem>>
        %dma_start3A_72 = arith.constant 0 : i32
        %dma_start3A_73 = tpu.memref_slice %arg9[%mul3A_71, %dma_start3A_72] : memref<10112x128xf32, #tpu.memory_space<vmem_shared>> -> memref<632x128xf32, #tpu.memory_space<vmem_shared>>
        %dma_start3A_74 = arith.constant 0 : i32
        %dma_start3A_75 = tpu.memref_slice %arg2[%mul3A_69, %dma_start3A_74] : memref<10112x128xf32, #tpu.memory_space<hbm>> -> memref<632x128xf32, #tpu.memory_space<hbm>>
        tpu.enqueue_dma source(%dma_start3A_75 : memref<632x128xf32, #tpu.memory_space<hbm>>) target(%dma_start3A_73 : memref<632x128xf32, #tpu.memory_space<vmem_shared>>) target_semaphore(%run_scoped3A : memref<!tpu.dma_semaphore, #tpu.memory_space<semaphore_mem>>)
        %dma_wait3A_76 = arith.constant 0 : i32
        %dma_wait3A_77 = tpu.memref_slice %arg9[%mul3A_71, %dma_wait3A_76] : memref<10112x128xf32, #tpu.memory_space<vmem_shared>> -> memref<632x128xf32, #tpu.memory_space<vmem_shared>>
        %dma_wait3A_78 = arith.constant 0 : i32
        %dma_wait3A_79 = tpu.memref_slice %arg2[%mul3A_69, %dma_wait3A_78] : memref<10112x128xf32, #tpu.memory_space<hbm>> -> memref<632x128xf32, #tpu.memory_space<hbm>>
        tpu.wait_dma2 semaphore(%run_scoped3A : memref<!tpu.dma_semaphore, #tpu.memory_space<semaphore_mem>>) src(%dma_wait3A_79 : memref<632x128xf32, #tpu.memory_space<hbm>>) dst(%dma_wait3A_77 : memref<632x128xf32, #tpu.memory_space<vmem_shared>>)
        tpu.yield
      }) : () -> ()
    } else {
    }
    %eq3A_2 = arith.constant 1 : i32
    %eq3A_3 = arith.cmpi eq, %arg0, %eq3A_2 : i32
    %convert_element_type3A_4 = arith.extui %eq3A_3 : i1 to i32
    %cond3A_5 = arith.constant 0 : i32
    %cond3A_6 = arith.cmpi ne, %convert_element_type3A_4, %cond3A_5 : i32
    scf.if %cond3A_6 {
      %mul3A_68 = arith.constant 632 : i32
      %mul3A_69 = arith.muli %arg1, %mul3A_68 : i32
      %mul3A_70 = arith.constant 632 : i32
      %mul3A_71 = arith.muli %arg1, %mul3A_70 : i32
      "tpu.region"() ({
        %run_scoped3A = tpu.sem_alloc : memref<!tpu.dma_semaphore, #tpu.memory_space<semaphore_mem>>
        %dma_start3A_72 = arith.constant 0 : i32
        %dma_start3A_73 = tpu.memref_slice %arg9[%mul3A_71, %dma_start3A_72] : memref<10112x128xf32, #tpu.memory_space<vmem_shared>> -> memref<632x128xf32, #tpu.memory_space<vmem_shared>>
        %dma_start3A_74 = arith.constant 0 : i32
        %dma_start3A_75 = tpu.memref_slice %arg3[%mul3A_69, %dma_start3A_74] : memref<10112x128xf32, #tpu.memory_space<hbm>> -> memref<632x128xf32, #tpu.memory_space<hbm>>
        tpu.enqueue_dma source(%dma_start3A_75 : memref<632x128xf32, #tpu.memory_space<hbm>>) target(%dma_start3A_73 : memref<632x128xf32, #tpu.memory_space<vmem_shared>>) target_semaphore(%run_scoped3A : memref<!tpu.dma_semaphore, #tpu.memory_space<semaphore_mem>>)
        %dma_wait3A_76 = arith.constant 0 : i32
        %dma_wait3A_77 = tpu.memref_slice %arg9[%mul3A_71, %dma_wait3A_76] : memref<10112x128xf32, #tpu.memory_space<vmem_shared>> -> memref<632x128xf32, #tpu.memory_space<vmem_shared>>
        %dma_wait3A_78 = arith.constant 0 : i32
        %dma_wait3A_79 = tpu.memref_slice %arg3[%mul3A_69, %dma_wait3A_78] : memref<10112x128xf32, #tpu.memory_space<hbm>> -> memref<632x128xf32, #tpu.memory_space<hbm>>
        tpu.wait_dma2 semaphore(%run_scoped3A : memref<!tpu.dma_semaphore, #tpu.memory_space<semaphore_mem>>) src(%dma_wait3A_79 : memref<632x128xf32, #tpu.memory_space<hbm>>) dst(%dma_wait3A_77 : memref<632x128xf32, #tpu.memory_space<vmem_shared>>)
        tpu.yield
      }) : () -> ()
    } else {
    }
    %barrier3A = arith.constant 0 : index
    tpu.barrier barrier_id(%barrier3A)
    %mul3A = arith.constant 1280 : i32
    %mul3A_7 = arith.muli %arg0, %mul3A : i32
    %mul3A_8 = arith.constant 80 : i32
    %mul3A_9 = arith.muli %arg1, %mul3A_8 : i32
    %add3A = arith.addi %mul3A_7, %mul3A_9 : i32
    %add3A_10 = arith.constant 0 : i32
    %add3A_11 = arith.addi %add3A, %add3A_10 : i32
    "tpu.region"() ({
      %run_scoped3A = tpu.sem_alloc : memref<!tpu.dma_semaphore, #tpu.memory_space<semaphore_mem>>
      %dma_start3A_68 = arith.constant 0 : i32
      %dma_start3A_69 = arith.constant 0 : i32
      %dma_start3A_70 = tpu.memref_slice %arg4[%add3A_11, %dma_start3A_68, %dma_start3A_69] : memref<2560x2x128xi32, #tpu.memory_space<hbm>> -> memref<40x2x128xi32, #tpu.memory_space<hbm>>
      %dma_start3A_71 = arith.constant 0 : i32
      %dma_start3A_72 = arith.constant 0 : i32
      %dma_start3A_73 = tpu.memref_slice %arg4[%add3A_11, %dma_start3A_71, %dma_start3A_72] : memref<2560x2x128xi32, #tpu.memory_space<hbm>> -> memref<40x2x128xi32, #tpu.memory_space<hbm>>
      tpu.enqueue_dma source(%dma_start3A_73 : memref<40x2x128xi32, #tpu.memory_space<hbm>>) target(%arg6 : memref<40x2x128xi32, #tpu.memory_space<vmem>>) target_semaphore(%run_scoped3A : memref<!tpu.dma_semaphore, #tpu.memory_space<semaphore_mem>>)
      %dma_wait3A_74 = arith.constant 0 : i32
      %dma_wait3A_75 = arith.constant 0 : i32
      %dma_wait3A_76 = tpu.memref_slice %arg4[%add3A_11, %dma_wait3A_74, %dma_wait3A_75] : memref<2560x2x128xi32, #tpu.memory_space<hbm>> -> memref<40x2x128xi32, #tpu.memory_space<hbm>>
      %dma_wait3A_77 = arith.constant 0 : i32
      %dma_wait3A_78 = arith.constant 0 : i32
      %dma_wait3A_79 = tpu.memref_slice %arg4[%add3A_11, %dma_wait3A_77, %dma_wait3A_78] : memref<2560x2x128xi32, #tpu.memory_space<hbm>> -> memref<40x2x128xi32, #tpu.memory_space<hbm>>
      tpu.wait_dma2 semaphore(%run_scoped3A : memref<!tpu.dma_semaphore, #tpu.memory_space<semaphore_mem>>) src(%dma_wait3A_79 : memref<40x2x128xi32, #tpu.memory_space<hbm>>) dst(%arg6 : memref<40x2x128xi32, #tpu.memory_space<vmem>>)
      tpu.yield
    }) : () -> ()
    %dma_start3A = arith.constant 0 : i32
    %dma_start3A_12 = arith.constant 0 : i32
    %dma_start3A_13 = arith.constant 0 : i32
    %dma_start3A_14 = tpu.memref_slice %arg6[%dma_start3A, %dma_start3A_12, %dma_start3A_13] : memref<40x2x128xi32, #tpu.memory_space<vmem>> -> memref<1x1x128xi32, #tpu.memory_space<vmem>>
    %dma_start3A_15 = tpu.memref_squeeze %dma_start3A_14 : memref<1x1x128xi32, #tpu.memory_space<vmem>> -> memref<128xi32, #tpu.memory_space<vmem>>
    %dma_start3A_16 = arith.constant 0 : i32
    %dma_start3A_17 = arith.constant 0 : i32
    %dma_start3A_18 = tpu.memref_slice %arg2[%dma_start3A_16, %dma_start3A_17] : memref<10112x128xf32, #tpu.memory_space<hbm>> -> memref<10112x128xf32, #tpu.memory_space<hbm>>
    tpu.enqueue_indirect_dma source(%dma_start3A_18 : memref<10112x128xf32, #tpu.memory_space<hbm>>) target(%arg7 : memref<128x128xf32, #tpu.memory_space<vmem>>) offsets(%dma_start3A_15 : memref<128xi32, #tpu.memory_space<vmem>>) semaphore(%arg10 : memref<!tpu.dma_semaphore, #tpu.memory_space<semaphore_mem>>)
    %scan3A = arith.constant 0 : i32
    %scan3A_19 = arith.constant 0 : i32
    %scan3A_20 = arith.constant 20 : i32
    %scan3A_21 = arith.addi %scan3A_19, %scan3A_20 : i32
    %scan3A_22 = arith.constant 1 : i32
    scf.for %scan3A_68 = %scan3A_19 to %scan3A_21 step %scan3A_22  : i32 {
      %gt3A = arith.constant 0 : i32
      %gt3A_69 = arith.cmpi sgt, %scan3A_68, %gt3A : i32
      %convert_element_type3A_70 = arith.extui %gt3A_69 : i1 to i32
      %cond3A_71 = arith.constant 0 : i32
      %cond3A_72 = arith.cmpi ne, %convert_element_type3A_70, %cond3A_71 : i32
      scf.if %cond3A_72 {
        %dma_wait3A_120 = arith.constant 0 : i32
        %dma_wait3A_121 = arith.constant 0 : i32
        %dma_wait3A_122 = tpu.memref_slice %arg2[%dma_wait3A_120, %dma_wait3A_121] : memref<10112x128xf32, #tpu.memory_space<hbm>> -> memref<128x128xf32, #tpu.memory_space<hbm>>
        %dma_wait3A_123 = arith.constant 0 : i32
        %dma_wait3A_124 = arith.constant 0 : i32
        %dma_wait3A_125 = tpu.memref_slice %arg2[%dma_wait3A_123, %dma_wait3A_124] : memref<10112x128xf32, #tpu.memory_space<hbm>> -> memref<128x128xf32, #tpu.memory_space<hbm>>
        tpu.wait_dma2 semaphore(%arg13 : memref<!tpu.dma_semaphore, #tpu.memory_space<semaphore_mem>>) src(%dma_wait3A_125 : memref<128x128xf32, #tpu.memory_space<hbm>>) dst(%arg8 : memref<128x128xf32, #tpu.memory_space<vmem>>)
      } else {
      }
      %mul3A_73 = arith.constant 2 : i32
      %mul3A_74 = arith.muli %mul3A_73, %scan3A_68 : i32
      %add3A_75 = arith.constant 1 : i32
      %add3A_76 = arith.addi %mul3A_74, %add3A_75 : i32
      %dma_start3A_77 = arith.constant 0 : i32
      %dma_start3A_78 = arith.constant 0 : i32
      %dma_start3A_79 = tpu.memref_slice %arg6[%add3A_76, %dma_start3A_77, %dma_start3A_78] : memref<40x2x128xi32, #tpu.memory_space<vmem>> -> memref<1x1x128xi32, #tpu.memory_space<vmem>>
      %dma_start3A_80 = tpu.memref_squeeze %dma_start3A_79 : memref<1x1x128xi32, #tpu.memory_space<vmem>> -> memref<128xi32, #tpu.memory_space<vmem>>
      %dma_start3A_81 = arith.constant 0 : i32
      %dma_start3A_82 = arith.constant 0 : i32
      %dma_start3A_83 = tpu.memref_slice %arg2[%dma_start3A_81, %dma_start3A_82] : memref<10112x128xf32, #tpu.memory_space<hbm>> -> memref<10112x128xf32, #tpu.memory_space<hbm>>
      tpu.enqueue_indirect_dma source(%dma_start3A_83 : memref<10112x128xf32, #tpu.memory_space<hbm>>) target(%arg8 : memref<128x128xf32, #tpu.memory_space<vmem>>) offsets(%dma_start3A_80 : memref<128xi32, #tpu.memory_space<vmem>>) semaphore(%arg11 : memref<!tpu.dma_semaphore, #tpu.memory_space<semaphore_mem>>)
      %dma_wait3A_84 = arith.constant 0 : i32
      %dma_wait3A_85 = arith.constant 0 : i32
      %dma_wait3A_86 = tpu.memref_slice %arg2[%dma_wait3A_84, %dma_wait3A_85] : memref<10112x128xf32, #tpu.memory_space<hbm>> -> memref<128x128xf32, #tpu.memory_space<hbm>>
      %dma_wait3A_87 = arith.constant 0 : i32
      %dma_wait3A_88 = arith.constant 0 : i32
      %dma_wait3A_89 = tpu.memref_slice %arg2[%dma_wait3A_87, %dma_wait3A_88] : memref<10112x128xf32, #tpu.memory_space<hbm>> -> memref<128x128xf32, #tpu.memory_space<hbm>>
      tpu.wait_dma2 semaphore(%arg10 : memref<!tpu.dma_semaphore, #tpu.memory_space<semaphore_mem>>) src(%dma_wait3A_89 : memref<128x128xf32, #tpu.memory_space<hbm>>) dst(%arg7 : memref<128x128xf32, #tpu.memory_space<vmem>>)
      %mul3A_90 = arith.constant 2 : i32
      %mul3A_91 = arith.muli %mul3A_90, %scan3A_68 : i32
      %dma_start3A_92 = arith.constant 1 : i32
      %dma_start3A_93 = arith.constant 0 : i32
      %dma_start3A_94 = tpu.memref_slice %arg6[%mul3A_91, %dma_start3A_92, %dma_start3A_93] : memref<40x2x128xi32, #tpu.memory_space<vmem>> -> memref<1x1x128xi32, #tpu.memory_space<vmem>>
      %dma_start3A_95 = tpu.memref_squeeze %dma_start3A_94 : memref<1x1x128xi32, #tpu.memory_space<vmem>> -> memref<128xi32, #tpu.memory_space<vmem>>
      %dma_start3A_96 = arith.constant 0 : i32
      %dma_start3A_97 = arith.constant 0 : i32
      %dma_start3A_98 = tpu.memref_slice %arg9[%dma_start3A_96, %dma_start3A_97] : memref<10112x128xf32, #tpu.memory_space<vmem_shared>> -> memref<10112x128xf32, #tpu.memory_space<vmem_shared>>
      tpu.enqueue_indirect_dma source(%arg7 : memref<128x128xf32, #tpu.memory_space<vmem>>) target(%dma_start3A_98 : memref<10112x128xf32, #tpu.memory_space<vmem_shared>>) offsets(%dma_start3A_95 : memref<128xi32, #tpu.memory_space<vmem>>) semaphore(%arg12 : memref<!tpu.dma_semaphore, #tpu.memory_space<semaphore_mem>>) {add = true}
      %lt3A = arith.constant 19 : i32
      %lt3A_99 = arith.cmpi slt, %scan3A_68, %lt3A : i32
      %convert_element_type3A_100 = arith.extui %lt3A_99 : i1 to i32
      %cond3A_101 = arith.constant 0 : i32
      %cond3A_102 = arith.cmpi ne, %convert_element_type3A_100, %cond3A_101 : i32
      scf.if %cond3A_102 {
        %dma_wait3A_120 = arith.constant 0 : i32
        %dma_wait3A_121 = arith.constant 0 : i32
        %dma_wait3A_122 = tpu.memref_slice %arg2[%dma_wait3A_120, %dma_wait3A_121] : memref<10112x128xf32, #tpu.memory_space<hbm>> -> memref<128x128xf32, #tpu.memory_space<hbm>>
        %dma_wait3A_123 = arith.constant 0 : i32
        %dma_wait3A_124 = arith.constant 0 : i32
        %dma_wait3A_125 = tpu.memref_slice %arg2[%dma_wait3A_123, %dma_wait3A_124] : memref<10112x128xf32, #tpu.memory_space<hbm>> -> memref<128x128xf32, #tpu.memory_space<hbm>>
        tpu.wait_dma2 semaphore(%arg12 : memref<!tpu.dma_semaphore, #tpu.memory_space<semaphore_mem>>) src(%dma_wait3A_125 : memref<128x128xf32, #tpu.memory_space<hbm>>) dst(%arg7 : memref<128x128xf32, #tpu.memory_space<vmem>>)
        %mul3A_126 = arith.constant 2 : i32
        %mul3A_127 = arith.muli %mul3A_126, %scan3A_68 : i32
        %add3A_128 = arith.constant 2 : i32
        %add3A_129 = arith.addi %mul3A_127, %add3A_128 : i32
        %dma_start3A_130 = arith.constant 0 : i32
        %dma_start3A_131 = arith.constant 0 : i32
        %dma_start3A_132 = tpu.memref_slice %arg6[%add3A_129, %dma_start3A_130, %dma_start3A_131] : memref<40x2x128xi32, #tpu.memory_space<vmem>> -> memref<1x1x128xi32, #tpu.memory_space<vmem>>
        %dma_start3A_133 = tpu.memref_squeeze %dma_start3A_132 : memref<1x1x128xi32, #tpu.memory_space<vmem>> -> memref<128xi32, #tpu.memory_space<vmem>>
        %dma_start3A_134 = arith.constant 0 : i32
        %dma_start3A_135 = arith.constant 0 : i32
        %dma_start3A_136 = tpu.memref_slice %arg2[%dma_start3A_134, %dma_start3A_135] : memref<10112x128xf32, #tpu.memory_space<hbm>> -> memref<10112x128xf32, #tpu.memory_space<hbm>>
        tpu.enqueue_indirect_dma source(%dma_start3A_136 : memref<10112x128xf32, #tpu.memory_space<hbm>>) target(%arg7 : memref<128x128xf32, #tpu.memory_space<vmem>>) offsets(%dma_start3A_133 : memref<128xi32, #tpu.memory_space<vmem>>) semaphore(%arg10 : memref<!tpu.dma_semaphore, #tpu.memory_space<semaphore_mem>>)
      } else {
      }
      %dma_wait3A_103 = arith.constant 0 : i32
      %dma_wait3A_104 = arith.constant 0 : i32
      %dma_wait3A_105 = tpu.memref_slice %arg2[%dma_wait3A_103, %dma_wait3A_104] : memref<10112x128xf32, #tpu.memory_space<hbm>> -> memref<128x128xf32, #tpu.memory_space<hbm>>
      %dma_wait3A_106 = arith.constant 0 : i32
      %dma_wait3A_107 = arith.constant 0 : i32
      %dma_wait3A_108 = tpu.memref_slice %arg2[%dma_wait3A_106, %dma_wait3A_107] : memref<10112x128xf32, #tpu.memory_space<hbm>> -> memref<128x128xf32, #tpu.memory_space<hbm>>
      tpu.wait_dma2 semaphore(%arg11 : memref<!tpu.dma_semaphore, #tpu.memory_space<semaphore_mem>>) src(%dma_wait3A_108 : memref<128x128xf32, #tpu.memory_space<hbm>>) dst(%arg8 : memref<128x128xf32, #tpu.memory_space<vmem>>)
      %mul3A_109 = arith.constant 2 : i32
      %mul3A_110 = arith.muli %mul3A_109, %scan3A_68 : i32
      %add3A_111 = arith.constant 1 : i32
      %add3A_112 = arith.addi %mul3A_110, %add3A_111 : i32
      %dma_start3A_113 = arith.constant 1 : i32
      %dma_start3A_114 = arith.constant 0 : i32
      %dma_start3A_115 = tpu.memref_slice %arg6[%add3A_112, %dma_start3A_113, %dma_start3A_114] : memref<40x2x128xi32, #tpu.memory_space<vmem>> -> memref<1x1x128xi32, #tpu.memory_space<vmem>>
      %dma_start3A_116 = tpu.memref_squeeze %dma_start3A_115 : memref<1x1x128xi32, #tpu.memory_space<vmem>> -> memref<128xi32, #tpu.memory_space<vmem>>
      %dma_start3A_117 = arith.constant 0 : i32
      %dma_start3A_118 = arith.constant 0 : i32
      %dma_start3A_119 = tpu.memref_slice %arg9[%dma_start3A_117, %dma_start3A_118] : memref<10112x128xf32, #tpu.memory_space<vmem_shared>> -> memref<10112x128xf32, #tpu.memory_space<vmem_shared>>
      tpu.enqueue_indirect_dma source(%arg8 : memref<128x128xf32, #tpu.memory_space<vmem>>) target(%dma_start3A_119 : memref<10112x128xf32, #tpu.memory_space<vmem_shared>>) offsets(%dma_start3A_116 : memref<128xi32, #tpu.memory_space<vmem>>) semaphore(%arg13 : memref<!tpu.dma_semaphore, #tpu.memory_space<semaphore_mem>>) {add = true}
    }
    %scan3A_23 = arith.constant 20 : i32
    %dma_wait3A = arith.constant 0 : i32
    %dma_wait3A_24 = arith.constant 0 : i32
    %dma_wait3A_25 = tpu.memref_slice %arg2[%dma_wait3A, %dma_wait3A_24] : memref<10112x128xf32, #tpu.memory_space<hbm>> -> memref<128x128xf32, #tpu.memory_space<hbm>>
    %dma_wait3A_26 = arith.constant 0 : i32
    %dma_wait3A_27 = arith.constant 0 : i32
    %dma_wait3A_28 = tpu.memref_slice %arg2[%dma_wait3A_26, %dma_wait3A_27] : memref<10112x128xf32, #tpu.memory_space<hbm>> -> memref<128x128xf32, #tpu.memory_space<hbm>>
    tpu.wait_dma2 semaphore(%arg12 : memref<!tpu.dma_semaphore, #tpu.memory_space<semaphore_mem>>) src(%dma_wait3A_28 : memref<128x128xf32, #tpu.memory_space<hbm>>) dst(%arg7 : memref<128x128xf32, #tpu.memory_space<vmem>>)
    %dma_wait3A_29 = arith.constant 0 : i32
    %dma_wait3A_30 = arith.constant 0 : i32
    %dma_wait3A_31 = tpu.memref_slice %arg2[%dma_wait3A_29, %dma_wait3A_30] : memref<10112x128xf32, #tpu.memory_space<hbm>> -> memref<128x128xf32, #tpu.memory_space<hbm>>
    %dma_wait3A_32 = arith.constant 0 : i32
    %dma_wait3A_33 = arith.constant 0 : i32
    %dma_wait3A_34 = tpu.memref_slice %arg2[%dma_wait3A_32, %dma_wait3A_33] : memref<10112x128xf32, #tpu.memory_space<hbm>> -> memref<128x128xf32, #tpu.memory_space<hbm>>
    tpu.wait_dma2 semaphore(%arg13 : memref<!tpu.dma_semaphore, #tpu.memory_space<semaphore_mem>>) src(%dma_wait3A_34 : memref<128x128xf32, #tpu.memory_space<hbm>>) dst(%arg8 : memref<128x128xf32, #tpu.memory_space<vmem>>)
    %add3A_35 = arith.constant 40 : i32
    %add3A_36 = arith.addi %add3A, %add3A_35 : i32
    "tpu.region"() ({
      %run_scoped3A = tpu.sem_alloc : memref<!tpu.dma_semaphore, #tpu.memory_space<semaphore_mem>>
      %dma_start3A_68 = arith.constant 0 : i32
      %dma_start3A_69 = arith.constant 0 : i32
      %dma_start3A_70 = tpu.memref_slice %arg4[%add3A_36, %dma_start3A_68, %dma_start3A_69] : memref<2560x2x128xi32, #tpu.memory_space<hbm>> -> memref<40x2x128xi32, #tpu.memory_space<hbm>>
      %dma_start3A_71 = arith.constant 0 : i32
      %dma_start3A_72 = arith.constant 0 : i32
      %dma_start3A_73 = tpu.memref_slice %arg4[%add3A_36, %dma_start3A_71, %dma_start3A_72] : memref<2560x2x128xi32, #tpu.memory_space<hbm>> -> memref<40x2x128xi32, #tpu.memory_space<hbm>>
      tpu.enqueue_dma source(%dma_start3A_73 : memref<40x2x128xi32, #tpu.memory_space<hbm>>) target(%arg6 : memref<40x2x128xi32, #tpu.memory_space<vmem>>) target_semaphore(%run_scoped3A : memref<!tpu.dma_semaphore, #tpu.memory_space<semaphore_mem>>)
      %dma_wait3A_74 = arith.constant 0 : i32
      %dma_wait3A_75 = arith.constant 0 : i32
      %dma_wait3A_76 = tpu.memref_slice %arg4[%add3A_36, %dma_wait3A_74, %dma_wait3A_75] : memref<2560x2x128xi32, #tpu.memory_space<hbm>> -> memref<40x2x128xi32, #tpu.memory_space<hbm>>
      %dma_wait3A_77 = arith.constant 0 : i32
      %dma_wait3A_78 = arith.constant 0 : i32
      %dma_wait3A_79 = tpu.memref_slice %arg4[%add3A_36, %dma_wait3A_77, %dma_wait3A_78] : memref<2560x2x128xi32, #tpu.memory_space<hbm>> -> memref<40x2x128xi32, #tpu.memory_space<hbm>>
      tpu.wait_dma2 semaphore(%run_scoped3A : memref<!tpu.dma_semaphore, #tpu.memory_space<semaphore_mem>>) src(%dma_wait3A_79 : memref<40x2x128xi32, #tpu.memory_space<hbm>>) dst(%arg6 : memref<40x2x128xi32, #tpu.memory_space<vmem>>)
      tpu.yield
    }) : () -> ()
    %dma_start3A_37 = arith.constant 0 : i32
    %dma_start3A_38 = arith.constant 0 : i32
    %dma_start3A_39 = arith.constant 0 : i32
    %dma_start3A_40 = tpu.memref_slice %arg6[%dma_start3A_37, %dma_start3A_38, %dma_start3A_39] : memref<40x2x128xi32, #tpu.memory_space<vmem>> -> memref<1x1x128xi32, #tpu.memory_space<vmem>>
    %dma_start3A_41 = tpu.memref_squeeze %dma_start3A_40 : memref<1x1x128xi32, #tpu.memory_space<vmem>> -> memref<128xi32, #tpu.memory_space<vmem>>
    %dma_start3A_42 = arith.constant 0 : i32
    %dma_start3A_43 = arith.constant 0 : i32
    %dma_start3A_44 = tpu.memref_slice %arg2[%dma_start3A_42, %dma_start3A_43] : memref<10112x128xf32, #tpu.memory_space<hbm>> -> memref<10112x128xf32, #tpu.memory_space<hbm>>
    tpu.enqueue_indirect_dma source(%dma_start3A_44 : memref<10112x128xf32, #tpu.memory_space<hbm>>) target(%arg7 : memref<128x128xf32, #tpu.memory_space<vmem>>) offsets(%dma_start3A_41 : memref<128xi32, #tpu.memory_space<vmem>>) semaphore(%arg10 : memref<!tpu.dma_semaphore, #tpu.memory_space<semaphore_mem>>)
    %scan3A_45 = arith.constant 0 : i32
    %scan3A_46 = arith.constant 0 : i32
    %scan3A_47 = arith.constant 20 : i32
    %scan3A_48 = arith.addi %scan3A_46, %scan3A_47 : i32
    %scan3A_49 = arith.constant 1 : i32
    scf.for %scan3A_68 = %scan3A_46 to %scan3A_48 step %scan3A_49  : i32 {
      %gt3A = arith.constant 0 : i32
      %gt3A_69 = arith.cmpi sgt, %scan3A_68, %gt3A : i32
      %convert_element_type3A_70 = arith.extui %gt3A_69 : i1 to i32
      %cond3A_71 = arith.constant 0 : i32
      %cond3A_72 = arith.cmpi ne, %convert_element_type3A_70, %cond3A_71 : i32
      scf.if %cond3A_72 {
        %dma_wait3A_120 = arith.constant 0 : i32
        %dma_wait3A_121 = arith.constant 0 : i32
        %dma_wait3A_122 = tpu.memref_slice %arg2[%dma_wait3A_120, %dma_wait3A_121] : memref<10112x128xf32, #tpu.memory_space<hbm>> -> memref<128x128xf32, #tpu.memory_space<hbm>>
        %dma_wait3A_123 = arith.constant 0 : i32
        %dma_wait3A_124 = arith.constant 0 : i32
        %dma_wait3A_125 = tpu.memref_slice %arg2[%dma_wait3A_123, %dma_wait3A_124] : memref<10112x128xf32, #tpu.memory_space<hbm>> -> memref<128x128xf32, #tpu.memory_space<hbm>>
        tpu.wait_dma2 semaphore(%arg13 : memref<!tpu.dma_semaphore, #tpu.memory_space<semaphore_mem>>) src(%dma_wait3A_125 : memref<128x128xf32, #tpu.memory_space<hbm>>) dst(%arg8 : memref<128x128xf32, #tpu.memory_space<vmem>>)
      } else {
      }
      %mul3A_73 = arith.constant 2 : i32
      %mul3A_74 = arith.muli %mul3A_73, %scan3A_68 : i32
      %add3A_75 = arith.constant 1 : i32
      %add3A_76 = arith.addi %mul3A_74, %add3A_75 : i32
      %dma_start3A_77 = arith.constant 0 : i32
      %dma_start3A_78 = arith.constant 0 : i32
      %dma_start3A_79 = tpu.memref_slice %arg6[%add3A_76, %dma_start3A_77, %dma_start3A_78] : memref<40x2x128xi32, #tpu.memory_space<vmem>> -> memref<1x1x128xi32, #tpu.memory_space<vmem>>
      %dma_start3A_80 = tpu.memref_squeeze %dma_start3A_79 : memref<1x1x128xi32, #tpu.memory_space<vmem>> -> memref<128xi32, #tpu.memory_space<vmem>>
      %dma_start3A_81 = arith.constant 0 : i32
      %dma_start3A_82 = arith.constant 0 : i32
      %dma_start3A_83 = tpu.memref_slice %arg2[%dma_start3A_81, %dma_start3A_82] : memref<10112x128xf32, #tpu.memory_space<hbm>> -> memref<10112x128xf32, #tpu.memory_space<hbm>>
      tpu.enqueue_indirect_dma source(%dma_start3A_83 : memref<10112x128xf32, #tpu.memory_space<hbm>>) target(%arg8 : memref<128x128xf32, #tpu.memory_space<vmem>>) offsets(%dma_start3A_80 : memref<128xi32, #tpu.memory_space<vmem>>) semaphore(%arg11 : memref<!tpu.dma_semaphore, #tpu.memory_space<semaphore_mem>>)
      %dma_wait3A_84 = arith.constant 0 : i32
      %dma_wait3A_85 = arith.constant 0 : i32
      %dma_wait3A_86 = tpu.memref_slice %arg2[%dma_wait3A_84, %dma_wait3A_85] : memref<10112x128xf32, #tpu.memory_space<hbm>> -> memref<128x128xf32, #tpu.memory_space<hbm>>
      %dma_wait3A_87 = arith.constant 0 : i32
      %dma_wait3A_88 = arith.constant 0 : i32
      %dma_wait3A_89 = tpu.memref_slice %arg2[%dma_wait3A_87, %dma_wait3A_88] : memref<10112x128xf32, #tpu.memory_space<hbm>> -> memref<128x128xf32, #tpu.memory_space<hbm>>
      tpu.wait_dma2 semaphore(%arg10 : memref<!tpu.dma_semaphore, #tpu.memory_space<semaphore_mem>>) src(%dma_wait3A_89 : memref<128x128xf32, #tpu.memory_space<hbm>>) dst(%arg7 : memref<128x128xf32, #tpu.memory_space<vmem>>)
      %mul3A_90 = arith.constant 2 : i32
      %mul3A_91 = arith.muli %mul3A_90, %scan3A_68 : i32
      %dma_start3A_92 = arith.constant 1 : i32
      %dma_start3A_93 = arith.constant 0 : i32
      %dma_start3A_94 = tpu.memref_slice %arg6[%mul3A_91, %dma_start3A_92, %dma_start3A_93] : memref<40x2x128xi32, #tpu.memory_space<vmem>> -> memref<1x1x128xi32, #tpu.memory_space<vmem>>
      %dma_start3A_95 = tpu.memref_squeeze %dma_start3A_94 : memref<1x1x128xi32, #tpu.memory_space<vmem>> -> memref<128xi32, #tpu.memory_space<vmem>>
      %dma_start3A_96 = arith.constant 0 : i32
      %dma_start3A_97 = arith.constant 0 : i32
      %dma_start3A_98 = tpu.memref_slice %arg9[%dma_start3A_96, %dma_start3A_97] : memref<10112x128xf32, #tpu.memory_space<vmem_shared>> -> memref<10112x128xf32, #tpu.memory_space<vmem_shared>>
      tpu.enqueue_indirect_dma source(%arg7 : memref<128x128xf32, #tpu.memory_space<vmem>>) target(%dma_start3A_98 : memref<10112x128xf32, #tpu.memory_space<vmem_shared>>) offsets(%dma_start3A_95 : memref<128xi32, #tpu.memory_space<vmem>>) semaphore(%arg12 : memref<!tpu.dma_semaphore, #tpu.memory_space<semaphore_mem>>) {add = true}
      %lt3A = arith.constant 19 : i32
      %lt3A_99 = arith.cmpi slt, %scan3A_68, %lt3A : i32
      %convert_element_type3A_100 = arith.extui %lt3A_99 : i1 to i32
      %cond3A_101 = arith.constant 0 : i32
      %cond3A_102 = arith.cmpi ne, %convert_element_type3A_100, %cond3A_101 : i32
      scf.if %cond3A_102 {
        %dma_wait3A_120 = arith.constant 0 : i32
        %dma_wait3A_121 = arith.constant 0 : i32
        %dma_wait3A_122 = tpu.memref_slice %arg2[%dma_wait3A_120, %dma_wait3A_121] : memref<10112x128xf32, #tpu.memory_space<hbm>> -> memref<128x128xf32, #tpu.memory_space<hbm>>
        %dma_wait3A_123 = arith.constant 0 : i32
        %dma_wait3A_124 = arith.constant 0 : i32
        %dma_wait3A_125 = tpu.memref_slice %arg2[%dma_wait3A_123, %dma_wait3A_124] : memref<10112x128xf32, #tpu.memory_space<hbm>> -> memref<128x128xf32, #tpu.memory_space<hbm>>
        tpu.wait_dma2 semaphore(%arg12 : memref<!tpu.dma_semaphore, #tpu.memory_space<semaphore_mem>>) src(%dma_wait3A_125 : memref<128x128xf32, #tpu.memory_space<hbm>>) dst(%arg7 : memref<128x128xf32, #tpu.memory_space<vmem>>)
        %mul3A_126 = arith.constant 2 : i32
        %mul3A_127 = arith.muli %mul3A_126, %scan3A_68 : i32
        %add3A_128 = arith.constant 2 : i32
        %add3A_129 = arith.addi %mul3A_127, %add3A_128 : i32
        %dma_start3A_130 = arith.constant 0 : i32
        %dma_start3A_131 = arith.constant 0 : i32
        %dma_start3A_132 = tpu.memref_slice %arg6[%add3A_129, %dma_start3A_130, %dma_start3A_131] : memref<40x2x128xi32, #tpu.memory_space<vmem>> -> memref<1x1x128xi32, #tpu.memory_space<vmem>>
        %dma_start3A_133 = tpu.memref_squeeze %dma_start3A_132 : memref<1x1x128xi32, #tpu.memory_space<vmem>> -> memref<128xi32, #tpu.memory_space<vmem>>
        %dma_start3A_134 = arith.constant 0 : i32
        %dma_start3A_135 = arith.constant 0 : i32
        %dma_start3A_136 = tpu.memref_slice %arg2[%dma_start3A_134, %dma_start3A_135] : memref<10112x128xf32, #tpu.memory_space<hbm>> -> memref<10112x128xf32, #tpu.memory_space<hbm>>
        tpu.enqueue_indirect_dma source(%dma_start3A_136 : memref<10112x128xf32, #tpu.memory_space<hbm>>) target(%arg7 : memref<128x128xf32, #tpu.memory_space<vmem>>) offsets(%dma_start3A_133 : memref<128xi32, #tpu.memory_space<vmem>>) semaphore(%arg10 : memref<!tpu.dma_semaphore, #tpu.memory_space<semaphore_mem>>)
      } else {
      }
      %dma_wait3A_103 = arith.constant 0 : i32
      %dma_wait3A_104 = arith.constant 0 : i32
      %dma_wait3A_105 = tpu.memref_slice %arg2[%dma_wait3A_103, %dma_wait3A_104] : memref<10112x128xf32, #tpu.memory_space<hbm>> -> memref<128x128xf32, #tpu.memory_space<hbm>>
      %dma_wait3A_106 = arith.constant 0 : i32
      %dma_wait3A_107 = arith.constant 0 : i32
      %dma_wait3A_108 = tpu.memref_slice %arg2[%dma_wait3A_106, %dma_wait3A_107] : memref<10112x128xf32, #tpu.memory_space<hbm>> -> memref<128x128xf32, #tpu.memory_space<hbm>>
      tpu.wait_dma2 semaphore(%arg11 : memref<!tpu.dma_semaphore, #tpu.memory_space<semaphore_mem>>) src(%dma_wait3A_108 : memref<128x128xf32, #tpu.memory_space<hbm>>) dst(%arg8 : memref<128x128xf32, #tpu.memory_space<vmem>>)
      %mul3A_109 = arith.constant 2 : i32
      %mul3A_110 = arith.muli %mul3A_109, %scan3A_68 : i32
      %add3A_111 = arith.constant 1 : i32
      %add3A_112 = arith.addi %mul3A_110, %add3A_111 : i32
      %dma_start3A_113 = arith.constant 1 : i32
      %dma_start3A_114 = arith.constant 0 : i32
      %dma_start3A_115 = tpu.memref_slice %arg6[%add3A_112, %dma_start3A_113, %dma_start3A_114] : memref<40x2x128xi32, #tpu.memory_space<vmem>> -> memref<1x1x128xi32, #tpu.memory_space<vmem>>
      %dma_start3A_116 = tpu.memref_squeeze %dma_start3A_115 : memref<1x1x128xi32, #tpu.memory_space<vmem>> -> memref<128xi32, #tpu.memory_space<vmem>>
      %dma_start3A_117 = arith.constant 0 : i32
      %dma_start3A_118 = arith.constant 0 : i32
      %dma_start3A_119 = tpu.memref_slice %arg9[%dma_start3A_117, %dma_start3A_118] : memref<10112x128xf32, #tpu.memory_space<vmem_shared>> -> memref<10112x128xf32, #tpu.memory_space<vmem_shared>>
      tpu.enqueue_indirect_dma source(%arg8 : memref<128x128xf32, #tpu.memory_space<vmem>>) target(%dma_start3A_119 : memref<10112x128xf32, #tpu.memory_space<vmem_shared>>) offsets(%dma_start3A_116 : memref<128xi32, #tpu.memory_space<vmem>>) semaphore(%arg13 : memref<!tpu.dma_semaphore, #tpu.memory_space<semaphore_mem>>) {add = true}
    }
    %scan3A_50 = arith.constant 20 : i32
    %dma_wait3A_51 = arith.constant 0 : i32
    %dma_wait3A_52 = arith.constant 0 : i32
    %dma_wait3A_53 = tpu.memref_slice %arg2[%dma_wait3A_51, %dma_wait3A_52] : memref<10112x128xf32, #tpu.memory_space<hbm>> -> memref<128x128xf32, #tpu.memory_space<hbm>>
    %dma_wait3A_54 = arith.constant 0 : i32
    %dma_wait3A_55 = arith.constant 0 : i32
    %dma_wait3A_56 = tpu.memref_slice %arg2[%dma_wait3A_54, %dma_wait3A_55] : memref<10112x128xf32, #tpu.memory_space<hbm>> -> memref<128x128xf32, #tpu.memory_space<hbm>>
    tpu.wait_dma2 semaphore(%arg12 : memref<!tpu.dma_semaphore, #tpu.memory_space<semaphore_mem>>) src(%dma_wait3A_56 : memref<128x128xf32, #tpu.memory_space<hbm>>) dst(%arg7 : memref<128x128xf32, #tpu.memory_space<vmem>>)
    %dma_wait3A_57 = arith.constant 0 : i32
    %dma_wait3A_58 = arith.constant 0 : i32
    %dma_wait3A_59 = tpu.memref_slice %arg2[%dma_wait3A_57, %dma_wait3A_58] : memref<10112x128xf32, #tpu.memory_space<hbm>> -> memref<128x128xf32, #tpu.memory_space<hbm>>
    %dma_wait3A_60 = arith.constant 0 : i32
    %dma_wait3A_61 = arith.constant 0 : i32
    %dma_wait3A_62 = tpu.memref_slice %arg2[%dma_wait3A_60, %dma_wait3A_61] : memref<10112x128xf32, #tpu.memory_space<hbm>> -> memref<128x128xf32, #tpu.memory_space<hbm>>
    tpu.wait_dma2 semaphore(%arg13 : memref<!tpu.dma_semaphore, #tpu.memory_space<semaphore_mem>>) src(%dma_wait3A_62 : memref<128x128xf32, #tpu.memory_space<hbm>>) dst(%arg8 : memref<128x128xf32, #tpu.memory_space<vmem>>)
    %barrier3A_63 = arith.constant 0 : index
    tpu.barrier barrier_id(%barrier3A_63)
    %mul3A_64 = arith.constant 632 : i32
    %mul3A_65 = arith.muli %arg1, %mul3A_64 : i32
    %mul3A_66 = arith.constant 632 : i32
    %mul3A_67 = arith.muli %arg1, %mul3A_66 : i32
    "tpu.region"() ({
      %run_scoped3A = tpu.sem_alloc : memref<!tpu.dma_semaphore, #tpu.memory_space<semaphore_mem>>
      %dma_start3A_68 = arith.constant 0 : i32
      %dma_start3A_69 = tpu.memref_slice %arg5[%arg0, %mul3A_67, %dma_start3A_68] : memref<2x10112x128xf32, #tpu.memory_space<hbm>> -> memref<1x632x128xf32, #tpu.memory_space<hbm>>
      %dma_start3A_70 = tpu.memref_squeeze %dma_start3A_69 : memref<1x632x128xf32, #tpu.memory_space<hbm>> -> memref<632x128xf32, #tpu.memory_space<hbm>>
      %dma_start3A_71 = arith.constant 0 : i32
      %dma_start3A_72 = tpu.memref_slice %arg9[%mul3A_65, %dma_start3A_71] : memref<10112x128xf32, #tpu.memory_space<vmem_shared>> -> memref<632x128xf32, #tpu.memory_space<vmem_shared>>
      tpu.enqueue_dma source(%dma_start3A_72 : memref<632x128xf32, #tpu.memory_space<vmem_shared>>) target(%dma_start3A_70 : memref<632x128xf32, #tpu.memory_space<hbm>>) target_semaphore(%run_scoped3A : memref<!tpu.dma_semaphore, #tpu.memory_space<semaphore_mem>>)
      %dma_wait3A_73 = arith.constant 0 : i32
      %dma_wait3A_74 = tpu.memref_slice %arg5[%arg0, %mul3A_67, %dma_wait3A_73] : memref<2x10112x128xf32, #tpu.memory_space<hbm>> -> memref<1x632x128xf32, #tpu.memory_space<hbm>>
      %dma_wait3A_75 = tpu.memref_squeeze %dma_wait3A_74 : memref<1x632x128xf32, #tpu.memory_space<hbm>> -> memref<632x128xf32, #tpu.memory_space<hbm>>
      %dma_wait3A_76 = arith.constant 0 : i32
      %dma_wait3A_77 = tpu.memref_slice %arg9[%mul3A_65, %dma_wait3A_76] : memref<10112x128xf32, #tpu.memory_space<vmem_shared>> -> memref<632x128xf32, #tpu.memory_space<vmem_shared>>
      tpu.wait_dma2 semaphore(%run_scoped3A : memref<!tpu.dma_semaphore, #tpu.memory_space<semaphore_mem>>) src(%dma_wait3A_77 : memref<632x128xf32, #tpu.memory_space<vmem_shared>>) dst(%dma_wait3A_75 : memref<632x128xf32, #tpu.memory_space<hbm>>)
      tpu.yield
    }) : () -> ()
    return
  }
}

#map = affine_map<(d0, d1) -> (0, 0)>
#map1 = affine_map<(d0, d1) -> (0, 0, 0)>
module attributes {stable_mosaic.version = 14 : i64} {
  func.func @_agg2_body(%arg0: i32, %arg1: i32, %arg2: memref<10112x128xf32, #tpu.memory_space<hbm>>, %arg3: memref<10112x128xf32, #tpu.memory_space<hbm>>, %arg4: memref<2560x2x128xi32, #tpu.memory_space<hbm>>, %arg5: memref<2x10112x128xf32, #tpu.memory_space<hbm>>, %arg6: memref<40x2x128xi32, #tpu.memory_space<vmem>>, %arg7: memref<128x128xf32, #tpu.memory_space<vmem>>, %arg8: memref<128x128xf32, #tpu.memory_space<vmem>>, %arg9: memref<10112x128xf32, #tpu.memory_space<vmem_shared>>, %arg10: memref<!tpu.dma_semaphore, #tpu.memory_space<semaphore_mem>>, %arg11: memref<!tpu.dma_semaphore, #tpu.memory_space<semaphore_mem>>, %arg12: memref<!tpu.dma_semaphore, #tpu.memory_space<semaphore_mem>>, %arg13: memref<!tpu.dma_semaphore, #tpu.memory_space<semaphore_mem>>) attributes {dimension_semantics = [#tpu.dimension_semantics<core_parallel>, #tpu.dimension_semantics<subcore_parallel>], iteration_bounds = array<i64: 2, 16>, scalar_prefetch = 0 : i64, scratch_operands = 8 : i64, tpu.core_type = #tpu.core_type<sc_vector_subcore>, window_params = [{transform_indices = #map}, {transform_indices = #map}, {transform_indices = #map1}, {transform_indices = #map1}]} {
    %eq3A = arith.constant 0 : i32
    %eq3A_0 = arith.cmpi eq, %arg0, %eq3A : i32
    %convert_element_type3A = arith.extui %eq3A_0 : i1 to i32
    %cond3A = arith.constant 0 : i32
    %cond3A_1 = arith.cmpi ne, %convert_element_type3A, %cond3A : i32
    scf.if %cond3A_1 {
      %mul3A_68 = arith.constant 632 : i32
      %mul3A_69 = arith.muli %arg1, %mul3A_68 : i32
      %mul3A_70 = arith.constant 632 : i32
      %mul3A_71 = arith.muli %arg1, %mul3A_70 : i32
      "tpu.region"() ({
        %run_scoped3A = tpu.sem_alloc : memref<!tpu.dma_semaphore, #tpu.memory_space<semaphore_mem>>
        %dma_start3A_72 = arith.constant 0 : i32
        %dma_start3A_73 = tpu.memref_slice %arg9[%mul3A_71, %dma_start3A_72] : memref<10112x128xf32, #tpu.memory_space<vmem_shared>> -> memref<632x128xf32, #tpu.memory_space<vmem_shared>>
        %dma_start3A_74 = arith.constant 0 : i32
        %dma_start3A_75 = tpu.memref_slice %arg2[%mul3A_69, %dma_start3A_74] : memref<10112x128xf32, #tpu.memory_space<hbm>> -> memref<632x128xf32, #tpu.memory_space<hbm>>
        tpu.enqueue_dma source(%dma_start3A_75 : memref<632x128xf32, #tpu.memory_space<hbm>>) target(%dma_start3A_73 : memref<632x128xf32, #tpu.memory_space<vmem_shared>>) target_semaphore(%run_scoped3A : memref<!tpu.dma_semaphore, #tpu.memory_space<semaphore_mem>>)
        %dma_wait3A_76 = arith.constant 0 : i32
        %dma_wait3A_77 = tpu.memref_slice %arg9[%mul3A_71, %dma_wait3A_76] : memref<10112x128xf32, #tpu.memory_space<vmem_shared>> -> memref<632x128xf32, #tpu.memory_space<vmem_shared>>
        %dma_wait3A_78 = arith.constant 0 : i32
        %dma_wait3A_79 = tpu.memref_slice %arg2[%mul3A_69, %dma_wait3A_78] : memref<10112x128xf32, #tpu.memory_space<hbm>> -> memref<632x128xf32, #tpu.memory_space<hbm>>
        tpu.wait_dma2 semaphore(%run_scoped3A : memref<!tpu.dma_semaphore, #tpu.memory_space<semaphore_mem>>) src(%dma_wait3A_79 : memref<632x128xf32, #tpu.memory_space<hbm>>) dst(%dma_wait3A_77 : memref<632x128xf32, #tpu.memory_space<vmem_shared>>)
        tpu.yield
      }) : () -> ()
    } else {
    }
    %eq3A_2 = arith.constant 1 : i32
    %eq3A_3 = arith.cmpi eq, %arg0, %eq3A_2 : i32
    %convert_element_type3A_4 = arith.extui %eq3A_3 : i1 to i32
    %cond3A_5 = arith.constant 0 : i32
    %cond3A_6 = arith.cmpi ne, %convert_element_type3A_4, %cond3A_5 : i32
    scf.if %cond3A_6 {
      %mul3A_68 = arith.constant 632 : i32
      %mul3A_69 = arith.muli %arg1, %mul3A_68 : i32
      %mul3A_70 = arith.constant 632 : i32
      %mul3A_71 = arith.muli %arg1, %mul3A_70 : i32
      "tpu.region"() ({
        %run_scoped3A = tpu.sem_alloc : memref<!tpu.dma_semaphore, #tpu.memory_space<semaphore_mem>>
        %dma_start3A_72 = arith.constant 0 : i32
        %dma_start3A_73 = tpu.memref_slice %arg9[%mul3A_71, %dma_start3A_72] : memref<10112x128xf32, #tpu.memory_space<vmem_shared>> -> memref<632x128xf32, #tpu.memory_space<vmem_shared>>
        %dma_start3A_74 = arith.constant 0 : i32
        %dma_start3A_75 = tpu.memref_slice %arg3[%mul3A_69, %dma_start3A_74] : memref<10112x128xf32, #tpu.memory_space<hbm>> -> memref<632x128xf32, #tpu.memory_space<hbm>>
        tpu.enqueue_dma source(%dma_start3A_75 : memref<632x128xf32, #tpu.memory_space<hbm>>) target(%dma_start3A_73 : memref<632x128xf32, #tpu.memory_space<vmem_shared>>) target_semaphore(%run_scoped3A : memref<!tpu.dma_semaphore, #tpu.memory_space<semaphore_mem>>)
        %dma_wait3A_76 = arith.constant 0 : i32
        %dma_wait3A_77 = tpu.memref_slice %arg9[%mul3A_71, %dma_wait3A_76] : memref<10112x128xf32, #tpu.memory_space<vmem_shared>> -> memref<632x128xf32, #tpu.memory_space<vmem_shared>>
        %dma_wait3A_78 = arith.constant 0 : i32
        %dma_wait3A_79 = tpu.memref_slice %arg3[%mul3A_69, %dma_wait3A_78] : memref<10112x128xf32, #tpu.memory_space<hbm>> -> memref<632x128xf32, #tpu.memory_space<hbm>>
        tpu.wait_dma2 semaphore(%run_scoped3A : memref<!tpu.dma_semaphore, #tpu.memory_space<semaphore_mem>>) src(%dma_wait3A_79 : memref<632x128xf32, #tpu.memory_space<hbm>>) dst(%dma_wait3A_77 : memref<632x128xf32, #tpu.memory_space<vmem_shared>>)
        tpu.yield
      }) : () -> ()
    } else {
    }
    %barrier3A = arith.constant 0 : index
    tpu.barrier barrier_id(%barrier3A)
    %mul3A = arith.constant 1280 : i32
    %mul3A_7 = arith.muli %arg0, %mul3A : i32
    %mul3A_8 = arith.constant 80 : i32
    %mul3A_9 = arith.muli %arg1, %mul3A_8 : i32
    %add3A = arith.addi %mul3A_7, %mul3A_9 : i32
    %add3A_10 = arith.constant 0 : i32
    %add3A_11 = arith.addi %add3A, %add3A_10 : i32
    "tpu.region"() ({
      %run_scoped3A = tpu.sem_alloc : memref<!tpu.dma_semaphore, #tpu.memory_space<semaphore_mem>>
      %dma_start3A_68 = arith.constant 0 : i32
      %dma_start3A_69 = arith.constant 0 : i32
      %dma_start3A_70 = tpu.memref_slice %arg4[%add3A_11, %dma_start3A_68, %dma_start3A_69] : memref<2560x2x128xi32, #tpu.memory_space<hbm>> -> memref<40x2x128xi32, #tpu.memory_space<hbm>>
      %dma_start3A_71 = arith.constant 0 : i32
      %dma_start3A_72 = arith.constant 0 : i32
      %dma_start3A_73 = tpu.memref_slice %arg4[%add3A_11, %dma_start3A_71, %dma_start3A_72] : memref<2560x2x128xi32, #tpu.memory_space<hbm>> -> memref<40x2x128xi32, #tpu.memory_space<hbm>>
      tpu.enqueue_dma source(%dma_start3A_73 : memref<40x2x128xi32, #tpu.memory_space<hbm>>) target(%arg6 : memref<40x2x128xi32, #tpu.memory_space<vmem>>) target_semaphore(%run_scoped3A : memref<!tpu.dma_semaphore, #tpu.memory_space<semaphore_mem>>)
      %dma_wait3A_74 = arith.constant 0 : i32
      %dma_wait3A_75 = arith.constant 0 : i32
      %dma_wait3A_76 = tpu.memref_slice %arg4[%add3A_11, %dma_wait3A_74, %dma_wait3A_75] : memref<2560x2x128xi32, #tpu.memory_space<hbm>> -> memref<40x2x128xi32, #tpu.memory_space<hbm>>
      %dma_wait3A_77 = arith.constant 0 : i32
      %dma_wait3A_78 = arith.constant 0 : i32
      %dma_wait3A_79 = tpu.memref_slice %arg4[%add3A_11, %dma_wait3A_77, %dma_wait3A_78] : memref<2560x2x128xi32, #tpu.memory_space<hbm>> -> memref<40x2x128xi32, #tpu.memory_space<hbm>>
      tpu.wait_dma2 semaphore(%run_scoped3A : memref<!tpu.dma_semaphore, #tpu.memory_space<semaphore_mem>>) src(%dma_wait3A_79 : memref<40x2x128xi32, #tpu.memory_space<hbm>>) dst(%arg6 : memref<40x2x128xi32, #tpu.memory_space<vmem>>)
      tpu.yield
    }) : () -> ()
    %dma_start3A = arith.constant 0 : i32
    %dma_start3A_12 = arith.constant 0 : i32
    %dma_start3A_13 = arith.constant 0 : i32
    %dma_start3A_14 = tpu.memref_slice %arg6[%dma_start3A, %dma_start3A_12, %dma_start3A_13] : memref<40x2x128xi32, #tpu.memory_space<vmem>> -> memref<1x1x128xi32, #tpu.memory_space<vmem>>
    %dma_start3A_15 = tpu.memref_squeeze %dma_start3A_14 : memref<1x1x128xi32, #tpu.memory_space<vmem>> -> memref<128xi32, #tpu.memory_space<vmem>>
    %dma_start3A_16 = arith.constant 0 : i32
    %dma_start3A_17 = arith.constant 0 : i32
    %dma_start3A_18 = tpu.memref_slice %arg2[%dma_start3A_16, %dma_start3A_17] : memref<10112x128xf32, #tpu.memory_space<hbm>> -> memref<10112x128xf32, #tpu.memory_space<hbm>>
    tpu.enqueue_indirect_dma source(%dma_start3A_18 : memref<10112x128xf32, #tpu.memory_space<hbm>>) target(%arg7 : memref<128x128xf32, #tpu.memory_space<vmem>>) offsets(%dma_start3A_15 : memref<128xi32, #tpu.memory_space<vmem>>) semaphore(%arg10 : memref<!tpu.dma_semaphore, #tpu.memory_space<semaphore_mem>>)
    %scan3A = arith.constant 0 : i32
    %scan3A_19 = arith.constant 0 : i32
    %scan3A_20 = arith.constant 20 : i32
    %scan3A_21 = arith.addi %scan3A_19, %scan3A_20 : i32
    %scan3A_22 = arith.constant 1 : i32
    scf.for %scan3A_68 = %scan3A_19 to %scan3A_21 step %scan3A_22  : i32 {
      %gt3A = arith.constant 0 : i32
      %gt3A_69 = arith.cmpi sgt, %scan3A_68, %gt3A : i32
      %convert_element_type3A_70 = arith.extui %gt3A_69 : i1 to i32
      %cond3A_71 = arith.constant 0 : i32
      %cond3A_72 = arith.cmpi ne, %convert_element_type3A_70, %cond3A_71 : i32
      scf.if %cond3A_72 {
        %dma_wait3A_120 = arith.constant 0 : i32
        %dma_wait3A_121 = arith.constant 0 : i32
        %dma_wait3A_122 = tpu.memref_slice %arg2[%dma_wait3A_120, %dma_wait3A_121] : memref<10112x128xf32, #tpu.memory_space<hbm>> -> memref<128x128xf32, #tpu.memory_space<hbm>>
        %dma_wait3A_123 = arith.constant 0 : i32
        %dma_wait3A_124 = arith.constant 0 : i32
        %dma_wait3A_125 = tpu.memref_slice %arg2[%dma_wait3A_123, %dma_wait3A_124] : memref<10112x128xf32, #tpu.memory_space<hbm>> -> memref<128x128xf32, #tpu.memory_space<hbm>>
        tpu.wait_dma2 semaphore(%arg13 : memref<!tpu.dma_semaphore, #tpu.memory_space<semaphore_mem>>) src(%dma_wait3A_125 : memref<128x128xf32, #tpu.memory_space<hbm>>) dst(%arg8 : memref<128x128xf32, #tpu.memory_space<vmem>>)
      } else {
      }
      %mul3A_73 = arith.constant 2 : i32
      %mul3A_74 = arith.muli %mul3A_73, %scan3A_68 : i32
      %add3A_75 = arith.constant 1 : i32
      %add3A_76 = arith.addi %mul3A_74, %add3A_75 : i32
      %dma_start3A_77 = arith.constant 0 : i32
      %dma_start3A_78 = arith.constant 0 : i32
      %dma_start3A_79 = tpu.memref_slice %arg6[%add3A_76, %dma_start3A_77, %dma_start3A_78] : memref<40x2x128xi32, #tpu.memory_space<vmem>> -> memref<1x1x128xi32, #tpu.memory_space<vmem>>
      %dma_start3A_80 = tpu.memref_squeeze %dma_start3A_79 : memref<1x1x128xi32, #tpu.memory_space<vmem>> -> memref<128xi32, #tpu.memory_space<vmem>>
      %dma_start3A_81 = arith.constant 0 : i32
      %dma_start3A_82 = arith.constant 0 : i32
      %dma_start3A_83 = tpu.memref_slice %arg2[%dma_start3A_81, %dma_start3A_82] : memref<10112x128xf32, #tpu.memory_space<hbm>> -> memref<10112x128xf32, #tpu.memory_space<hbm>>
      tpu.enqueue_indirect_dma source(%dma_start3A_83 : memref<10112x128xf32, #tpu.memory_space<hbm>>) target(%arg8 : memref<128x128xf32, #tpu.memory_space<vmem>>) offsets(%dma_start3A_80 : memref<128xi32, #tpu.memory_space<vmem>>) semaphore(%arg11 : memref<!tpu.dma_semaphore, #tpu.memory_space<semaphore_mem>>)
      %dma_wait3A_84 = arith.constant 0 : i32
      %dma_wait3A_85 = arith.constant 0 : i32
      %dma_wait3A_86 = tpu.memref_slice %arg2[%dma_wait3A_84, %dma_wait3A_85] : memref<10112x128xf32, #tpu.memory_space<hbm>> -> memref<128x128xf32, #tpu.memory_space<hbm>>
      %dma_wait3A_87 = arith.constant 0 : i32
      %dma_wait3A_88 = arith.constant 0 : i32
      %dma_wait3A_89 = tpu.memref_slice %arg2[%dma_wait3A_87, %dma_wait3A_88] : memref<10112x128xf32, #tpu.memory_space<hbm>> -> memref<128x128xf32, #tpu.memory_space<hbm>>
      tpu.wait_dma2 semaphore(%arg10 : memref<!tpu.dma_semaphore, #tpu.memory_space<semaphore_mem>>) src(%dma_wait3A_89 : memref<128x128xf32, #tpu.memory_space<hbm>>) dst(%arg7 : memref<128x128xf32, #tpu.memory_space<vmem>>)
      %mul3A_90 = arith.constant 2 : i32
      %mul3A_91 = arith.muli %mul3A_90, %scan3A_68 : i32
      %dma_start3A_92 = arith.constant 1 : i32
      %dma_start3A_93 = arith.constant 0 : i32
      %dma_start3A_94 = tpu.memref_slice %arg6[%mul3A_91, %dma_start3A_92, %dma_start3A_93] : memref<40x2x128xi32, #tpu.memory_space<vmem>> -> memref<1x1x128xi32, #tpu.memory_space<vmem>>
      %dma_start3A_95 = tpu.memref_squeeze %dma_start3A_94 : memref<1x1x128xi32, #tpu.memory_space<vmem>> -> memref<128xi32, #tpu.memory_space<vmem>>
      %dma_start3A_96 = arith.constant 0 : i32
      %dma_start3A_97 = arith.constant 0 : i32
      %dma_start3A_98 = tpu.memref_slice %arg9[%dma_start3A_96, %dma_start3A_97] : memref<10112x128xf32, #tpu.memory_space<vmem_shared>> -> memref<10112x128xf32, #tpu.memory_space<vmem_shared>>
      tpu.enqueue_indirect_dma source(%arg7 : memref<128x128xf32, #tpu.memory_space<vmem>>) target(%dma_start3A_98 : memref<10112x128xf32, #tpu.memory_space<vmem_shared>>) offsets(%dma_start3A_95 : memref<128xi32, #tpu.memory_space<vmem>>) semaphore(%arg12 : memref<!tpu.dma_semaphore, #tpu.memory_space<semaphore_mem>>) {add = true}
      %lt3A = arith.constant 19 : i32
      %lt3A_99 = arith.cmpi slt, %scan3A_68, %lt3A : i32
      %convert_element_type3A_100 = arith.extui %lt3A_99 : i1 to i32
      %cond3A_101 = arith.constant 0 : i32
      %cond3A_102 = arith.cmpi ne, %convert_element_type3A_100, %cond3A_101 : i32
      scf.if %cond3A_102 {
        %dma_wait3A_120 = arith.constant 0 : i32
        %dma_wait3A_121 = arith.constant 0 : i32
        %dma_wait3A_122 = tpu.memref_slice %arg2[%dma_wait3A_120, %dma_wait3A_121] : memref<10112x128xf32, #tpu.memory_space<hbm>> -> memref<128x128xf32, #tpu.memory_space<hbm>>
        %dma_wait3A_123 = arith.constant 0 : i32
        %dma_wait3A_124 = arith.constant 0 : i32
        %dma_wait3A_125 = tpu.memref_slice %arg2[%dma_wait3A_123, %dma_wait3A_124] : memref<10112x128xf32, #tpu.memory_space<hbm>> -> memref<128x128xf32, #tpu.memory_space<hbm>>
        tpu.wait_dma2 semaphore(%arg12 : memref<!tpu.dma_semaphore, #tpu.memory_space<semaphore_mem>>) src(%dma_wait3A_125 : memref<128x128xf32, #tpu.memory_space<hbm>>) dst(%arg7 : memref<128x128xf32, #tpu.memory_space<vmem>>)
        %mul3A_126 = arith.constant 2 : i32
        %mul3A_127 = arith.muli %mul3A_126, %scan3A_68 : i32
        %add3A_128 = arith.constant 2 : i32
        %add3A_129 = arith.addi %mul3A_127, %add3A_128 : i32
        %dma_start3A_130 = arith.constant 0 : i32
        %dma_start3A_131 = arith.constant 0 : i32
        %dma_start3A_132 = tpu.memref_slice %arg6[%add3A_129, %dma_start3A_130, %dma_start3A_131] : memref<40x2x128xi32, #tpu.memory_space<vmem>> -> memref<1x1x128xi32, #tpu.memory_space<vmem>>
        %dma_start3A_133 = tpu.memref_squeeze %dma_start3A_132 : memref<1x1x128xi32, #tpu.memory_space<vmem>> -> memref<128xi32, #tpu.memory_space<vmem>>
        %dma_start3A_134 = arith.constant 0 : i32
        %dma_start3A_135 = arith.constant 0 : i32
        %dma_start3A_136 = tpu.memref_slice %arg2[%dma_start3A_134, %dma_start3A_135] : memref<10112x128xf32, #tpu.memory_space<hbm>> -> memref<10112x128xf32, #tpu.memory_space<hbm>>
        tpu.enqueue_indirect_dma source(%dma_start3A_136 : memref<10112x128xf32, #tpu.memory_space<hbm>>) target(%arg7 : memref<128x128xf32, #tpu.memory_space<vmem>>) offsets(%dma_start3A_133 : memref<128xi32, #tpu.memory_space<vmem>>) semaphore(%arg10 : memref<!tpu.dma_semaphore, #tpu.memory_space<semaphore_mem>>)
      } else {
      }
      %dma_wait3A_103 = arith.constant 0 : i32
      %dma_wait3A_104 = arith.constant 0 : i32
      %dma_wait3A_105 = tpu.memref_slice %arg2[%dma_wait3A_103, %dma_wait3A_104] : memref<10112x128xf32, #tpu.memory_space<hbm>> -> memref<128x128xf32, #tpu.memory_space<hbm>>
      %dma_wait3A_106 = arith.constant 0 : i32
      %dma_wait3A_107 = arith.constant 0 : i32
      %dma_wait3A_108 = tpu.memref_slice %arg2[%dma_wait3A_106, %dma_wait3A_107] : memref<10112x128xf32, #tpu.memory_space<hbm>> -> memref<128x128xf32, #tpu.memory_space<hbm>>
      tpu.wait_dma2 semaphore(%arg11 : memref<!tpu.dma_semaphore, #tpu.memory_space<semaphore_mem>>) src(%dma_wait3A_108 : memref<128x128xf32, #tpu.memory_space<hbm>>) dst(%arg8 : memref<128x128xf32, #tpu.memory_space<vmem>>)
      %mul3A_109 = arith.constant 2 : i32
      %mul3A_110 = arith.muli %mul3A_109, %scan3A_68 : i32
      %add3A_111 = arith.constant 1 : i32
      %add3A_112 = arith.addi %mul3A_110, %add3A_111 : i32
      %dma_start3A_113 = arith.constant 1 : i32
      %dma_start3A_114 = arith.constant 0 : i32
      %dma_start3A_115 = tpu.memref_slice %arg6[%add3A_112, %dma_start3A_113, %dma_start3A_114] : memref<40x2x128xi32, #tpu.memory_space<vmem>> -> memref<1x1x128xi32, #tpu.memory_space<vmem>>
      %dma_start3A_116 = tpu.memref_squeeze %dma_start3A_115 : memref<1x1x128xi32, #tpu.memory_space<vmem>> -> memref<128xi32, #tpu.memory_space<vmem>>
      %dma_start3A_117 = arith.constant 0 : i32
      %dma_start3A_118 = arith.constant 0 : i32
      %dma_start3A_119 = tpu.memref_slice %arg9[%dma_start3A_117, %dma_start3A_118] : memref<10112x128xf32, #tpu.memory_space<vmem_shared>> -> memref<10112x128xf32, #tpu.memory_space<vmem_shared>>
      tpu.enqueue_indirect_dma source(%arg8 : memref<128x128xf32, #tpu.memory_space<vmem>>) target(%dma_start3A_119 : memref<10112x128xf32, #tpu.memory_space<vmem_shared>>) offsets(%dma_start3A_116 : memref<128xi32, #tpu.memory_space<vmem>>) semaphore(%arg13 : memref<!tpu.dma_semaphore, #tpu.memory_space<semaphore_mem>>) {add = true}
    }
    %scan3A_23 = arith.constant 20 : i32
    %dma_wait3A = arith.constant 0 : i32
    %dma_wait3A_24 = arith.constant 0 : i32
    %dma_wait3A_25 = tpu.memref_slice %arg2[%dma_wait3A, %dma_wait3A_24] : memref<10112x128xf32, #tpu.memory_space<hbm>> -> memref<128x128xf32, #tpu.memory_space<hbm>>
    %dma_wait3A_26 = arith.constant 0 : i32
    %dma_wait3A_27 = arith.constant 0 : i32
    %dma_wait3A_28 = tpu.memref_slice %arg2[%dma_wait3A_26, %dma_wait3A_27] : memref<10112x128xf32, #tpu.memory_space<hbm>> -> memref<128x128xf32, #tpu.memory_space<hbm>>
    tpu.wait_dma2 semaphore(%arg12 : memref<!tpu.dma_semaphore, #tpu.memory_space<semaphore_mem>>) src(%dma_wait3A_28 : memref<128x128xf32, #tpu.memory_space<hbm>>) dst(%arg7 : memref<128x128xf32, #tpu.memory_space<vmem>>)
    %dma_wait3A_29 = arith.constant 0 : i32
    %dma_wait3A_30 = arith.constant 0 : i32
    %dma_wait3A_31 = tpu.memref_slice %arg2[%dma_wait3A_29, %dma_wait3A_30] : memref<10112x128xf32, #tpu.memory_space<hbm>> -> memref<128x128xf32, #tpu.memory_space<hbm>>
    %dma_wait3A_32 = arith.constant 0 : i32
    %dma_wait3A_33 = arith.constant 0 : i32
    %dma_wait3A_34 = tpu.memref_slice %arg2[%dma_wait3A_32, %dma_wait3A_33] : memref<10112x128xf32, #tpu.memory_space<hbm>> -> memref<128x128xf32, #tpu.memory_space<hbm>>
    tpu.wait_dma2 semaphore(%arg13 : memref<!tpu.dma_semaphore, #tpu.memory_space<semaphore_mem>>) src(%dma_wait3A_34 : memref<128x128xf32, #tpu.memory_space<hbm>>) dst(%arg8 : memref<128x128xf32, #tpu.memory_space<vmem>>)
    %add3A_35 = arith.constant 40 : i32
    %add3A_36 = arith.addi %add3A, %add3A_35 : i32
    "tpu.region"() ({
      %run_scoped3A = tpu.sem_alloc : memref<!tpu.dma_semaphore, #tpu.memory_space<semaphore_mem>>
      %dma_start3A_68 = arith.constant 0 : i32
      %dma_start3A_69 = arith.constant 0 : i32
      %dma_start3A_70 = tpu.memref_slice %arg4[%add3A_36, %dma_start3A_68, %dma_start3A_69] : memref<2560x2x128xi32, #tpu.memory_space<hbm>> -> memref<40x2x128xi32, #tpu.memory_space<hbm>>
      %dma_start3A_71 = arith.constant 0 : i32
      %dma_start3A_72 = arith.constant 0 : i32
      %dma_start3A_73 = tpu.memref_slice %arg4[%add3A_36, %dma_start3A_71, %dma_start3A_72] : memref<2560x2x128xi32, #tpu.memory_space<hbm>> -> memref<40x2x128xi32, #tpu.memory_space<hbm>>
      tpu.enqueue_dma source(%dma_start3A_73 : memref<40x2x128xi32, #tpu.memory_space<hbm>>) target(%arg6 : memref<40x2x128xi32, #tpu.memory_space<vmem>>) target_semaphore(%run_scoped3A : memref<!tpu.dma_semaphore, #tpu.memory_space<semaphore_mem>>)
      %dma_wait3A_74 = arith.constant 0 : i32
      %dma_wait3A_75 = arith.constant 0 : i32
      %dma_wait3A_76 = tpu.memref_slice %arg4[%add3A_36, %dma_wait3A_74, %dma_wait3A_75] : memref<2560x2x128xi32, #tpu.memory_space<hbm>> -> memref<40x2x128xi32, #tpu.memory_space<hbm>>
      %dma_wait3A_77 = arith.constant 0 : i32
      %dma_wait3A_78 = arith.constant 0 : i32
      %dma_wait3A_79 = tpu.memref_slice %arg4[%add3A_36, %dma_wait3A_77, %dma_wait3A_78] : memref<2560x2x128xi32, #tpu.memory_space<hbm>> -> memref<40x2x128xi32, #tpu.memory_space<hbm>>
      tpu.wait_dma2 semaphore(%run_scoped3A : memref<!tpu.dma_semaphore, #tpu.memory_space<semaphore_mem>>) src(%dma_wait3A_79 : memref<40x2x128xi32, #tpu.memory_space<hbm>>) dst(%arg6 : memref<40x2x128xi32, #tpu.memory_space<vmem>>)
      tpu.yield
    }) : () -> ()
    %dma_start3A_37 = arith.constant 0 : i32
    %dma_start3A_38 = arith.constant 0 : i32
    %dma_start3A_39 = arith.constant 0 : i32
    %dma_start3A_40 = tpu.memref_slice %arg6[%dma_start3A_37, %dma_start3A_38, %dma_start3A_39] : memref<40x2x128xi32, #tpu.memory_space<vmem>> -> memref<1x1x128xi32, #tpu.memory_space<vmem>>
    %dma_start3A_41 = tpu.memref_squeeze %dma_start3A_40 : memref<1x1x128xi32, #tpu.memory_space<vmem>> -> memref<128xi32, #tpu.memory_space<vmem>>
    %dma_start3A_42 = arith.constant 0 : i32
    %dma_start3A_43 = arith.constant 0 : i32
    %dma_start3A_44 = tpu.memref_slice %arg2[%dma_start3A_42, %dma_start3A_43] : memref<10112x128xf32, #tpu.memory_space<hbm>> -> memref<10112x128xf32, #tpu.memory_space<hbm>>
    tpu.enqueue_indirect_dma source(%dma_start3A_44 : memref<10112x128xf32, #tpu.memory_space<hbm>>) target(%arg7 : memref<128x128xf32, #tpu.memory_space<vmem>>) offsets(%dma_start3A_41 : memref<128xi32, #tpu.memory_space<vmem>>) semaphore(%arg10 : memref<!tpu.dma_semaphore, #tpu.memory_space<semaphore_mem>>)
    %scan3A_45 = arith.constant 0 : i32
    %scan3A_46 = arith.constant 0 : i32
    %scan3A_47 = arith.constant 20 : i32
    %scan3A_48 = arith.addi %scan3A_46, %scan3A_47 : i32
    %scan3A_49 = arith.constant 1 : i32
    scf.for %scan3A_68 = %scan3A_46 to %scan3A_48 step %scan3A_49  : i32 {
      %gt3A = arith.constant 0 : i32
      %gt3A_69 = arith.cmpi sgt, %scan3A_68, %gt3A : i32
      %convert_element_type3A_70 = arith.extui %gt3A_69 : i1 to i32
      %cond3A_71 = arith.constant 0 : i32
      %cond3A_72 = arith.cmpi ne, %convert_element_type3A_70, %cond3A_71 : i32
      scf.if %cond3A_72 {
        %dma_wait3A_120 = arith.constant 0 : i32
        %dma_wait3A_121 = arith.constant 0 : i32
        %dma_wait3A_122 = tpu.memref_slice %arg2[%dma_wait3A_120, %dma_wait3A_121] : memref<10112x128xf32, #tpu.memory_space<hbm>> -> memref<128x128xf32, #tpu.memory_space<hbm>>
        %dma_wait3A_123 = arith.constant 0 : i32
        %dma_wait3A_124 = arith.constant 0 : i32
        %dma_wait3A_125 = tpu.memref_slice %arg2[%dma_wait3A_123, %dma_wait3A_124] : memref<10112x128xf32, #tpu.memory_space<hbm>> -> memref<128x128xf32, #tpu.memory_space<hbm>>
        tpu.wait_dma2 semaphore(%arg13 : memref<!tpu.dma_semaphore, #tpu.memory_space<semaphore_mem>>) src(%dma_wait3A_125 : memref<128x128xf32, #tpu.memory_space<hbm>>) dst(%arg8 : memref<128x128xf32, #tpu.memory_space<vmem>>)
      } else {
      }
      %mul3A_73 = arith.constant 2 : i32
      %mul3A_74 = arith.muli %mul3A_73, %scan3A_68 : i32
      %add3A_75 = arith.constant 1 : i32
      %add3A_76 = arith.addi %mul3A_74, %add3A_75 : i32
      %dma_start3A_77 = arith.constant 0 : i32
      %dma_start3A_78 = arith.constant 0 : i32
      %dma_start3A_79 = tpu.memref_slice %arg6[%add3A_76, %dma_start3A_77, %dma_start3A_78] : memref<40x2x128xi32, #tpu.memory_space<vmem>> -> memref<1x1x128xi32, #tpu.memory_space<vmem>>
      %dma_start3A_80 = tpu.memref_squeeze %dma_start3A_79 : memref<1x1x128xi32, #tpu.memory_space<vmem>> -> memref<128xi32, #tpu.memory_space<vmem>>
      %dma_start3A_81 = arith.constant 0 : i32
      %dma_start3A_82 = arith.constant 0 : i32
      %dma_start3A_83 = tpu.memref_slice %arg2[%dma_start3A_81, %dma_start3A_82] : memref<10112x128xf32, #tpu.memory_space<hbm>> -> memref<10112x128xf32, #tpu.memory_space<hbm>>
      tpu.enqueue_indirect_dma source(%dma_start3A_83 : memref<10112x128xf32, #tpu.memory_space<hbm>>) target(%arg8 : memref<128x128xf32, #tpu.memory_space<vmem>>) offsets(%dma_start3A_80 : memref<128xi32, #tpu.memory_space<vmem>>) semaphore(%arg11 : memref<!tpu.dma_semaphore, #tpu.memory_space<semaphore_mem>>)
      %dma_wait3A_84 = arith.constant 0 : i32
      %dma_wait3A_85 = arith.constant 0 : i32
      %dma_wait3A_86 = tpu.memref_slice %arg2[%dma_wait3A_84, %dma_wait3A_85] : memref<10112x128xf32, #tpu.memory_space<hbm>> -> memref<128x128xf32, #tpu.memory_space<hbm>>
      %dma_wait3A_87 = arith.constant 0 : i32
      %dma_wait3A_88 = arith.constant 0 : i32
      %dma_wait3A_89 = tpu.memref_slice %arg2[%dma_wait3A_87, %dma_wait3A_88] : memref<10112x128xf32, #tpu.memory_space<hbm>> -> memref<128x128xf32, #tpu.memory_space<hbm>>
      tpu.wait_dma2 semaphore(%arg10 : memref<!tpu.dma_semaphore, #tpu.memory_space<semaphore_mem>>) src(%dma_wait3A_89 : memref<128x128xf32, #tpu.memory_space<hbm>>) dst(%arg7 : memref<128x128xf32, #tpu.memory_space<vmem>>)
      %mul3A_90 = arith.constant 2 : i32
      %mul3A_91 = arith.muli %mul3A_90, %scan3A_68 : i32
      %dma_start3A_92 = arith.constant 1 : i32
      %dma_start3A_93 = arith.constant 0 : i32
      %dma_start3A_94 = tpu.memref_slice %arg6[%mul3A_91, %dma_start3A_92, %dma_start3A_93] : memref<40x2x128xi32, #tpu.memory_space<vmem>> -> memref<1x1x128xi32, #tpu.memory_space<vmem>>
      %dma_start3A_95 = tpu.memref_squeeze %dma_start3A_94 : memref<1x1x128xi32, #tpu.memory_space<vmem>> -> memref<128xi32, #tpu.memory_space<vmem>>
      %dma_start3A_96 = arith.constant 0 : i32
      %dma_start3A_97 = arith.constant 0 : i32
      %dma_start3A_98 = tpu.memref_slice %arg9[%dma_start3A_96, %dma_start3A_97] : memref<10112x128xf32, #tpu.memory_space<vmem_shared>> -> memref<10112x128xf32, #tpu.memory_space<vmem_shared>>
      tpu.enqueue_indirect_dma source(%arg7 : memref<128x128xf32, #tpu.memory_space<vmem>>) target(%dma_start3A_98 : memref<10112x128xf32, #tpu.memory_space<vmem_shared>>) offsets(%dma_start3A_95 : memref<128xi32, #tpu.memory_space<vmem>>) semaphore(%arg12 : memref<!tpu.dma_semaphore, #tpu.memory_space<semaphore_mem>>) {add = true}
      %lt3A = arith.constant 19 : i32
      %lt3A_99 = arith.cmpi slt, %scan3A_68, %lt3A : i32
      %convert_element_type3A_100 = arith.extui %lt3A_99 : i1 to i32
      %cond3A_101 = arith.constant 0 : i32
      %cond3A_102 = arith.cmpi ne, %convert_element_type3A_100, %cond3A_101 : i32
      scf.if %cond3A_102 {
        %dma_wait3A_120 = arith.constant 0 : i32
        %dma_wait3A_121 = arith.constant 0 : i32
        %dma_wait3A_122 = tpu.memref_slice %arg2[%dma_wait3A_120, %dma_wait3A_121] : memref<10112x128xf32, #tpu.memory_space<hbm>> -> memref<128x128xf32, #tpu.memory_space<hbm>>
        %dma_wait3A_123 = arith.constant 0 : i32
        %dma_wait3A_124 = arith.constant 0 : i32
        %dma_wait3A_125 = tpu.memref_slice %arg2[%dma_wait3A_123, %dma_wait3A_124] : memref<10112x128xf32, #tpu.memory_space<hbm>> -> memref<128x128xf32, #tpu.memory_space<hbm>>
        tpu.wait_dma2 semaphore(%arg12 : memref<!tpu.dma_semaphore, #tpu.memory_space<semaphore_mem>>) src(%dma_wait3A_125 : memref<128x128xf32, #tpu.memory_space<hbm>>) dst(%arg7 : memref<128x128xf32, #tpu.memory_space<vmem>>)
        %mul3A_126 = arith.constant 2 : i32
        %mul3A_127 = arith.muli %mul3A_126, %scan3A_68 : i32
        %add3A_128 = arith.constant 2 : i32
        %add3A_129 = arith.addi %mul3A_127, %add3A_128 : i32
        %dma_start3A_130 = arith.constant 0 : i32
        %dma_start3A_131 = arith.constant 0 : i32
        %dma_start3A_132 = tpu.memref_slice %arg6[%add3A_129, %dma_start3A_130, %dma_start3A_131] : memref<40x2x128xi32, #tpu.memory_space<vmem>> -> memref<1x1x128xi32, #tpu.memory_space<vmem>>
        %dma_start3A_133 = tpu.memref_squeeze %dma_start3A_132 : memref<1x1x128xi32, #tpu.memory_space<vmem>> -> memref<128xi32, #tpu.memory_space<vmem>>
        %dma_start3A_134 = arith.constant 0 : i32
        %dma_start3A_135 = arith.constant 0 : i32
        %dma_start3A_136 = tpu.memref_slice %arg2[%dma_start3A_134, %dma_start3A_135] : memref<10112x128xf32, #tpu.memory_space<hbm>> -> memref<10112x128xf32, #tpu.memory_space<hbm>>
        tpu.enqueue_indirect_dma source(%dma_start3A_136 : memref<10112x128xf32, #tpu.memory_space<hbm>>) target(%arg7 : memref<128x128xf32, #tpu.memory_space<vmem>>) offsets(%dma_start3A_133 : memref<128xi32, #tpu.memory_space<vmem>>) semaphore(%arg10 : memref<!tpu.dma_semaphore, #tpu.memory_space<semaphore_mem>>)
      } else {
      }
      %dma_wait3A_103 = arith.constant 0 : i32
      %dma_wait3A_104 = arith.constant 0 : i32
      %dma_wait3A_105 = tpu.memref_slice %arg2[%dma_wait3A_103, %dma_wait3A_104] : memref<10112x128xf32, #tpu.memory_space<hbm>> -> memref<128x128xf32, #tpu.memory_space<hbm>>
      %dma_wait3A_106 = arith.constant 0 : i32
      %dma_wait3A_107 = arith.constant 0 : i32
      %dma_wait3A_108 = tpu.memref_slice %arg2[%dma_wait3A_106, %dma_wait3A_107] : memref<10112x128xf32, #tpu.memory_space<hbm>> -> memref<128x128xf32, #tpu.memory_space<hbm>>
      tpu.wait_dma2 semaphore(%arg11 : memref<!tpu.dma_semaphore, #tpu.memory_space<semaphore_mem>>) src(%dma_wait3A_108 : memref<128x128xf32, #tpu.memory_space<hbm>>) dst(%arg8 : memref<128x128xf32, #tpu.memory_space<vmem>>)
      %mul3A_109 = arith.constant 2 : i32
      %mul3A_110 = arith.muli %mul3A_109, %scan3A_68 : i32
      %add3A_111 = arith.constant 1 : i32
      %add3A_112 = arith.addi %mul3A_110, %add3A_111 : i32
      %dma_start3A_113 = arith.constant 1 : i32
      %dma_start3A_114 = arith.constant 0 : i32
      %dma_start3A_115 = tpu.memref_slice %arg6[%add3A_112, %dma_start3A_113, %dma_start3A_114] : memref<40x2x128xi32, #tpu.memory_space<vmem>> -> memref<1x1x128xi32, #tpu.memory_space<vmem>>
      %dma_start3A_116 = tpu.memref_squeeze %dma_start3A_115 : memref<1x1x128xi32, #tpu.memory_space<vmem>> -> memref<128xi32, #tpu.memory_space<vmem>>
      %dma_start3A_117 = arith.constant 0 : i32
      %dma_start3A_118 = arith.constant 0 : i32
      %dma_start3A_119 = tpu.memref_slice %arg9[%dma_start3A_117, %dma_start3A_118] : memref<10112x128xf32, #tpu.memory_space<vmem_shared>> -> memref<10112x128xf32, #tpu.memory_space<vmem_shared>>
      tpu.enqueue_indirect_dma source(%arg8 : memref<128x128xf32, #tpu.memory_space<vmem>>) target(%dma_start3A_119 : memref<10112x128xf32, #tpu.memory_space<vmem_shared>>) offsets(%dma_start3A_116 : memref<128xi32, #tpu.memory_space<vmem>>) semaphore(%arg13 : memref<!tpu.dma_semaphore, #tpu.memory_space<semaphore_mem>>) {add = true}
    }
    %scan3A_50 = arith.constant 20 : i32
    %dma_wait3A_51 = arith.constant 0 : i32
    %dma_wait3A_52 = arith.constant 0 : i32
    %dma_wait3A_53 = tpu.memref_slice %arg2[%dma_wait3A_51, %dma_wait3A_52] : memref<10112x128xf32, #tpu.memory_space<hbm>> -> memref<128x128xf32, #tpu.memory_space<hbm>>
    %dma_wait3A_54 = arith.constant 0 : i32
    %dma_wait3A_55 = arith.constant 0 : i32
    %dma_wait3A_56 = tpu.memref_slice %arg2[%dma_wait3A_54, %dma_wait3A_55] : memref<10112x128xf32, #tpu.memory_space<hbm>> -> memref<128x128xf32, #tpu.memory_space<hbm>>
    tpu.wait_dma2 semaphore(%arg12 : memref<!tpu.dma_semaphore, #tpu.memory_space<semaphore_mem>>) src(%dma_wait3A_56 : memref<128x128xf32, #tpu.memory_space<hbm>>) dst(%arg7 : memref<128x128xf32, #tpu.memory_space<vmem>>)
    %dma_wait3A_57 = arith.constant 0 : i32
    %dma_wait3A_58 = arith.constant 0 : i32
    %dma_wait3A_59 = tpu.memref_slice %arg2[%dma_wait3A_57, %dma_wait3A_58] : memref<10112x128xf32, #tpu.memory_space<hbm>> -> memref<128x128xf32, #tpu.memory_space<hbm>>
    %dma_wait3A_60 = arith.constant 0 : i32
    %dma_wait3A_61 = arith.constant 0 : i32
    %dma_wait3A_62 = tpu.memref_slice %arg2[%dma_wait3A_60, %dma_wait3A_61] : memref<10112x128xf32, #tpu.memory_space<hbm>> -> memref<128x128xf32, #tpu.memory_space<hbm>>
    tpu.wait_dma2 semaphore(%arg13 : memref<!tpu.dma_semaphore, #tpu.memory_space<semaphore_mem>>) src(%dma_wait3A_62 : memref<128x128xf32, #tpu.memory_space<hbm>>) dst(%arg8 : memref<128x128xf32, #tpu.memory_space<vmem>>)
    %barrier3A_63 = arith.constant 0 : index
    tpu.barrier barrier_id(%barrier3A_63)
    %mul3A_64 = arith.constant 632 : i32
    %mul3A_65 = arith.muli %arg1, %mul3A_64 : i32
    %mul3A_66 = arith.constant 632 : i32
    %mul3A_67 = arith.muli %arg1, %mul3A_66 : i32
    "tpu.region"() ({
      %run_scoped3A = tpu.sem_alloc : memref<!tpu.dma_semaphore, #tpu.memory_space<semaphore_mem>>
      %dma_start3A_68 = arith.constant 0 : i32
      %dma_start3A_69 = tpu.memref_slice %arg5[%arg0, %mul3A_67, %dma_start3A_68] : memref<2x10112x128xf32, #tpu.memory_space<hbm>> -> memref<1x632x128xf32, #tpu.memory_space<hbm>>
      %dma_start3A_70 = tpu.memref_squeeze %dma_start3A_69 : memref<1x632x128xf32, #tpu.memory_space<hbm>> -> memref<632x128xf32, #tpu.memory_space<hbm>>
      %dma_start3A_71 = arith.constant 0 : i32
      %dma_start3A_72 = tpu.memref_slice %arg9[%mul3A_65, %dma_start3A_71] : memref<10112x128xf32, #tpu.memory_space<vmem_shared>> -> memref<632x128xf32, #tpu.memory_space<vmem_shared>>
      tpu.enqueue_dma source(%dma_start3A_72 : memref<632x128xf32, #tpu.memory_space<vmem_shared>>) target(%dma_start3A_70 : memref<632x128xf32, #tpu.memory_space<hbm>>) target_semaphore(%run_scoped3A : memref<!tpu.dma_semaphore, #tpu.memory_space<semaphore_mem>>)
      %dma_wait3A_73 = arith.constant 0 : i32
      %dma_wait3A_74 = tpu.memref_slice %arg5[%arg0, %mul3A_67, %dma_wait3A_73] : memref<2x10112x128xf32, #tpu.memory_space<hbm>> -> memref<1x632x128xf32, #tpu.memory_space<hbm>>
      %dma_wait3A_75 = tpu.memref_squeeze %dma_wait3A_74 : memref<1x632x128xf32, #tpu.memory_space<hbm>> -> memref<632x128xf32, #tpu.memory_space<hbm>>
      %dma_wait3A_76 = arith.constant 0 : i32
      %dma_wait3A_77 = tpu.memref_slice %arg9[%mul3A_65, %dma_wait3A_76] : memref<10112x128xf32, #tpu.memory_space<vmem_shared>> -> memref<632x128xf32, #tpu.memory_space<vmem_shared>>
      tpu.wait_dma2 semaphore(%run_scoped3A : memref<!tpu.dma_semaphore, #tpu.memory_space<semaphore_mem>>) src(%dma_wait3A_77 : memref<632x128xf32, #tpu.memory_space<vmem_shared>>) dst(%dma_wait3A_75 : memref<632x128xf32, #tpu.memory_space<hbm>>)
      tpu.yield
    }) : () -> ()
    return
  }
}

#map = affine_map<(d0, d1) -> (0, 0)>
#map1 = affine_map<(d0, d1) -> (0, 0, 0)>
module attributes {stable_mosaic.version = 14 : i64} {
  func.func @_aggn_body(%arg0: i32, %arg1: i32, %arg2: memref<10112x64xf32, #tpu.memory_space<hbm>>, %arg3: memref<10112x64xf32, #tpu.memory_space<hbm>>, %arg4: memref<2560x2x128xi32, #tpu.memory_space<hbm>>, %arg5: memref<2x10112x64xf32, #tpu.memory_space<hbm>>, %arg6: memref<80x2x128xi32, #tpu.memory_space<vmem>>, %arg7: memref<128x64xf32, #tpu.memory_space<vmem>>, %arg8: memref<128x64xf32, #tpu.memory_space<vmem>>, %arg9: memref<128x64xf32, #tpu.memory_space<vmem>>, %arg10: memref<128x64xf32, #tpu.memory_space<vmem>>, %arg11: memref<10112x64xf32, #tpu.memory_space<vmem_shared>>, %arg12: memref<!tpu.dma_semaphore, #tpu.memory_space<semaphore_mem>>, %arg13: memref<!tpu.dma_semaphore, #tpu.memory_space<semaphore_mem>>, %arg14: memref<!tpu.dma_semaphore, #tpu.memory_space<semaphore_mem>>, %arg15: memref<!tpu.dma_semaphore, #tpu.memory_space<semaphore_mem>>, %arg16: memref<!tpu.dma_semaphore, #tpu.memory_space<semaphore_mem>>, %arg17: memref<!tpu.dma_semaphore, #tpu.memory_space<semaphore_mem>>, %arg18: memref<!tpu.dma_semaphore, #tpu.memory_space<semaphore_mem>>, %arg19: memref<!tpu.dma_semaphore, #tpu.memory_space<semaphore_mem>>) attributes {dimension_semantics = [#tpu.dimension_semantics<core_parallel>, #tpu.dimension_semantics<subcore_parallel>], iteration_bounds = array<i64: 2, 16>, scalar_prefetch = 0 : i64, scratch_operands = 14 : i64, tpu.core_type = #tpu.core_type<sc_vector_subcore>, window_params = [{transform_indices = #map}, {transform_indices = #map}, {transform_indices = #map1}, {transform_indices = #map1}]} {
    %eq3A = arith.constant 0 : i32
    %eq3A_0 = arith.cmpi eq, %arg0, %eq3A : i32
    %convert_element_type3A = arith.extui %eq3A_0 : i1 to i32
    %cond3A = arith.constant 0 : i32
    %cond3A_1 = arith.cmpi ne, %convert_element_type3A, %cond3A : i32
    scf.if %cond3A_1 {
      %mul3A_66 = arith.constant 632 : i32
      %mul3A_67 = arith.muli %arg1, %mul3A_66 : i32
      %mul3A_68 = arith.constant 632 : i32
      %mul3A_69 = arith.muli %arg1, %mul3A_68 : i32
      "tpu.region"() ({
        %run_scoped3A = tpu.sem_alloc : memref<!tpu.dma_semaphore, #tpu.memory_space<semaphore_mem>>
        %dma_start3A_70 = arith.constant 0 : i32
        %dma_start3A_71 = tpu.memref_slice %arg11[%mul3A_69, %dma_start3A_70] : memref<10112x64xf32, #tpu.memory_space<vmem_shared>> -> memref<632x64xf32, #tpu.memory_space<vmem_shared>>
        %dma_start3A_72 = arith.constant 0 : i32
        %dma_start3A_73 = tpu.memref_slice %arg2[%mul3A_67, %dma_start3A_72] : memref<10112x64xf32, #tpu.memory_space<hbm>> -> memref<632x64xf32, #tpu.memory_space<hbm>>
        tpu.enqueue_dma source(%dma_start3A_73 : memref<632x64xf32, #tpu.memory_space<hbm>>) target(%dma_start3A_71 : memref<632x64xf32, #tpu.memory_space<vmem_shared>>) target_semaphore(%run_scoped3A : memref<!tpu.dma_semaphore, #tpu.memory_space<semaphore_mem>>)
        %dma_wait3A_74 = arith.constant 0 : i32
        %dma_wait3A_75 = tpu.memref_slice %arg11[%mul3A_69, %dma_wait3A_74] : memref<10112x64xf32, #tpu.memory_space<vmem_shared>> -> memref<632x64xf32, #tpu.memory_space<vmem_shared>>
        %dma_wait3A_76 = arith.constant 0 : i32
        %dma_wait3A_77 = tpu.memref_slice %arg2[%mul3A_67, %dma_wait3A_76] : memref<10112x64xf32, #tpu.memory_space<hbm>> -> memref<632x64xf32, #tpu.memory_space<hbm>>
        tpu.wait_dma2 semaphore(%run_scoped3A : memref<!tpu.dma_semaphore, #tpu.memory_space<semaphore_mem>>) src(%dma_wait3A_77 : memref<632x64xf32, #tpu.memory_space<hbm>>) dst(%dma_wait3A_75 : memref<632x64xf32, #tpu.memory_space<vmem_shared>>)
        tpu.yield
      }) : () -> ()
    } else {
    }
    %eq3A_2 = arith.constant 1 : i32
    %eq3A_3 = arith.cmpi eq, %arg0, %eq3A_2 : i32
    %convert_element_type3A_4 = arith.extui %eq3A_3 : i1 to i32
    %cond3A_5 = arith.constant 0 : i32
    %cond3A_6 = arith.cmpi ne, %convert_element_type3A_4, %cond3A_5 : i32
    scf.if %cond3A_6 {
      %mul3A_66 = arith.constant 632 : i32
      %mul3A_67 = arith.muli %arg1, %mul3A_66 : i32
      %mul3A_68 = arith.constant 632 : i32
      %mul3A_69 = arith.muli %arg1, %mul3A_68 : i32
      "tpu.region"() ({
        %run_scoped3A = tpu.sem_alloc : memref<!tpu.dma_semaphore, #tpu.memory_space<semaphore_mem>>
        %dma_start3A_70 = arith.constant 0 : i32
        %dma_start3A_71 = tpu.memref_slice %arg11[%mul3A_69, %dma_start3A_70] : memref<10112x64xf32, #tpu.memory_space<vmem_shared>> -> memref<632x64xf32, #tpu.memory_space<vmem_shared>>
        %dma_start3A_72 = arith.constant 0 : i32
        %dma_start3A_73 = tpu.memref_slice %arg3[%mul3A_67, %dma_start3A_72] : memref<10112x64xf32, #tpu.memory_space<hbm>> -> memref<632x64xf32, #tpu.memory_space<hbm>>
        tpu.enqueue_dma source(%dma_start3A_73 : memref<632x64xf32, #tpu.memory_space<hbm>>) target(%dma_start3A_71 : memref<632x64xf32, #tpu.memory_space<vmem_shared>>) target_semaphore(%run_scoped3A : memref<!tpu.dma_semaphore, #tpu.memory_space<semaphore_mem>>)
        %dma_wait3A_74 = arith.constant 0 : i32
        %dma_wait3A_75 = tpu.memref_slice %arg11[%mul3A_69, %dma_wait3A_74] : memref<10112x64xf32, #tpu.memory_space<vmem_shared>> -> memref<632x64xf32, #tpu.memory_space<vmem_shared>>
        %dma_wait3A_76 = arith.constant 0 : i32
        %dma_wait3A_77 = tpu.memref_slice %arg3[%mul3A_67, %dma_wait3A_76] : memref<10112x64xf32, #tpu.memory_space<hbm>> -> memref<632x64xf32, #tpu.memory_space<hbm>>
        tpu.wait_dma2 semaphore(%run_scoped3A : memref<!tpu.dma_semaphore, #tpu.memory_space<semaphore_mem>>) src(%dma_wait3A_77 : memref<632x64xf32, #tpu.memory_space<hbm>>) dst(%dma_wait3A_75 : memref<632x64xf32, #tpu.memory_space<vmem_shared>>)
        tpu.yield
      }) : () -> ()
    } else {
    }
    %barrier3A = arith.constant 0 : index
    tpu.barrier barrier_id(%barrier3A)
    %mul3A = arith.constant 1280 : i32
    %mul3A_7 = arith.muli %arg0, %mul3A : i32
    %mul3A_8 = arith.constant 80 : i32
    %mul3A_9 = arith.muli %arg1, %mul3A_8 : i32
    %add3A = arith.addi %mul3A_7, %mul3A_9 : i32
    "tpu.region"() ({
      %run_scoped3A = tpu.sem_alloc : memref<!tpu.dma_semaphore, #tpu.memory_space<semaphore_mem>>
      %dma_start3A_66 = arith.constant 0 : i32
      %dma_start3A_67 = arith.constant 0 : i32
      %dma_start3A_68 = tpu.memref_slice %arg4[%add3A, %dma_start3A_66, %dma_start3A_67] : memref<2560x2x128xi32, #tpu.memory_space<hbm>> -> memref<80x2x128xi32, #tpu.memory_space<hbm>>
      %dma_start3A_69 = arith.constant 0 : i32
      %dma_start3A_70 = arith.constant 0 : i32
      %dma_start3A_71 = tpu.memref_slice %arg4[%add3A, %dma_start3A_69, %dma_start3A_70] : memref<2560x2x128xi32, #tpu.memory_space<hbm>> -> memref<80x2x128xi32, #tpu.memory_space<hbm>>
      tpu.enqueue_dma source(%dma_start3A_71 : memref<80x2x128xi32, #tpu.memory_space<hbm>>) target(%arg6 : memref<80x2x128xi32, #tpu.memory_space<vmem>>) target_semaphore(%run_scoped3A : memref<!tpu.dma_semaphore, #tpu.memory_space<semaphore_mem>>)
      %dma_wait3A_72 = arith.constant 0 : i32
      %dma_wait3A_73 = arith.constant 0 : i32
      %dma_wait3A_74 = tpu.memref_slice %arg4[%add3A, %dma_wait3A_72, %dma_wait3A_73] : memref<2560x2x128xi32, #tpu.memory_space<hbm>> -> memref<80x2x128xi32, #tpu.memory_space<hbm>>
      %dma_wait3A_75 = arith.constant 0 : i32
      %dma_wait3A_76 = arith.constant 0 : i32
      %dma_wait3A_77 = tpu.memref_slice %arg4[%add3A, %dma_wait3A_75, %dma_wait3A_76] : memref<2560x2x128xi32, #tpu.memory_space<hbm>> -> memref<80x2x128xi32, #tpu.memory_space<hbm>>
      tpu.wait_dma2 semaphore(%run_scoped3A : memref<!tpu.dma_semaphore, #tpu.memory_space<semaphore_mem>>) src(%dma_wait3A_77 : memref<80x2x128xi32, #tpu.memory_space<hbm>>) dst(%arg6 : memref<80x2x128xi32, #tpu.memory_space<vmem>>)
      tpu.yield
    }) : () -> ()
    %dma_start3A = arith.constant 0 : i32
    %dma_start3A_10 = arith.constant 0 : i32
    %dma_start3A_11 = arith.constant 0 : i32
    %dma_start3A_12 = tpu.memref_slice %arg6[%dma_start3A, %dma_start3A_10, %dma_start3A_11] : memref<80x2x128xi32, #tpu.memory_space<vmem>> -> memref<1x1x128xi32, #tpu.memory_space<vmem>>
    %dma_start3A_13 = tpu.memref_squeeze %dma_start3A_12 : memref<1x1x128xi32, #tpu.memory_space<vmem>> -> memref<128xi32, #tpu.memory_space<vmem>>
    %dma_start3A_14 = arith.constant 0 : i32
    %dma_start3A_15 = arith.constant 0 : i32
    %dma_start3A_16 = tpu.memref_slice %arg2[%dma_start3A_14, %dma_start3A_15] : memref<10112x64xf32, #tpu.memory_space<hbm>> -> memref<10112x64xf32, #tpu.memory_space<hbm>>
    tpu.enqueue_indirect_dma source(%dma_start3A_16 : memref<10112x64xf32, #tpu.memory_space<hbm>>) target(%arg7 : memref<128x64xf32, #tpu.memory_space<vmem>>) offsets(%dma_start3A_13 : memref<128xi32, #tpu.memory_space<vmem>>) semaphore(%arg12 : memref<!tpu.dma_semaphore, #tpu.memory_space<semaphore_mem>>)
    %dma_start3A_17 = arith.constant 1 : i32
    %dma_start3A_18 = arith.constant 0 : i32
    %dma_start3A_19 = arith.constant 0 : i32
    %dma_start3A_20 = tpu.memref_slice %arg6[%dma_start3A_17, %dma_start3A_18, %dma_start3A_19] : memref<80x2x128xi32, #tpu.memory_space<vmem>> -> memref<1x1x128xi32, #tpu.memory_space<vmem>>
    %dma_start3A_21 = tpu.memref_squeeze %dma_start3A_20 : memref<1x1x128xi32, #tpu.memory_space<vmem>> -> memref<128xi32, #tpu.memory_space<vmem>>
    %dma_start3A_22 = arith.constant 0 : i32
    %dma_start3A_23 = arith.constant 0 : i32
    %dma_start3A_24 = tpu.memref_slice %arg2[%dma_start3A_22, %dma_start3A_23] : memref<10112x64xf32, #tpu.memory_space<hbm>> -> memref<10112x64xf32, #tpu.memory_space<hbm>>
    tpu.enqueue_indirect_dma source(%dma_start3A_24 : memref<10112x64xf32, #tpu.memory_space<hbm>>) target(%arg8 : memref<128x64xf32, #tpu.memory_space<vmem>>) offsets(%dma_start3A_21 : memref<128xi32, #tpu.memory_space<vmem>>) semaphore(%arg13 : memref<!tpu.dma_semaphore, #tpu.memory_space<semaphore_mem>>)
    %dma_start3A_25 = arith.constant 2 : i32
    %dma_start3A_26 = arith.constant 0 : i32
    %dma_start3A_27 = arith.constant 0 : i32
    %dma_start3A_28 = tpu.memref_slice %arg6[%dma_start3A_25, %dma_start3A_26, %dma_start3A_27] : memref<80x2x128xi32, #tpu.memory_space<vmem>> -> memref<1x1x128xi32, #tpu.memory_space<vmem>>
    %dma_start3A_29 = tpu.memref_squeeze %dma_start3A_28 : memref<1x1x128xi32, #tpu.memory_space<vmem>> -> memref<128xi32, #tpu.memory_space<vmem>>
    %dma_start3A_30 = arith.constant 0 : i32
    %dma_start3A_31 = arith.constant 0 : i32
    %dma_start3A_32 = tpu.memref_slice %arg2[%dma_start3A_30, %dma_start3A_31] : memref<10112x64xf32, #tpu.memory_space<hbm>> -> memref<10112x64xf32, #tpu.memory_space<hbm>>
    tpu.enqueue_indirect_dma source(%dma_start3A_32 : memref<10112x64xf32, #tpu.memory_space<hbm>>) target(%arg9 : memref<128x64xf32, #tpu.memory_space<vmem>>) offsets(%dma_start3A_29 : memref<128xi32, #tpu.memory_space<vmem>>) semaphore(%arg14 : memref<!tpu.dma_semaphore, #tpu.memory_space<semaphore_mem>>)
    %scan3A = arith.constant 0 : i32
    %scan3A_33 = arith.constant 0 : i32
    %scan3A_34 = arith.constant 20 : i32
    %scan3A_35 = arith.addi %scan3A_33, %scan3A_34 : i32
    %scan3A_36 = arith.constant 1 : i32
    scf.for %scan3A_66 = %scan3A_33 to %scan3A_35 step %scan3A_36  : i32 {
      %mul3A_67 = arith.constant 4 : i32
      %mul3A_68 = arith.muli %mul3A_67, %scan3A_66 : i32
      %add3A_69 = arith.constant 0 : i32
      %add3A_70 = arith.addi %mul3A_68, %add3A_69 : i32
      %dma_wait3A_71 = arith.constant 0 : i32
      %dma_wait3A_72 = arith.constant 0 : i32
      %dma_wait3A_73 = tpu.memref_slice %arg2[%dma_wait3A_71, %dma_wait3A_72] : memref<10112x64xf32, #tpu.memory_space<hbm>> -> memref<128x64xf32, #tpu.memory_space<hbm>>
      %dma_wait3A_74 = arith.constant 0 : i32
      %dma_wait3A_75 = arith.constant 0 : i32
      %dma_wait3A_76 = tpu.memref_slice %arg2[%dma_wait3A_74, %dma_wait3A_75] : memref<10112x64xf32, #tpu.memory_space<hbm>> -> memref<128x64xf32, #tpu.memory_space<hbm>>
      tpu.wait_dma2 semaphore(%arg12 : memref<!tpu.dma_semaphore, #tpu.memory_space<semaphore_mem>>) src(%dma_wait3A_76 : memref<128x64xf32, #tpu.memory_space<hbm>>) dst(%arg7 : memref<128x64xf32, #tpu.memory_space<vmem>>)
      %dma_start3A_77 = arith.constant 1 : i32
      %dma_start3A_78 = arith.constant 0 : i32
      %dma_start3A_79 = tpu.memref_slice %arg6[%add3A_70, %dma_start3A_77, %dma_start3A_78] : memref<80x2x128xi32, #tpu.memory_space<vmem>> -> memref<1x1x128xi32, #tpu.memory_space<vmem>>
      %dma_start3A_80 = tpu.memref_squeeze %dma_start3A_79 : memref<1x1x128xi32, #tpu.memory_space<vmem>> -> memref<128xi32, #tpu.memory_space<vmem>>
      %dma_start3A_81 = arith.constant 0 : i32
      %dma_start3A_82 = arith.constant 0 : i32
      %dma_start3A_83 = tpu.memref_slice %arg11[%dma_start3A_81, %dma_start3A_82] : memref<10112x64xf32, #tpu.memory_space<vmem_shared>> -> memref<10112x64xf32, #tpu.memory_space<vmem_shared>>
      tpu.enqueue_indirect_dma source(%arg7 : memref<128x64xf32, #tpu.memory_space<vmem>>) target(%dma_start3A_83 : memref<10112x64xf32, #tpu.memory_space<vmem_shared>>) offsets(%dma_start3A_80 : memref<128xi32, #tpu.memory_space<vmem>>) semaphore(%arg16 : memref<!tpu.dma_semaphore, #tpu.memory_space<semaphore_mem>>) {add = true}
      %add3A_84 = arith.constant 3 : i32
      %add3A_85 = arith.addi %add3A_70, %add3A_84 : i32
      %ge3A = arith.constant 1 : i32
      %ge3A_86 = arith.cmpi sge, %add3A_70, %ge3A : i32
      %lt3A = arith.constant 80 : i32
      %lt3A_87 = arith.cmpi slt, %add3A_85, %lt3A : i32
      %and3A = arith.andi %ge3A_86, %lt3A_87 : i1
      %convert_element_type3A_88 = arith.extui %and3A : i1 to i32
      %cond3A_89 = arith.constant 0 : i32
      %cond3A_90 = arith.cmpi ne, %convert_element_type3A_88, %cond3A_89 : i32
      scf.if %cond3A_90 {
        %dma_wait3A_192 = arith.constant 0 : i32
        %dma_wait3A_193 = arith.constant 0 : i32
        %dma_wait3A_194 = tpu.memref_slice %arg2[%dma_wait3A_192, %dma_wait3A_193] : memref<10112x64xf32, #tpu.memory_space<hbm>> -> memref<128x64xf32, #tpu.memory_space<hbm>>
        %dma_wait3A_195 = arith.constant 0 : i32
        %dma_wait3A_196 = arith.constant 0 : i32
        %dma_wait3A_197 = tpu.memref_slice %arg2[%dma_wait3A_195, %dma_wait3A_196] : memref<10112x64xf32, #tpu.memory_space<hbm>> -> memref<128x64xf32, #tpu.memory_space<hbm>>
        tpu.wait_dma2 semaphore(%arg19 : memref<!tpu.dma_semaphore, #tpu.memory_space<semaphore_mem>>) src(%dma_wait3A_197 : memref<128x64xf32, #tpu.memory_space<hbm>>) dst(%arg10 : memref<128x64xf32, #tpu.memory_space<vmem>>)
      } else {
      }
      %lt3A_91 = arith.constant 80 : i32
      %lt3A_92 = arith.cmpi slt, %add3A_85, %lt3A_91 : i32
      %convert_element_type3A_93 = arith.extui %lt3A_92 : i1 to i32
      %cond3A_94 = arith.constant 0 : i32
      %cond3A_95 = arith.cmpi ne, %convert_element_type3A_93, %cond3A_94 : i32
      scf.if %cond3A_95 {
        %dma_start3A_192 = arith.constant 0 : i32
        %dma_start3A_193 = arith.constant 0 : i32
        %dma_start3A_194 = tpu.memref_slice %arg6[%add3A_85, %dma_start3A_192, %dma_start3A_193] : memref<80x2x128xi32, #tpu.memory_space<vmem>> -> memref<1x1x128xi32, #tpu.memory_space<vmem>>
        %dma_start3A_195 = tpu.memref_squeeze %dma_start3A_194 : memref<1x1x128xi32, #tpu.memory_space<vmem>> -> memref<128xi32, #tpu.memory_space<vmem>>
        %dma_start3A_196 = arith.constant 0 : i32
        %dma_start3A_197 = arith.constant 0 : i32
        %dma_start3A_198 = tpu.memref_slice %arg2[%dma_start3A_196, %dma_start3A_197] : memref<10112x64xf32, #tpu.memory_space<hbm>> -> memref<10112x64xf32, #tpu.memory_space<hbm>>
        tpu.enqueue_indirect_dma source(%dma_start3A_198 : memref<10112x64xf32, #tpu.memory_space<hbm>>) target(%arg10 : memref<128x64xf32, #tpu.memory_space<vmem>>) offsets(%dma_start3A_195 : memref<128xi32, #tpu.memory_space<vmem>>) semaphore(%arg15 : memref<!tpu.dma_semaphore, #tpu.memory_space<semaphore_mem>>)
      } else {
      }
      %mul3A_96 = arith.constant 4 : i32
      %mul3A_97 = arith.muli %mul3A_96, %scan3A_66 : i32
      %add3A_98 = arith.constant 1 : i32
      %add3A_99 = arith.addi %mul3A_97, %add3A_98 : i32
      %dma_wait3A_100 = arith.constant 0 : i32
      %dma_wait3A_101 = arith.constant 0 : i32
      %dma_wait3A_102 = tpu.memref_slice %arg2[%dma_wait3A_100, %dma_wait3A_101] : memref<10112x64xf32, #tpu.memory_space<hbm>> -> memref<128x64xf32, #tpu.memory_space<hbm>>
      %dma_wait3A_103 = arith.constant 0 : i32
      %dma_wait3A_104 = arith.constant 0 : i32
      %dma_wait3A_105 = tpu.memref_slice %arg2[%dma_wait3A_103, %dma_wait3A_104] : memref<10112x64xf32, #tpu.memory_space<hbm>> -> memref<128x64xf32, #tpu.memory_space<hbm>>
      tpu.wait_dma2 semaphore(%arg13 : memref<!tpu.dma_semaphore, #tpu.memory_space<semaphore_mem>>) src(%dma_wait3A_105 : memref<128x64xf32, #tpu.memory_space<hbm>>) dst(%arg8 : memref<128x64xf32, #tpu.memory_space<vmem>>)
      %dma_start3A_106 = arith.constant 1 : i32
      %dma_start3A_107 = arith.constant 0 : i32
      %dma_start3A_108 = tpu.memref_slice %arg6[%add3A_99, %dma_start3A_106, %dma_start3A_107] : memref<80x2x128xi32, #tpu.memory_space<vmem>> -> memref<1x1x128xi32, #tpu.memory_space<vmem>>
      %dma_start3A_109 = tpu.memref_squeeze %dma_start3A_108 : memref<1x1x128xi32, #tpu.memory_space<vmem>> -> memref<128xi32, #tpu.memory_space<vmem>>
      %dma_start3A_110 = arith.constant 0 : i32
      %dma_start3A_111 = arith.constant 0 : i32
      %dma_start3A_112 = tpu.memref_slice %arg11[%dma_start3A_110, %dma_start3A_111] : memref<10112x64xf32, #tpu.memory_space<vmem_shared>> -> memref<10112x64xf32, #tpu.memory_space<vmem_shared>>
      tpu.enqueue_indirect_dma source(%arg8 : memref<128x64xf32, #tpu.memory_space<vmem>>) target(%dma_start3A_112 : memref<10112x64xf32, #tpu.memory_space<vmem_shared>>) offsets(%dma_start3A_109 : memref<128xi32, #tpu.memory_space<vmem>>) semaphore(%arg17 : memref<!tpu.dma_semaphore, #tpu.memory_space<semaphore_mem>>) {add = true}
      %add3A_113 = arith.constant 3 : i32
      %add3A_114 = arith.addi %add3A_99, %add3A_113 : i32
      %ge3A_115 = arith.constant 1 : i32
      %ge3A_116 = arith.cmpi sge, %add3A_99, %ge3A_115 : i32
      %lt3A_117 = arith.constant 80 : i32
      %lt3A_118 = arith.cmpi slt, %add3A_114, %lt3A_117 : i32
      %and3A_119 = arith.andi %ge3A_116, %lt3A_118 : i1
      %convert_element_type3A_120 = arith.extui %and3A_119 : i1 to i32
      %cond3A_121 = arith.constant 0 : i32
      %cond3A_122 = arith.cmpi ne, %convert_element_type3A_120, %cond3A_121 : i32
      scf.if %cond3A_122 {
        %dma_wait3A_192 = arith.constant 0 : i32
        %dma_wait3A_193 = arith.constant 0 : i32
        %dma_wait3A_194 = tpu.memref_slice %arg2[%dma_wait3A_192, %dma_wait3A_193] : memref<10112x64xf32, #tpu.memory_space<hbm>> -> memref<128x64xf32, #tpu.memory_space<hbm>>
        %dma_wait3A_195 = arith.constant 0 : i32
        %dma_wait3A_196 = arith.constant 0 : i32
        %dma_wait3A_197 = tpu.memref_slice %arg2[%dma_wait3A_195, %dma_wait3A_196] : memref<10112x64xf32, #tpu.memory_space<hbm>> -> memref<128x64xf32, #tpu.memory_space<hbm>>
        tpu.wait_dma2 semaphore(%arg16 : memref<!tpu.dma_semaphore, #tpu.memory_space<semaphore_mem>>) src(%dma_wait3A_197 : memref<128x64xf32, #tpu.memory_space<hbm>>) dst(%arg7 : memref<128x64xf32, #tpu.memory_space<vmem>>)
      } else {
      }
      %lt3A_123 = arith.constant 80 : i32
      %lt3A_124 = arith.cmpi slt, %add3A_114, %lt3A_123 : i32
      %convert_element_type3A_125 = arith.extui %lt3A_124 : i1 to i32
      %cond3A_126 = arith.constant 0 : i32
      %cond3A_127 = arith.cmpi ne, %convert_element_type3A_125, %cond3A_126 : i32
      scf.if %cond3A_127 {
        %dma_start3A_192 = arith.constant 0 : i32
        %dma_start3A_193 = arith.constant 0 : i32
        %dma_start3A_194 = tpu.memref_slice %arg6[%add3A_114, %dma_start3A_192, %dma_start3A_193] : memref<80x2x128xi32, #tpu.memory_space<vmem>> -> memref<1x1x128xi32, #tpu.memory_space<vmem>>
        %dma_start3A_195 = tpu.memref_squeeze %dma_start3A_194 : memref<1x1x128xi32, #tpu.memory_space<vmem>> -> memref<128xi32, #tpu.memory_space<vmem>>
        %dma_start3A_196 = arith.constant 0 : i32
        %dma_start3A_197 = arith.constant 0 : i32
        %dma_start3A_198 = tpu.memref_slice %arg2[%dma_start3A_196, %dma_start3A_197] : memref<10112x64xf32, #tpu.memory_space<hbm>> -> memref<10112x64xf32, #tpu.memory_space<hbm>>
        tpu.enqueue_indirect_dma source(%dma_start3A_198 : memref<10112x64xf32, #tpu.memory_space<hbm>>) target(%arg7 : memref<128x64xf32, #tpu.memory_space<vmem>>) offsets(%dma_start3A_195 : memref<128xi32, #tpu.memory_space<vmem>>) semaphore(%arg12 : memref<!tpu.dma_semaphore, #tpu.memory_space<semaphore_mem>>)
      } else {
      }
      %mul3A_128 = arith.constant 4 : i32
      %mul3A_129 = arith.muli %mul3A_128, %scan3A_66 : i32
      %add3A_130 = arith.constant 2 : i32
      %add3A_131 = arith.addi %mul3A_129, %add3A_130 : i32
      %dma_wait3A_132 = arith.constant 0 : i32
      %dma_wait3A_133 = arith.constant 0 : i32
      %dma_wait3A_134 = tpu.memref_slice %arg2[%dma_wait3A_132, %dma_wait3A_133] : memref<10112x64xf32, #tpu.memory_space<hbm>> -> memref<128x64xf32, #tpu.memory_space<hbm>>
      %dma_wait3A_135 = arith.constant 0 : i32
      %dma_wait3A_136 = arith.constant 0 : i32
      %dma_wait3A_137 = tpu.memref_slice %arg2[%dma_wait3A_135, %dma_wait3A_136] : memref<10112x64xf32, #tpu.memory_space<hbm>> -> memref<128x64xf32, #tpu.memory_space<hbm>>
      tpu.wait_dma2 semaphore(%arg14 : memref<!tpu.dma_semaphore, #tpu.memory_space<semaphore_mem>>) src(%dma_wait3A_137 : memref<128x64xf32, #tpu.memory_space<hbm>>) dst(%arg9 : memref<128x64xf32, #tpu.memory_space<vmem>>)
      %dma_start3A_138 = arith.constant 1 : i32
      %dma_start3A_139 = arith.constant 0 : i32
      %dma_start3A_140 = tpu.memref_slice %arg6[%add3A_131, %dma_start3A_138, %dma_start3A_139] : memref<80x2x128xi32, #tpu.memory_space<vmem>> -> memref<1x1x128xi32, #tpu.memory_space<vmem>>
      %dma_start3A_141 = tpu.memref_squeeze %dma_start3A_140 : memref<1x1x128xi32, #tpu.memory_space<vmem>> -> memref<128xi32, #tpu.memory_space<vmem>>
      %dma_start3A_142 = arith.constant 0 : i32
      %dma_start3A_143 = arith.constant 0 : i32
      %dma_start3A_144 = tpu.memref_slice %arg11[%dma_start3A_142, %dma_start3A_143] : memref<10112x64xf32, #tpu.memory_space<vmem_shared>> -> memref<10112x64xf32, #tpu.memory_space<vmem_shared>>
      tpu.enqueue_indirect_dma source(%arg9 : memref<128x64xf32, #tpu.memory_space<vmem>>) target(%dma_start3A_144 : memref<10112x64xf32, #tpu.memory_space<vmem_shared>>) offsets(%dma_start3A_141 : memref<128xi32, #tpu.memory_space<vmem>>) semaphore(%arg18 : memref<!tpu.dma_semaphore, #tpu.memory_space<semaphore_mem>>) {add = true}
      %add3A_145 = arith.constant 3 : i32
      %add3A_146 = arith.addi %add3A_131, %add3A_145 : i32
      %ge3A_147 = arith.constant 1 : i32
      %ge3A_148 = arith.cmpi sge, %add3A_131, %ge3A_147 : i32
      %lt3A_149 = arith.constant 80 : i32
      %lt3A_150 = arith.cmpi slt, %add3A_146, %lt3A_149 : i32
      %and3A_151 = arith.andi %ge3A_148, %lt3A_150 : i1
      %convert_element_type3A_152 = arith.extui %and3A_151 : i1 to i32
      %cond3A_153 = arith.constant 0 : i32
      %cond3A_154 = arith.cmpi ne, %convert_element_type3A_152, %cond3A_153 : i32
      scf.if %cond3A_154 {
        %dma_wait3A_192 = arith.constant 0 : i32
        %dma_wait3A_193 = arith.constant 0 : i32
        %dma_wait3A_194 = tpu.memref_slice %arg2[%dma_wait3A_192, %dma_wait3A_193] : memref<10112x64xf32, #tpu.memory_space<hbm>> -> memref<128x64xf32, #tpu.memory_space<hbm>>
        %dma_wait3A_195 = arith.constant 0 : i32
        %dma_wait3A_196 = arith.constant 0 : i32
        %dma_wait3A_197 = tpu.memref_slice %arg2[%dma_wait3A_195, %dma_wait3A_196] : memref<10112x64xf32, #tpu.memory_space<hbm>> -> memref<128x64xf32, #tpu.memory_space<hbm>>
        tpu.wait_dma2 semaphore(%arg17 : memref<!tpu.dma_semaphore, #tpu.memory_space<semaphore_mem>>) src(%dma_wait3A_197 : memref<128x64xf32, #tpu.memory_space<hbm>>) dst(%arg8 : memref<128x64xf32, #tpu.memory_space<vmem>>)
      } else {
      }
      %lt3A_155 = arith.constant 80 : i32
      %lt3A_156 = arith.cmpi slt, %add3A_146, %lt3A_155 : i32
      %convert_element_type3A_157 = arith.extui %lt3A_156 : i1 to i32
      %cond3A_158 = arith.constant 0 : i32
      %cond3A_159 = arith.cmpi ne, %convert_element_type3A_157, %cond3A_158 : i32
      scf.if %cond3A_159 {
        %dma_start3A_192 = arith.constant 0 : i32
        %dma_start3A_193 = arith.constant 0 : i32
        %dma_start3A_194 = tpu.memref_slice %arg6[%add3A_146, %dma_start3A_192, %dma_start3A_193] : memref<80x2x128xi32, #tpu.memory_space<vmem>> -> memref<1x1x128xi32, #tpu.memory_space<vmem>>
        %dma_start3A_195 = tpu.memref_squeeze %dma_start3A_194 : memref<1x1x128xi32, #tpu.memory_space<vmem>> -> memref<128xi32, #tpu.memory_space<vmem>>
        %dma_start3A_196 = arith.constant 0 : i32
        %dma_start3A_197 = arith.constant 0 : i32
        %dma_start3A_198 = tpu.memref_slice %arg2[%dma_start3A_196, %dma_start3A_197] : memref<10112x64xf32, #tpu.memory_space<hbm>> -> memref<10112x64xf32, #tpu.memory_space<hbm>>
        tpu.enqueue_indirect_dma source(%dma_start3A_198 : memref<10112x64xf32, #tpu.memory_space<hbm>>) target(%arg8 : memref<128x64xf32, #tpu.memory_space<vmem>>) offsets(%dma_start3A_195 : memref<128xi32, #tpu.memory_space<vmem>>) semaphore(%arg13 : memref<!tpu.dma_semaphore, #tpu.memory_space<semaphore_mem>>)
      } else {
      }
      %mul3A_160 = arith.constant 4 : i32
      %mul3A_161 = arith.muli %mul3A_160, %scan3A_66 : i32
      %add3A_162 = arith.constant 3 : i32
      %add3A_163 = arith.addi %mul3A_161, %add3A_162 : i32
      %dma_wait3A_164 = arith.constant 0 : i32
      %dma_wait3A_165 = arith.constant 0 : i32
      %dma_wait3A_166 = tpu.memref_slice %arg2[%dma_wait3A_164, %dma_wait3A_165] : memref<10112x64xf32, #tpu.memory_space<hbm>> -> memref<128x64xf32, #tpu.memory_space<hbm>>
      %dma_wait3A_167 = arith.constant 0 : i32
      %dma_wait3A_168 = arith.constant 0 : i32
      %dma_wait3A_169 = tpu.memref_slice %arg2[%dma_wait3A_167, %dma_wait3A_168] : memref<10112x64xf32, #tpu.memory_space<hbm>> -> memref<128x64xf32, #tpu.memory_space<hbm>>
      tpu.wait_dma2 semaphore(%arg15 : memref<!tpu.dma_semaphore, #tpu.memory_space<semaphore_mem>>) src(%dma_wait3A_169 : memref<128x64xf32, #tpu.memory_space<hbm>>) dst(%arg10 : memref<128x64xf32, #tpu.memory_space<vmem>>)
      %dma_start3A_170 = arith.constant 1 : i32
      %dma_start3A_171 = arith.constant 0 : i32
      %dma_start3A_172 = tpu.memref_slice %arg6[%add3A_163, %dma_start3A_170, %dma_start3A_171] : memref<80x2x128xi32, #tpu.memory_space<vmem>> -> memref<1x1x128xi32, #tpu.memory_space<vmem>>
      %dma_start3A_173 = tpu.memref_squeeze %dma_start3A_172 : memref<1x1x128xi32, #tpu.memory_space<vmem>> -> memref<128xi32, #tpu.memory_space<vmem>>
      %dma_start3A_174 = arith.constant 0 : i32
      %dma_start3A_175 = arith.constant 0 : i32
      %dma_start3A_176 = tpu.memref_slice %arg11[%dma_start3A_174, %dma_start3A_175] : memref<10112x64xf32, #tpu.memory_space<vmem_shared>> -> memref<10112x64xf32, #tpu.memory_space<vmem_shared>>
      tpu.enqueue_indirect_dma source(%arg10 : memref<128x64xf32, #tpu.memory_space<vmem>>) target(%dma_start3A_176 : memref<10112x64xf32, #tpu.memory_space<vmem_shared>>) offsets(%dma_start3A_173 : memref<128xi32, #tpu.memory_space<vmem>>) semaphore(%arg19 : memref<!tpu.dma_semaphore, #tpu.memory_space<semaphore_mem>>) {add = true}
      %add3A_177 = arith.constant 3 : i32
      %add3A_178 = arith.addi %add3A_163, %add3A_177 : i32
      %ge3A_179 = arith.constant 1 : i32
      %ge3A_180 = arith.cmpi sge, %add3A_163, %ge3A_179 : i32
      %lt3A_181 = arith.constant 80 : i32
      %lt3A_182 = arith.cmpi slt, %add3A_178, %lt3A_181 : i32
      %and3A_183 = arith.andi %ge3A_180, %lt3A_182 : i1
      %convert_element_type3A_184 = arith.extui %and3A_183 : i1 to i32
      %cond3A_185 = arith.constant 0 : i32
      %cond3A_186 = arith.cmpi ne, %convert_element_type3A_184, %cond3A_185 : i32
      scf.if %cond3A_186 {
        %dma_wait3A_192 = arith.constant 0 : i32
        %dma_wait3A_193 = arith.constant 0 : i32
        %dma_wait3A_194 = tpu.memref_slice %arg2[%dma_wait3A_192, %dma_wait3A_193] : memref<10112x64xf32, #tpu.memory_space<hbm>> -> memref<128x64xf32, #tpu.memory_space<hbm>>
        %dma_wait3A_195 = arith.constant 0 : i32
        %dma_wait3A_196 = arith.constant 0 : i32
        %dma_wait3A_197 = tpu.memref_slice %arg2[%dma_wait3A_195, %dma_wait3A_196] : memref<10112x64xf32, #tpu.memory_space<hbm>> -> memref<128x64xf32, #tpu.memory_space<hbm>>
        tpu.wait_dma2 semaphore(%arg18 : memref<!tpu.dma_semaphore, #tpu.memory_space<semaphore_mem>>) src(%dma_wait3A_197 : memref<128x64xf32, #tpu.memory_space<hbm>>) dst(%arg9 : memref<128x64xf32, #tpu.memory_space<vmem>>)
      } else {
      }
      %lt3A_187 = arith.constant 80 : i32
      %lt3A_188 = arith.cmpi slt, %add3A_178, %lt3A_187 : i32
      %convert_element_type3A_189 = arith.extui %lt3A_188 : i1 to i32
      %cond3A_190 = arith.constant 0 : i32
      %cond3A_191 = arith.cmpi ne, %convert_element_type3A_189, %cond3A_190 : i32
      scf.if %cond3A_191 {
        %dma_start3A_192 = arith.constant 0 : i32
        %dma_start3A_193 = arith.constant 0 : i32
        %dma_start3A_194 = tpu.memref_slice %arg6[%add3A_178, %dma_start3A_192, %dma_start3A_193] : memref<80x2x128xi32, #tpu.memory_space<vmem>> -> memref<1x1x128xi32, #tpu.memory_space<vmem>>
        %dma_start3A_195 = tpu.memref_squeeze %dma_start3A_194 : memref<1x1x128xi32, #tpu.memory_space<vmem>> -> memref<128xi32, #tpu.memory_space<vmem>>
        %dma_start3A_196 = arith.constant 0 : i32
        %dma_start3A_197 = arith.constant 0 : i32
        %dma_start3A_198 = tpu.memref_slice %arg2[%dma_start3A_196, %dma_start3A_197] : memref<10112x64xf32, #tpu.memory_space<hbm>> -> memref<10112x64xf32, #tpu.memory_space<hbm>>
        tpu.enqueue_indirect_dma source(%dma_start3A_198 : memref<10112x64xf32, #tpu.memory_space<hbm>>) target(%arg9 : memref<128x64xf32, #tpu.memory_space<vmem>>) offsets(%dma_start3A_195 : memref<128xi32, #tpu.memory_space<vmem>>) semaphore(%arg14 : memref<!tpu.dma_semaphore, #tpu.memory_space<semaphore_mem>>)
      } else {
      }
    }
    %scan3A_37 = arith.constant 20 : i32
    %dma_wait3A = arith.constant 0 : i32
    %dma_wait3A_38 = arith.constant 0 : i32
    %dma_wait3A_39 = tpu.memref_slice %arg2[%dma_wait3A, %dma_wait3A_38] : memref<10112x64xf32, #tpu.memory_space<hbm>> -> memref<128x64xf32, #tpu.memory_space<hbm>>
    %dma_wait3A_40 = arith.constant 0 : i32
    %dma_wait3A_41 = arith.constant 0 : i32
    %dma_wait3A_42 = tpu.memref_slice %arg2[%dma_wait3A_40, %dma_wait3A_41] : memref<10112x64xf32, #tpu.memory_space<hbm>> -> memref<128x64xf32, #tpu.memory_space<hbm>>
    tpu.wait_dma2 semaphore(%arg16 : memref<!tpu.dma_semaphore, #tpu.memory_space<semaphore_mem>>) src(%dma_wait3A_42 : memref<128x64xf32, #tpu.memory_space<hbm>>) dst(%arg7 : memref<128x64xf32, #tpu.memory_space<vmem>>)
    %dma_wait3A_43 = arith.constant 0 : i32
    %dma_wait3A_44 = arith.constant 0 : i32
    %dma_wait3A_45 = tpu.memref_slice %arg2[%dma_wait3A_43, %dma_wait3A_44] : memref<10112x64xf32, #tpu.memory_space<hbm>> -> memref<128x64xf32, #tpu.memory_space<hbm>>
    %dma_wait3A_46 = arith.constant 0 : i32
    %dma_wait3A_47 = arith.constant 0 : i32
    %dma_wait3A_48 = tpu.memref_slice %arg2[%dma_wait3A_46, %dma_wait3A_47] : memref<10112x64xf32, #tpu.memory_space<hbm>> -> memref<128x64xf32, #tpu.memory_space<hbm>>
    tpu.wait_dma2 semaphore(%arg17 : memref<!tpu.dma_semaphore, #tpu.memory_space<semaphore_mem>>) src(%dma_wait3A_48 : memref<128x64xf32, #tpu.memory_space<hbm>>) dst(%arg8 : memref<128x64xf32, #tpu.memory_space<vmem>>)
    %dma_wait3A_49 = arith.constant 0 : i32
    %dma_wait3A_50 = arith.constant 0 : i32
    %dma_wait3A_51 = tpu.memref_slice %arg2[%dma_wait3A_49, %dma_wait3A_50] : memref<10112x64xf32, #tpu.memory_space<hbm>> -> memref<128x64xf32, #tpu.memory_space<hbm>>
    %dma_wait3A_52 = arith.constant 0 : i32
    %dma_wait3A_53 = arith.constant 0 : i32
    %dma_wait3A_54 = tpu.memref_slice %arg2[%dma_wait3A_52, %dma_wait3A_53] : memref<10112x64xf32, #tpu.memory_space<hbm>> -> memref<128x64xf32, #tpu.memory_space<hbm>>
    tpu.wait_dma2 semaphore(%arg18 : memref<!tpu.dma_semaphore, #tpu.memory_space<semaphore_mem>>) src(%dma_wait3A_54 : memref<128x64xf32, #tpu.memory_space<hbm>>) dst(%arg9 : memref<128x64xf32, #tpu.memory_space<vmem>>)
    %dma_wait3A_55 = arith.constant 0 : i32
    %dma_wait3A_56 = arith.constant 0 : i32
    %dma_wait3A_57 = tpu.memref_slice %arg2[%dma_wait3A_55, %dma_wait3A_56] : memref<10112x64xf32, #tpu.memory_space<hbm>> -> memref<128x64xf32, #tpu.memory_space<hbm>>
    %dma_wait3A_58 = arith.constant 0 : i32
    %dma_wait3A_59 = arith.constant 0 : i32
    %dma_wait3A_60 = tpu.memref_slice %arg2[%dma_wait3A_58, %dma_wait3A_59] : memref<10112x64xf32, #tpu.memory_space<hbm>> -> memref<128x64xf32, #tpu.memory_space<hbm>>
    tpu.wait_dma2 semaphore(%arg19 : memref<!tpu.dma_semaphore, #tpu.memory_space<semaphore_mem>>) src(%dma_wait3A_60 : memref<128x64xf32, #tpu.memory_space<hbm>>) dst(%arg10 : memref<128x64xf32, #tpu.memory_space<vmem>>)
    %barrier3A_61 = arith.constant 0 : index
    tpu.barrier barrier_id(%barrier3A_61)
    %mul3A_62 = arith.constant 632 : i32
    %mul3A_63 = arith.muli %arg1, %mul3A_62 : i32
    %mul3A_64 = arith.constant 632 : i32
    %mul3A_65 = arith.muli %arg1, %mul3A_64 : i32
    "tpu.region"() ({
      %run_scoped3A = tpu.sem_alloc : memref<!tpu.dma_semaphore, #tpu.memory_space<semaphore_mem>>
      %dma_start3A_66 = arith.constant 0 : i32
      %dma_start3A_67 = tpu.memref_slice %arg5[%arg0, %mul3A_65, %dma_start3A_66] : memref<2x10112x64xf32, #tpu.memory_space<hbm>> -> memref<1x632x64xf32, #tpu.memory_space<hbm>>
      %dma_start3A_68 = tpu.memref_squeeze %dma_start3A_67 : memref<1x632x64xf32, #tpu.memory_space<hbm>> -> memref<632x64xf32, #tpu.memory_space<hbm>>
      %dma_start3A_69 = arith.constant 0 : i32
      %dma_start3A_70 = tpu.memref_slice %arg11[%mul3A_63, %dma_start3A_69] : memref<10112x64xf32, #tpu.memory_space<vmem_shared>> -> memref<632x64xf32, #tpu.memory_space<vmem_shared>>
      tpu.enqueue_dma source(%dma_start3A_70 : memref<632x64xf32, #tpu.memory_space<vmem_shared>>) target(%dma_start3A_68 : memref<632x64xf32, #tpu.memory_space<hbm>>) target_semaphore(%run_scoped3A : memref<!tpu.dma_semaphore, #tpu.memory_space<semaphore_mem>>)
      %dma_wait3A_71 = arith.constant 0 : i32
      %dma_wait3A_72 = tpu.memref_slice %arg5[%arg0, %mul3A_65, %dma_wait3A_71] : memref<2x10112x64xf32, #tpu.memory_space<hbm>> -> memref<1x632x64xf32, #tpu.memory_space<hbm>>
      %dma_wait3A_73 = tpu.memref_squeeze %dma_wait3A_72 : memref<1x632x64xf32, #tpu.memory_space<hbm>> -> memref<632x64xf32, #tpu.memory_space<hbm>>
      %dma_wait3A_74 = arith.constant 0 : i32
      %dma_wait3A_75 = tpu.memref_slice %arg11[%mul3A_63, %dma_wait3A_74] : memref<10112x64xf32, #tpu.memory_space<vmem_shared>> -> memref<632x64xf32, #tpu.memory_space<vmem_shared>>
      tpu.wait_dma2 semaphore(%run_scoped3A : memref<!tpu.dma_semaphore, #tpu.memory_space<semaphore_mem>>) src(%dma_wait3A_75 : memref<632x64xf32, #tpu.memory_space<vmem_shared>>) dst(%dma_wait3A_73 : memref<632x64xf32, #tpu.memory_space<hbm>>)
      tpu.yield
    }) : () -> ()
    return
  }
}

#map = affine_map<(d0, d1) -> (0, 0)>
#map1 = affine_map<(d0, d1) -> (0, 0, 0)>
module attributes {stable_mosaic.version = 14 : i64} {
  func.func @_aggn_body(%arg0: i32, %arg1: i32, %arg2: memref<10112x32xf32, #tpu.memory_space<hbm>>, %arg3: memref<10112x32xf32, #tpu.memory_space<hbm>>, %arg4: memref<2560x2x128xi32, #tpu.memory_space<hbm>>, %arg5: memref<2x10112x32xf32, #tpu.memory_space<hbm>>, %arg6: memref<80x2x128xi32, #tpu.memory_space<vmem>>, %arg7: memref<128x32xf32, #tpu.memory_space<vmem>>, %arg8: memref<128x32xf32, #tpu.memory_space<vmem>>, %arg9: memref<128x32xf32, #tpu.memory_space<vmem>>, %arg10: memref<128x32xf32, #tpu.memory_space<vmem>>, %arg11: memref<10112x32xf32, #tpu.memory_space<vmem_shared>>, %arg12: memref<!tpu.dma_semaphore, #tpu.memory_space<semaphore_mem>>, %arg13: memref<!tpu.dma_semaphore, #tpu.memory_space<semaphore_mem>>, %arg14: memref<!tpu.dma_semaphore, #tpu.memory_space<semaphore_mem>>, %arg15: memref<!tpu.dma_semaphore, #tpu.memory_space<semaphore_mem>>, %arg16: memref<!tpu.dma_semaphore, #tpu.memory_space<semaphore_mem>>, %arg17: memref<!tpu.dma_semaphore, #tpu.memory_space<semaphore_mem>>, %arg18: memref<!tpu.dma_semaphore, #tpu.memory_space<semaphore_mem>>, %arg19: memref<!tpu.dma_semaphore, #tpu.memory_space<semaphore_mem>>) attributes {dimension_semantics = [#tpu.dimension_semantics<core_parallel>, #tpu.dimension_semantics<subcore_parallel>], iteration_bounds = array<i64: 2, 16>, scalar_prefetch = 0 : i64, scratch_operands = 14 : i64, tpu.core_type = #tpu.core_type<sc_vector_subcore>, window_params = [{transform_indices = #map}, {transform_indices = #map}, {transform_indices = #map1}, {transform_indices = #map1}]} {
    %eq3A = arith.constant 0 : i32
    %eq3A_0 = arith.cmpi eq, %arg0, %eq3A : i32
    %convert_element_type3A = arith.extui %eq3A_0 : i1 to i32
    %cond3A = arith.constant 0 : i32
    %cond3A_1 = arith.cmpi ne, %convert_element_type3A, %cond3A : i32
    scf.if %cond3A_1 {
      %mul3A_66 = arith.constant 632 : i32
      %mul3A_67 = arith.muli %arg1, %mul3A_66 : i32
      %mul3A_68 = arith.constant 632 : i32
      %mul3A_69 = arith.muli %arg1, %mul3A_68 : i32
      "tpu.region"() ({
        %run_scoped3A = tpu.sem_alloc : memref<!tpu.dma_semaphore, #tpu.memory_space<semaphore_mem>>
        %dma_start3A_70 = arith.constant 0 : i32
        %dma_start3A_71 = tpu.memref_slice %arg11[%mul3A_69, %dma_start3A_70] : memref<10112x32xf32, #tpu.memory_space<vmem_shared>> -> memref<632x32xf32, #tpu.memory_space<vmem_shared>>
        %dma_start3A_72 = arith.constant 0 : i32
        %dma_start3A_73 = tpu.memref_slice %arg2[%mul3A_67, %dma_start3A_72] : memref<10112x32xf32, #tpu.memory_space<hbm>> -> memref<632x32xf32, #tpu.memory_space<hbm>>
        tpu.enqueue_dma source(%dma_start3A_73 : memref<632x32xf32, #tpu.memory_space<hbm>>) target(%dma_start3A_71 : memref<632x32xf32, #tpu.memory_space<vmem_shared>>) target_semaphore(%run_scoped3A : memref<!tpu.dma_semaphore, #tpu.memory_space<semaphore_mem>>)
        %dma_wait3A_74 = arith.constant 0 : i32
        %dma_wait3A_75 = tpu.memref_slice %arg11[%mul3A_69, %dma_wait3A_74] : memref<10112x32xf32, #tpu.memory_space<vmem_shared>> -> memref<632x32xf32, #tpu.memory_space<vmem_shared>>
        %dma_wait3A_76 = arith.constant 0 : i32
        %dma_wait3A_77 = tpu.memref_slice %arg2[%mul3A_67, %dma_wait3A_76] : memref<10112x32xf32, #tpu.memory_space<hbm>> -> memref<632x32xf32, #tpu.memory_space<hbm>>
        tpu.wait_dma2 semaphore(%run_scoped3A : memref<!tpu.dma_semaphore, #tpu.memory_space<semaphore_mem>>) src(%dma_wait3A_77 : memref<632x32xf32, #tpu.memory_space<hbm>>) dst(%dma_wait3A_75 : memref<632x32xf32, #tpu.memory_space<vmem_shared>>)
        tpu.yield
      }) : () -> ()
    } else {
    }
    %eq3A_2 = arith.constant 1 : i32
    %eq3A_3 = arith.cmpi eq, %arg0, %eq3A_2 : i32
    %convert_element_type3A_4 = arith.extui %eq3A_3 : i1 to i32
    %cond3A_5 = arith.constant 0 : i32
    %cond3A_6 = arith.cmpi ne, %convert_element_type3A_4, %cond3A_5 : i32
    scf.if %cond3A_6 {
      %mul3A_66 = arith.constant 632 : i32
      %mul3A_67 = arith.muli %arg1, %mul3A_66 : i32
      %mul3A_68 = arith.constant 632 : i32
      %mul3A_69 = arith.muli %arg1, %mul3A_68 : i32
      "tpu.region"() ({
        %run_scoped3A = tpu.sem_alloc : memref<!tpu.dma_semaphore, #tpu.memory_space<semaphore_mem>>
        %dma_start3A_70 = arith.constant 0 : i32
        %dma_start3A_71 = tpu.memref_slice %arg11[%mul3A_69, %dma_start3A_70] : memref<10112x32xf32, #tpu.memory_space<vmem_shared>> -> memref<632x32xf32, #tpu.memory_space<vmem_shared>>
        %dma_start3A_72 = arith.constant 0 : i32
        %dma_start3A_73 = tpu.memref_slice %arg3[%mul3A_67, %dma_start3A_72] : memref<10112x32xf32, #tpu.memory_space<hbm>> -> memref<632x32xf32, #tpu.memory_space<hbm>>
        tpu.enqueue_dma source(%dma_start3A_73 : memref<632x32xf32, #tpu.memory_space<hbm>>) target(%dma_start3A_71 : memref<632x32xf32, #tpu.memory_space<vmem_shared>>) target_semaphore(%run_scoped3A : memref<!tpu.dma_semaphore, #tpu.memory_space<semaphore_mem>>)
        %dma_wait3A_74 = arith.constant 0 : i32
        %dma_wait3A_75 = tpu.memref_slice %arg11[%mul3A_69, %dma_wait3A_74] : memref<10112x32xf32, #tpu.memory_space<vmem_shared>> -> memref<632x32xf32, #tpu.memory_space<vmem_shared>>
        %dma_wait3A_76 = arith.constant 0 : i32
        %dma_wait3A_77 = tpu.memref_slice %arg3[%mul3A_67, %dma_wait3A_76] : memref<10112x32xf32, #tpu.memory_space<hbm>> -> memref<632x32xf32, #tpu.memory_space<hbm>>
        tpu.wait_dma2 semaphore(%run_scoped3A : memref<!tpu.dma_semaphore, #tpu.memory_space<semaphore_mem>>) src(%dma_wait3A_77 : memref<632x32xf32, #tpu.memory_space<hbm>>) dst(%dma_wait3A_75 : memref<632x32xf32, #tpu.memory_space<vmem_shared>>)
        tpu.yield
      }) : () -> ()
    } else {
    }
    %barrier3A = arith.constant 0 : index
    tpu.barrier barrier_id(%barrier3A)
    %mul3A = arith.constant 1280 : i32
    %mul3A_7 = arith.muli %arg0, %mul3A : i32
    %mul3A_8 = arith.constant 80 : i32
    %mul3A_9 = arith.muli %arg1, %mul3A_8 : i32
    %add3A = arith.addi %mul3A_7, %mul3A_9 : i32
    "tpu.region"() ({
      %run_scoped3A = tpu.sem_alloc : memref<!tpu.dma_semaphore, #tpu.memory_space<semaphore_mem>>
      %dma_start3A_66 = arith.constant 0 : i32
      %dma_start3A_67 = arith.constant 0 : i32
      %dma_start3A_68 = tpu.memref_slice %arg4[%add3A, %dma_start3A_66, %dma_start3A_67] : memref<2560x2x128xi32, #tpu.memory_space<hbm>> -> memref<80x2x128xi32, #tpu.memory_space<hbm>>
      %dma_start3A_69 = arith.constant 0 : i32
      %dma_start3A_70 = arith.constant 0 : i32
      %dma_start3A_71 = tpu.memref_slice %arg4[%add3A, %dma_start3A_69, %dma_start3A_70] : memref<2560x2x128xi32, #tpu.memory_space<hbm>> -> memref<80x2x128xi32, #tpu.memory_space<hbm>>
      tpu.enqueue_dma source(%dma_start3A_71 : memref<80x2x128xi32, #tpu.memory_space<hbm>>) target(%arg6 : memref<80x2x128xi32, #tpu.memory_space<vmem>>) target_semaphore(%run_scoped3A : memref<!tpu.dma_semaphore, #tpu.memory_space<semaphore_mem>>)
      %dma_wait3A_72 = arith.constant 0 : i32
      %dma_wait3A_73 = arith.constant 0 : i32
      %dma_wait3A_74 = tpu.memref_slice %arg4[%add3A, %dma_wait3A_72, %dma_wait3A_73] : memref<2560x2x128xi32, #tpu.memory_space<hbm>> -> memref<80x2x128xi32, #tpu.memory_space<hbm>>
      %dma_wait3A_75 = arith.constant 0 : i32
      %dma_wait3A_76 = arith.constant 0 : i32
      %dma_wait3A_77 = tpu.memref_slice %arg4[%add3A, %dma_wait3A_75, %dma_wait3A_76] : memref<2560x2x128xi32, #tpu.memory_space<hbm>> -> memref<80x2x128xi32, #tpu.memory_space<hbm>>
      tpu.wait_dma2 semaphore(%run_scoped3A : memref<!tpu.dma_semaphore, #tpu.memory_space<semaphore_mem>>) src(%dma_wait3A_77 : memref<80x2x128xi32, #tpu.memory_space<hbm>>) dst(%arg6 : memref<80x2x128xi32, #tpu.memory_space<vmem>>)
      tpu.yield
    }) : () -> ()
    %dma_start3A = arith.constant 0 : i32
    %dma_start3A_10 = arith.constant 0 : i32
    %dma_start3A_11 = arith.constant 0 : i32
    %dma_start3A_12 = tpu.memref_slice %arg6[%dma_start3A, %dma_start3A_10, %dma_start3A_11] : memref<80x2x128xi32, #tpu.memory_space<vmem>> -> memref<1x1x128xi32, #tpu.memory_space<vmem>>
    %dma_start3A_13 = tpu.memref_squeeze %dma_start3A_12 : memref<1x1x128xi32, #tpu.memory_space<vmem>> -> memref<128xi32, #tpu.memory_space<vmem>>
    %dma_start3A_14 = arith.constant 0 : i32
    %dma_start3A_15 = arith.constant 0 : i32
    %dma_start3A_16 = tpu.memref_slice %arg2[%dma_start3A_14, %dma_start3A_15] : memref<10112x32xf32, #tpu.memory_space<hbm>> -> memref<10112x32xf32, #tpu.memory_space<hbm>>
    tpu.enqueue_indirect_dma source(%dma_start3A_16 : memref<10112x32xf32, #tpu.memory_space<hbm>>) target(%arg7 : memref<128x32xf32, #tpu.memory_space<vmem>>) offsets(%dma_start3A_13 : memref<128xi32, #tpu.memory_space<vmem>>) semaphore(%arg12 : memref<!tpu.dma_semaphore, #tpu.memory_space<semaphore_mem>>)
    %dma_start3A_17 = arith.constant 1 : i32
    %dma_start3A_18 = arith.constant 0 : i32
    %dma_start3A_19 = arith.constant 0 : i32
    %dma_start3A_20 = tpu.memref_slice %arg6[%dma_start3A_17, %dma_start3A_18, %dma_start3A_19] : memref<80x2x128xi32, #tpu.memory_space<vmem>> -> memref<1x1x128xi32, #tpu.memory_space<vmem>>
    %dma_start3A_21 = tpu.memref_squeeze %dma_start3A_20 : memref<1x1x128xi32, #tpu.memory_space<vmem>> -> memref<128xi32, #tpu.memory_space<vmem>>
    %dma_start3A_22 = arith.constant 0 : i32
    %dma_start3A_23 = arith.constant 0 : i32
    %dma_start3A_24 = tpu.memref_slice %arg2[%dma_start3A_22, %dma_start3A_23] : memref<10112x32xf32, #tpu.memory_space<hbm>> -> memref<10112x32xf32, #tpu.memory_space<hbm>>
    tpu.enqueue_indirect_dma source(%dma_start3A_24 : memref<10112x32xf32, #tpu.memory_space<hbm>>) target(%arg8 : memref<128x32xf32, #tpu.memory_space<vmem>>) offsets(%dma_start3A_21 : memref<128xi32, #tpu.memory_space<vmem>>) semaphore(%arg13 : memref<!tpu.dma_semaphore, #tpu.memory_space<semaphore_mem>>)
    %dma_start3A_25 = arith.constant 2 : i32
    %dma_start3A_26 = arith.constant 0 : i32
    %dma_start3A_27 = arith.constant 0 : i32
    %dma_start3A_28 = tpu.memref_slice %arg6[%dma_start3A_25, %dma_start3A_26, %dma_start3A_27] : memref<80x2x128xi32, #tpu.memory_space<vmem>> -> memref<1x1x128xi32, #tpu.memory_space<vmem>>
    %dma_start3A_29 = tpu.memref_squeeze %dma_start3A_28 : memref<1x1x128xi32, #tpu.memory_space<vmem>> -> memref<128xi32, #tpu.memory_space<vmem>>
    %dma_start3A_30 = arith.constant 0 : i32
    %dma_start3A_31 = arith.constant 0 : i32
    %dma_start3A_32 = tpu.memref_slice %arg2[%dma_start3A_30, %dma_start3A_31] : memref<10112x32xf32, #tpu.memory_space<hbm>> -> memref<10112x32xf32, #tpu.memory_space<hbm>>
    tpu.enqueue_indirect_dma source(%dma_start3A_32 : memref<10112x32xf32, #tpu.memory_space<hbm>>) target(%arg9 : memref<128x32xf32, #tpu.memory_space<vmem>>) offsets(%dma_start3A_29 : memref<128xi32, #tpu.memory_space<vmem>>) semaphore(%arg14 : memref<!tpu.dma_semaphore, #tpu.memory_space<semaphore_mem>>)
    %scan3A = arith.constant 0 : i32
    %scan3A_33 = arith.constant 0 : i32
    %scan3A_34 = arith.constant 20 : i32
    %scan3A_35 = arith.addi %scan3A_33, %scan3A_34 : i32
    %scan3A_36 = arith.constant 1 : i32
    scf.for %scan3A_66 = %scan3A_33 to %scan3A_35 step %scan3A_36  : i32 {
      %mul3A_67 = arith.constant 4 : i32
      %mul3A_68 = arith.muli %mul3A_67, %scan3A_66 : i32
      %add3A_69 = arith.constant 0 : i32
      %add3A_70 = arith.addi %mul3A_68, %add3A_69 : i32
      %dma_wait3A_71 = arith.constant 0 : i32
      %dma_wait3A_72 = arith.constant 0 : i32
      %dma_wait3A_73 = tpu.memref_slice %arg2[%dma_wait3A_71, %dma_wait3A_72] : memref<10112x32xf32, #tpu.memory_space<hbm>> -> memref<128x32xf32, #tpu.memory_space<hbm>>
      %dma_wait3A_74 = arith.constant 0 : i32
      %dma_wait3A_75 = arith.constant 0 : i32
      %dma_wait3A_76 = tpu.memref_slice %arg2[%dma_wait3A_74, %dma_wait3A_75] : memref<10112x32xf32, #tpu.memory_space<hbm>> -> memref<128x32xf32, #tpu.memory_space<hbm>>
      tpu.wait_dma2 semaphore(%arg12 : memref<!tpu.dma_semaphore, #tpu.memory_space<semaphore_mem>>) src(%dma_wait3A_76 : memref<128x32xf32, #tpu.memory_space<hbm>>) dst(%arg7 : memref<128x32xf32, #tpu.memory_space<vmem>>)
      %dma_start3A_77 = arith.constant 1 : i32
      %dma_start3A_78 = arith.constant 0 : i32
      %dma_start3A_79 = tpu.memref_slice %arg6[%add3A_70, %dma_start3A_77, %dma_start3A_78] : memref<80x2x128xi32, #tpu.memory_space<vmem>> -> memref<1x1x128xi32, #tpu.memory_space<vmem>>
      %dma_start3A_80 = tpu.memref_squeeze %dma_start3A_79 : memref<1x1x128xi32, #tpu.memory_space<vmem>> -> memref<128xi32, #tpu.memory_space<vmem>>
      %dma_start3A_81 = arith.constant 0 : i32
      %dma_start3A_82 = arith.constant 0 : i32
      %dma_start3A_83 = tpu.memref_slice %arg11[%dma_start3A_81, %dma_start3A_82] : memref<10112x32xf32, #tpu.memory_space<vmem_shared>> -> memref<10112x32xf32, #tpu.memory_space<vmem_shared>>
      tpu.enqueue_indirect_dma source(%arg7 : memref<128x32xf32, #tpu.memory_space<vmem>>) target(%dma_start3A_83 : memref<10112x32xf32, #tpu.memory_space<vmem_shared>>) offsets(%dma_start3A_80 : memref<128xi32, #tpu.memory_space<vmem>>) semaphore(%arg16 : memref<!tpu.dma_semaphore, #tpu.memory_space<semaphore_mem>>) {add = true}
      %add3A_84 = arith.constant 3 : i32
      %add3A_85 = arith.addi %add3A_70, %add3A_84 : i32
      %ge3A = arith.constant 1 : i32
      %ge3A_86 = arith.cmpi sge, %add3A_70, %ge3A : i32
      %lt3A = arith.constant 80 : i32
      %lt3A_87 = arith.cmpi slt, %add3A_85, %lt3A : i32
      %and3A = arith.andi %ge3A_86, %lt3A_87 : i1
      %convert_element_type3A_88 = arith.extui %and3A : i1 to i32
      %cond3A_89 = arith.constant 0 : i32
      %cond3A_90 = arith.cmpi ne, %convert_element_type3A_88, %cond3A_89 : i32
      scf.if %cond3A_90 {
        %dma_wait3A_192 = arith.constant 0 : i32
        %dma_wait3A_193 = arith.constant 0 : i32
        %dma_wait3A_194 = tpu.memref_slice %arg2[%dma_wait3A_192, %dma_wait3A_193] : memref<10112x32xf32, #tpu.memory_space<hbm>> -> memref<128x32xf32, #tpu.memory_space<hbm>>
        %dma_wait3A_195 = arith.constant 0 : i32
        %dma_wait3A_196 = arith.constant 0 : i32
        %dma_wait3A_197 = tpu.memref_slice %arg2[%dma_wait3A_195, %dma_wait3A_196] : memref<10112x32xf32, #tpu.memory_space<hbm>> -> memref<128x32xf32, #tpu.memory_space<hbm>>
        tpu.wait_dma2 semaphore(%arg19 : memref<!tpu.dma_semaphore, #tpu.memory_space<semaphore_mem>>) src(%dma_wait3A_197 : memref<128x32xf32, #tpu.memory_space<hbm>>) dst(%arg10 : memref<128x32xf32, #tpu.memory_space<vmem>>)
      } else {
      }
      %lt3A_91 = arith.constant 80 : i32
      %lt3A_92 = arith.cmpi slt, %add3A_85, %lt3A_91 : i32
      %convert_element_type3A_93 = arith.extui %lt3A_92 : i1 to i32
      %cond3A_94 = arith.constant 0 : i32
      %cond3A_95 = arith.cmpi ne, %convert_element_type3A_93, %cond3A_94 : i32
      scf.if %cond3A_95 {
        %dma_start3A_192 = arith.constant 0 : i32
        %dma_start3A_193 = arith.constant 0 : i32
        %dma_start3A_194 = tpu.memref_slice %arg6[%add3A_85, %dma_start3A_192, %dma_start3A_193] : memref<80x2x128xi32, #tpu.memory_space<vmem>> -> memref<1x1x128xi32, #tpu.memory_space<vmem>>
        %dma_start3A_195 = tpu.memref_squeeze %dma_start3A_194 : memref<1x1x128xi32, #tpu.memory_space<vmem>> -> memref<128xi32, #tpu.memory_space<vmem>>
        %dma_start3A_196 = arith.constant 0 : i32
        %dma_start3A_197 = arith.constant 0 : i32
        %dma_start3A_198 = tpu.memref_slice %arg2[%dma_start3A_196, %dma_start3A_197] : memref<10112x32xf32, #tpu.memory_space<hbm>> -> memref<10112x32xf32, #tpu.memory_space<hbm>>
        tpu.enqueue_indirect_dma source(%dma_start3A_198 : memref<10112x32xf32, #tpu.memory_space<hbm>>) target(%arg10 : memref<128x32xf32, #tpu.memory_space<vmem>>) offsets(%dma_start3A_195 : memref<128xi32, #tpu.memory_space<vmem>>) semaphore(%arg15 : memref<!tpu.dma_semaphore, #tpu.memory_space<semaphore_mem>>)
      } else {
      }
      %mul3A_96 = arith.constant 4 : i32
      %mul3A_97 = arith.muli %mul3A_96, %scan3A_66 : i32
      %add3A_98 = arith.constant 1 : i32
      %add3A_99 = arith.addi %mul3A_97, %add3A_98 : i32
      %dma_wait3A_100 = arith.constant 0 : i32
      %dma_wait3A_101 = arith.constant 0 : i32
      %dma_wait3A_102 = tpu.memref_slice %arg2[%dma_wait3A_100, %dma_wait3A_101] : memref<10112x32xf32, #tpu.memory_space<hbm>> -> memref<128x32xf32, #tpu.memory_space<hbm>>
      %dma_wait3A_103 = arith.constant 0 : i32
      %dma_wait3A_104 = arith.constant 0 : i32
      %dma_wait3A_105 = tpu.memref_slice %arg2[%dma_wait3A_103, %dma_wait3A_104] : memref<10112x32xf32, #tpu.memory_space<hbm>> -> memref<128x32xf32, #tpu.memory_space<hbm>>
      tpu.wait_dma2 semaphore(%arg13 : memref<!tpu.dma_semaphore, #tpu.memory_space<semaphore_mem>>) src(%dma_wait3A_105 : memref<128x32xf32, #tpu.memory_space<hbm>>) dst(%arg8 : memref<128x32xf32, #tpu.memory_space<vmem>>)
      %dma_start3A_106 = arith.constant 1 : i32
      %dma_start3A_107 = arith.constant 0 : i32
      %dma_start3A_108 = tpu.memref_slice %arg6[%add3A_99, %dma_start3A_106, %dma_start3A_107] : memref<80x2x128xi32, #tpu.memory_space<vmem>> -> memref<1x1x128xi32, #tpu.memory_space<vmem>>
      %dma_start3A_109 = tpu.memref_squeeze %dma_start3A_108 : memref<1x1x128xi32, #tpu.memory_space<vmem>> -> memref<128xi32, #tpu.memory_space<vmem>>
      %dma_start3A_110 = arith.constant 0 : i32
      %dma_start3A_111 = arith.constant 0 : i32
      %dma_start3A_112 = tpu.memref_slice %arg11[%dma_start3A_110, %dma_start3A_111] : memref<10112x32xf32, #tpu.memory_space<vmem_shared>> -> memref<10112x32xf32, #tpu.memory_space<vmem_shared>>
      tpu.enqueue_indirect_dma source(%arg8 : memref<128x32xf32, #tpu.memory_space<vmem>>) target(%dma_start3A_112 : memref<10112x32xf32, #tpu.memory_space<vmem_shared>>) offsets(%dma_start3A_109 : memref<128xi32, #tpu.memory_space<vmem>>) semaphore(%arg17 : memref<!tpu.dma_semaphore, #tpu.memory_space<semaphore_mem>>) {add = true}
      %add3A_113 = arith.constant 3 : i32
      %add3A_114 = arith.addi %add3A_99, %add3A_113 : i32
      %ge3A_115 = arith.constant 1 : i32
      %ge3A_116 = arith.cmpi sge, %add3A_99, %ge3A_115 : i32
      %lt3A_117 = arith.constant 80 : i32
      %lt3A_118 = arith.cmpi slt, %add3A_114, %lt3A_117 : i32
      %and3A_119 = arith.andi %ge3A_116, %lt3A_118 : i1
      %convert_element_type3A_120 = arith.extui %and3A_119 : i1 to i32
      %cond3A_121 = arith.constant 0 : i32
      %cond3A_122 = arith.cmpi ne, %convert_element_type3A_120, %cond3A_121 : i32
      scf.if %cond3A_122 {
        %dma_wait3A_192 = arith.constant 0 : i32
        %dma_wait3A_193 = arith.constant 0 : i32
        %dma_wait3A_194 = tpu.memref_slice %arg2[%dma_wait3A_192, %dma_wait3A_193] : memref<10112x32xf32, #tpu.memory_space<hbm>> -> memref<128x32xf32, #tpu.memory_space<hbm>>
        %dma_wait3A_195 = arith.constant 0 : i32
        %dma_wait3A_196 = arith.constant 0 : i32
        %dma_wait3A_197 = tpu.memref_slice %arg2[%dma_wait3A_195, %dma_wait3A_196] : memref<10112x32xf32, #tpu.memory_space<hbm>> -> memref<128x32xf32, #tpu.memory_space<hbm>>
        tpu.wait_dma2 semaphore(%arg16 : memref<!tpu.dma_semaphore, #tpu.memory_space<semaphore_mem>>) src(%dma_wait3A_197 : memref<128x32xf32, #tpu.memory_space<hbm>>) dst(%arg7 : memref<128x32xf32, #tpu.memory_space<vmem>>)
      } else {
      }
      %lt3A_123 = arith.constant 80 : i32
      %lt3A_124 = arith.cmpi slt, %add3A_114, %lt3A_123 : i32
      %convert_element_type3A_125 = arith.extui %lt3A_124 : i1 to i32
      %cond3A_126 = arith.constant 0 : i32
      %cond3A_127 = arith.cmpi ne, %convert_element_type3A_125, %cond3A_126 : i32
      scf.if %cond3A_127 {
        %dma_start3A_192 = arith.constant 0 : i32
        %dma_start3A_193 = arith.constant 0 : i32
        %dma_start3A_194 = tpu.memref_slice %arg6[%add3A_114, %dma_start3A_192, %dma_start3A_193] : memref<80x2x128xi32, #tpu.memory_space<vmem>> -> memref<1x1x128xi32, #tpu.memory_space<vmem>>
        %dma_start3A_195 = tpu.memref_squeeze %dma_start3A_194 : memref<1x1x128xi32, #tpu.memory_space<vmem>> -> memref<128xi32, #tpu.memory_space<vmem>>
        %dma_start3A_196 = arith.constant 0 : i32
        %dma_start3A_197 = arith.constant 0 : i32
        %dma_start3A_198 = tpu.memref_slice %arg2[%dma_start3A_196, %dma_start3A_197] : memref<10112x32xf32, #tpu.memory_space<hbm>> -> memref<10112x32xf32, #tpu.memory_space<hbm>>
        tpu.enqueue_indirect_dma source(%dma_start3A_198 : memref<10112x32xf32, #tpu.memory_space<hbm>>) target(%arg7 : memref<128x32xf32, #tpu.memory_space<vmem>>) offsets(%dma_start3A_195 : memref<128xi32, #tpu.memory_space<vmem>>) semaphore(%arg12 : memref<!tpu.dma_semaphore, #tpu.memory_space<semaphore_mem>>)
      } else {
      }
      %mul3A_128 = arith.constant 4 : i32
      %mul3A_129 = arith.muli %mul3A_128, %scan3A_66 : i32
      %add3A_130 = arith.constant 2 : i32
      %add3A_131 = arith.addi %mul3A_129, %add3A_130 : i32
      %dma_wait3A_132 = arith.constant 0 : i32
      %dma_wait3A_133 = arith.constant 0 : i32
      %dma_wait3A_134 = tpu.memref_slice %arg2[%dma_wait3A_132, %dma_wait3A_133] : memref<10112x32xf32, #tpu.memory_space<hbm>> -> memref<128x32xf32, #tpu.memory_space<hbm>>
      %dma_wait3A_135 = arith.constant 0 : i32
      %dma_wait3A_136 = arith.constant 0 : i32
      %dma_wait3A_137 = tpu.memref_slice %arg2[%dma_wait3A_135, %dma_wait3A_136] : memref<10112x32xf32, #tpu.memory_space<hbm>> -> memref<128x32xf32, #tpu.memory_space<hbm>>
      tpu.wait_dma2 semaphore(%arg14 : memref<!tpu.dma_semaphore, #tpu.memory_space<semaphore_mem>>) src(%dma_wait3A_137 : memref<128x32xf32, #tpu.memory_space<hbm>>) dst(%arg9 : memref<128x32xf32, #tpu.memory_space<vmem>>)
      %dma_start3A_138 = arith.constant 1 : i32
      %dma_start3A_139 = arith.constant 0 : i32
      %dma_start3A_140 = tpu.memref_slice %arg6[%add3A_131, %dma_start3A_138, %dma_start3A_139] : memref<80x2x128xi32, #tpu.memory_space<vmem>> -> memref<1x1x128xi32, #tpu.memory_space<vmem>>
      %dma_start3A_141 = tpu.memref_squeeze %dma_start3A_140 : memref<1x1x128xi32, #tpu.memory_space<vmem>> -> memref<128xi32, #tpu.memory_space<vmem>>
      %dma_start3A_142 = arith.constant 0 : i32
      %dma_start3A_143 = arith.constant 0 : i32
      %dma_start3A_144 = tpu.memref_slice %arg11[%dma_start3A_142, %dma_start3A_143] : memref<10112x32xf32, #tpu.memory_space<vmem_shared>> -> memref<10112x32xf32, #tpu.memory_space<vmem_shared>>
      tpu.enqueue_indirect_dma source(%arg9 : memref<128x32xf32, #tpu.memory_space<vmem>>) target(%dma_start3A_144 : memref<10112x32xf32, #tpu.memory_space<vmem_shared>>) offsets(%dma_start3A_141 : memref<128xi32, #tpu.memory_space<vmem>>) semaphore(%arg18 : memref<!tpu.dma_semaphore, #tpu.memory_space<semaphore_mem>>) {add = true}
      %add3A_145 = arith.constant 3 : i32
      %add3A_146 = arith.addi %add3A_131, %add3A_145 : i32
      %ge3A_147 = arith.constant 1 : i32
      %ge3A_148 = arith.cmpi sge, %add3A_131, %ge3A_147 : i32
      %lt3A_149 = arith.constant 80 : i32
      %lt3A_150 = arith.cmpi slt, %add3A_146, %lt3A_149 : i32
      %and3A_151 = arith.andi %ge3A_148, %lt3A_150 : i1
      %convert_element_type3A_152 = arith.extui %and3A_151 : i1 to i32
      %cond3A_153 = arith.constant 0 : i32
      %cond3A_154 = arith.cmpi ne, %convert_element_type3A_152, %cond3A_153 : i32
      scf.if %cond3A_154 {
        %dma_wait3A_192 = arith.constant 0 : i32
        %dma_wait3A_193 = arith.constant 0 : i32
        %dma_wait3A_194 = tpu.memref_slice %arg2[%dma_wait3A_192, %dma_wait3A_193] : memref<10112x32xf32, #tpu.memory_space<hbm>> -> memref<128x32xf32, #tpu.memory_space<hbm>>
        %dma_wait3A_195 = arith.constant 0 : i32
        %dma_wait3A_196 = arith.constant 0 : i32
        %dma_wait3A_197 = tpu.memref_slice %arg2[%dma_wait3A_195, %dma_wait3A_196] : memref<10112x32xf32, #tpu.memory_space<hbm>> -> memref<128x32xf32, #tpu.memory_space<hbm>>
        tpu.wait_dma2 semaphore(%arg17 : memref<!tpu.dma_semaphore, #tpu.memory_space<semaphore_mem>>) src(%dma_wait3A_197 : memref<128x32xf32, #tpu.memory_space<hbm>>) dst(%arg8 : memref<128x32xf32, #tpu.memory_space<vmem>>)
      } else {
      }
      %lt3A_155 = arith.constant 80 : i32
      %lt3A_156 = arith.cmpi slt, %add3A_146, %lt3A_155 : i32
      %convert_element_type3A_157 = arith.extui %lt3A_156 : i1 to i32
      %cond3A_158 = arith.constant 0 : i32
      %cond3A_159 = arith.cmpi ne, %convert_element_type3A_157, %cond3A_158 : i32
      scf.if %cond3A_159 {
        %dma_start3A_192 = arith.constant 0 : i32
        %dma_start3A_193 = arith.constant 0 : i32
        %dma_start3A_194 = tpu.memref_slice %arg6[%add3A_146, %dma_start3A_192, %dma_start3A_193] : memref<80x2x128xi32, #tpu.memory_space<vmem>> -> memref<1x1x128xi32, #tpu.memory_space<vmem>>
        %dma_start3A_195 = tpu.memref_squeeze %dma_start3A_194 : memref<1x1x128xi32, #tpu.memory_space<vmem>> -> memref<128xi32, #tpu.memory_space<vmem>>
        %dma_start3A_196 = arith.constant 0 : i32
        %dma_start3A_197 = arith.constant 0 : i32
        %dma_start3A_198 = tpu.memref_slice %arg2[%dma_start3A_196, %dma_start3A_197] : memref<10112x32xf32, #tpu.memory_space<hbm>> -> memref<10112x32xf32, #tpu.memory_space<hbm>>
        tpu.enqueue_indirect_dma source(%dma_start3A_198 : memref<10112x32xf32, #tpu.memory_space<hbm>>) target(%arg8 : memref<128x32xf32, #tpu.memory_space<vmem>>) offsets(%dma_start3A_195 : memref<128xi32, #tpu.memory_space<vmem>>) semaphore(%arg13 : memref<!tpu.dma_semaphore, #tpu.memory_space<semaphore_mem>>)
      } else {
      }
      %mul3A_160 = arith.constant 4 : i32
      %mul3A_161 = arith.muli %mul3A_160, %scan3A_66 : i32
      %add3A_162 = arith.constant 3 : i32
      %add3A_163 = arith.addi %mul3A_161, %add3A_162 : i32
      %dma_wait3A_164 = arith.constant 0 : i32
      %dma_wait3A_165 = arith.constant 0 : i32
      %dma_wait3A_166 = tpu.memref_slice %arg2[%dma_wait3A_164, %dma_wait3A_165] : memref<10112x32xf32, #tpu.memory_space<hbm>> -> memref<128x32xf32, #tpu.memory_space<hbm>>
      %dma_wait3A_167 = arith.constant 0 : i32
      %dma_wait3A_168 = arith.constant 0 : i32
      %dma_wait3A_169 = tpu.memref_slice %arg2[%dma_wait3A_167, %dma_wait3A_168] : memref<10112x32xf32, #tpu.memory_space<hbm>> -> memref<128x32xf32, #tpu.memory_space<hbm>>
      tpu.wait_dma2 semaphore(%arg15 : memref<!tpu.dma_semaphore, #tpu.memory_space<semaphore_mem>>) src(%dma_wait3A_169 : memref<128x32xf32, #tpu.memory_space<hbm>>) dst(%arg10 : memref<128x32xf32, #tpu.memory_space<vmem>>)
      %dma_start3A_170 = arith.constant 1 : i32
      %dma_start3A_171 = arith.constant 0 : i32
      %dma_start3A_172 = tpu.memref_slice %arg6[%add3A_163, %dma_start3A_170, %dma_start3A_171] : memref<80x2x128xi32, #tpu.memory_space<vmem>> -> memref<1x1x128xi32, #tpu.memory_space<vmem>>
      %dma_start3A_173 = tpu.memref_squeeze %dma_start3A_172 : memref<1x1x128xi32, #tpu.memory_space<vmem>> -> memref<128xi32, #tpu.memory_space<vmem>>
      %dma_start3A_174 = arith.constant 0 : i32
      %dma_start3A_175 = arith.constant 0 : i32
      %dma_start3A_176 = tpu.memref_slice %arg11[%dma_start3A_174, %dma_start3A_175] : memref<10112x32xf32, #tpu.memory_space<vmem_shared>> -> memref<10112x32xf32, #tpu.memory_space<vmem_shared>>
      tpu.enqueue_indirect_dma source(%arg10 : memref<128x32xf32, #tpu.memory_space<vmem>>) target(%dma_start3A_176 : memref<10112x32xf32, #tpu.memory_space<vmem_shared>>) offsets(%dma_start3A_173 : memref<128xi32, #tpu.memory_space<vmem>>) semaphore(%arg19 : memref<!tpu.dma_semaphore, #tpu.memory_space<semaphore_mem>>) {add = true}
      %add3A_177 = arith.constant 3 : i32
      %add3A_178 = arith.addi %add3A_163, %add3A_177 : i32
      %ge3A_179 = arith.constant 1 : i32
      %ge3A_180 = arith.cmpi sge, %add3A_163, %ge3A_179 : i32
      %lt3A_181 = arith.constant 80 : i32
      %lt3A_182 = arith.cmpi slt, %add3A_178, %lt3A_181 : i32
      %and3A_183 = arith.andi %ge3A_180, %lt3A_182 : i1
      %convert_element_type3A_184 = arith.extui %and3A_183 : i1 to i32
      %cond3A_185 = arith.constant 0 : i32
      %cond3A_186 = arith.cmpi ne, %convert_element_type3A_184, %cond3A_185 : i32
      scf.if %cond3A_186 {
        %dma_wait3A_192 = arith.constant 0 : i32
        %dma_wait3A_193 = arith.constant 0 : i32
        %dma_wait3A_194 = tpu.memref_slice %arg2[%dma_wait3A_192, %dma_wait3A_193] : memref<10112x32xf32, #tpu.memory_space<hbm>> -> memref<128x32xf32, #tpu.memory_space<hbm>>
        %dma_wait3A_195 = arith.constant 0 : i32
        %dma_wait3A_196 = arith.constant 0 : i32
        %dma_wait3A_197 = tpu.memref_slice %arg2[%dma_wait3A_195, %dma_wait3A_196] : memref<10112x32xf32, #tpu.memory_space<hbm>> -> memref<128x32xf32, #tpu.memory_space<hbm>>
        tpu.wait_dma2 semaphore(%arg18 : memref<!tpu.dma_semaphore, #tpu.memory_space<semaphore_mem>>) src(%dma_wait3A_197 : memref<128x32xf32, #tpu.memory_space<hbm>>) dst(%arg9 : memref<128x32xf32, #tpu.memory_space<vmem>>)
      } else {
      }
      %lt3A_187 = arith.constant 80 : i32
      %lt3A_188 = arith.cmpi slt, %add3A_178, %lt3A_187 : i32
      %convert_element_type3A_189 = arith.extui %lt3A_188 : i1 to i32
      %cond3A_190 = arith.constant 0 : i32
      %cond3A_191 = arith.cmpi ne, %convert_element_type3A_189, %cond3A_190 : i32
      scf.if %cond3A_191 {
        %dma_start3A_192 = arith.constant 0 : i32
        %dma_start3A_193 = arith.constant 0 : i32
        %dma_start3A_194 = tpu.memref_slice %arg6[%add3A_178, %dma_start3A_192, %dma_start3A_193] : memref<80x2x128xi32, #tpu.memory_space<vmem>> -> memref<1x1x128xi32, #tpu.memory_space<vmem>>
        %dma_start3A_195 = tpu.memref_squeeze %dma_start3A_194 : memref<1x1x128xi32, #tpu.memory_space<vmem>> -> memref<128xi32, #tpu.memory_space<vmem>>
        %dma_start3A_196 = arith.constant 0 : i32
        %dma_start3A_197 = arith.constant 0 : i32
        %dma_start3A_198 = tpu.memref_slice %arg2[%dma_start3A_196, %dma_start3A_197] : memref<10112x32xf32, #tpu.memory_space<hbm>> -> memref<10112x32xf32, #tpu.memory_space<hbm>>
        tpu.enqueue_indirect_dma source(%dma_start3A_198 : memref<10112x32xf32, #tpu.memory_space<hbm>>) target(%arg9 : memref<128x32xf32, #tpu.memory_space<vmem>>) offsets(%dma_start3A_195 : memref<128xi32, #tpu.memory_space<vmem>>) semaphore(%arg14 : memref<!tpu.dma_semaphore, #tpu.memory_space<semaphore_mem>>)
      } else {
      }
    }
    %scan3A_37 = arith.constant 20 : i32
    %dma_wait3A = arith.constant 0 : i32
    %dma_wait3A_38 = arith.constant 0 : i32
    %dma_wait3A_39 = tpu.memref_slice %arg2[%dma_wait3A, %dma_wait3A_38] : memref<10112x32xf32, #tpu.memory_space<hbm>> -> memref<128x32xf32, #tpu.memory_space<hbm>>
    %dma_wait3A_40 = arith.constant 0 : i32
    %dma_wait3A_41 = arith.constant 0 : i32
    %dma_wait3A_42 = tpu.memref_slice %arg2[%dma_wait3A_40, %dma_wait3A_41] : memref<10112x32xf32, #tpu.memory_space<hbm>> -> memref<128x32xf32, #tpu.memory_space<hbm>>
    tpu.wait_dma2 semaphore(%arg16 : memref<!tpu.dma_semaphore, #tpu.memory_space<semaphore_mem>>) src(%dma_wait3A_42 : memref<128x32xf32, #tpu.memory_space<hbm>>) dst(%arg7 : memref<128x32xf32, #tpu.memory_space<vmem>>)
    %dma_wait3A_43 = arith.constant 0 : i32
    %dma_wait3A_44 = arith.constant 0 : i32
    %dma_wait3A_45 = tpu.memref_slice %arg2[%dma_wait3A_43, %dma_wait3A_44] : memref<10112x32xf32, #tpu.memory_space<hbm>> -> memref<128x32xf32, #tpu.memory_space<hbm>>
    %dma_wait3A_46 = arith.constant 0 : i32
    %dma_wait3A_47 = arith.constant 0 : i32
    %dma_wait3A_48 = tpu.memref_slice %arg2[%dma_wait3A_46, %dma_wait3A_47] : memref<10112x32xf32, #tpu.memory_space<hbm>> -> memref<128x32xf32, #tpu.memory_space<hbm>>
    tpu.wait_dma2 semaphore(%arg17 : memref<!tpu.dma_semaphore, #tpu.memory_space<semaphore_mem>>) src(%dma_wait3A_48 : memref<128x32xf32, #tpu.memory_space<hbm>>) dst(%arg8 : memref<128x32xf32, #tpu.memory_space<vmem>>)
    %dma_wait3A_49 = arith.constant 0 : i32
    %dma_wait3A_50 = arith.constant 0 : i32
    %dma_wait3A_51 = tpu.memref_slice %arg2[%dma_wait3A_49, %dma_wait3A_50] : memref<10112x32xf32, #tpu.memory_space<hbm>> -> memref<128x32xf32, #tpu.memory_space<hbm>>
    %dma_wait3A_52 = arith.constant 0 : i32
    %dma_wait3A_53 = arith.constant 0 : i32
    %dma_wait3A_54 = tpu.memref_slice %arg2[%dma_wait3A_52, %dma_wait3A_53] : memref<10112x32xf32, #tpu.memory_space<hbm>> -> memref<128x32xf32, #tpu.memory_space<hbm>>
    tpu.wait_dma2 semaphore(%arg18 : memref<!tpu.dma_semaphore, #tpu.memory_space<semaphore_mem>>) src(%dma_wait3A_54 : memref<128x32xf32, #tpu.memory_space<hbm>>) dst(%arg9 : memref<128x32xf32, #tpu.memory_space<vmem>>)
    %dma_wait3A_55 = arith.constant 0 : i32
    %dma_wait3A_56 = arith.constant 0 : i32
    %dma_wait3A_57 = tpu.memref_slice %arg2[%dma_wait3A_55, %dma_wait3A_56] : memref<10112x32xf32, #tpu.memory_space<hbm>> -> memref<128x32xf32, #tpu.memory_space<hbm>>
    %dma_wait3A_58 = arith.constant 0 : i32
    %dma_wait3A_59 = arith.constant 0 : i32
    %dma_wait3A_60 = tpu.memref_slice %arg2[%dma_wait3A_58, %dma_wait3A_59] : memref<10112x32xf32, #tpu.memory_space<hbm>> -> memref<128x32xf32, #tpu.memory_space<hbm>>
    tpu.wait_dma2 semaphore(%arg19 : memref<!tpu.dma_semaphore, #tpu.memory_space<semaphore_mem>>) src(%dma_wait3A_60 : memref<128x32xf32, #tpu.memory_space<hbm>>) dst(%arg10 : memref<128x32xf32, #tpu.memory_space<vmem>>)
    %barrier3A_61 = arith.constant 0 : index
    tpu.barrier barrier_id(%barrier3A_61)
    %mul3A_62 = arith.constant 632 : i32
    %mul3A_63 = arith.muli %arg1, %mul3A_62 : i32
    %mul3A_64 = arith.constant 632 : i32
    %mul3A_65 = arith.muli %arg1, %mul3A_64 : i32
    "tpu.region"() ({
      %run_scoped3A = tpu.sem_alloc : memref<!tpu.dma_semaphore, #tpu.memory_space<semaphore_mem>>
      %dma_start3A_66 = arith.constant 0 : i32
      %dma_start3A_67 = tpu.memref_slice %arg5[%arg0, %mul3A_65, %dma_start3A_66] : memref<2x10112x32xf32, #tpu.memory_space<hbm>> -> memref<1x632x32xf32, #tpu.memory_space<hbm>>
      %dma_start3A_68 = tpu.memref_squeeze %dma_start3A_67 : memref<1x632x32xf32, #tpu.memory_space<hbm>> -> memref<632x32xf32, #tpu.memory_space<hbm>>
      %dma_start3A_69 = arith.constant 0 : i32
      %dma_start3A_70 = tpu.memref_slice %arg11[%mul3A_63, %dma_start3A_69] : memref<10112x32xf32, #tpu.memory_space<vmem_shared>> -> memref<632x32xf32, #tpu.memory_space<vmem_shared>>
      tpu.enqueue_dma source(%dma_start3A_70 : memref<632x32xf32, #tpu.memory_space<vmem_shared>>) target(%dma_start3A_68 : memref<632x32xf32, #tpu.memory_space<hbm>>) target_semaphore(%run_scoped3A : memref<!tpu.dma_semaphore, #tpu.memory_space<semaphore_mem>>)
      %dma_wait3A_71 = arith.constant 0 : i32
      %dma_wait3A_72 = tpu.memref_slice %arg5[%arg0, %mul3A_65, %dma_wait3A_71] : memref<2x10112x32xf32, #tpu.memory_space<hbm>> -> memref<1x632x32xf32, #tpu.memory_space<hbm>>
      %dma_wait3A_73 = tpu.memref_squeeze %dma_wait3A_72 : memref<1x632x32xf32, #tpu.memory_space<hbm>> -> memref<632x32xf32, #tpu.memory_space<hbm>>
      %dma_wait3A_74 = arith.constant 0 : i32
      %dma_wait3A_75 = tpu.memref_slice %arg11[%mul3A_63, %dma_wait3A_74] : memref<10112x32xf32, #tpu.memory_space<vmem_shared>> -> memref<632x32xf32, #tpu.memory_space<vmem_shared>>
      tpu.wait_dma2 semaphore(%run_scoped3A : memref<!tpu.dma_semaphore, #tpu.memory_space<semaphore_mem>>) src(%dma_wait3A_75 : memref<632x32xf32, #tpu.memory_space<vmem_shared>>) dst(%dma_wait3A_73 : memref<632x32xf32, #tpu.memory_space<hbm>>)
      tpu.yield
    }) : () -> ()
    return
  }
}

module attributes {stable_mosaic.version = 14 : i64} {
  func.func @_mm_first_body(%arg0: i32, %arg1: memref<1264x128xf32, #tpu.memory_space<vmem>>, %arg2: memref<128x128xf32, #tpu.memory_space<vmem>>, %arg3: memref<1264x2xf32, #tpu.memory_space<vmem>>, %arg4: memref<1264x128xf32, #tpu.memory_space<vmem>>) attributes {dimension_semantics = [#tpu.dimension_semantics<arbitrary>], iteration_bounds = array<i64: 8>, scalar_prefetch = 0 : i64, scratch_operands = 0 : i64, tpu.core_type = #tpu.core_type<tc>, window_params = [{transform_indices = @transform_0, window_bounds = array<i64: 1264, 128>}, {pipeline_mode = #tpu.pipeline_mode<synchronous>, transform_indices = @transform_1, window_bounds = array<i64: 128, 128>}, {transform_indices = @transform_2, window_bounds = array<i64: 1264, 2>}, {transform_indices = @transform_3, window_bounds = array<i64: 1264, 128>}]} {
    %get3A = arith.constant 0 : index
    %get3A_0 = arith.constant 0 : index
    %get3A_1 = vector.load %arg3[%get3A, %get3A_0] : memref<1264x2xf32, #tpu.memory_space<vmem>>, vector<1264x1xf32>
    %get3A_2 = vector.shape_cast %get3A_1 : vector<1264x1xf32> to vector<1264xf32>
    %get3A_3 = arith.constant 0 : index
    %get3A_4 = arith.constant 1 : index
    %get3A_5 = vector.load %arg3[%get3A_3, %get3A_4] : memref<1264x2xf32, #tpu.memory_space<vmem>>, vector<1264x1xf32>
    %get3A_6 = vector.shape_cast %get3A_5 : vector<1264x1xf32> to vector<1264xf32>
    %add3A = arith.addf %get3A_2, %get3A_6 : vector<1264xf32>
    %add3A_7 = arith.constant 1.000000e+00 : f32
    %add3A_8 = vector.broadcast %add3A_7 : f32 to vector<1264xf32>
    %add3A_9 = arith.addf %add3A, %add3A_8 : vector<1264xf32>
    %rsqrt3A = math.rsqrt %add3A_9 : vector<1264xf32>
    %get3A_10 = arith.constant 0 : index
    %get3A_11 = arith.constant 0 : index
    %get3A_12 = vector.load %arg1[%get3A_10, %get3A_11] : memref<1264x128xf32, #tpu.memory_space<vmem>>, vector<1264x128xf32>
    %get3A_13 = arith.constant 0 : index
    %get3A_14 = arith.constant 0 : index
    %get3A_15 = vector.load %arg2[%get3A_13, %get3A_14] : memref<128x128xf32, #tpu.memory_space<vmem>>, vector<128x128xf32>
    %dot_general3A = arith.constant dense<0.000000e+00> : vector<1264x128xf32>
    %dot_general3A_16 = tpu.matmul %get3A_12, %get3A_15, %dot_general3A {dimension_numbers = #tpu.dot_dimension_numbers<[1], [0], [0], [1], [0, 0, 1, 1], [], []>, transpose_lhs_hint = false} : vector<1264x128xf32>, vector<128x128xf32>, vector<1264x128xf32> -> vector<1264x128xf32>
    %broadcast_in_dim3A = vector.shape_cast %rsqrt3A : vector<1264xf32> to vector<1264x1xf32>
    %mul3A = vector.broadcast %broadcast_in_dim3A : vector<1264x1xf32> to vector<1264x128xf32>
    %mul3A_17 = arith.mulf %dot_general3A_16, %mul3A : vector<1264x128xf32>
    %swap3A = arith.constant 0 : index
    %swap3A_18 = arith.constant 0 : index
    %swap3A_19 = vector.load %arg4[%swap3A, %swap3A_18] : memref<1264x128xf32, #tpu.memory_space<vmem>>, vector<1264x128xf32>
    tpu.vector_store %arg4[%swap3A, %swap3A_18], %mul3A_17 {strides = array<i32>} : memref<1264x128xf32, #tpu.memory_space<vmem>>, vector<1264x128xf32>,
    return
  }
  func.func @transform_0(%arg0: i32) -> (i32, i32) {
    %c0_i32 = arith.constant 0 : i32
    %c0_i32_0 = arith.constant 0 : i32
    return %arg0, %c0_i32 : i32, i32
  }
  func.func @transform_1(%arg0: i32) -> (i32, i32) {
    %c0_i32 = arith.constant 0 : i32
    %c0_i32_0 = arith.constant 0 : i32
    %c0_i32_1 = arith.constant 0 : i32
    return %c0_i32, %c0_i32_0 : i32, i32
  }
  func.func @transform_2(%arg0: i32) -> (i32, i32) {
    %c0_i32 = arith.constant 0 : i32
    %c0_i32_0 = arith.constant 0 : i32
    return %arg0, %c0_i32 : i32, i32
  }
  func.func @transform_3(%arg0: i32) -> (i32, i32) {
    %c0_i32 = arith.constant 0 : i32
    %c0_i32_0 = arith.constant 0 : i32
    return %arg0, %c0_i32 : i32, i32
  }
}

module attributes {stable_mosaic.version = 14 : i64} {
  func.func @_mm_mid_body(%arg0: i32, %arg1: memref<2x1264x128xf32, #tpu.memory_space<vmem>>, %arg2: memref<1264x2xf32, #tpu.memory_space<vmem>>, %arg3: memref<1x128xf32, #tpu.memory_space<vmem>>, %arg4: memref<128x128xf32, #tpu.memory_space<vmem>>, %arg5: memref<1264x128xf32, #tpu.memory_space<vmem>>) attributes {dimension_semantics = [#tpu.dimension_semantics<arbitrary>], iteration_bounds = array<i64: 8>, scalar_prefetch = 0 : i64, scratch_operands = 0 : i64, tpu.core_type = #tpu.core_type<tc>, window_params = [{transform_indices = @transform_0, window_bounds = array<i64: 2, 1264, 128>}, {transform_indices = @transform_1, window_bounds = array<i64: 1264, 2>}, {pipeline_mode = #tpu.pipeline_mode<synchronous>, transform_indices = @transform_2, window_bounds = array<i64: 1, 128>}, {pipeline_mode = #tpu.pipeline_mode<synchronous>, transform_indices = @transform_3, window_bounds = array<i64: 128, 128>}, {transform_indices = @transform_4, window_bounds = array<i64: 1264, 128>}]} {
    %get3A = arith.constant 0 : index
    %get3A_0 = arith.constant 0 : index
    %get3A_1 = vector.load %arg2[%get3A, %get3A_0] : memref<1264x2xf32, #tpu.memory_space<vmem>>, vector<1264x1xf32>
    %get3A_2 = vector.shape_cast %get3A_1 : vector<1264x1xf32> to vector<1264xf32>
    %get3A_3 = arith.constant 0 : index
    %get3A_4 = arith.constant 1 : index
    %get3A_5 = vector.load %arg2[%get3A_3, %get3A_4] : memref<1264x2xf32, #tpu.memory_space<vmem>>, vector<1264x1xf32>
    %get3A_6 = vector.shape_cast %get3A_5 : vector<1264x1xf32> to vector<1264xf32>
    %add3A = arith.addf %get3A_2, %get3A_6 : vector<1264xf32>
    %add3A_7 = arith.constant 1.000000e+00 : f32
    %add3A_8 = vector.broadcast %add3A_7 : f32 to vector<1264xf32>
    %add3A_9 = arith.addf %add3A, %add3A_8 : vector<1264xf32>
    %rsqrt3A = math.rsqrt %add3A_9 : vector<1264xf32>
    %get3A_10 = arith.constant 0 : index
    %get3A_11 = arith.constant 0 : index
    %get3A_12 = arith.constant 0 : index
    %get3A_13 = vector.load %arg1[%get3A_10, %get3A_11, %get3A_12] : memref<2x1264x128xf32, #tpu.memory_space<vmem>>, vector<1x1264x128xf32>
    %get3A_14 = vector.shape_cast %get3A_13 : vector<1x1264x128xf32> to vector<1264x128xf32>
    %get3A_15 = arith.constant 1 : index
    %get3A_16 = arith.constant 0 : index
    %get3A_17 = arith.constant 0 : index
    %get3A_18 = vector.load %arg1[%get3A_15, %get3A_16, %get3A_17] : memref<2x1264x128xf32, #tpu.memory_space<vmem>>, vector<1x1264x128xf32>
    %get3A_19 = vector.shape_cast %get3A_18 : vector<1x1264x128xf32> to vector<1264x128xf32>
    %add3A_20 = arith.addf %get3A_14, %get3A_19 : vector<1264x128xf32>
    %broadcast_in_dim3A = vector.shape_cast %rsqrt3A : vector<1264xf32> to vector<1264x1xf32>
    %mul3A = vector.broadcast %broadcast_in_dim3A : vector<1264x1xf32> to vector<1264x128xf32>
    %mul3A_21 = arith.mulf %mul3A, %add3A_20 : vector<1264x128xf32>
    %get3A_22 = arith.constant 0 : index
    %get3A_23 = arith.constant 0 : index
    %get3A_24 = vector.load %arg3[%get3A_22, %get3A_23] : memref<1x128xf32, #tpu.memory_space<vmem>>, vector<1x128xf32>
    %add3A_25 = vector.broadcast %get3A_24 : vector<1x128xf32> to vector<1264x128xf32>
    %add3A_26 = arith.addf %mul3A_21, %add3A_25 : vector<1264x128xf32>
    %max3A = arith.constant 0.000000e+00 : f32
    %max3A_27 = vector.broadcast %max3A : f32 to vector<1264x128xf32>
    %max3A_28 = arith.maximumf %add3A_26, %max3A_27 : vector<1264x128xf32>
    %get3A_29 = arith.constant 0 : index
    %get3A_30 = arith.constant 0 : index
    %get3A_31 = vector.load %arg4[%get3A_29, %get3A_30] : memref<128x128xf32, #tpu.memory_space<vmem>>, vector<128x128xf32>
    %dot_general3A = arith.constant dense<0.000000e+00> : vector<1264x128xf32>
    %dot_general3A_32 = tpu.matmul %max3A_28, %get3A_31, %dot_general3A {dimension_numbers = #tpu.dot_dimension_numbers<[1], [0], [0], [1], [0, 0, 1, 1], [], []>, transpose_lhs_hint = false} : vector<1264x128xf32>, vector<128x128xf32>, vector<1264x128xf32> -> vector<1264x128xf32>
    %broadcast_in_dim3A_33 = vector.shape_cast %rsqrt3A : vector<1264xf32> to vector<1264x1xf32>
    %mul3A_34 = vector.broadcast %broadcast_in_dim3A_33 : vector<1264x1xf32> to vector<1264x128xf32>
    %mul3A_35 = arith.mulf %dot_general3A_32, %mul3A_34 : vector<1264x128xf32>
    %swap3A = arith.constant 0 : index
    %swap3A_36 = arith.constant 0 : index
    %swap3A_37 = vector.load %arg5[%swap3A, %swap3A_36] : memref<1264x128xf32, #tpu.memory_space<vmem>>, vector<1264x128xf32>
    tpu.vector_store %arg5[%swap3A, %swap3A_36], %mul3A_35 {strides = array<i32>} : memref<1264x128xf32, #tpu.memory_space<vmem>>, vector<1264x128xf32>,
    return
  }
  func.func @transform_0(%arg0: i32) -> (i32, i32, i32) {
    %c0_i32 = arith.constant 0 : i32
    %c0_i32_0 = arith.constant 0 : i32
    %c0_i32_1 = arith.constant 0 : i32
    return %c0_i32, %arg0, %c0_i32_0 : i32, i32, i32
  }
  func.func @transform_1(%arg0: i32) -> (i32, i32) {
    %c0_i32 = arith.constant 0 : i32
    %c0_i32_0 = arith.constant 0 : i32
    return %arg0, %c0_i32 : i32, i32
  }
  func.func @transform_2(%arg0: i32) -> (i32, i32) {
    %c0_i32 = arith.constant 0 : i32
    %c0_i32_0 = arith.constant 0 : i32
    %c0_i32_1 = arith.constant 0 : i32
    return %c0_i32, %c0_i32_0 : i32, i32
  }
  func.func @transform_3(%arg0: i32) -> (i32, i32) {
    %c0_i32 = arith.constant 0 : i32
    %c0_i32_0 = arith.constant 0 : i32
    %c0_i32_1 = arith.constant 0 : i32
    return %c0_i32, %c0_i32_0 : i32, i32
  }
  func.func @transform_4(%arg0: i32) -> (i32, i32) {
    %c0_i32 = arith.constant 0 : i32
    %c0_i32_0 = arith.constant 0 : i32
    return %arg0, %c0_i32 : i32, i32
  }
}

module attributes {stable_mosaic.version = 14 : i64} {
  func.func @_mm_mid_body(%arg0: i32, %arg1: memref<2x1264x128xf32, #tpu.memory_space<vmem>>, %arg2: memref<1264x2xf32, #tpu.memory_space<vmem>>, %arg3: memref<1x128xf32, #tpu.memory_space<vmem>>, %arg4: memref<128x64xf32, #tpu.memory_space<vmem>>, %arg5: memref<1264x64xf32, #tpu.memory_space<vmem>>) attributes {dimension_semantics = [#tpu.dimension_semantics<arbitrary>], iteration_bounds = array<i64: 8>, scalar_prefetch = 0 : i64, scratch_operands = 0 : i64, tpu.core_type = #tpu.core_type<tc>, window_params = [{transform_indices = @transform_0, window_bounds = array<i64: 2, 1264, 128>}, {transform_indices = @transform_1, window_bounds = array<i64: 1264, 2>}, {pipeline_mode = #tpu.pipeline_mode<synchronous>, transform_indices = @transform_2, window_bounds = array<i64: 1, 128>}, {pipeline_mode = #tpu.pipeline_mode<synchronous>, transform_indices = @transform_3, window_bounds = array<i64: 128, 64>}, {transform_indices = @transform_4, window_bounds = array<i64: 1264, 64>}]} {
    %get3A = arith.constant 0 : index
    %get3A_0 = arith.constant 0 : index
    %get3A_1 = vector.load %arg2[%get3A, %get3A_0] : memref<1264x2xf32, #tpu.memory_space<vmem>>, vector<1264x1xf32>
    %get3A_2 = vector.shape_cast %get3A_1 : vector<1264x1xf32> to vector<1264xf32>
    %get3A_3 = arith.constant 0 : index
    %get3A_4 = arith.constant 1 : index
    %get3A_5 = vector.load %arg2[%get3A_3, %get3A_4] : memref<1264x2xf32, #tpu.memory_space<vmem>>, vector<1264x1xf32>
    %get3A_6 = vector.shape_cast %get3A_5 : vector<1264x1xf32> to vector<1264xf32>
    %add3A = arith.addf %get3A_2, %get3A_6 : vector<1264xf32>
    %add3A_7 = arith.constant 1.000000e+00 : f32
    %add3A_8 = vector.broadcast %add3A_7 : f32 to vector<1264xf32>
    %add3A_9 = arith.addf %add3A, %add3A_8 : vector<1264xf32>
    %rsqrt3A = math.rsqrt %add3A_9 : vector<1264xf32>
    %get3A_10 = arith.constant 0 : index
    %get3A_11 = arith.constant 0 : index
    %get3A_12 = arith.constant 0 : index
    %get3A_13 = vector.load %arg1[%get3A_10, %get3A_11, %get3A_12] : memref<2x1264x128xf32, #tpu.memory_space<vmem>>, vector<1x1264x128xf32>
    %get3A_14 = vector.shape_cast %get3A_13 : vector<1x1264x128xf32> to vector<1264x128xf32>
    %get3A_15 = arith.constant 1 : index
    %get3A_16 = arith.constant 0 : index
    %get3A_17 = arith.constant 0 : index
    %get3A_18 = vector.load %arg1[%get3A_15, %get3A_16, %get3A_17] : memref<2x1264x128xf32, #tpu.memory_space<vmem>>, vector<1x1264x128xf32>
    %get3A_19 = vector.shape_cast %get3A_18 : vector<1x1264x128xf32> to vector<1264x128xf32>
    %add3A_20 = arith.addf %get3A_14, %get3A_19 : vector<1264x128xf32>
    %broadcast_in_dim3A = vector.shape_cast %rsqrt3A : vector<1264xf32> to vector<1264x1xf32>
    %mul3A = vector.broadcast %broadcast_in_dim3A : vector<1264x1xf32> to vector<1264x128xf32>
    %mul3A_21 = arith.mulf %mul3A, %add3A_20 : vector<1264x128xf32>
    %get3A_22 = arith.constant 0 : index
    %get3A_23 = arith.constant 0 : index
    %get3A_24 = vector.load %arg3[%get3A_22, %get3A_23] : memref<1x128xf32, #tpu.memory_space<vmem>>, vector<1x128xf32>
    %add3A_25 = vector.broadcast %get3A_24 : vector<1x128xf32> to vector<1264x128xf32>
    %add3A_26 = arith.addf %mul3A_21, %add3A_25 : vector<1264x128xf32>
    %max3A = arith.constant 0.000000e+00 : f32
    %max3A_27 = vector.broadcast %max3A : f32 to vector<1264x128xf32>
    %max3A_28 = arith.maximumf %add3A_26, %max3A_27 : vector<1264x128xf32>
    %get3A_29 = arith.constant 0 : index
    %get3A_30 = arith.constant 0 : index
    %get3A_31 = vector.load %arg4[%get3A_29, %get3A_30] : memref<128x64xf32, #tpu.memory_space<vmem>>, vector<128x64xf32>
    %dot_general3A = arith.constant dense<0.000000e+00> : vector<1264x64xf32>
    %dot_general3A_32 = tpu.matmul %max3A_28, %get3A_31, %dot_general3A {dimension_numbers = #tpu.dot_dimension_numbers<[1], [0], [0], [1], [0, 0, 1, 1], [], []>, transpose_lhs_hint = false} : vector<1264x128xf32>, vector<128x64xf32>, vector<1264x64xf32> -> vector<1264x64xf32>
    %broadcast_in_dim3A_33 = vector.shape_cast %rsqrt3A : vector<1264xf32> to vector<1264x1xf32>
    %mul3A_34 = vector.broadcast %broadcast_in_dim3A_33 : vector<1264x1xf32> to vector<1264x64xf32>
    %mul3A_35 = arith.mulf %dot_general3A_32, %mul3A_34 : vector<1264x64xf32>
    %swap3A = arith.constant 0 : index
    %swap3A_36 = arith.constant 0 : index
    %swap3A_37 = vector.load %arg5[%swap3A, %swap3A_36] : memref<1264x64xf32, #tpu.memory_space<vmem>>, vector<1264x64xf32>
    tpu.vector_store %arg5[%swap3A, %swap3A_36], %mul3A_35 {strides = array<i32>} : memref<1264x64xf32, #tpu.memory_space<vmem>>, vector<1264x64xf32>,
    return
  }
  func.func @transform_0(%arg0: i32) -> (i32, i32, i32) {
    %c0_i32 = arith.constant 0 : i32
    %c0_i32_0 = arith.constant 0 : i32
    %c0_i32_1 = arith.constant 0 : i32
    return %c0_i32, %arg0, %c0_i32_0 : i32, i32, i32
  }
  func.func @transform_1(%arg0: i32) -> (i32, i32) {
    %c0_i32 = arith.constant 0 : i32
    %c0_i32_0 = arith.constant 0 : i32
    return %arg0, %c0_i32 : i32, i32
  }
  func.func @transform_2(%arg0: i32) -> (i32, i32) {
    %c0_i32 = arith.constant 0 : i32
    %c0_i32_0 = arith.constant 0 : i32
    %c0_i32_1 = arith.constant 0 : i32
    return %c0_i32, %c0_i32_0 : i32, i32
  }
  func.func @transform_3(%arg0: i32) -> (i32, i32) {
    %c0_i32 = arith.constant 0 : i32
    %c0_i32_0 = arith.constant 0 : i32
    %c0_i32_1 = arith.constant 0 : i32
    return %c0_i32, %c0_i32_0 : i32, i32
  }
  func.func @transform_4(%arg0: i32) -> (i32, i32) {
    %c0_i32 = arith.constant 0 : i32
    %c0_i32_0 = arith.constant 0 : i32
    return %arg0, %c0_i32 : i32, i32
  }
}

module attributes {stable_mosaic.version = 14 : i64} {
  func.func @_mm_mid_body(%arg0: i32, %arg1: memref<2x1264x64xf32, #tpu.memory_space<vmem>>, %arg2: memref<1264x2xf32, #tpu.memory_space<vmem>>, %arg3: memref<1x64xf32, #tpu.memory_space<vmem>>, %arg4: memref<64x32xf32, #tpu.memory_space<vmem>>, %arg5: memref<1264x32xf32, #tpu.memory_space<vmem>>) attributes {dimension_semantics = [#tpu.dimension_semantics<arbitrary>], iteration_bounds = array<i64: 8>, scalar_prefetch = 0 : i64, scratch_operands = 0 : i64, tpu.core_type = #tpu.core_type<tc>, window_params = [{transform_indices = @transform_0, window_bounds = array<i64: 2, 1264, 64>}, {transform_indices = @transform_1, window_bounds = array<i64: 1264, 2>}, {pipeline_mode = #tpu.pipeline_mode<synchronous>, transform_indices = @transform_2, window_bounds = array<i64: 1, 64>}, {pipeline_mode = #tpu.pipeline_mode<synchronous>, transform_indices = @transform_3, window_bounds = array<i64: 64, 32>}, {transform_indices = @transform_4, window_bounds = array<i64: 1264, 32>}]} {
    %get3A = arith.constant 0 : index
    %get3A_0 = arith.constant 0 : index
    %get3A_1 = vector.load %arg2[%get3A, %get3A_0] : memref<1264x2xf32, #tpu.memory_space<vmem>>, vector<1264x1xf32>
    %get3A_2 = vector.shape_cast %get3A_1 : vector<1264x1xf32> to vector<1264xf32>
    %get3A_3 = arith.constant 0 : index
    %get3A_4 = arith.constant 1 : index
    %get3A_5 = vector.load %arg2[%get3A_3, %get3A_4] : memref<1264x2xf32, #tpu.memory_space<vmem>>, vector<1264x1xf32>
    %get3A_6 = vector.shape_cast %get3A_5 : vector<1264x1xf32> to vector<1264xf32>
    %add3A = arith.addf %get3A_2, %get3A_6 : vector<1264xf32>
    %add3A_7 = arith.constant 1.000000e+00 : f32
    %add3A_8 = vector.broadcast %add3A_7 : f32 to vector<1264xf32>
    %add3A_9 = arith.addf %add3A, %add3A_8 : vector<1264xf32>
    %rsqrt3A = math.rsqrt %add3A_9 : vector<1264xf32>
    %get3A_10 = arith.constant 0 : index
    %get3A_11 = arith.constant 0 : index
    %get3A_12 = arith.constant 0 : index
    %get3A_13 = vector.load %arg1[%get3A_10, %get3A_11, %get3A_12] : memref<2x1264x64xf32, #tpu.memory_space<vmem>>, vector<1x1264x64xf32>
    %get3A_14 = vector.shape_cast %get3A_13 : vector<1x1264x64xf32> to vector<1264x64xf32>
    %get3A_15 = arith.constant 1 : index
    %get3A_16 = arith.constant 0 : index
    %get3A_17 = arith.constant 0 : index
    %get3A_18 = vector.load %arg1[%get3A_15, %get3A_16, %get3A_17] : memref<2x1264x64xf32, #tpu.memory_space<vmem>>, vector<1x1264x64xf32>
    %get3A_19 = vector.shape_cast %get3A_18 : vector<1x1264x64xf32> to vector<1264x64xf32>
    %add3A_20 = arith.addf %get3A_14, %get3A_19 : vector<1264x64xf32>
    %broadcast_in_dim3A = vector.shape_cast %rsqrt3A : vector<1264xf32> to vector<1264x1xf32>
    %mul3A = vector.broadcast %broadcast_in_dim3A : vector<1264x1xf32> to vector<1264x64xf32>
    %mul3A_21 = arith.mulf %mul3A, %add3A_20 : vector<1264x64xf32>
    %get3A_22 = arith.constant 0 : index
    %get3A_23 = arith.constant 0 : index
    %get3A_24 = vector.load %arg3[%get3A_22, %get3A_23] : memref<1x64xf32, #tpu.memory_space<vmem>>, vector<1x64xf32>
    %add3A_25 = vector.broadcast %get3A_24 : vector<1x64xf32> to vector<1264x64xf32>
    %add3A_26 = arith.addf %mul3A_21, %add3A_25 : vector<1264x64xf32>
    %max3A = arith.constant 0.000000e+00 : f32
    %max3A_27 = vector.broadcast %max3A : f32 to vector<1264x64xf32>
    %max3A_28 = arith.maximumf %add3A_26, %max3A_27 : vector<1264x64xf32>
    %get3A_29 = arith.constant 0 : index
    %get3A_30 = arith.constant 0 : index
    %get3A_31 = vector.load %arg4[%get3A_29, %get3A_30] : memref<64x32xf32, #tpu.memory_space<vmem>>, vector<64x32xf32>
    %dot_general3A = arith.constant dense<0.000000e+00> : vector<1264x32xf32>
    %dot_general3A_32 = tpu.matmul %max3A_28, %get3A_31, %dot_general3A {dimension_numbers = #tpu.dot_dimension_numbers<[1], [0], [0], [1], [0, 0, 1, 1], [], []>, transpose_lhs_hint = false} : vector<1264x64xf32>, vector<64x32xf32>, vector<1264x32xf32> -> vector<1264x32xf32>
    %broadcast_in_dim3A_33 = vector.shape_cast %rsqrt3A : vector<1264xf32> to vector<1264x1xf32>
    %mul3A_34 = vector.broadcast %broadcast_in_dim3A_33 : vector<1264x1xf32> to vector<1264x32xf32>
    %mul3A_35 = arith.mulf %dot_general3A_32, %mul3A_34 : vector<1264x32xf32>
    %swap3A = arith.constant 0 : index
    %swap3A_36 = arith.constant 0 : index
    %swap3A_37 = vector.load %arg5[%swap3A, %swap3A_36] : memref<1264x32xf32, #tpu.memory_space<vmem>>, vector<1264x32xf32>
    tpu.vector_store %arg5[%swap3A, %swap3A_36], %mul3A_35 {strides = array<i32>} : memref<1264x32xf32, #tpu.memory_space<vmem>>, vector<1264x32xf32>,
    return
  }
  func.func @transform_0(%arg0: i32) -> (i32, i32, i32) {
    %c0_i32 = arith.constant 0 : i32
    %c0_i32_0 = arith.constant 0 : i32
    %c0_i32_1 = arith.constant 0 : i32
    return %c0_i32, %arg0, %c0_i32_0 : i32, i32, i32
  }
  func.func @transform_1(%arg0: i32) -> (i32, i32) {
    %c0_i32 = arith.constant 0 : i32
    %c0_i32_0 = arith.constant 0 : i32
    return %arg0, %c0_i32 : i32, i32
  }
  func.func @transform_2(%arg0: i32) -> (i32, i32) {
    %c0_i32 = arith.constant 0 : i32
    %c0_i32_0 = arith.constant 0 : i32
    %c0_i32_1 = arith.constant 0 : i32
    return %c0_i32, %c0_i32_0 : i32, i32
  }
  func.func @transform_3(%arg0: i32) -> (i32, i32) {
    %c0_i32 = arith.constant 0 : i32
    %c0_i32_0 = arith.constant 0 : i32
    %c0_i32_1 = arith.constant 0 : i32
    return %c0_i32, %c0_i32_0 : i32, i32
  }
  func.func @transform_4(%arg0: i32) -> (i32, i32) {
    %c0_i32 = arith.constant 0 : i32
    %c0_i32_0 = arith.constant 0 : i32
    return %arg0, %c0_i32 : i32, i32
  }
}

module attributes {stable_mosaic.version = 14 : i64} {
  func.func @_pool_body(%arg0: i32, %arg1: memref<2x2000x32xf32, #tpu.memory_space<vmem>>, %arg2: memref<2000x2xf32, #tpu.memory_space<vmem>>, %arg3: memref<1x32xf32, #tpu.memory_space<vmem>>, %arg4: memref<2000x1xi32, #tpu.memory_space<vmem>>, %arg5: memref<32x10xf32, #tpu.memory_space<vmem>>, %arg6: memref<1x10xf32, #tpu.memory_space<vmem>>, %arg7: memref<64x10xf32, #tpu.memory_space<vmem>>, %arg8: memref<64x64xf32, #tpu.memory_space<vmem>>) attributes {dimension_semantics = [#tpu.dimension_semantics<arbitrary>], iteration_bounds = array<i64: 5>, scalar_prefetch = 0 : i64, scratch_operands = 1 : i64, tpu.core_type = #tpu.core_type<tc>, window_params = [{transform_indices = @transform_0, window_bounds = array<i64: 2, 2000, 32>}, {transform_indices = @transform_1, window_bounds = array<i64: 2000, 2>}, {pipeline_mode = #tpu.pipeline_mode<synchronous>, transform_indices = @transform_2, window_bounds = array<i64: 1, 32>}, {transform_indices = @transform_3, window_bounds = array<i64: 2000, 1>}, {pipeline_mode = #tpu.pipeline_mode<synchronous>, transform_indices = @transform_4, window_bounds = array<i64: 32, 10>}, {pipeline_mode = #tpu.pipeline_mode<synchronous>, transform_indices = @transform_5, window_bounds = array<i64: 1, 10>}, {pipeline_mode = #tpu.pipeline_mode<synchronous>, transform_indices = @transform_6, window_bounds = array<i64: 64, 10>}]} {
    %eq3A = arith.constant 0 : i32
    %eq3A_0 = arith.cmpi eq, %arg0, %eq3A : i32
    %convert_element_type3A = arith.extui %eq3A_0 : i1 to i32
    %cond3A = arith.constant 0 : i32
    %cond3A_1 = arith.cmpi ne, %convert_element_type3A, %cond3A : i32
    scf.if %cond3A_1 {
      %broadcast_in_dim3A_52 = arith.constant 0.000000e+00 : f32
      %broadcast_in_dim3A_53 = vector.broadcast %broadcast_in_dim3A_52 : f32 to vector<64x64xf32>
      %swap3A_54 = arith.constant 0 : index
      %swap3A_55 = arith.constant 0 : index
      %swap3A_56 = vector.load %arg8[%swap3A_54, %swap3A_55] : memref<64x64xf32, #tpu.memory_space<vmem>>, vector<64x64xf32>
      tpu.vector_store %arg8[%swap3A_54, %swap3A_55], %broadcast_in_dim3A_53 {strides = array<i32>} : memref<64x64xf32, #tpu.memory_space<vmem>>, vector<64x64xf32>,
    } else {
    }
    %get3A = arith.constant 0 : index
    %get3A_2 = arith.constant 0 : index
    %get3A_3 = vector.load %arg2[%get3A, %get3A_2] : memref<2000x2xf32, #tpu.memory_space<vmem>>, vector<2000x1xf32>
    %get3A_4 = vector.shape_cast %get3A_3 : vector<2000x1xf32> to vector<2000xf32>
    %get3A_5 = arith.constant 0 : index
    %get3A_6 = arith.constant 1 : index
    %get3A_7 = vector.load %arg2[%get3A_5, %get3A_6] : memref<2000x2xf32, #tpu.memory_space<vmem>>, vector<2000x1xf32>
    %get3A_8 = vector.shape_cast %get3A_7 : vector<2000x1xf32> to vector<2000xf32>
    %add3A = arith.addf %get3A_4, %get3A_8 : vector<2000xf32>
    %add3A_9 = arith.constant 1.000000e+00 : f32
    %add3A_10 = vector.broadcast %add3A_9 : f32 to vector<2000xf32>
    %add3A_11 = arith.addf %add3A, %add3A_10 : vector<2000xf32>
    %rsqrt3A = math.rsqrt %add3A_11 : vector<2000xf32>
    %get3A_12 = arith.constant 0 : index
    %get3A_13 = arith.constant 0 : index
    %get3A_14 = arith.constant 0 : index
    %get3A_15 = vector.load %arg1[%get3A_12, %get3A_13, %get3A_14] : memref<2x2000x32xf32, #tpu.memory_space<vmem>>, vector<1x2000x32xf32>
    %get3A_16 = vector.shape_cast %get3A_15 : vector<1x2000x32xf32> to vector<2000x32xf32>
    %get3A_17 = arith.constant 1 : index
    %get3A_18 = arith.constant 0 : index
    %get3A_19 = arith.constant 0 : index
    %get3A_20 = vector.load %arg1[%get3A_17, %get3A_18, %get3A_19] : memref<2x2000x32xf32, #tpu.memory_space<vmem>>, vector<1x2000x32xf32>
    %get3A_21 = vector.shape_cast %get3A_20 : vector<1x2000x32xf32> to vector<2000x32xf32>
    %add3A_22 = arith.addf %get3A_16, %get3A_21 : vector<2000x32xf32>
    %broadcast_in_dim3A = vector.shape_cast %rsqrt3A : vector<2000xf32> to vector<2000x1xf32>
    %mul3A = vector.broadcast %broadcast_in_dim3A : vector<2000x1xf32> to vector<2000x32xf32>
    %mul3A_23 = arith.mulf %mul3A, %add3A_22 : vector<2000x32xf32>
    %get3A_24 = arith.constant 0 : index
    %get3A_25 = arith.constant 0 : index
    %get3A_26 = vector.load %arg3[%get3A_24, %get3A_25] : memref<1x32xf32, #tpu.memory_space<vmem>>, vector<1x32xf32>
    %add3A_27 = vector.broadcast %get3A_26 : vector<1x32xf32> to vector<2000x32xf32>
    %add3A_28 = arith.addf %mul3A_23, %add3A_27 : vector<2000x32xf32>
    %max3A = arith.constant 0.000000e+00 : f32
    %max3A_29 = vector.broadcast %max3A : f32 to vector<2000x32xf32>
    %max3A_30 = arith.maximumf %add3A_28, %max3A_29 : vector<2000x32xf32>
    %broadcast_in_dim3A_31 = arith.constant 1.000000e+00 : f32
    %broadcast_in_dim3A_32 = vector.broadcast %broadcast_in_dim3A_31 : f32 to vector<2000x32xf32>
    %concatenate3A = tpu.concatenate %max3A_30, %broadcast_in_dim3A_32 in 1 : vector<2000x32xf32>, vector<2000x32xf32> -> vector<2000x64xf32>
    %get3A_33 = arith.constant 0 : index
    %get3A_34 = arith.constant 0 : index
    %get3A_35 = vector.load %arg4[%get3A_33, %get3A_34] : memref<2000x1xi32, #tpu.memory_space<vmem>>, vector<2000x1xi32>
    %iota3A = tpu.iota {dimensions = array<i32: 1>} : vector<2000x64xi32>
    %eq3A_36 = vector.broadcast %get3A_35 : vector<2000x1xi32> to vector<2000x64xi32>
    %eq3A_37 = arith.cmpi eq, %eq3A_36, %iota3A : vector<2000x64xi32>
    %convert_element_type3A_38 = arith.extui %eq3A_37 : vector<2000x64xi1> to vector<2000x64xi32>
    %convert_element_type3A_39 = arith.sitofp %convert_element_type3A_38 : vector<2000x64xi32> to vector<2000x64xf32>
    %get3A_40 = arith.constant 0 : index
    %get3A_41 = arith.constant 0 : index
    %get3A_42 = vector.load %arg8[%get3A_40, %get3A_41] : memref<64x64xf32, #tpu.memory_space<vmem>>, vector<64x64xf32>
    %dot_general3A = arith.constant dense<0.000000e+00> : vector<64x64xf32>
    %dot_general3A_43 = tpu.matmul %convert_element_type3A_39, %concatenate3A, %dot_general3A {dimension_numbers = #tpu.dot_dimension_numbers<[0], [0], [1], [1], [0, 1, 1, 1], [], []>, transpose_lhs_hint = false} : vector<2000x64xf32>, vector<2000x64xf32>, vector<64x64xf32> -> vector<64x64xf32>
    %add3A_44 = arith.addf %get3A_42, %dot_general3A_43 : vector<64x64xf32>
    %swap3A = arith.constant 0 : index
    %swap3A_45 = arith.constant 0 : index
    %swap3A_46 = vector.load %arg8[%swap3A, %swap3A_45] : memref<64x64xf32, #tpu.memory_space<vmem>>, vector<64x64xf32>
    tpu.vector_store %arg8[%swap3A, %swap3A_45], %add3A_44 {strides = array<i32>} : memref<64x64xf32, #tpu.memory_space<vmem>>, vector<64x64xf32>,
    %eq3A_47 = arith.constant 4 : i32
    %eq3A_48 = arith.cmpi eq, %arg0, %eq3A_47 : i32
    %convert_element_type3A_49 = arith.extui %eq3A_48 : i1 to i32
    %cond3A_50 = arith.constant 0 : i32
    %cond3A_51 = arith.cmpi ne, %convert_element_type3A_49, %cond3A_50 : i32
    scf.if %cond3A_51 {
      %get3A_52 = arith.constant 0 : index
      %get3A_53 = arith.constant 0 : index
      %get3A_54 = vector.load %arg8[%get3A_52, %get3A_53] : memref<64x64xf32, #tpu.memory_space<vmem>>, vector<64x64xf32>
      %slice3A = vector.extract_strided_slice %get3A_54 {offsets = [0, 32], sizes = [64, 1], strides = [1, 1]} : vector<64x64xf32> to vector<64x1xf32>
      %max3A_55 = arith.constant 1.000000e+00 : f32
      %max3A_56 = vector.broadcast %max3A_55 : f32 to vector<64x1xf32>
      %max3A_57 = arith.maximumf %slice3A, %max3A_56 : vector<64x1xf32>
      %slice3A_58 = vector.extract_strided_slice %get3A_54 {offsets = [0, 0], sizes = [64, 32], strides = [1, 1]} : vector<64x64xf32> to vector<64x32xf32>
      %div3A = vector.broadcast %max3A_57 : vector<64x1xf32> to vector<64x32xf32>
      %div3A_59 = arith.divf %slice3A_58, %div3A : vector<64x32xf32>
      %get3A_60 = arith.constant 0 : index
      %get3A_61 = arith.constant 0 : index
      %get3A_62 = vector.load %arg5[%get3A_60, %get3A_61] : memref<32x10xf32, #tpu.memory_space<vmem>>, vector<32x10xf32>
      %dot_general3A_63 = arith.constant dense<0.000000e+00> : vector<64x10xf32>
      %dot_general3A_64 = tpu.matmul %div3A_59, %get3A_62, %dot_general3A_63 {dimension_numbers = #tpu.dot_dimension_numbers<[1], [0], [0], [1], [0, 0, 1, 1], [], []>, transpose_lhs_hint = false} : vector<64x32xf32>, vector<32x10xf32>, vector<64x10xf32> -> vector<64x10xf32>
      %get3A_65 = arith.constant 0 : index
      %get3A_66 = arith.constant 0 : index
      %get3A_67 = vector.load %arg6[%get3A_65, %get3A_66] : memref<1x10xf32, #tpu.memory_space<vmem>>, vector<1x10xf32>
      %add3A_68 = vector.broadcast %get3A_67 : vector<1x10xf32> to vector<64x10xf32>
      %add3A_69 = arith.addf %dot_general3A_64, %add3A_68 : vector<64x10xf32>
      %swap3A_70 = arith.constant 0 : index
      %swap3A_71 = arith.constant 0 : index
      %swap3A_72 = vector.load %arg7[%swap3A_70, %swap3A_71] : memref<64x10xf32, #tpu.memory_space<vmem>>, vector<64x10xf32>
      tpu.vector_store %arg7[%swap3A_70, %swap3A_71], %add3A_69 {strides = array<i32>} : memref<64x10xf32, #tpu.memory_space<vmem>>, vector<64x10xf32>,
    } else {
    }
    return
  }
  func.func @transform_0(%arg0: i32) -> (i32, i32, i32) {
    %c0_i32 = arith.constant 0 : i32
    %c0_i32_0 = arith.constant 0 : i32
    %c0_i32_1 = arith.constant 0 : i32
    return %c0_i32, %arg0, %c0_i32_0 : i32, i32, i32
  }
  func.func @transform_1(%arg0: i32) -> (i32, i32) {
    %c0_i32 = arith.constant 0 : i32
    %c0_i32_0 = arith.constant 0 : i32
    return %arg0, %c0_i32 : i32, i32
  }
  func.func @transform_2(%arg0: i32) -> (i32, i32) {
    %c0_i32 = arith.constant 0 : i32
    %c0_i32_0 = arith.constant 0 : i32
    %c0_i32_1 = arith.constant 0 : i32
    return %c0_i32, %c0_i32_0 : i32, i32
  }
  func.func @transform_3(%arg0: i32) -> (i32, i32) {
    %c0_i32 = arith.constant 0 : i32
    %c0_i32_0 = arith.constant 0 : i32
    return %arg0, %c0_i32 : i32, i32
  }
  func.func @transform_4(%arg0: i32) -> (i32, i32) {
    %c0_i32 = arith.constant 0 : i32
    %c0_i32_0 = arith.constant 0 : i32
    %c0_i32_1 = arith.constant 0 : i32
    return %c0_i32, %c0_i32_0 : i32, i32
  }
  func.func @transform_5(%arg0: i32) -> (i32, i32) {
    %c0_i32 = arith.constant 0 : i32
    %c0_i32_0 = arith.constant 0 : i32
    %c0_i32_1 = arith.constant 0 : i32
    return %c0_i32, %c0_i32_0 : i32, i32
  }
  func.func @transform_6(%arg0: i32) -> (i32, i32) {
    %c0_i32 = arith.constant 0 : i32
    %c0_i32_0 = arith.constant 0 : i32
    %c0_i32_1 = arith.constant 0 : i32
    return %c0_i32, %c0_i32_0 : i32, i32
  }
}

</mosaic_0001>

<sc_bundles>
// kernel: kernel.14.cloned.1.call-start
scs
__scs_entry_jumppad:
0x0: {  	(pc) =	sbr.rel $0x88, $3  }
0x1: {  	(tag) =	ssettag $0x0;
	lr =	simm.s32 $0x1  }
0x2: {  	[smem:$0x3F92] =	sst lr;
	_ =	strace $0xD0000000  }
0x3: {  	_ = 	snop  }
0x4: {  	_ = 	snop  }
0x5: {  	_ = 	snop  }
0x6: {  	_ = 	snop  }
0x7: {  	_ = 	snop  }
__scs_overlays_trampoline_lowered:
0x8: {  	[smem:$0x3FA1] =	sst s0  }
0x9: {  	[smem:$0x3FA2] =	sst s1  }
0xa: {  	[smem:$0x3FA3] =	sst s2  }
0xb: {  	[smem:$0x3FA4] =	sst s3  }
0xc: {  	[smem:$0x3FA5] =	sst s4  }
0xd: {  	[smem:$0x3FA6] =	sst s5  }
0xe: {  	[smem:$0x3FA7] =	sst s6  }
0xf: {  	[smem:$0x3FA8] =	sst s7  }
0x10: {  	[smem:$0x3FA9] =	sst s8  }
0x11: {  	[smem:$0x3FAA] =	sst s9;
	s0 =	simm.s32 @!p0 $0x0  }
0x12: {  	s1 =	sld [smem:$0x3F90];
	s0 =	simm.s32 @p0 $0x1  }
0x13: {  	[smem:$0x3FAB] =	sst s0;
	s0 =	simm.s32 @!p1 $0x0  }
0x14: {  	s2 =	sld [smem:$0x3F8F];
	s0 =	simm.s32 @p1 $0x1  }
0x15: {  	[smem:$0x3FAC] =	sst s0;
	s0 =	simm.s32 @!p2 $0x0  }
0x16: {  	s3 =	sld [smem:$0x3FDB];
	s0 =	simm.s32 @p2 $0x1  }
0x17: {  	s4 =	simm.s32 $0x1BF5;
	[smem:$0x3FAE] =	sst s0  }
0x18: {  	s0 =	sld [smem:$0x3F91];
	_ =	swait.ge [sflag:s4], $0x0  }
0x19: {  	s7 =	sld [smem:$0x3F92]  }
0x1a: {  	s8 =	sadd.s32 $0xFFFFE003, lr  }
0x1b: {  	s9 =	sadd.s32 $0xFFFFFEF7, lr;
	s5 =	simm.s32 $0xFFFFFFFF;
	p2 =	slt.u32 s8, $0xFFFFF086  }
0x1c: {  	p1 =	slt.u32 s9, $0xF7A;
	s5 =	simm.s32 @!p2 $0x0  }
0x1d: {  	s5 =	simm.s32 @p1 $0x1;
	p0 =	seq.s32 s7, s2  }
0x1e: {  	s7 =	smul.u32 @!p0 $0xF7A, s2;
	p2 =	seq.s32 @!p0 s5, $0x0  }
0x1f: {  	s9 =	smul.u32 $0xF7A, s1;
	s8 =	simm.s32 @!p0 $0x1BF5;
	p2 =	por !p2, p0  }
0x20: {  	[sflag:s8] =	ssyncset.s32 @!p0 $0xFFFFF086;
	s6 =	sadd.s32 @!p0 s3, s7;
	s7 =	simm.s32 @!p0 $0x108  }
0x21: {  	s3 =	sadd.s32 s3, s9;
	s6 =	sadd.s32 @!p0 $0x88, s6;
	s7 =	simm.s32 @p2 $0x1082  }
0x22: {  	[simem:s7], [sflag:s8] =	dma.local @!p0 [hbm:s6], $0xF7A  }
0x23: {  	s9 =	sor.u32 $0xD0000000, s2;
	s6 =	simm.s32 $0x108;
	_ =	swait.ge @!p0 [sflag:s8], $0x0  }
0x24: {  	s3 =	sadd.s32 $0x88, s3;
	s6 =	simm.s32 @!p1 $0x1082;
	[sflag:s4] =	ssyncset.s32 $0xFFFFF086  }
0x25: {  	[simem:s6], [sflag:s4] =	dma.local [hbm:s3], $0xF7A  }
0x26: {  	[smem:$0x3F92] =	sst s1;
	(tag) =	ssettag s2;
	_ =	strace s9  }
0x27: {  	s1 =	sld [smem:$0x3FA2]  }
0x28: {  	s2 =	sld [smem:$0x3FA3]  }
0x29: {  	s4 =	sld [smem:$0x3FA5]  }
0x2a: {  	p0 =	seq.s32 s5, $0x0;
	s5 =	sld [smem:$0x3FA6]  }
0x2b: {  	s6 =	sld [smem:$0x3FA7]  }
0x2c: {  	s7 =	sld [smem:$0x3FA8]  }
0x2d: {  	s3 =	simm.s32 $0x108;
	s8 =	sld [smem:$0x3FA9]  }
0x2e: {  	s3 =	simm.s32 @!p0 $0x1082;
	s9 =	sld [smem:$0x3FAA]  }
0x2f: {  	lr =	sadd.s32 s0, s3;
	s0 =	sld [smem:$0x3FA1]  }
0x30: {  	s3 =	sld [smem:$0x3FA4]  }
0x31: {  	[smem:$0x3FAD] =	sst s10  }
0x32: {  	s10 =	sld [smem:$0x3FAB];
	_ =	sdelay $0x3  }
0x33: {  	p0 =	seq.s32 s10, $0x1;
	s10 =	sld [smem:$0x3FAD];
	_ =	sdelay $0x3  }
0x34: {  	[smem:$0x3FAD] =	sst s10  }
0x35: {  	s10 =	sld [smem:$0x3FAC];
	_ =	sdelay $0x3  }
0x36: {  	p1 =	seq.s32 s10, $0x1;
	s10 =	sld [smem:$0x3FAD];
	_ =	sdelay $0x3  }
0x37: {  	[smem:$0x3FAD] =	sst s10  }
0x38: {  	s10 =	sld [smem:$0x3FAE]  }
0x39: {  	_ = 	snop;
	(pc) =	sbr.ind lr, $3  }
0x3a: {  	_ = 	snop  }
0x3b: {  	_ = 	snop  }
0x3c: {  	p2 =	seq.s32 s10, $0x1;
	s10 =	sld [smem:$0x3FAD]  }
0x3d: {  	_ =	shalt  }
0x3e: {  	_ =	shalt  }
0x3f: {  	_ =	shalt  }
0x40: {  	_ =	shalt  }
0x41: {  	_ =	shalt  }
0x42: {  	_ =	shalt  }
0x43: {  	_ =	shalt  }
0x44: {  	_ =	shalt  }
0x45: {  	_ =	shalt  }
0x46: {  	_ =	shalt  }
0x47: {  	_ =	shalt  }
0x48: {  	_ =	shalt  }
0x49: {  	_ =	shalt  }
0x4a: {  	_ =	shalt  }
0x4b: {  	_ =	shalt  }
0x4c: {  	_ =	shalt  }
0x4d: {  	_ =	shalt  }
0x4e: {  	_ =	shalt  }
0x4f: {  	_ =	shalt  }
0x50: {  	_ =	shalt  }
0x51: {  	_ =	shalt  }
0x52: {  	_ =	shalt  }
0x53: {  	_ =	shalt  }
0x54: {  	_ =	shalt  }
0x55: {  	_ =	shalt  }
0x56: {  	_ =	shalt  }
0x57: {  	_ =	shalt  }
0x58: {  	_ =	shalt  }
0x59: {  	_ =	shalt  }
0x5a: {  	_ =	shalt  }
0x5b: {  	_ =	shalt  }
0x5c: {  	_ =	shalt  }
0x5d: {  	_ =	shalt  }
0x5e: {  	_ =	shalt  }
0x5f: {  	_ =	shalt  }
0x60: {  	_ =	shalt  }
0x61: {  	_ =	shalt  }
0x62: {  	_ =	shalt  }
0x63: {  	_ =	shalt  }
0x64: {  	_ =	shalt  }
0x65: {  	_ =	shalt  }
0x66: {  	_ =	shalt  }
0x67: {  	_ =	shalt  }
0x68: {  	_ =	shalt  }
0x69: {  	_ =	shalt  }
0x6a: {  	_ =	shalt  }
0x6b: {  	_ =	shalt  }
0x6c: {  	_ =	shalt  }
0x6d: {  	_ =	shalt  }
0x6e: {  	_ =	shalt  }
0x6f: {  	_ =	shalt  }
0x70: {  	_ =	shalt  }
0x71: {  	_ =	shalt  }
0x72: {  	_ =	shalt  }
0x73: {  	_ =	shalt  }
0x74: {  	_ =	shalt  }
0x75: {  	_ =	shalt  }
0x76: {  	_ =	shalt  }
0x77: {  	_ =	shalt  }
0x78: {  	_ =	shalt  }
0x79: {  	_ =	shalt  }
0x7a: {  	_ =	shalt  }
0x7b: {  	_ =	shalt  }
0x7c: {  	_ =	shalt  }
0x7d: {  	_ =	shalt  }
0x7e: {  	_ =	shalt  }
0x7f: {  	_ =	shalt  }
0x80: {  	_ =	shalt  }
0x81: {  	_ =	shalt  }
0x82: {  	_ =	shalt  }
0x83: {  	_ =	shalt  }
0x84: {  	_ =	shalt  }
0x85: {  	_ =	shalt  }
0x86: {  	_ =	shalt  }
0x87: {  	_ =	shalt  }
.Lfunc_end0:
.L_simem_size_0:
called_computation_lowered:
.L_overlay_start_0:
0x88: {  	s2 =	sld [smem:$0x3FD9]  }
0x89: {  	s3 =	sld [smem:$0x3FFE];
	_ =	sdelay $0x1  }
0x8a: {  	s1 =	srdreg.scid  }
0x8b: {  	s0 =	sand.u32 $0x1, s1  }
0x8c: {  	s16 =	sshll.u32 s0, $0xA;
	s2 =	sadd.s32 s3, s2  }
0x8d: {  	s2 =	sadd.s32 s2, s16  }
0x8e: {  	[smem:$0x3FB9] =	sst s2  }
0x8f: {  	_ = 	snop  }
0x90: {  	(tm) =	ssettm $0x1  }
0x91: {  	s17 =	sld [smem:$0x3FFB];
	_ =	sdelay $0x3  }
0x92: {  	_ =	strace s17  }
0x93: {  	s2 =	sld [smem:$0x3FFC];
	_ =	sdelay $0x3  }
0x94: {  	_ =	strace s2  }
0x95: {  	s2 =	sld [smem:$0x3FFD];
	_ =	sdelay $0x3  }
0x96: {  	_ =	strace s2  }
0x97: {  	_ =	strace $0x8FFFFFFF  }
0x98: {  	s18 =	sld [smem:$0x3FDB];
	_ =	sdelay $0x1  }
0x99: {  	s19 =	simm.s32 $_scs_section_size  }
0x9a: {  	s4 =	simm.s32 $_size__tile_overlayer_lowered;
	s5 =	simm.s32 $_tile_overlayer_lowered  }
0x9b: {  	s22 =	simm.s32 $0x1BFF;
	s21 =	sshll.u32 s5, $0x1;
	s2 =	sadd.s32 s19, s18  }
0x9c: {  	s6 =	simm.s32 $0x0;
	s20 =	sshll.u32 s4, $0x1;
	s4 =	sadd.s32 s21, s2  }
0x9d: {  	[timem:s6], [sflag:s22] =	dma.local [hbm:s4], s20  }
0x9e: {  	_ =	swait.ge [sflag:s22], s20  }
0x9f: {  	s3 =	ssub.s32 $0x0, s20;
	[sflag:s22] =	ssyncset.done $0x0  }
0xa0: {  	[sflag:s22] =	ssyncadd.s32 s3;
	_ =	sdelay $0x1  }
0xa1: {  	s23 =	simm.s32 $0x1B8B  }
0xa2: {  	_ =	swait.ge [sflag:s23], $0x1  }
0xa3: {  	[sflag:s23] =	ssyncset.done $0x0  }
0xa4: {  	s25 =	simm.s32 $0x1B8E;
	s24 =	sld [smem:$0x3FFE];
	[sflag:s23] =	ssyncadd.s32 $0xFFFFFFFF  }
0xa5: {  	s26 =	simm.s32 $execute0_lowered;
	[smem:$0x3FD2] =	sst s25  }
0xa6: {  	s4 =	sshll.u32 s26, $0x1;
	_ =	strace $0x80000046;
	[dreg:$0x1] =	wrdreg $0xFFFFFFFF  }
0xa7: {  	s28 =	simm.s32 $_size_execute0_lowered;
	s2 =	sadd.s32 s2, s4;
	[dreg:$0x0] =	wrdreg $0x0  }
0xa8: {  	s4 =	sshll.u32 s28, $0x1;
	[dreg:$0x2] =	wrdreg s2  }
0xa9: {  	[dreg:$0x3] =	wrdreg s4  }
0xaa: {  	[dreg:$0x4] =	wrdreg $0xC0  }
0xab: {  	_ =	task [dreg:s6], $0x5FFFF  }
0xac: {  	[dreg:$0x1] =	wrdreg $0xFFFFFFFF  }
0xad: {  	[dreg:$0x0] =	wrdreg $0x60  }
0xae: {  	[dreg:$0x2] =	wrdreg s24  }
0xaf: {  	[dreg:$0x3] =	wrdreg $0x7000  }
0xb0: {  	[dreg:$0x4] =	wrdreg $0x9  }
0xb1: {  	_ =	task.clear_ibuf [dreg:s6], $0x5FFFF;
	_ =	strace $0x90000046  }
0xb2: {  	s29 =	simm.s32 $0x9;
	_ =	strace $0x80000048  }
0xb3: {  	_ =	swait.ge [sflag:s29], $0x1  }
0xb4: {  	[sflag:s29] =	ssyncadd.s32 $0xFFFFFFFF  }
0xb5: {  	_ =	strace $0x90000048  }
0xb6: {  	_ =	sfence  }
0xb7: {  	s30 =	sld [smem:$0x0];
	_ =	sdelay $0x2  }
0xb8: {  	s31 =	sshll.u32 s1, $0xD;
	s1 =	sshrl.u32 s1, $0x2  }
0xb9: {  	s3 =	sand.u32 $0x4000, s31;
	s1 =	sadd.s32 s1, s30  }
0xba: {  	s0 =	sor.u32 s3, s0;
	s1 =	sshll.u32 s1, $0x11  }
0xbb: {  	s0 =	sor.u32 s1, s0  }
0xbc: {  	s0 =	sadd.s32 $0x8F2B, s0  }
0xbd: {  	[sflag:s0] =	ssyncadd.remote.s32 $0x1  }
0xbe: {  	_ =	sfence.sel $0xFFFF  }
0xbf: {  	[dreg:$0x0] =	wrdreg $0xFFFFFFFF;
	(pc) =	sbr.abs _section_cstart, $3  }
0xc0: {  	[dreg:$0x1] =	wrdreg $0xFFFFFFFF  }
0xc1: {  	_ =	task.clear_ibuf [dreg:s6], $0x2FFFF;
	_ =	strace $0x9FFFFFFF  }
0xc2: {  	(tm) =	ssettm $0x7FFFFFFF  }
0xc3: {  	_ =	shalt  }
tec
execute0_lowered:
.L_overlay_start_1:
0x0: {  	(tag) =	ssettag $0x1  }
0x1: {  	s4 =	rddreg [dreg:$0x0]  }
0x2: {  	s0 =	srdreg.scid;
	s2 =	rddreg [dreg:$0x1]  }
0x3: {  	s1 =	rddreg [dreg:$0x2];
	s3 =	simm.s32 $0x0;
	s10 =	simm.s32 $0x80  }
0x4: {  	s11 =	simm.s32 $0x400;
	s12 =	simm.s32 $0x100;
	s13 =	simm.s32 $0x180  }
0x5: {  	s14 =	simm.s32 $0x200;
	s15 =	simm.s32 $0x280;
	s16 =	simm.s32 $0x300  }
0x6: {  	s17 =	simm.s32 $0x380;
	s18 =	simm.s32 $0x1;
	s5 =	sand.u32 $0x1, s0  }
0x7: {  	s21 =	simm.s32 $0x20;
	s0 =	stileid.u32;
	s6 =	smul.u32 $0x500, s5  }
0x8: {  	s22 =	simm.s32 $0x10;
	s23 =	simm.s32 $0x0;
	s7 =	smul.u32 $0x50, s0  }
0x9: {  	[smem:$0x7FF] =	sst s3;
	s26 =	smul.u32 $0x500, s0;
	s8 =	sshll.u32 s5, $0x7  }
0xa: {  	s5 =	ssub.s32 $0x2, s5;
	s28 =	smul.u32 $0xA00, s0;
	s19 =	sshll.u32 s0, $0x6  }
0xb: {  	_ =	strace $0x80000047;
	s30 =	sshrl.u32 s5, $0x1;
	s19 =	sor.u32 $0x1C02, s19  }
0xc: {  	s6 =	sadd.s32 s7, s6;
	s7 =	sor.u32 s8, s26;
	s31 =	sshrl.u32 s28, $0x2  }
0xd: {  	s8 =	simm.s32 $0x480;
	s6 =	sshll.u32 s6, $0x4;
	s29 =	sshrl.u32 s7, $0x3  }
0xe: {  	s7 =	ssub.s32 s5, s30;
	s9 =	sadd.s32 s6, s4;
	s6 =	sadd.s32 s29, s4  }
0xf: {  	s4 =	sadd.s32 s31, s2;
	s5 =	sadd.s32 $0xE200, s6;
	s6 =	smax.u32 s7, $0x1  }
0x10: {  	v0 =	vimm.f32 $0.0e+00;
	v1 =	vimm.f32 $1.000000000e+00;
	s7 =	sadd.s32 $0x4200, s9;
	s9 =	simm.s32 $0x2;
	s20 =	sshrl.u32 s4, $0x3  }
.LBB2_1:
0x11: {  	[tilespmem:$0x480] =	vst v0  }
0x12: {  	[tilespmem:$0x490] =	vst v0  }
0x13: {  	[tilespmem:$0x4A0] =	vst v0  }
0x14: {  	[tilespmem:$0x4B0] =	vst v0  }
0x15: {  	[tilespmem:$0x4C0] =	vst v0  }
0x16: {  	[tilespmem:$0x4D0] =	vst v0  }
0x17: {  	[tilespmem:$0x4E0] =	vst v0  }
0x18: {  	[tilespmem:$0x4F0] =	vst v0  }
0x19: {  	[tilespmem:$0x500] =	vst v0  }
0x1a: {  	[tilespmem:$0x510] =	vst v0  }
0x1b: {  	[tilespmem:$0x520] =	vst v0  }
0x1c: {  	[tilespmem:$0x530] =	vst v0  }
0x1d: {  	[tilespmem:$0x540] =	vst v0  }
0x1e: {  	[tilespmem:$0x550] =	vst v0  }
0x1f: {  	[tilespmem:$0x560] =	vst v0  }
0x20: {  	[tilespmem:$0x570] =	vst v0  }
0x21: {  	[tilespmem:$0x580] =	vst v0  }
0x22: {  	[tilespmem:$0x590] =	vst v0  }
0x23: {  	[tilespmem:$0x5A0] =	vst v0  }
0x24: {  	[tilespmem:$0x5B0] =	vst v0  }
0x25: {  	[tilespmem:$0x5C0] =	vst v0  }
0x26: {  	[tilespmem:$0x5D0] =	vst v0  }
0x27: {  	[tilespmem:$0x5E0] =	vst v0  }
0x28: {  	[tilespmem:$0x5F0] =	vst v0  }
0x29: {  	[tilespmem:$0x600] =	vst v0  }
0x2a: {  	[tilespmem:$0x610] =	vst v0  }
0x2b: {  	[tilespmem:$0x620] =	vst v0  }
0x2c: {  	[tilespmem:$0x630] =	vst v0  }
0x2d: {  	[tilespmem:$0x640] =	vst v0  }
0x2e: {  	[tilespmem:$0x650] =	vst v0  }
0x2f: {  	[tilespmem:$0x660] =	vst v0  }
0x30: {  	[tilespmem:$0x670] =	vst v0  }
0x31: {  	[tilespmem:$0x680] =	vst v0  }
0x32: {  	[tilespmem:$0x690] =	vst v0  }
0x33: {  	[tilespmem:$0x6A0] =	vst v0  }
0x34: {  	[tilespmem:$0x6B0] =	vst v0  }
0x35: {  	[tilespmem:$0x6C0] =	vst v0  }
0x36: {  	[tilespmem:$0x6D0] =	vst v0  }
0x37: {  	[tilespmem:$0x6E0] =	vst v0  }
0x38: {  	[tilespmem:$0x6F0] =	vst v0  }
0x39: {  	[tilespmem:$0x400] =	vst v1  }
0x3a: {  	[tilespmem:$0x410] =	vst v1  }
0x3b: {  	[tilespmem:$0x420] =	vst v1  }
0x3c: {  	[tilespmem:$0x430] =	vst v1  }
0x3d: {  	[tilespmem:$0x440] =	vst v1  }
0x3e: {  	[tilespmem:$0x450] =	vst v1  }
0x3f: {  	[tilespmem:$0x460] =	vst v1  }
0x40: {  	[tilespmem:$0x470] =	vst v1  }
0x41: {  	[spmem:s4] =	stream.linear.scatter [tilespmem:s8], [sflag:$0x2], $0x280, $0x38;
	[tilespmem:$0x980] =	vst v63  }
0x42: {  	_ =	swait.ge [sflag:s9], $0x280  }
0x43: {  	[sflag:s9] =	ssyncset.done $0x0  }
0x44: {  	[sflag:s9] =	ssyncadd.s32 $0xFFFFFD80  }
0x45: {  	s24 =	sadd.s32 $0x0, s7;
	[bflag:$0x0] =	sbarrier.arrive $0xFFFF  }
0x46: {  	[tilespmem:s3], [sflag:$0x2] =	stream.linear.gather [hbm4b:s24+s3], $0x400, $0x38;
	[tilespmem:$0x980] =	vst v63  }
0x47: {  	_ =	swait.ge [sflag:s9], $0x400  }
0x48: {  	[sflag:s9] =	ssyncset.done $0x0  }
0x49: {  	[sflag:s9] =	ssyncadd.s32 $0xFFFFFC00  }
0x4a: {  	[spmem:s2] =	stream.indirect.scatter.add.f32 [tilespmem:s11], [sflag:$0x1], $0x1, s3, s10, $0xb8;
	[tilespmem:$0x980] =	vst v63  }
0x4b: {  	_ = 	snop  }
0x4c: {  	[spmem:s2] =	stream.indirect.scatter.add.f32 [tilespmem:s11], [sflag:$0x1], $0x1, s10, s10, $0xb8;
	[tilespmem:$0x980] =	vst v63  }
0x4d: {  	_ = 	snop  }
0x4e: {  	[spmem:s2] =	stream.indirect.scatter.add.f32 [tilespmem:s11], [sflag:$0x1], $0x1, s12, s10, $0xb8;
	[tilespmem:$0x980] =	vst v63  }
0x4f: {  	_ = 	snop  }
0x50: {  	[spmem:s2] =	stream.indirect.scatter.add.f32 [tilespmem:s11], [sflag:$0x1], $0x1, s13, s10, $0xb8;
	[tilespmem:$0x980] =	vst v63  }
0x51: {  	_ = 	snop  }
0x52: {  	[spmem:s2] =	stream.indirect.scatter.add.f32 [tilespmem:s11], [sflag:$0x1], $0x1, s14, s10, $0xb8;
	[tilespmem:$0x980] =	vst v63  }
0x53: {  	_ = 	snop  }
0x54: {  	[spmem:s2] =	stream.indirect.scatter.add.f32 [tilespmem:s11], [sflag:$0x1], $0x1, s15, s10, $0xb8;
	[tilespmem:$0x980] =	vst v63  }
0x55: {  	s24 =	simm.s32 $0x80  }
0x56: {  	[spmem:s2] =	stream.indirect.scatter.add.f32 [tilespmem:s11], [sflag:$0x1], $0x1, s16, s10, $0xb8;
	[tilespmem:$0x980] =	vst v63  }
.LBB2_2:
0x57: {  	[spmem:s2] =	stream.indirect.scatter.add.f32 [tilespmem:s11], [sflag:$0x1], $0x1, s17, s10, $0xb8;
	[tilespmem:$0x980] =	vst v63  }
0x58: {  	s25 =	sadd.s32 s24, s7;
	p0 =	sne.s32 s24, $0x480;
	s24 =	sadd.s32 $0x80, s24  }
0x59: {  	[tilespmem:s3], [sflag:$0x2] =	stream.linear.gather [hbm4b:s25+s3], $0x400, $0x38;
	[tilespmem:$0x980] =	vst v63  }
0x5a: {  	_ =	swait.ge [sflag:s9], $0x400  }
0x5b: {  	[sflag:s9] =	ssyncset.done $0x0  }
0x5c: {  	[sflag:s9] =	ssyncadd.s32 $0xFFFFFC00  }
0x5d: {  	[spmem:s2] =	stream.indirect.scatter.add.f32 [tilespmem:s11], [sflag:$0x1], $0x1, s3, s10, $0xb8;
	[tilespmem:$0x980] =	vst v63  }
0x5e: {  	_ = 	snop  }
0x5f: {  	[spmem:s2] =	stream.indirect.scatter.add.f32 [tilespmem:s11], [sflag:$0x1], $0x1, s10, s10, $0xb8;
	[tilespmem:$0x980] =	vst v63  }
0x60: {  	_ = 	snop  }
0x61: {  	[spmem:s2] =	stream.indirect.scatter.add.f32 [tilespmem:s11], [sflag:$0x1], $0x1, s12, s10, $0xb8;
	[tilespmem:$0x980] =	vst v63  }
0x62: {  	_ = 	snop  }
0x63: {  	[spmem:s2] =	stream.indirect.scatter.add.f32 [tilespmem:s11], [sflag:$0x1], $0x1, s13, s10, $0xb8;
	[tilespmem:$0x980] =	vst v63  }
0x64: {  	_ = 	snop  }
0x65: {  	[spmem:s2] =	stream.indirect.scatter.add.f32 [tilespmem:s11], [sflag:$0x1], $0x1, s14, s10, $0xb8;
	[tilespmem:$0x980] =	vst v63  }
.Ltmp0:
0x66: {  	_ = 	snop;
	(pc) =	sbr.rel @p0 .LBB2_2-.Ltmp0, $4  }
0x67: {  	_ = 	snop  }
0x68: {  	[spmem:s2] =	stream.indirect.scatter.add.f32 [tilespmem:s11], [sflag:$0x1], $0x1, s15, s10, $0xb8;
	[tilespmem:$0x980] =	vst v63  }
0x69: {  	_ = 	snop  }
0x6a: {  	[spmem:s2] =	stream.indirect.scatter.add.f32 [tilespmem:s11], [sflag:$0x1], $0x1, s16, s10, $0xb8;
	[tilespmem:$0x980] =	vst v63  }
0x6b: {  	[spmem:s2] =	stream.indirect.scatter.add.f32 [tilespmem:s11], [sflag:$0x1], $0x1, s17, s10, $0xb8;
	[tilespmem:$0x980] =	vst v63  }
0x6c: {  	_ =	swait.ge [sflag:s18], $0x2800  }
0x6d: {  	s23 =	sadd.s32 $0x1, s23;
	[sflag:s18] =	ssyncset.done $0x0  }
0x6e: {  	p0 =	sne.s32 s23, s6;
	[sflag:s18] =	ssyncadd.s32 $0xFFFFD800  }
.Ltmp1:
0x6f: {  	[bflag:$0x0] =	sbarrier.arrive $0xFFFF;
	(pc) =	sbr.rel @p0 .LBB2_1-.Ltmp1, $4  }
0x70: {  	[hbm:s5@s21], [sflag:s19] =	dma.strided [spmem:s20@s22], $0x50, s18, $0x10   }
0x71: {  	_ =	swait.ge [sflag:s9], $0x50  }
0x72: {  	[sflag:s9] =	ssyncset.done $0x0  }
0x73: {  	[sflag:s9] =	ssyncadd.s32 $0xFFFFFFB0  }
0x74: {  	_ =	sfence.sel $0x180000  }
0x75: {  	[bflag:$0x0] =	sbarrier.arrive $0xFFFF  }
0x76: {  	p0 =	sne.s32 s0, $0x0;
	_ =	strace $0x90000047  }
0x77: {  	s0 =	sadd.s32 @!p0 $0x100000, s1;
	[bflag:$0x2] =	sbarrier.arrive $0xFFFF  }
0x78: {  	[sflag:s0] =	ssyncadd.tile.s32 @!p0 $0x1;
	_ =	shalt  }
.Lfunc_end2:
_tile_overlayer_lowered:
.L_overlay_start_2:
0x79: {  	(tag) =	ssettag $0x2  }
0x7a: {  	s0 =	rddreg [dreg:$0x0];
	s2 =	stileid.u32  }
0x7b: {  	s1 =	rddreg [dreg:$0x1];
	p0 =	sne.s32 s2, $0x0  }
0x7c: {  	s3 =	rddreg [dreg:$0x2];
	[bflag:$0x3] =	sbarrier.arrive $0xFFFF;
	s2 =	simm.s32 @!p0 $0x1C02  }
0x7d: {  	[timem:s3], [sflag:s2] =	dma.local @!p0 [hbm:s0], s1  }
0x7e: {  	s0 =	simm.s32 @!p0 $0x2  }
0x7f: {  	_ =	swait.ge @!p0 [sflag:s0], s1  }
0x80: {  	s1 =	ssub.s32 @!p0 $0x0, s1;
	[sflag:s0] =	ssyncset.done @!p0 $0x0  }
0x81: {  	[sflag:s0] =	ssyncadd.s32 @!p0 s1  }
0x82: {  	[bflag:$0x3] =	sbarrier.arrive $0xFFFF  }
0x83: {  	_ =	shalt  }

// kernel: kernel.17.cloned.1.call-start
scs
__scs_entry_jumppad:
0x0: {  	(pc) =	sbr.rel $0x88, $3  }
0x1: {  	(tag) =	ssettag $0x0;
	lr =	simm.s32 $0x1  }
0x2: {  	[smem:$0x3F92] =	sst lr;
	_ =	strace $0xD0000000  }
0x3: {  	_ = 	snop  }
0x4: {  	_ = 	snop  }
0x5: {  	_ = 	snop  }
0x6: {  	_ = 	snop  }
0x7: {  	_ = 	snop  }
__scs_overlays_trampoline_lowered:
0x8: {  	[smem:$0x3FA1] =	sst s0  }
0x9: {  	[smem:$0x3FA2] =	sst s1  }
0xa: {  	[smem:$0x3FA3] =	sst s2  }
0xb: {  	[smem:$0x3FA4] =	sst s3  }
0xc: {  	[smem:$0x3FA5] =	sst s4  }
0xd: {  	[smem:$0x3FA6] =	sst s5  }
0xe: {  	[smem:$0x3FA7] =	sst s6  }
0xf: {  	[smem:$0x3FA8] =	sst s7  }
0x10: {  	[smem:$0x3FA9] =	sst s8  }
0x11: {  	[smem:$0x3FAA] =	sst s9;
	s0 =	simm.s32 @!p0 $0x0  }
0x12: {  	s1 =	sld [smem:$0x3F90];
	s0 =	simm.s32 @p0 $0x1  }
0x13: {  	[smem:$0x3FAB] =	sst s0;
	s0 =	simm.s32 @!p1 $0x0  }
0x14: {  	s2 =	sld [smem:$0x3F8F];
	s0 =	simm.s32 @p1 $0x1  }
0x15: {  	[smem:$0x3FAC] =	sst s0;
	s0 =	simm.s32 @!p2 $0x0  }
0x16: {  	s3 =	sld [smem:$0x3FDB];
	s0 =	simm.s32 @p2 $0x1  }
0x17: {  	s4 =	simm.s32 $0x1BF5;
	[smem:$0x3FAE] =	sst s0  }
0x18: {  	s0 =	sld [smem:$0x3F91];
	_ =	swait.ge [sflag:s4], $0x0  }
0x19: {  	s7 =	sld [smem:$0x3F92]  }
0x1a: {  	s8 =	sadd.s32 $0xFFFFE003, lr  }
0x1b: {  	s9 =	sadd.s32 $0xFFFFFEF7, lr;
	s5 =	simm.s32 $0xFFFFFFFF;
	p2 =	slt.u32 s8, $0xFFFFF086  }
0x1c: {  	p1 =	slt.u32 s9, $0xF7A;
	s5 =	simm.s32 @!p2 $0x0  }
0x1d: {  	s5 =	simm.s32 @p1 $0x1;
	p0 =	seq.s32 s7, s2  }
0x1e: {  	s7 =	smul.u32 @!p0 $0xF7A, s2;
	p2 =	seq.s32 @!p0 s5, $0x0  }
0x1f: {  	s9 =	smul.u32 $0xF7A, s1;
	s8 =	simm.s32 @!p0 $0x1BF5;
	p2 =	por !p2, p0  }
0x20: {  	[sflag:s8] =	ssyncset.s32 @!p0 $0xFFFFF086;
	s6 =	sadd.s32 @!p0 s3, s7;
	s7 =	simm.s32 @!p0 $0x108  }
0x21: {  	s3 =	sadd.s32 s3, s9;
	s6 =	sadd.s32 @!p0 $0x88, s6;
	s7 =	simm.s32 @p2 $0x1082  }
0x22: {  	[simem:s7], [sflag:s8] =	dma.local @!p0 [hbm:s6], $0xF7A  }
0x23: {  	s9 =	sor.u32 $0xD0000000, s2;
	s6 =	simm.s32 $0x108;
	_ =	swait.ge @!p0 [sflag:s8], $0x0  }
0x24: {  	s3 =	sadd.s32 $0x88, s3;
	s6 =	simm.s32 @!p1 $0x1082;
	[sflag:s4] =	ssyncset.s32 $0xFFFFF086  }
0x25: {  	[simem:s6], [sflag:s4] =	dma.local [hbm:s3], $0xF7A  }
0x26: {  	[smem:$0x3F92] =	sst s1;
	(tag) =	ssettag s2;
	_ =	strace s9  }
0x27: {  	s1 =	sld [smem:$0x3FA2]  }
0x28: {  	s2 =	sld [smem:$0x3FA3]  }
0x29: {  	s4 =	sld [smem:$0x3FA5]  }
0x2a: {  	p0 =	seq.s32 s5, $0x0;
	s5 =	sld [smem:$0x3FA6]  }
0x2b: {  	s6 =	sld [smem:$0x3FA7]  }
0x2c: {  	s7 =	sld [smem:$0x3FA8]  }
0x2d: {  	s3 =	simm.s32 $0x108;
	s8 =	sld [smem:$0x3FA9]  }
0x2e: {  	s3 =	simm.s32 @!p0 $0x1082;
	s9 =	sld [smem:$0x3FAA]  }
0x2f: {  	lr =	sadd.s32 s0, s3;
	s0 =	sld [smem:$0x3FA1]  }
0x30: {  	s3 =	sld [smem:$0x3FA4]  }
0x31: {  	[smem:$0x3FAD] =	sst s10  }
0x32: {  	s10 =	sld [smem:$0x3FAB];
	_ =	sdelay $0x3  }
0x33: {  	p0 =	seq.s32 s10, $0x1;
	s10 =	sld [smem:$0x3FAD];
	_ =	sdelay $0x3  }
0x34: {  	[smem:$0x3FAD] =	sst s10  }
0x35: {  	s10 =	sld [smem:$0x3FAC];
	_ =	sdelay $0x3  }
0x36: {  	p1 =	seq.s32 s10, $0x1;
	s10 =	sld [smem:$0x3FAD];
	_ =	sdelay $0x3  }
0x37: {  	[smem:$0x3FAD] =	sst s10  }
0x38: {  	s10 =	sld [smem:$0x3FAE]  }
0x39: {  	_ = 	snop;
	(pc) =	sbr.ind lr, $3  }
0x3a: {  	_ = 	snop  }
0x3b: {  	_ = 	snop  }
0x3c: {  	p2 =	seq.s32 s10, $0x1;
	s10 =	sld [smem:$0x3FAD]  }
0x3d: {  	_ =	shalt  }
0x3e: {  	_ =	shalt  }
0x3f: {  	_ =	shalt  }
0x40: {  	_ =	shalt  }
0x41: {  	_ =	shalt  }
0x42: {  	_ =	shalt  }
0x43: {  	_ =	shalt  }
0x44: {  	_ =	shalt  }
0x45: {  	_ =	shalt  }
0x46: {  	_ =	shalt  }
0x47: {  	_ =	shalt  }
0x48: {  	_ =	shalt  }
0x49: {  	_ =	shalt  }
0x4a: {  	_ =	shalt  }
0x4b: {  	_ =	shalt  }
0x4c: {  	_ =	shalt  }
0x4d: {  	_ =	shalt  }
0x4e: {  	_ =	shalt  }
0x4f: {  	_ =	shalt  }
0x50: {  	_ =	shalt  }
0x51: {  	_ =	shalt  }
0x52: {  	_ =	shalt  }
0x53: {  	_ =	shalt  }
0x54: {  	_ =	shalt  }
0x55: {  	_ =	shalt  }
0x56: {  	_ =	shalt  }
0x57: {  	_ =	shalt  }
0x58: {  	_ =	shalt  }
0x59: {  	_ =	shalt  }
0x5a: {  	_ =	shalt  }
0x5b: {  	_ =	shalt  }
0x5c: {  	_ =	shalt  }
0x5d: {  	_ =	shalt  }
0x5e: {  	_ =	shalt  }
0x5f: {  	_ =	shalt  }
0x60: {  	_ =	shalt  }
0x61: {  	_ =	shalt  }
0x62: {  	_ =	shalt  }
0x63: {  	_ =	shalt  }
0x64: {  	_ =	shalt  }
0x65: {  	_ =	shalt  }
0x66: {  	_ =	shalt  }
0x67: {  	_ =	shalt  }
0x68: {  	_ =	shalt  }
0x69: {  	_ =	shalt  }
0x6a: {  	_ =	shalt  }
0x6b: {  	_ =	shalt  }
0x6c: {  	_ =	shalt  }
0x6d: {  	_ =	shalt  }
0x6e: {  	_ =	shalt  }
0x6f: {  	_ =	shalt  }
0x70: {  	_ =	shalt  }
0x71: {  	_ =	shalt  }
0x72: {  	_ =	shalt  }
0x73: {  	_ =	shalt  }
0x74: {  	_ =	shalt  }
0x75: {  	_ =	shalt  }
0x76: {  	_ =	shalt  }
0x77: {  	_ =	shalt  }
0x78: {  	_ =	shalt  }
0x79: {  	_ =	shalt  }
0x7a: {  	_ =	shalt  }
0x7b: {  	_ =	shalt  }
0x7c: {  	_ =	shalt  }
0x7d: {  	_ =	shalt  }
0x7e: {  	_ =	shalt  }
0x7f: {  	_ =	shalt  }
0x80: {  	_ =	shalt  }
0x81: {  	_ =	shalt  }
0x82: {  	_ =	shalt  }
0x83: {  	_ =	shalt  }
0x84: {  	_ =	shalt  }
0x85: {  	_ =	shalt  }
0x86: {  	_ =	shalt  }
0x87: {  	_ =	shalt  }
.Lfunc_end0:
.L_simem_size_0:
called_computation.1_lowered:
.L_overlay_start_0:
0x88: {  	s2 =	sld [smem:$0x3FD9]  }
0x89: {  	s3 =	sld [smem:$0x3FFE];
	_ =	sdelay $0x1  }
0x8a: {  	s1 =	srdreg.scid  }
0x8b: {  	s0 =	sand.u32 $0x1, s1  }
0x8c: {  	s16 =	sshll.u32 s0, $0xA;
	s2 =	sadd.s32 s3, s2  }
0x8d: {  	s2 =	sadd.s32 s2, s16  }
0x8e: {  	[smem:$0x3FB9] =	sst s2  }
0x8f: {  	_ = 	snop  }
0x90: {  	(tm) =	ssettm $0x1  }
0x91: {  	s17 =	sld [smem:$0x3FFB];
	_ =	sdelay $0x3  }
0x92: {  	_ =	strace s17  }
0x93: {  	s2 =	sld [smem:$0x3FFC];
	_ =	sdelay $0x3  }
0x94: {  	_ =	strace s2  }
0x95: {  	s2 =	sld [smem:$0x3FFD];
	_ =	sdelay $0x3  }
0x96: {  	_ =	strace s2  }
0x97: {  	_ =	strace $0x8FFFFFFF  }
0x98: {  	s18 =	sld [smem:$0x3FDB];
	_ =	sdelay $0x1  }
0x99: {  	s19 =	simm.s32 $_scs_section_size  }
0x9a: {  	s4 =	simm.s32 $_size__tile_overlayer_lowered;
	s5 =	simm.s32 $_tile_overlayer_lowered  }
0x9b: {  	s22 =	simm.s32 $0x1BFF;
	s21 =	sshll.u32 s5, $0x1;
	s2 =	sadd.s32 s19, s18  }
0x9c: {  	s6 =	simm.s32 $0x0;
	s20 =	sshll.u32 s4, $0x1;
	s4 =	sadd.s32 s21, s2  }
0x9d: {  	[timem:s6], [sflag:s22] =	dma.local [hbm:s4], s20  }
0x9e: {  	_ =	swait.ge [sflag:s22], s20  }
0x9f: {  	s3 =	ssub.s32 $0x0, s20;
	[sflag:s22] =	ssyncset.done $0x0  }
0xa0: {  	[sflag:s22] =	ssyncadd.s32 s3;
	_ =	sdelay $0x1  }
0xa1: {  	s23 =	simm.s32 $0x1B8B  }
0xa2: {  	_ =	swait.ge [sflag:s23], $0x1  }
0xa3: {  	[sflag:s23] =	ssyncset.done $0x0  }
0xa4: {  	s25 =	simm.s32 $0x1B8E;
	s24 =	sld [smem:$0x3FFE];
	[sflag:s23] =	ssyncadd.s32 $0xFFFFFFFF  }
0xa5: {  	s26 =	simm.s32 $execute0_lowered;
	[smem:$0x3FD2] =	sst s25  }
0xa6: {  	s4 =	sshll.u32 s26, $0x1;
	_ =	strace $0x80000049;
	[dreg:$0x1] =	wrdreg $0xFFFFFFFF  }
0xa7: {  	s28 =	simm.s32 $_size_execute0_lowered;
	s2 =	sadd.s32 s2, s4;
	[dreg:$0x0] =	wrdreg $0x0  }
0xa8: {  	s4 =	sshll.u32 s28, $0x1;
	[dreg:$0x2] =	wrdreg s2  }
0xa9: {  	[dreg:$0x3] =	wrdreg s4  }
0xaa: {  	[dreg:$0x4] =	wrdreg $0xC0  }
0xab: {  	_ =	task [dreg:s6], $0x5FFFF  }
0xac: {  	[dreg:$0x1] =	wrdreg $0xFFFFFFFF  }
0xad: {  	[dreg:$0x0] =	wrdreg $0x60  }
0xae: {  	[dreg:$0x2] =	wrdreg s24  }
0xaf: {  	[dreg:$0x3] =	wrdreg $0xA8000  }
0xb0: {  	[dreg:$0x4] =	wrdreg $0x9  }
0xb1: {  	_ =	task.clear_ibuf [dreg:s6], $0x5FFFF;
	_ =	strace $0x90000049  }
0xb2: {  	s29 =	simm.s32 $0x9;
	_ =	strace $0x8000004B  }
0xb3: {  	_ =	swait.ge [sflag:s29], $0x1  }
0xb4: {  	[sflag:s29] =	ssyncadd.s32 $0xFFFFFFFF  }
0xb5: {  	_ =	strace $0x9000004B  }
0xb6: {  	_ =	sfence  }
0xb7: {  	s30 =	sld [smem:$0x0];
	_ =	sdelay $0x2  }
0xb8: {  	s31 =	sshll.u32 s1, $0xD;
	s1 =	sshrl.u32 s1, $0x2  }
0xb9: {  	s3 =	sand.u32 $0x4000, s31;
	s1 =	sadd.s32 s1, s30  }
0xba: {  	s0 =	sor.u32 s3, s0;
	s1 =	sshll.u32 s1, $0x11  }
0xbb: {  	s0 =	sor.u32 s1, s0  }
0xbc: {  	s0 =	sadd.s32 $0x8F2B, s0  }
0xbd: {  	[sflag:s0] =	ssyncadd.remote.s32 $0x1  }
0xbe: {  	_ =	sfence.sel $0xFFFF  }
0xbf: {  	[dreg:$0x0] =	wrdreg $0xFFFFFFFF;
	(pc) =	sbr.abs _section_cstart, $3  }
0xc0: {  	[dreg:$0x1] =	wrdreg $0xFFFFFFFF  }
0xc1: {  	_ =	task.clear_ibuf [dreg:s6], $0x2FFFF;
	_ =	strace $0x9FFFFFFF  }
0xc2: {  	(tm) =	ssettm $0x7FFFFFFF  }
0xc3: {  	_ =	shalt  }
tec
execute0_lowered:
.L_overlay_start_1:
0x0: {  	(tag) =	ssettag $0x1  }
0x1: {  	s5 =	rddreg [dreg:$0x0]  }
0x2: {  	s2 =	rddreg [dreg:$0x1]  }
0x3: {  	s0 =	srdreg.scid;
	s1 =	rddreg [dreg:$0x2]  }
0x4: {  	s3 =	simm.s32 $0x0;
	s14 =	simm.s32 $0x2800;
	s15 =	simm.s32 $0x100  }
0x5: {  	s16 =	simm.s32 $0x6800;
	s17 =	simm.s32 $0x1;
	s18 =	simm.s32 $0x3  }
0x6: {  	s19 =	simm.s32 $0x200;
	s20 =	simm.s32 $0x2;
	s21 =	simm.s32 $0x180  }
0x7: {  	s22 =	simm.s32 $0x4;
	s23 =	simm.s32 $0x2700;
	s6 =	sand.u32 $0x1, s0  }
0x8: {  	s24 =	simm.s32 $0x2680;
	s0 =	stileid.u32;
	s7 =	smul.u32 $0x500, s6  }
0x9: {  	s25 =	simm.s32 $0x2780;
	s26 =	simm.s32 $0x0;
	s8 =	smul.u32 $0x50, s0  }
0xa: {  	[smem:$0x7FF] =	sst s3;
	s4 =	sadd.s32 $0x22C00, s5;
	s9 =	smul.u32 $0x13C00, s0  }
0xb: {  	s11 =	sadd.s32 $0x4A400, s5;
	s10 =	smul.u32 $0x13C000, s6;
	_ =	strace $0x8000004A  }
0xc: {  	s29 =	ssub.s32 $0x2, s6;
	p0 =	seq.s32 s6, $0x1;
	s13 =	smov.u32 s4  }
0xd: {  	s31 =	sshll.u32 s0, $0x6;
	s12 =	sshrl.u32 s29, $0x1;
	s13 =	smov.u32 @p0 s11  }
0xe: {  	s7 =	sadd.s32 s8, s7;
	s28 =	sadd.s32 s9, s10;
	s10 =	ssub.s32 s29, s12  }
0xf: {  	s30 =	sadd.s32 s9, s2;
	s9 =	sshrl.u32 s9, $0x3;
	s12 =	simm.s32 $0x5  }
0x10: {  	s7 =	sshll.u32 s7, $0x5;
	s8 =	sshrl.u32 s28, $0x3;
	s9 =	sadd.s32 s13, s9  }
0x11: {  	s11 =	sshrl.u32 s30, $0x3;
	s13 =	simm.s32 $0x80;
	s7 =	sadd.s32 s7, s5  }
0x12: {  	s8 =	sadd.s32 s8, s5;
	s5 =	sadd.s32 $0xEC00, s7;
	s6 =	sadd.s32 $0xF100, s7  }
0x13: {  	s7 =	sadd.s32 $0x71C00, s8;
	s8 =	smax.u32 s10, $0x1;
	s10 =	sor.u32 $0x1C05, s31  }
.LBB2_1:
0x14: {  	[spmem:s11], [sflag:s10] =	dma.local [hbm:s9], $0x2780  }
0x15: {  	_ =	swait.ge [sflag:s12], $0x2780  }
0x16: {  	[sflag:s12] =	ssyncset.done $0x0  }
0x17: {  	[sflag:s12] =	ssyncadd.s32 $0xFFFFD880  }
0x18: {  	[bflag:$0x0] =	sbarrier.arrive $0xFFFF  }
0x19: {  	[tilespmem:s3], [sflag:$0x5] =	stream.linear.gather [hbm4b:s5+s3], $0x2800, $0x38;
	[tilespmem:$0x1E400] =	vst v63  }
0x1a: {  	_ =	swait.ge [sflag:s12], $0x2800  }
0x1b: {  	[sflag:s12] =	ssyncset.done $0x0  }
0x1c: {  	[sflag:s12] =	ssyncadd.s32 $0xFFFFD800  }
0x1d: {  	[tilespmem:s14], [sflag:$0x1] =	stream.indirect.gather [hbm4b:s4+s13], $0x80, s3, s13, $0xb8;
	[tilespmem:$0x1E400] =	vst v63  }
0x1e: {  	_ = 	snop  }
0x1f: {  	[tilespmem:s16], [sflag:$0x2] =	stream.indirect.gather [hbm4b:s4+s13], $0x80, s15, s13, $0xb8;
	[tilespmem:$0x1E400] =	vst v63  }
0x20: {  	_ =	swait.ge [sflag:s17], $0x4000  }
0x21: {  	[sflag:s17] =	ssyncset.done $0x0  }
0x22: {  	[sflag:s17] =	ssyncadd.s32 $0xFFFFC000  }
0x23: {  	[spmem:s2] =	stream.indirect.scatter.add.f32 [tilespmem:s14], [sflag:$0x3], $0x80, s13, s13, $0xb8;
	[tilespmem:$0x1E400] =	vst v63  }
0x24: {  	_ =	swait.ge [sflag:s18], $0x4000  }
0x25: {  	[sflag:s18] =	ssyncset.done $0x0  }
0x26: {  	[sflag:s18] =	ssyncadd.s32 $0xFFFFC000  }
0x27: {  	[tilespmem:s14], [sflag:$0x1] =	stream.indirect.gather [hbm4b:s4+s13], $0x80, s19, s13, $0xb8;
	[tilespmem:$0x1E400] =	vst v63  }
0x28: {  	_ =	swait.ge [sflag:s20], $0x4000  }
0x29: {  	[sflag:s20] =	ssyncset.done $0x0  }
0x2a: {  	[sflag:s20] =	ssyncadd.s32 $0xFFFFC000  }
0x2b: {  	[spmem:s2] =	stream.indirect.scatter.add.f32 [tilespmem:s16], [sflag:$0x4], $0x80, s21, s13, $0xb8;
	[tilespmem:$0x1E400] =	vst v63  }
0x2c: {  	_ =	swait.ge [sflag:s22], $0x4000  }
0x2d: {  	[sflag:s22] =	ssyncset.done $0x0  }
0x2e: {  	s28 =	simm.s32 $0x300;
	[sflag:s22] =	ssyncadd.s32 $0xFFFFC000  }
0x2f: {  	[tilespmem:s16], [sflag:$0x2] =	stream.indirect.gather [hbm4b:s4+s13], $0x80, s28, s13, $0xb8;
	[tilespmem:$0x1E400] =	vst v63  }
0x30: {  	_ =	swait.ge [sflag:s17], $0x4000  }
0x31: {  	[sflag:s17] =	ssyncset.done $0x0  }
0x32: {  	s28 =	simm.s32 $0x280;
	[sflag:s17] =	ssyncadd.s32 $0xFFFFC000  }
0x33: {  	[spmem:s2] =	stream.indirect.scatter.add.f32 [tilespmem:s14], [sflag:$0x3], $0x80, s28, s13, $0xb8;
	[tilespmem:$0x1E400] =	vst v63  }
0x34: {  	_ =	swait.ge [sflag:s18], $0x4000  }
0x35: {  	[sflag:s18] =	ssyncset.done $0x0  }
0x36: {  	s28 =	simm.s32 $0x400;
	[sflag:s18] =	ssyncadd.s32 $0xFFFFC000  }
0x37: {  	[tilespmem:s14], [sflag:$0x1] =	stream.indirect.gather [hbm4b:s4+s13], $0x80, s28, s13, $0xb8;
	[tilespmem:$0x1E400] =	vst v63  }
0x38: {  	_ =	swait.ge [sflag:s20], $0x4000  }
0x39: {  	[sflag:s20] =	ssyncset.done $0x0  }
0x3a: {  	s29 =	simm.s32 $0x380;
	s28 =	simm.s32 $0xFFFF7800;
	[sflag:s20] =	ssyncadd.s32 $0xFFFFC000  }
.LBB2_2:
0x3b: {  	[spmem:s2] =	stream.indirect.scatter.add.f32 [tilespmem:s16], [sflag:$0x4], $0x80, s29, s13, $0xb8;
	[tilespmem:$0x1E400] =	vst v63  }
0x3c: {  	s29 =	smov.u32 s28  }
0x3d: {  	p0 =	sne.s32 s28, $0xFFFFF800;
	s28 =	sadd.s32 $0x800, s28;
	_ =	swait.ge [sflag:s22], $0x4000  }
0x3e: {  	s29 =	sshra.s32 s29, $0x2;
	[sflag:s22] =	ssyncset.done $0x0  }
0x3f: {  	s30 =	sadd.s32 $0x2700, s29;
	[sflag:s22] =	ssyncadd.s32 $0xFFFFC000  }
0x40: {  	[tilespmem:s16], [sflag:$0x2] =	stream.indirect.gather [hbm4b:s4+s13], $0x80, s30, s13, $0xb8;
	[tilespmem:$0x1E400] =	vst v63  }
0x41: {  	_ =	swait.ge [sflag:s17], $0x4000  }
0x42: {  	[sflag:s17] =	ssyncset.done $0x0  }
0x43: {  	s30 =	sadd.s32 $0x2680, s29;
	[sflag:s17] =	ssyncadd.s32 $0xFFFFC000  }
0x44: {  	[spmem:s2] =	stream.indirect.scatter.add.f32 [tilespmem:s14], [sflag:$0x3], $0x80, s30, s13, $0xb8;
	[tilespmem:$0x1E400] =	vst v63  }
0x45: {  	_ =	swait.ge [sflag:s18], $0x4000  }
0x46: {  	[sflag:s18] =	ssyncset.done $0x0  }
.Ltmp0:
0x47: {  	s30 =	sadd.s32 $0x2800, s29;
	[sflag:s18] =	ssyncadd.s32 $0xFFFFC000;
	(pc) =	sbr.rel @p0 .LBB2_2-.Ltmp0, $4  }
0x48: {  	[tilespmem:s14], [sflag:$0x1] =	stream.indirect.gather [hbm4b:s4+s13], $0x80, s30, s13, $0xb8;
	[tilespmem:$0x1E400] =	vst v63  }
0x49: {  	_ =	swait.ge [sflag:s20], $0x4000  }
0x4a: {  	[sflag:s20] =	ssyncset.done $0x0  }
0x4b: {  	s29 =	sadd.s32 $0x2780, s29;
	[sflag:s20] =	ssyncadd.s32 $0xFFFFC000  }
0x4c: {  	[spmem:s2] =	stream.indirect.scatter.add.f32 [tilespmem:s16], [sflag:$0x4], $0x80, s29, s13, $0xb8;
	[tilespmem:$0x1E400] =	vst v63  }
0x4d: {  	_ =	swait.ge [sflag:s22], $0x4000  }
0x4e: {  	[sflag:s22] =	ssyncset.done $0x0  }
0x4f: {  	[sflag:s22] =	ssyncadd.s32 $0xFFFFC000  }
0x50: {  	[tilespmem:s16], [sflag:$0x2] =	stream.indirect.gather [hbm4b:s4+s13], $0x80, s23, s13, $0xb8;
	[tilespmem:$0x1E400] =	vst v63  }
0x51: {  	_ =	swait.ge [sflag:s17], $0x4000  }
0x52: {  	[sflag:s17] =	ssyncset.done $0x0  }
0x53: {  	[sflag:s17] =	ssyncadd.s32 $0xFFFFC000  }
0x54: {  	[spmem:s2] =	stream.indirect.scatter.add.f32 [tilespmem:s14], [sflag:$0x3], $0x80, s24, s13, $0xb8;
	[tilespmem:$0x1E400] =	vst v63  }
0x55: {  	_ =	swait.ge [sflag:s20], $0x4000  }
0x56: {  	[sflag:s20] =	ssyncset.done $0x0  }
0x57: {  	[sflag:s20] =	ssyncadd.s32 $0xFFFFC000  }
0x58: {  	[spmem:s2] =	stream.indirect.scatter.add.f32 [tilespmem:s16], [sflag:$0x4], $0x80, s25, s13, $0xb8;
	[tilespmem:$0x1E400] =	vst v63  }
0x59: {  	_ =	swait.ge [sflag:s18], $0x4000  }
0x5a: {  	[sflag:s18] =	ssyncset.done $0x0  }
0x5b: {  	[sflag:s18] =	ssyncadd.s32 $0xFFFFC000  }
0x5c: {  	_ =	swait.ge [sflag:s22], $0x4000  }
0x5d: {  	[sflag:s22] =	ssyncset.done $0x0  }
0x5e: {  	[sflag:s22] =	ssyncadd.s32 $0xFFFFC000  }
0x5f: {  	[tilespmem:s3], [sflag:$0x5] =	stream.linear.gather [hbm4b:s6+s3], $0x2800, $0x38;
	[tilespmem:$0x1E400] =	vst v63  }
0x60: {  	_ =	swait.ge [sflag:s12], $0x2800  }
0x61: {  	[sflag:s12] =	ssyncset.done $0x0  }
0x62: {  	[sflag:s12] =	ssyncadd.s32 $0xFFFFD800  }
0x63: {  	[tilespmem:s14], [sflag:$0x1] =	stream.indirect.gather [hbm4b:s4+s13], $0x80, s3, s13, $0xb8;
	[tilespmem:$0x1E400] =	vst v63  }
0x64: {  	_ = 	snop  }
0x65: {  	[tilespmem:s16], [sflag:$0x2] =	stream.indirect.gather [hbm4b:s4+s13], $0x80, s15, s13, $0xb8;
	[tilespmem:$0x1E400] =	vst v63  }
0x66: {  	_ =	swait.ge [sflag:s17], $0x4000  }
0x67: {  	[sflag:s17] =	ssyncset.done $0x0  }
0x68: {  	[sflag:s17] =	ssyncadd.s32 $0xFFFFC000  }
0x69: {  	[spmem:s2] =	stream.indirect.scatter.add.f32 [tilespmem:s14], [sflag:$0x3], $0x80, s13, s13, $0xb8;
	[tilespmem:$0x1E400] =	vst v63  }
0x6a: {  	_ =	swait.ge [sflag:s18], $0x4000  }
0x6b: {  	[sflag:s18] =	ssyncset.done $0x0  }
0x6c: {  	[sflag:s18] =	ssyncadd.s32 $0xFFFFC000  }
0x6d: {  	[tilespmem:s14], [sflag:$0x1] =	stream.indirect.gather [hbm4b:s4+s13], $0x80, s19, s13, $0xb8;
	[tilespmem:$0x1E400] =	vst v63  }
0x6e: {  	_ =	swait.ge [sflag:s20], $0x4000  }
0x6f: {  	[sflag:s20] =	ssyncset.done $0x0  }
0x70: {  	[sflag:s20] =	ssyncadd.s32 $0xFFFFC000  }
0x71: {  	[spmem:s2] =	stream.indirect.scatter.add.f32 [tilespmem:s16], [sflag:$0x4], $0x80, s21, s13, $0xb8;
	[tilespmem:$0x1E400] =	vst v63  }
0x72: {  	_ =	swait.ge [sflag:s22], $0x4000  }
0x73: {  	[sflag:s22] =	ssyncset.done $0x0  }
0x74: {  	s28 =	simm.s32 $0x300;
	[sflag:s22] =	ssyncadd.s32 $0xFFFFC000  }
0x75: {  	[tilespmem:s16], [sflag:$0x2] =	stream.indirect.gather [hbm4b:s4+s13], $0x80, s28, s13, $0xb8;
	[tilespmem:$0x1E400] =	vst v63  }
0x76: {  	_ =	swait.ge [sflag:s17], $0x4000  }
0x77: {  	[sflag:s17] =	ssyncset.done $0x0  }
0x78: {  	s28 =	simm.s32 $0x280;
	[sflag:s17] =	ssyncadd.s32 $0xFFFFC000  }
0x79: {  	[spmem:s2] =	stream.indirect.scatter.add.f32 [tilespmem:s14], [sflag:$0x3], $0x80, s28, s13, $0xb8;
	[tilespmem:$0x1E400] =	vst v63  }
0x7a: {  	_ =	swait.ge [sflag:s18], $0x4000  }
0x7b: {  	[sflag:s18] =	ssyncset.done $0x0  }
0x7c: {  	s28 =	simm.s32 $0x400;
	[sflag:s18] =	ssyncadd.s32 $0xFFFFC000  }
0x7d: {  	[tilespmem:s14], [sflag:$0x1] =	stream.indirect.gather [hbm4b:s4+s13], $0x80, s28, s13, $0xb8;
	[tilespmem:$0x1E400] =	vst v63  }
0x7e: {  	_ =	swait.ge [sflag:s20], $0x4000  }
0x7f: {  	[sflag:s20] =	ssyncset.done $0x0  }
0x80: {  	s29 =	simm.s32 $0x380;
	s28 =	simm.s32 $0xFFFF7800;
	[sflag:s20] =	ssyncadd.s32 $0xFFFFC000  }
.LBB2_4:
0x81: {  	[spmem:s2] =	stream.indirect.scatter.add.f32 [tilespmem:s16], [sflag:$0x4], $0x80, s29, s13, $0xb8;
	[tilespmem:$0x1E400] =	vst v63  }
0x82: {  	s29 =	smov.u32 s28  }
0x83: {  	p0 =	sne.s32 s28, $0xFFFFF800;
	s28 =	sadd.s32 $0x800, s28;
	_ =	swait.ge [sflag:s22], $0x4000  }
0x84: {  	s29 =	sshra.s32 s29, $0x2;
	[sflag:s22] =	ssyncset.done $0x0  }
0x85: {  	s30 =	sadd.s32 $0x2700, s29;
	[sflag:s22] =	ssyncadd.s32 $0xFFFFC000  }
0x86: {  	[tilespmem:s16], [sflag:$0x2] =	stream.indirect.gather [hbm4b:s4+s13], $0x80, s30, s13, $0xb8;
	[tilespmem:$0x1E400] =	vst v63  }
0x87: {  	_ =	swait.ge [sflag:s17], $0x4000  }
0x88: {  	[sflag:s17] =	ssyncset.done $0x0  }
0x89: {  	s30 =	sadd.s32 $0x2680, s29;
	[sflag:s17] =	ssyncadd.s32 $0xFFFFC000  }
0x8a: {  	[spmem:s2] =	stream.indirect.scatter.add.f32 [tilespmem:s14], [sflag:$0x3], $0x80, s30, s13, $0xb8;
	[tilespmem:$0x1E400] =	vst v63  }
0x8b: {  	_ =	swait.ge [sflag:s18], $0x4000  }
0x8c: {  	[sflag:s18] =	ssyncset.done $0x0  }
.Ltmp1:
0x8d: {  	s30 =	sadd.s32 $0x2800, s29;
	[sflag:s18] =	ssyncadd.s32 $0xFFFFC000;
	(pc) =	sbr.rel @p0 .LBB2_4-.Ltmp1, $4  }
0x8e: {  	[tilespmem:s14], [sflag:$0x1] =	stream.indirect.gather [hbm4b:s4+s13], $0x80, s30, s13, $0xb8;
	[tilespmem:$0x1E400] =	vst v63  }
0x8f: {  	_ =	swait.ge [sflag:s20], $0x4000  }
0x90: {  	[sflag:s20] =	ssyncset.done $0x0  }
0x91: {  	s29 =	sadd.s32 $0x2780, s29;
	[sflag:s20] =	ssyncadd.s32 $0xFFFFC000  }
0x92: {  	[spmem:s2] =	stream.indirect.scatter.add.f32 [tilespmem:s16], [sflag:$0x4], $0x80, s29, s13, $0xb8;
	[tilespmem:$0x1E400] =	vst v63  }
0x93: {  	_ =	swait.ge [sflag:s22], $0x4000  }
0x94: {  	[sflag:s22] =	ssyncset.done $0x0  }
0x95: {  	[sflag:s22] =	ssyncadd.s32 $0xFFFFC000  }
0x96: {  	[tilespmem:s16], [sflag:$0x2] =	stream.indirect.gather [hbm4b:s4+s13], $0x80, s23, s13, $0xb8;
	[tilespmem:$0x1E400] =	vst v63  }
0x97: {  	_ =	swait.ge [sflag:s17], $0x4000  }
0x98: {  	[sflag:s17] =	ssyncset.done $0x0  }
0x99: {  	[sflag:s17] =	ssyncadd.s32 $0xFFFFC000  }
0x9a: {  	[spmem:s2] =	stream.indirect.scatter.add.f32 [tilespmem:s14], [sflag:$0x3], $0x80, s24, s13, $0xb8;
	[tilespmem:$0x1E400] =	vst v63  }
0x9b: {  	_ =	swait.ge [sflag:s20], $0x4000  }
0x9c: {  	[sflag:s20] =	ssyncset.done $0x0  }
0x9d: {  	[sflag:s20] =	ssyncadd.s32 $0xFFFFC000  }
0x9e: {  	[spmem:s2] =	stream.indirect.scatter.add.f32 [tilespmem:s16], [sflag:$0x4], $0x80, s25, s13, $0xb8;
	[tilespmem:$0x1E400] =	vst v63  }
0x9f: {  	_ =	swait.ge [sflag:s18], $0x4000  }
0xa0: {  	[sflag:s18] =	ssyncset.done $0x0  }
0xa1: {  	[sflag:s18] =	ssyncadd.s32 $0xFFFFC000  }
0xa2: {  	_ =	swait.ge [sflag:s22], $0x4000  }
0xa3: {  	s26 =	sadd.s32 $0x1, s26;
	[sflag:s22] =	ssyncset.done $0x0  }
0xa4: {  	p0 =	sne.s32 s26, s8;
	[sflag:s22] =	ssyncadd.s32 $0xFFFFC000  }
.Ltmp2:
0xa5: {  	[bflag:$0x0] =	sbarrier.arrive $0xFFFF;
	(pc) =	sbr.rel @p0 .LBB2_1-.Ltmp2, $4  }
0xa6: {  	[hbm:s7], [sflag:s10] =	dma.local [spmem:s11], $0x2780  }
0xa7: {  	_ =	swait.ge [sflag:s12], $0x2780  }
0xa8: {  	[sflag:s12] =	ssyncset.done $0x0  }
0xa9: {  	[sflag:s12] =	ssyncadd.s32 $0xFFFFD880  }
0xaa: {  	_ =	sfence.sel $0x180000  }
0xab: {  	[bflag:$0x0] =	sbarrier.arrive $0xFFFF  }
0xac: {  	p0 =	sne.s32 s0, $0x0;
	_ =	strace $0x9000004A  }
0xad: {  	s0 =	sadd.s32 @!p0 $0x100000, s1;
	[bflag:$0x2] =	sbarrier.arrive $0xFFFF  }
0xae: {  	[sflag:s0] =	ssyncadd.tile.s32 @!p0 $0x1;
	_ =	shalt  }
.Lfunc_end2:
_tile_overlayer_lowered:
.L_overlay_start_2:
0xaf: {  	(tag) =	ssettag $0x2  }
0xb0: {  	s0 =	rddreg [dreg:$0x0];
	s2 =	stileid.u32  }
0xb1: {  	s1 =	rddreg [dreg:$0x1];
	p0 =	sne.s32 s2, $0x0  }
0xb2: {  	s3 =	rddreg [dreg:$0x2];
	[bflag:$0x3] =	sbarrier.arrive $0xFFFF;
	s2 =	simm.s32 @!p0 $0x1C05  }
0xb3: {  	[timem:s3], [sflag:s2] =	dma.local @!p0 [hbm:s0], s1  }
0xb4: {  	s0 =	simm.s32 @!p0 $0x5  }
0xb5: {  	_ =	swait.ge @!p0 [sflag:s0], s1  }
0xb6: {  	s1 =	ssub.s32 @!p0 $0x0, s1;
	[sflag:s0] =	ssyncset.done @!p0 $0x0  }
0xb7: {  	[sflag:s0] =	ssyncadd.s32 @!p0 s1  }
0xb8: {  	[bflag:$0x3] =	sbarrier.arrive $0xFFFF  }
0xb9: {  	_ =	shalt  }

// kernel: kernel.20.cloned.1.call-start
scs
__scs_entry_jumppad:
0x0: {  	(pc) =	sbr.rel $0x88, $3  }
0x1: {  	(tag) =	ssettag $0x0;
	lr =	simm.s32 $0x1  }
0x2: {  	[smem:$0x3F92] =	sst lr;
	_ =	strace $0xD0000000  }
0x3: {  	_ = 	snop  }
0x4: {  	_ = 	snop  }
0x5: {  	_ = 	snop  }
0x6: {  	_ = 	snop  }
0x7: {  	_ = 	snop  }
__scs_overlays_trampoline_lowered:
0x8: {  	[smem:$0x3FA1] =	sst s0  }
0x9: {  	[smem:$0x3FA2] =	sst s1  }
0xa: {  	[smem:$0x3FA3] =	sst s2  }
0xb: {  	[smem:$0x3FA4] =	sst s3  }
0xc: {  	[smem:$0x3FA5] =	sst s4  }
0xd: {  	[smem:$0x3FA6] =	sst s5  }
0xe: {  	[smem:$0x3FA7] =	sst s6  }
0xf: {  	[smem:$0x3FA8] =	sst s7  }
0x10: {  	[smem:$0x3FA9] =	sst s8  }
0x11: {  	[smem:$0x3FAA] =	sst s9;
	s0 =	simm.s32 @!p0 $0x0  }
0x12: {  	s1 =	sld [smem:$0x3F90];
	s0 =	simm.s32 @p0 $0x1  }
0x13: {  	[smem:$0x3FAB] =	sst s0;
	s0 =	simm.s32 @!p1 $0x0  }
0x14: {  	s2 =	sld [smem:$0x3F8F];
	s0 =	simm.s32 @p1 $0x1  }
0x15: {  	[smem:$0x3FAC] =	sst s0;
	s0 =	simm.s32 @!p2 $0x0  }
0x16: {  	s3 =	sld [smem:$0x3FDB];
	s0 =	simm.s32 @p2 $0x1  }
0x17: {  	s4 =	simm.s32 $0x1BF5;
	[smem:$0x3FAE] =	sst s0  }
0x18: {  	s0 =	sld [smem:$0x3F91];
	_ =	swait.ge [sflag:s4], $0x0  }
0x19: {  	s7 =	sld [smem:$0x3F92]  }
0x1a: {  	s8 =	sadd.s32 $0xFFFFE003, lr  }
0x1b: {  	s9 =	sadd.s32 $0xFFFFFEF7, lr;
	s5 =	simm.s32 $0xFFFFFFFF;
	p2 =	slt.u32 s8, $0xFFFFF086  }
0x1c: {  	p1 =	slt.u32 s9, $0xF7A;
	s5 =	simm.s32 @!p2 $0x0  }
0x1d: {  	s5 =	simm.s32 @p1 $0x1;
	p0 =	seq.s32 s7, s2  }
0x1e: {  	s7 =	smul.u32 @!p0 $0xF7A, s2;
	p2 =	seq.s32 @!p0 s5, $0x0  }
0x1f: {  	s9 =	smul.u32 $0xF7A, s1;
	s8 =	simm.s32 @!p0 $0x1BF5;
	p2 =	por !p2, p0  }
0x20: {  	[sflag:s8] =	ssyncset.s32 @!p0 $0xFFFFF086;
	s6 =	sadd.s32 @!p0 s3, s7;
	s7 =	simm.s32 @!p0 $0x108  }
0x21: {  	s3 =	sadd.s32 s3, s9;
	s6 =	sadd.s32 @!p0 $0x88, s6;
	s7 =	simm.s32 @p2 $0x1082  }
0x22: {  	[simem:s7], [sflag:s8] =	dma.local @!p0 [hbm:s6], $0xF7A  }
0x23: {  	s9 =	sor.u32 $0xD0000000, s2;
	s6 =	simm.s32 $0x108;
	_ =	swait.ge @!p0 [sflag:s8], $0x0  }
0x24: {  	s3 =	sadd.s32 $0x88, s3;
	s6 =	simm.s32 @!p1 $0x1082;
	[sflag:s4] =	ssyncset.s32 $0xFFFFF086  }
0x25: {  	[simem:s6], [sflag:s4] =	dma.local [hbm:s3], $0xF7A  }
0x26: {  	[smem:$0x3F92] =	sst s1;
	(tag) =	ssettag s2;
	_ =	strace s9  }
0x27: {  	s1 =	sld [smem:$0x3FA2]  }
0x28: {  	s2 =	sld [smem:$0x3FA3]  }
0x29: {  	s4 =	sld [smem:$0x3FA5]  }
0x2a: {  	p0 =	seq.s32 s5, $0x0;
	s5 =	sld [smem:$0x3FA6]  }
0x2b: {  	s6 =	sld [smem:$0x3FA7]  }
0x2c: {  	s7 =	sld [smem:$0x3FA8]  }
0x2d: {  	s3 =	simm.s32 $0x108;
	s8 =	sld [smem:$0x3FA9]  }
0x2e: {  	s3 =	simm.s32 @!p0 $0x1082;
	s9 =	sld [smem:$0x3FAA]  }
0x2f: {  	lr =	sadd.s32 s0, s3;
	s0 =	sld [smem:$0x3FA1]  }
0x30: {  	s3 =	sld [smem:$0x3FA4]  }
0x31: {  	[smem:$0x3FAD] =	sst s10  }
0x32: {  	s10 =	sld [smem:$0x3FAB];
	_ =	sdelay $0x3  }
0x33: {  	p0 =	seq.s32 s10, $0x1;
	s10 =	sld [smem:$0x3FAD];
	_ =	sdelay $0x3  }
0x34: {  	[smem:$0x3FAD] =	sst s10  }
0x35: {  	s10 =	sld [smem:$0x3FAC];
	_ =	sdelay $0x3  }
0x36: {  	p1 =	seq.s32 s10, $0x1;
	s10 =	sld [smem:$0x3FAD];
	_ =	sdelay $0x3  }
0x37: {  	[smem:$0x3FAD] =	sst s10  }
0x38: {  	s10 =	sld [smem:$0x3FAE]  }
0x39: {  	_ = 	snop;
	(pc) =	sbr.ind lr, $3  }
0x3a: {  	_ = 	snop  }
0x3b: {  	_ = 	snop  }
0x3c: {  	p2 =	seq.s32 s10, $0x1;
	s10 =	sld [smem:$0x3FAD]  }
0x3d: {  	_ =	shalt  }
0x3e: {  	_ =	shalt  }
0x3f: {  	_ =	shalt  }
0x40: {  	_ =	shalt  }
0x41: {  	_ =	shalt  }
0x42: {  	_ =	shalt  }
0x43: {  	_ =	shalt  }
0x44: {  	_ =	shalt  }
0x45: {  	_ =	shalt  }
0x46: {  	_ =	shalt  }
0x47: {  	_ =	shalt  }
0x48: {  	_ =	shalt  }
0x49: {  	_ =	shalt  }
0x4a: {  	_ =	shalt  }
0x4b: {  	_ =	shalt  }
0x4c: {  	_ =	shalt  }
0x4d: {  	_ =	shalt  }
0x4e: {  	_ =	shalt  }
0x4f: {  	_ =	shalt  }
0x50: {  	_ =	shalt  }
0x51: {  	_ =	shalt  }
0x52: {  	_ =	shalt  }
0x53: {  	_ =	shalt  }
0x54: {  	_ =	shalt  }
0x55: {  	_ =	shalt  }
0x56: {  	_ =	shalt  }
0x57: {  	_ =	shalt  }
0x58: {  	_ =	shalt  }
0x59: {  	_ =	shalt  }
0x5a: {  	_ =	shalt  }
0x5b: {  	_ =	shalt  }
0x5c: {  	_ =	shalt  }
0x5d: {  	_ =	shalt  }
0x5e: {  	_ =	shalt  }
0x5f: {  	_ =	shalt  }
0x60: {  	_ =	shalt  }
0x61: {  	_ =	shalt  }
0x62: {  	_ =	shalt  }
0x63: {  	_ =	shalt  }
0x64: {  	_ =	shalt  }
0x65: {  	_ =	shalt  }
0x66: {  	_ =	shalt  }
0x67: {  	_ =	shalt  }
0x68: {  	_ =	shalt  }
0x69: {  	_ =	shalt  }
0x6a: {  	_ =	shalt  }
0x6b: {  	_ =	shalt  }
0x6c: {  	_ =	shalt  }
0x6d: {  	_ =	shalt  }
0x6e: {  	_ =	shalt  }
0x6f: {  	_ =	shalt  }
0x70: {  	_ =	shalt  }
0x71: {  	_ =	shalt  }
0x72: {  	_ =	shalt  }
0x73: {  	_ =	shalt  }
0x74: {  	_ =	shalt  }
0x75: {  	_ =	shalt  }
0x76: {  	_ =	shalt  }
0x77: {  	_ =	shalt  }
0x78: {  	_ =	shalt  }
0x79: {  	_ =	shalt  }
0x7a: {  	_ =	shalt  }
0x7b: {  	_ =	shalt  }
0x7c: {  	_ =	shalt  }
0x7d: {  	_ =	shalt  }
0x7e: {  	_ =	shalt  }
0x7f: {  	_ =	shalt  }
0x80: {  	_ =	shalt  }
0x81: {  	_ =	shalt  }
0x82: {  	_ =	shalt  }
0x83: {  	_ =	shalt  }
0x84: {  	_ =	shalt  }
0x85: {  	_ =	shalt  }
0x86: {  	_ =	shalt  }
0x87: {  	_ =	shalt  }
.Lfunc_end0:
.L_simem_size_0:
called_computation.2_lowered:
.L_overlay_start_0:
0x88: {  	s2 =	sld [smem:$0x3FD9]  }
0x89: {  	s3 =	sld [smem:$0x3FFE];
	_ =	sdelay $0x1  }
0x8a: {  	s1 =	srdreg.scid  }
0x8b: {  	s0 =	sand.u32 $0x1, s1  }
0x8c: {  	s16 =	sshll.u32 s0, $0xA;
	s2 =	sadd.s32 s3, s2  }
0x8d: {  	s2 =	sadd.s32 s2, s16  }
0x8e: {  	[smem:$0x3FB9] =	sst s2  }
0x8f: {  	_ = 	snop  }
0x90: {  	(tm) =	ssettm $0x1  }
0x91: {  	s17 =	sld [smem:$0x3FFB];
	_ =	sdelay $0x3  }
0x92: {  	_ =	strace s17  }
0x93: {  	s2 =	sld [smem:$0x3FFC];
	_ =	sdelay $0x3  }
0x94: {  	_ =	strace s2  }
0x95: {  	s2 =	sld [smem:$0x3FFD];
	_ =	sdelay $0x3  }
0x96: {  	_ =	strace s2  }
0x97: {  	_ =	strace $0x8FFFFFFF  }
0x98: {  	s18 =	sld [smem:$0x3FDB];
	_ =	sdelay $0x1  }
0x99: {  	s19 =	simm.s32 $_scs_section_size  }
0x9a: {  	s4 =	simm.s32 $_size__tile_overlayer_lowered;
	s5 =	simm.s32 $_tile_overlayer_lowered  }
0x9b: {  	s22 =	simm.s32 $0x1BFF;
	s21 =	sshll.u32 s5, $0x1;
	s2 =	sadd.s32 s19, s18  }
0x9c: {  	s6 =	simm.s32 $0x0;
	s20 =	sshll.u32 s4, $0x1;
	s4 =	sadd.s32 s21, s2  }
0x9d: {  	[timem:s6], [sflag:s22] =	dma.local [hbm:s4], s20  }
0x9e: {  	_ =	swait.ge [sflag:s22], s20  }
0x9f: {  	s3 =	ssub.s32 $0x0, s20;
	[sflag:s22] =	ssyncset.done $0x0  }
0xa0: {  	[sflag:s22] =	ssyncadd.s32 s3;
	_ =	sdelay $0x1  }
0xa1: {  	s23 =	simm.s32 $0x1B8B  }
0xa2: {  	_ =	swait.ge [sflag:s23], $0x1  }
0xa3: {  	[sflag:s23] =	ssyncset.done $0x0  }
0xa4: {  	s25 =	simm.s32 $0x1B8E;
	s24 =	sld [smem:$0x3FFE];
	[sflag:s23] =	ssyncadd.s32 $0xFFFFFFFF  }
0xa5: {  	s26 =	simm.s32 $execute0_lowered;
	[smem:$0x3FD2] =	sst s25  }
0xa6: {  	s4 =	sshll.u32 s26, $0x1;
	_ =	strace $0x8000004C;
	[dreg:$0x1] =	wrdreg $0xFFFFFFFF  }
0xa7: {  	s28 =	simm.s32 $_size_execute0_lowered;
	s2 =	sadd.s32 s2, s4;
	[dreg:$0x0] =	wrdreg $0x0  }
0xa8: {  	s4 =	sshll.u32 s28, $0x1;
	[dreg:$0x2] =	wrdreg s2  }
0xa9: {  	[dreg:$0x3] =	wrdreg s4  }
0xaa: {  	[dreg:$0x4] =	wrdreg $0xC0  }
0xab: {  	_ =	task [dreg:s6], $0x5FFFF  }
0xac: {  	[dreg:$0x1] =	wrdreg $0xFFFFFFFF  }
0xad: {  	[dreg:$0x0] =	wrdreg $0x60  }
0xae: {  	[dreg:$0x2] =	wrdreg s24  }
0xaf: {  	[dreg:$0x3] =	wrdreg $0xA8000  }
0xb0: {  	[dreg:$0x4] =	wrdreg $0x9  }
0xb1: {  	_ =	task.clear_ibuf [dreg:s6], $0x5FFFF;
	_ =	strace $0x9000004C  }
0xb2: {  	s29 =	simm.s32 $0x9;
	_ =	strace $0x8000004E  }
0xb3: {  	_ =	swait.ge [sflag:s29], $0x1  }
0xb4: {  	[sflag:s29] =	ssyncadd.s32 $0xFFFFFFFF  }
0xb5: {  	_ =	strace $0x9000004E  }
0xb6: {  	_ =	sfence  }
0xb7: {  	s30 =	sld [smem:$0x0];
	_ =	sdelay $0x2  }
0xb8: {  	s31 =	sshll.u32 s1, $0xD;
	s1 =	sshrl.u32 s1, $0x2  }
0xb9: {  	s3 =	sand.u32 $0x4000, s31;
	s1 =	sadd.s32 s1, s30  }
0xba: {  	s0 =	sor.u32 s3, s0;
	s1 =	sshll.u32 s1, $0x11  }
0xbb: {  	s0 =	sor.u32 s1, s0  }
0xbc: {  	s0 =	sadd.s32 $0x8F2B, s0  }
0xbd: {  	[sflag:s0] =	ssyncadd.remote.s32 $0x1  }
0xbe: {  	_ =	sfence.sel $0xFFFF  }
0xbf: {  	[dreg:$0x0] =	wrdreg $0xFFFFFFFF;
	(pc) =	sbr.abs _section_cstart, $3  }
0xc0: {  	[dreg:$0x1] =	wrdreg $0xFFFFFFFF  }
0xc1: {  	_ =	task.clear_ibuf [dreg:s6], $0x2FFFF;
	_ =	strace $0x9FFFFFFF  }
0xc2: {  	(tm) =	ssettm $0x7FFFFFFF  }
0xc3: {  	_ =	shalt  }
tec
execute0_lowered:
.L_overlay_start_1:
0x0: {  	(tag) =	ssettag $0x1  }
0x1: {  	s5 =	rddreg [dreg:$0x0]  }
0x2: {  	s2 =	rddreg [dreg:$0x1]  }
0x3: {  	s0 =	srdreg.scid;
	s1 =	rddreg [dreg:$0x2]  }
0x4: {  	s3 =	simm.s32 $0x0;
	s14 =	simm.s32 $0x2800;
	s15 =	simm.s32 $0x100  }
0x5: {  	s16 =	simm.s32 $0x6800;
	s17 =	simm.s32 $0x1;
	s18 =	simm.s32 $0x3  }
0x6: {  	s19 =	simm.s32 $0x200;
	s20 =	simm.s32 $0x2;
	s21 =	simm.s32 $0x180  }
0x7: {  	s22 =	simm.s32 $0x4;
	s23 =	simm.s32 $0x2700;
	s6 =	sand.u32 $0x1, s0  }
0x8: {  	s24 =	simm.s32 $0x2680;
	s0 =	stileid.u32;
	s7 =	smul.u32 $0x500, s6  }
0x9: {  	s25 =	simm.s32 $0x2780;
	s26 =	simm.s32 $0x0;
	s8 =	smul.u32 $0x50, s0  }
0xa: {  	[smem:$0x7FF] =	sst s3;
	s4 =	sadd.s32 $0x22C00, s5;
	s9 =	smul.u32 $0x13C00, s0  }
0xb: {  	s11 =	sadd.s32 $0x4A400, s5;
	s10 =	smul.u32 $0x13C000, s6;
	_ =	strace $0x8000004D  }
0xc: {  	s29 =	ssub.s32 $0x2, s6;
	p0 =	seq.s32 s6, $0x1;
	s13 =	smov.u32 s4  }
0xd: {  	s31 =	sshll.u32 s0, $0x6;
	s12 =	sshrl.u32 s29, $0x1;
	s13 =	smov.u32 @p0 s11  }
0xe: {  	s7 =	sadd.s32 s8, s7;
	s28 =	sadd.s32 s9, s10;
	s10 =	ssub.s32 s29, s12  }
0xf: {  	s30 =	sadd.s32 s9, s2;
	s9 =	sshrl.u32 s9, $0x3;
	s12 =	simm.s32 $0x5  }
0x10: {  	s7 =	sshll.u32 s7, $0x5;
	s8 =	sshrl.u32 s28, $0x3;
	s9 =	sadd.s32 s13, s9  }
0x11: {  	s11 =	sshrl.u32 s30, $0x3;
	s13 =	simm.s32 $0x80;
	s7 =	sadd.s32 s7, s5  }
0x12: {  	s8 =	sadd.s32 s8, s5;
	s5 =	sadd.s32 $0xEC00, s7;
	s6 =	sadd.s32 $0xF100, s7  }
0x13: {  	s7 =	sadd.s32 $0x71C00, s8;
	s8 =	smax.u32 s10, $0x1;
	s10 =	sor.u32 $0x1C05, s31  }
.LBB2_1:
0x14: {  	[spmem:s11], [sflag:s10] =	dma.local [hbm:s9], $0x2780  }
0x15: {  	_ =	swait.ge [sflag:s12], $0x2780  }
0x16: {  	[sflag:s12] =	ssyncset.done $0x0  }
0x17: {  	[sflag:s12] =	ssyncadd.s32 $0xFFFFD880  }
0x18: {  	[bflag:$0x0] =	sbarrier.arrive $0xFFFF  }
0x19: {  	[tilespmem:s3], [sflag:$0x5] =	stream.linear.gather [hbm4b:s5+s3], $0x2800, $0x38;
	[tilespmem:$0x1E400] =	vst v63  }
0x1a: {  	_ =	swait.ge [sflag:s12], $0x2800  }
0x1b: {  	[sflag:s12] =	ssyncset.done $0x0  }
0x1c: {  	[sflag:s12] =	ssyncadd.s32 $0xFFFFD800  }
0x1d: {  	[tilespmem:s14], [sflag:$0x1] =	stream.indirect.gather [hbm4b:s4+s13], $0x80, s3, s13, $0xb8;
	[tilespmem:$0x1E400] =	vst v63  }
0x1e: {  	_ = 	snop  }
0x1f: {  	[tilespmem:s16], [sflag:$0x2] =	stream.indirect.gather [hbm4b:s4+s13], $0x80, s15, s13, $0xb8;
	[tilespmem:$0x1E400] =	vst v63  }
0x20: {  	_ =	swait.ge [sflag:s17], $0x4000  }
0x21: {  	[sflag:s17] =	ssyncset.done $0x0  }
0x22: {  	[sflag:s17] =	ssyncadd.s32 $0xFFFFC000  }
0x23: {  	[spmem:s2] =	stream.indirect.scatter.add.f32 [tilespmem:s14], [sflag:$0x3], $0x80, s13, s13, $0xb8;
	[tilespmem:$0x1E400] =	vst v63  }
0x24: {  	_ =	swait.ge [sflag:s18], $0x4000  }
0x25: {  	[sflag:s18] =	ssyncset.done $0x0  }
0x26: {  	[sflag:s18] =	ssyncadd.s32 $0xFFFFC000  }
0x27: {  	[tilespmem:s14], [sflag:$0x1] =	stream.indirect.gather [hbm4b:s4+s13], $0x80, s19, s13, $0xb8;
	[tilespmem:$0x1E400] =	vst v63  }
0x28: {  	_ =	swait.ge [sflag:s20], $0x4000  }
0x29: {  	[sflag:s20] =	ssyncset.done $0x0  }
0x2a: {  	[sflag:s20] =	ssyncadd.s32 $0xFFFFC000  }
0x2b: {  	[spmem:s2] =	stream.indirect.scatter.add.f32 [tilespmem:s16], [sflag:$0x4], $0x80, s21, s13, $0xb8;
	[tilespmem:$0x1E400] =	vst v63  }
0x2c: {  	_ =	swait.ge [sflag:s22], $0x4000  }
0x2d: {  	[sflag:s22] =	ssyncset.done $0x0  }
0x2e: {  	s28 =	simm.s32 $0x300;
	[sflag:s22] =	ssyncadd.s32 $0xFFFFC000  }
0x2f: {  	[tilespmem:s16], [sflag:$0x2] =	stream.indirect.gather [hbm4b:s4+s13], $0x80, s28, s13, $0xb8;
	[tilespmem:$0x1E400] =	vst v63  }
0x30: {  	_ =	swait.ge [sflag:s17], $0x4000  }
0x31: {  	[sflag:s17] =	ssyncset.done $0x0  }
0x32: {  	s28 =	simm.s32 $0x280;
	[sflag:s17] =	ssyncadd.s32 $0xFFFFC000  }
0x33: {  	[spmem:s2] =	stream.indirect.scatter.add.f32 [tilespmem:s14], [sflag:$0x3], $0x80, s28, s13, $0xb8;
	[tilespmem:$0x1E400] =	vst v63  }
0x34: {  	_ =	swait.ge [sflag:s18], $0x4000  }
0x35: {  	[sflag:s18] =	ssyncset.done $0x0  }
0x36: {  	s28 =	simm.s32 $0x400;
	[sflag:s18] =	ssyncadd.s32 $0xFFFFC000  }
0x37: {  	[tilespmem:s14], [sflag:$0x1] =	stream.indirect.gather [hbm4b:s4+s13], $0x80, s28, s13, $0xb8;
	[tilespmem:$0x1E400] =	vst v63  }
0x38: {  	_ =	swait.ge [sflag:s20], $0x4000  }
0x39: {  	[sflag:s20] =	ssyncset.done $0x0  }
0x3a: {  	s29 =	simm.s32 $0x380;
	s28 =	simm.s32 $0xFFFF7800;
	[sflag:s20] =	ssyncadd.s32 $0xFFFFC000  }
.LBB2_2:
0x3b: {  	[spmem:s2] =	stream.indirect.scatter.add.f32 [tilespmem:s16], [sflag:$0x4], $0x80, s29, s13, $0xb8;
	[tilespmem:$0x1E400] =	vst v63  }
0x3c: {  	s29 =	smov.u32 s28  }
0x3d: {  	p0 =	sne.s32 s28, $0xFFFFF800;
	s28 =	sadd.s32 $0x800, s28;
	_ =	swait.ge [sflag:s22], $0x4000  }
0x3e: {  	s29 =	sshra.s32 s29, $0x2;
	[sflag:s22] =	ssyncset.done $0x0  }
0x3f: {  	s30 =	sadd.s32 $0x2700, s29;
	[sflag:s22] =	ssyncadd.s32 $0xFFFFC000  }
0x40: {  	[tilespmem:s16], [sflag:$0x2] =	stream.indirect.gather [hbm4b:s4+s13], $0x80, s30, s13, $0xb8;
	[tilespmem:$0x1E400] =	vst v63  }
0x41: {  	_ =	swait.ge [sflag:s17], $0x4000  }
0x42: {  	[sflag:s17] =	ssyncset.done $0x0  }
0x43: {  	s30 =	sadd.s32 $0x2680, s29;
	[sflag:s17] =	ssyncadd.s32 $0xFFFFC000  }
0x44: {  	[spmem:s2] =	stream.indirect.scatter.add.f32 [tilespmem:s14], [sflag:$0x3], $0x80, s30, s13, $0xb8;
	[tilespmem:$0x1E400] =	vst v63  }
0x45: {  	_ =	swait.ge [sflag:s18], $0x4000  }
0x46: {  	[sflag:s18] =	ssyncset.done $0x0  }
.Ltmp0:
0x47: {  	s30 =	sadd.s32 $0x2800, s29;
	[sflag:s18] =	ssyncadd.s32 $0xFFFFC000;
	(pc) =	sbr.rel @p0 .LBB2_2-.Ltmp0, $4  }
0x48: {  	[tilespmem:s14], [sflag:$0x1] =	stream.indirect.gather [hbm4b:s4+s13], $0x80, s30, s13, $0xb8;
	[tilespmem:$0x1E400] =	vst v63  }
0x49: {  	_ =	swait.ge [sflag:s20], $0x4000  }
0x4a: {  	[sflag:s20] =	ssyncset.done $0x0  }
0x4b: {  	s29 =	sadd.s32 $0x2780, s29;
	[sflag:s20] =	ssyncadd.s32 $0xFFFFC000  }
0x4c: {  	[spmem:s2] =	stream.indirect.scatter.add.f32 [tilespmem:s16], [sflag:$0x4], $0x80, s29, s13, $0xb8;
	[tilespmem:$0x1E400] =	vst v63  }
0x4d: {  	_ =	swait.ge [sflag:s22], $0x4000  }
0x4e: {  	[sflag:s22] =	ssyncset.done $0x0  }
0x4f: {  	[sflag:s22] =	ssyncadd.s32 $0xFFFFC000  }
0x50: {  	[tilespmem:s16], [sflag:$0x2] =	stream.indirect.gather [hbm4b:s4+s13], $0x80, s23, s13, $0xb8;
	[tilespmem:$0x1E400] =	vst v63  }
0x51: {  	_ =	swait.ge [sflag:s17], $0x4000  }
0x52: {  	[sflag:s17] =	ssyncset.done $0x0  }
0x53: {  	[sflag:s17] =	ssyncadd.s32 $0xFFFFC000  }
0x54: {  	[spmem:s2] =	stream.indirect.scatter.add.f32 [tilespmem:s14], [sflag:$0x3], $0x80, s24, s13, $0xb8;
	[tilespmem:$0x1E400] =	vst v63  }
0x55: {  	_ =	swait.ge [sflag:s20], $0x4000  }
0x56: {  	[sflag:s20] =	ssyncset.done $0x0  }
0x57: {  	[sflag:s20] =	ssyncadd.s32 $0xFFFFC000  }
0x58: {  	[spmem:s2] =	stream.indirect.scatter.add.f32 [tilespmem:s16], [sflag:$0x4], $0x80, s25, s13, $0xb8;
	[tilespmem:$0x1E400] =	vst v63  }
0x59: {  	_ =	swait.ge [sflag:s18], $0x4000  }
0x5a: {  	[sflag:s18] =	ssyncset.done $0x0  }
0x5b: {  	[sflag:s18] =	ssyncadd.s32 $0xFFFFC000  }
0x5c: {  	_ =	swait.ge [sflag:s22], $0x4000  }
0x5d: {  	[sflag:s22] =	ssyncset.done $0x0  }
0x5e: {  	[sflag:s22] =	ssyncadd.s32 $0xFFFFC000  }
0x5f: {  	[tilespmem:s3], [sflag:$0x5] =	stream.linear.gather [hbm4b:s6+s3], $0x2800, $0x38;
	[tilespmem:$0x1E400] =	vst v63  }
0x60: {  	_ =	swait.ge [sflag:s12], $0x2800  }
0x61: {  	[sflag:s12] =	ssyncset.done $0x0  }
0x62: {  	[sflag:s12] =	ssyncadd.s32 $0xFFFFD800  }
0x63: {  	[tilespmem:s14], [sflag:$0x1] =	stream.indirect.gather [hbm4b:s4+s13], $0x80, s3, s13, $0xb8;
	[tilespmem:$0x1E400] =	vst v63  }
0x64: {  	_ = 	snop  }
0x65: {  	[tilespmem:s16], [sflag:$0x2] =	stream.indirect.gather [hbm4b:s4+s13], $0x80, s15, s13, $0xb8;
	[tilespmem:$0x1E400] =	vst v63  }
0x66: {  	_ =	swait.ge [sflag:s17], $0x4000  }
0x67: {  	[sflag:s17] =	ssyncset.done $0x0  }
0x68: {  	[sflag:s17] =	ssyncadd.s32 $0xFFFFC000  }
0x69: {  	[spmem:s2] =	stream.indirect.scatter.add.f32 [tilespmem:s14], [sflag:$0x3], $0x80, s13, s13, $0xb8;
	[tilespmem:$0x1E400] =	vst v63  }
0x6a: {  	_ =	swait.ge [sflag:s18], $0x4000  }
0x6b: {  	[sflag:s18] =	ssyncset.done $0x0  }
0x6c: {  	[sflag:s18] =	ssyncadd.s32 $0xFFFFC000  }
0x6d: {  	[tilespmem:s14], [sflag:$0x1] =	stream.indirect.gather [hbm4b:s4+s13], $0x80, s19, s13, $0xb8;
	[tilespmem:$0x1E400] =	vst v63  }
0x6e: {  	_ =	swait.ge [sflag:s20], $0x4000  }
0x6f: {  	[sflag:s20] =	ssyncset.done $0x0  }
0x70: {  	[sflag:s20] =	ssyncadd.s32 $0xFFFFC000  }
0x71: {  	[spmem:s2] =	stream.indirect.scatter.add.f32 [tilespmem:s16], [sflag:$0x4], $0x80, s21, s13, $0xb8;
	[tilespmem:$0x1E400] =	vst v63  }
0x72: {  	_ =	swait.ge [sflag:s22], $0x4000  }
0x73: {  	[sflag:s22] =	ssyncset.done $0x0  }
0x74: {  	s28 =	simm.s32 $0x300;
	[sflag:s22] =	ssyncadd.s32 $0xFFFFC000  }
0x75: {  	[tilespmem:s16], [sflag:$0x2] =	stream.indirect.gather [hbm4b:s4+s13], $0x80, s28, s13, $0xb8;
	[tilespmem:$0x1E400] =	vst v63  }
0x76: {  	_ =	swait.ge [sflag:s17], $0x4000  }
0x77: {  	[sflag:s17] =	ssyncset.done $0x0  }
0x78: {  	s28 =	simm.s32 $0x280;
	[sflag:s17] =	ssyncadd.s32 $0xFFFFC000  }
0x79: {  	[spmem:s2] =	stream.indirect.scatter.add.f32 [tilespmem:s14], [sflag:$0x3], $0x80, s28, s13, $0xb8;
	[tilespmem:$0x1E400] =	vst v63  }
0x7a: {  	_ =	swait.ge [sflag:s18], $0x4000  }
0x7b: {  	[sflag:s18] =	ssyncset.done $0x0  }
0x7c: {  	s28 =	simm.s32 $0x400;
	[sflag:s18] =	ssyncadd.s32 $0xFFFFC000  }
0x7d: {  	[tilespmem:s14], [sflag:$0x1] =	stream.indirect.gather [hbm4b:s4+s13], $0x80, s28, s13, $0xb8;
	[tilespmem:$0x1E400] =	vst v63  }
0x7e: {  	_ =	swait.ge [sflag:s20], $0x4000  }
0x7f: {  	[sflag:s20] =	ssyncset.done $0x0  }
0x80: {  	s29 =	simm.s32 $0x380;
	s28 =	simm.s32 $0xFFFF7800;
	[sflag:s20] =	ssyncadd.s32 $0xFFFFC000  }
.LBB2_4:
0x81: {  	[spmem:s2] =	stream.indirect.scatter.add.f32 [tilespmem:s16], [sflag:$0x4], $0x80, s29, s13, $0xb8;
	[tilespmem:$0x1E400] =	vst v63  }
0x82: {  	s29 =	smov.u32 s28  }
0x83: {  	p0 =	sne.s32 s28, $0xFFFFF800;
	s28 =	sadd.s32 $0x800, s28;
	_ =	swait.ge [sflag:s22], $0x4000  }
0x84: {  	s29 =	sshra.s32 s29, $0x2;
	[sflag:s22] =	ssyncset.done $0x0  }
0x85: {  	s30 =	sadd.s32 $0x2700, s29;
	[sflag:s22] =	ssyncadd.s32 $0xFFFFC000  }
0x86: {  	[tilespmem:s16], [sflag:$0x2] =	stream.indirect.gather [hbm4b:s4+s13], $0x80, s30, s13, $0xb8;
	[tilespmem:$0x1E400] =	vst v63  }
0x87: {  	_ =	swait.ge [sflag:s17], $0x4000  }
0x88: {  	[sflag:s17] =	ssyncset.done $0x0  }
0x89: {  	s30 =	sadd.s32 $0x2680, s29;
	[sflag:s17] =	ssyncadd.s32 $0xFFFFC000  }
0x8a: {  	[spmem:s2] =	stream.indirect.scatter.add.f32 [tilespmem:s14], [sflag:$0x3], $0x80, s30, s13, $0xb8;
	[tilespmem:$0x1E400] =	vst v63  }
0x8b: {  	_ =	swait.ge [sflag:s18], $0x4000  }
0x8c: {  	[sflag:s18] =	ssyncset.done $0x0  }
.Ltmp1:
0x8d: {  	s30 =	sadd.s32 $0x2800, s29;
	[sflag:s18] =	ssyncadd.s32 $0xFFFFC000;
	(pc) =	sbr.rel @p0 .LBB2_4-.Ltmp1, $4  }
0x8e: {  	[tilespmem:s14], [sflag:$0x1] =	stream.indirect.gather [hbm4b:s4+s13], $0x80, s30, s13, $0xb8;
	[tilespmem:$0x1E400] =	vst v63  }
0x8f: {  	_ =	swait.ge [sflag:s20], $0x4000  }
0x90: {  	[sflag:s20] =	ssyncset.done $0x0  }
0x91: {  	s29 =	sadd.s32 $0x2780, s29;
	[sflag:s20] =	ssyncadd.s32 $0xFFFFC000  }
0x92: {  	[spmem:s2] =	stream.indirect.scatter.add.f32 [tilespmem:s16], [sflag:$0x4], $0x80, s29, s13, $0xb8;
	[tilespmem:$0x1E400] =	vst v63  }
0x93: {  	_ =	swait.ge [sflag:s22], $0x4000  }
0x94: {  	[sflag:s22] =	ssyncset.done $0x0  }
0x95: {  	[sflag:s22] =	ssyncadd.s32 $0xFFFFC000  }
0x96: {  	[tilespmem:s16], [sflag:$0x2] =	stream.indirect.gather [hbm4b:s4+s13], $0x80, s23, s13, $0xb8;
	[tilespmem:$0x1E400] =	vst v63  }
0x97: {  	_ =	swait.ge [sflag:s17], $0x4000  }
0x98: {  	[sflag:s17] =	ssyncset.done $0x0  }
0x99: {  	[sflag:s17] =	ssyncadd.s32 $0xFFFFC000  }
0x9a: {  	[spmem:s2] =	stream.indirect.scatter.add.f32 [tilespmem:s14], [sflag:$0x3], $0x80, s24, s13, $0xb8;
	[tilespmem:$0x1E400] =	vst v63  }
0x9b: {  	_ =	swait.ge [sflag:s20], $0x4000  }
0x9c: {  	[sflag:s20] =	ssyncset.done $0x0  }
0x9d: {  	[sflag:s20] =	ssyncadd.s32 $0xFFFFC000  }
0x9e: {  	[spmem:s2] =	stream.indirect.scatter.add.f32 [tilespmem:s16], [sflag:$0x4], $0x80, s25, s13, $0xb8;
	[tilespmem:$0x1E400] =	vst v63  }
0x9f: {  	_ =	swait.ge [sflag:s18], $0x4000  }
0xa0: {  	[sflag:s18] =	ssyncset.done $0x0  }
0xa1: {  	[sflag:s18] =	ssyncadd.s32 $0xFFFFC000  }
0xa2: {  	_ =	swait.ge [sflag:s22], $0x4000  }
0xa3: {  	s26 =	sadd.s32 $0x1, s26;
	[sflag:s22] =	ssyncset.done $0x0  }
0xa4: {  	p0 =	sne.s32 s26, s8;
	[sflag:s22] =	ssyncadd.s32 $0xFFFFC000  }
.Ltmp2:
0xa5: {  	[bflag:$0x0] =	sbarrier.arrive $0xFFFF;
	(pc) =	sbr.rel @p0 .LBB2_1-.Ltmp2, $4  }
0xa6: {  	[hbm:s7], [sflag:s10] =	dma.local [spmem:s11], $0x2780  }
0xa7: {  	_ =	swait.ge [sflag:s12], $0x2780  }
0xa8: {  	[sflag:s12] =	ssyncset.done $0x0  }
0xa9: {  	[sflag:s12] =	ssyncadd.s32 $0xFFFFD880  }
0xaa: {  	_ =	sfence.sel $0x180000  }
0xab: {  	[bflag:$0x0] =	sbarrier.arrive $0xFFFF  }
0xac: {  	p0 =	sne.s32 s0, $0x0;
	_ =	strace $0x9000004D  }
0xad: {  	s0 =	sadd.s32 @!p0 $0x100000, s1;
	[bflag:$0x2] =	sbarrier.arrive $0xFFFF  }
0xae: {  	[sflag:s0] =	ssyncadd.tile.s32 @!p0 $0x1;
	_ =	shalt  }
.Lfunc_end2:
_tile_overlayer_lowered:
.L_overlay_start_2:
0xaf: {  	(tag) =	ssettag $0x2  }
0xb0: {  	s0 =	rddreg [dreg:$0x0];
	s2 =	stileid.u32  }
0xb1: {  	s1 =	rddreg [dreg:$0x1];
	p0 =	sne.s32 s2, $0x0  }
0xb2: {  	s3 =	rddreg [dreg:$0x2];
	[bflag:$0x3] =	sbarrier.arrive $0xFFFF;
	s2 =	simm.s32 @!p0 $0x1C05  }
0xb3: {  	[timem:s3], [sflag:s2] =	dma.local @!p0 [hbm:s0], s1  }
0xb4: {  	s0 =	simm.s32 @!p0 $0x5  }
0xb5: {  	_ =	swait.ge @!p0 [sflag:s0], s1  }
0xb6: {  	s1 =	ssub.s32 @!p0 $0x0, s1;
	[sflag:s0] =	ssyncset.done @!p0 $0x0  }
0xb7: {  	[sflag:s0] =	ssyncadd.s32 @!p0 s1  }
0xb8: {  	[bflag:$0x3] =	sbarrier.arrive $0xFFFF  }
0xb9: {  	_ =	shalt  }

// kernel: kernel.23.cloned.1.call-start
scs
__scs_entry_jumppad:
0x0: {  	(pc) =	sbr.rel $0x88, $3  }
0x1: {  	(tag) =	ssettag $0x0;
	lr =	simm.s32 $0x1  }
0x2: {  	[smem:$0x3F92] =	sst lr;
	_ =	strace $0xD0000000  }
0x3: {  	_ = 	snop  }
0x4: {  	_ = 	snop  }
0x5: {  	_ = 	snop  }
0x6: {  	_ = 	snop  }
0x7: {  	_ = 	snop  }
__scs_overlays_trampoline_lowered:
0x8: {  	[smem:$0x3FA1] =	sst s0  }
0x9: {  	[smem:$0x3FA2] =	sst s1  }
0xa: {  	[smem:$0x3FA3] =	sst s2  }
0xb: {  	[smem:$0x3FA4] =	sst s3  }
0xc: {  	[smem:$0x3FA5] =	sst s4  }
0xd: {  	[smem:$0x3FA6] =	sst s5  }
0xe: {  	[smem:$0x3FA7] =	sst s6  }
0xf: {  	[smem:$0x3FA8] =	sst s7  }
0x10: {  	[smem:$0x3FA9] =	sst s8  }
0x11: {  	[smem:$0x3FAA] =	sst s9;
	s0 =	simm.s32 @!p0 $0x0  }
0x12: {  	s1 =	sld [smem:$0x3F90];
	s0 =	simm.s32 @p0 $0x1  }
0x13: {  	[smem:$0x3FAB] =	sst s0;
	s0 =	simm.s32 @!p1 $0x0  }
0x14: {  	s2 =	sld [smem:$0x3F8F];
	s0 =	simm.s32 @p1 $0x1  }
0x15: {  	[smem:$0x3FAC] =	sst s0;
	s0 =	simm.s32 @!p2 $0x0  }
0x16: {  	s3 =	sld [smem:$0x3FDB];
	s0 =	simm.s32 @p2 $0x1  }
0x17: {  	s4 =	simm.s32 $0x1BF5;
	[smem:$0x3FAE] =	sst s0  }
0x18: {  	s0 =	sld [smem:$0x3F91];
	_ =	swait.ge [sflag:s4], $0x0  }
0x19: {  	s7 =	sld [smem:$0x3F92]  }
0x1a: {  	s8 =	sadd.s32 $0xFFFFE003, lr  }
0x1b: {  	s9 =	sadd.s32 $0xFFFFFEF7, lr;
	s5 =	simm.s32 $0xFFFFFFFF;
	p2 =	slt.u32 s8, $0xFFFFF086  }
0x1c: {  	p1 =	slt.u32 s9, $0xF7A;
	s5 =	simm.s32 @!p2 $0x0  }
0x1d: {  	s5 =	simm.s32 @p1 $0x1;
	p0 =	seq.s32 s7, s2  }
0x1e: {  	s7 =	smul.u32 @!p0 $0xF7A, s2;
	p2 =	seq.s32 @!p0 s5, $0x0  }
0x1f: {  	s9 =	smul.u32 $0xF7A, s1;
	s8 =	simm.s32 @!p0 $0x1BF5;
	p2 =	por !p2, p0  }
0x20: {  	[sflag:s8] =	ssyncset.s32 @!p0 $0xFFFFF086;
	s6 =	sadd.s32 @!p0 s3, s7;
	s7 =	simm.s32 @!p0 $0x108  }
0x21: {  	s3 =	sadd.s32 s3, s9;
	s6 =	sadd.s32 @!p0 $0x88, s6;
	s7 =	simm.s32 @p2 $0x1082  }
0x22: {  	[simem:s7], [sflag:s8] =	dma.local @!p0 [hbm:s6], $0xF7A  }
0x23: {  	s9 =	sor.u32 $0xD0000000, s2;
	s6 =	simm.s32 $0x108;
	_ =	swait.ge @!p0 [sflag:s8], $0x0  }
0x24: {  	s3 =	sadd.s32 $0x88, s3;
	s6 =	simm.s32 @!p1 $0x1082;
	[sflag:s4] =	ssyncset.s32 $0xFFFFF086  }
0x25: {  	[simem:s6], [sflag:s4] =	dma.local [hbm:s3], $0xF7A  }
0x26: {  	[smem:$0x3F92] =	sst s1;
	(tag) =	ssettag s2;
	_ =	strace s9  }
0x27: {  	s1 =	sld [smem:$0x3FA2]  }
0x28: {  	s2 =	sld [smem:$0x3FA3]  }
0x29: {  	s4 =	sld [smem:$0x3FA5]  }
0x2a: {  	p0 =	seq.s32 s5, $0x0;
	s5 =	sld [smem:$0x3FA6]  }
0x2b: {  	s6 =	sld [smem:$0x3FA7]  }
0x2c: {  	s7 =	sld [smem:$0x3FA8]  }
0x2d: {  	s3 =	simm.s32 $0x108;
	s8 =	sld [smem:$0x3FA9]  }
0x2e: {  	s3 =	simm.s32 @!p0 $0x1082;
	s9 =	sld [smem:$0x3FAA]  }
0x2f: {  	lr =	sadd.s32 s0, s3;
	s0 =	sld [smem:$0x3FA1]  }
0x30: {  	s3 =	sld [smem:$0x3FA4]  }
0x31: {  	[smem:$0x3FAD] =	sst s10  }
0x32: {  	s10 =	sld [smem:$0x3FAB];
	_ =	sdelay $0x3  }
0x33: {  	p0 =	seq.s32 s10, $0x1;
	s10 =	sld [smem:$0x3FAD];
	_ =	sdelay $0x3  }
0x34: {  	[smem:$0x3FAD] =	sst s10  }
0x35: {  	s10 =	sld [smem:$0x3FAC];
	_ =	sdelay $0x3  }
0x36: {  	p1 =	seq.s32 s10, $0x1;
	s10 =	sld [smem:$0x3FAD];
	_ =	sdelay $0x3  }
0x37: {  	[smem:$0x3FAD] =	sst s10  }
0x38: {  	s10 =	sld [smem:$0x3FAE]  }
0x39: {  	_ = 	snop;
	(pc) =	sbr.ind lr, $3  }
0x3a: {  	_ = 	snop  }
0x3b: {  	_ = 	snop  }
0x3c: {  	p2 =	seq.s32 s10, $0x1;
	s10 =	sld [smem:$0x3FAD]  }
0x3d: {  	_ =	shalt  }
0x3e: {  	_ =	shalt  }
0x3f: {  	_ =	shalt  }
0x40: {  	_ =	shalt  }
0x41: {  	_ =	shalt  }
0x42: {  	_ =	shalt  }
0x43: {  	_ =	shalt  }
0x44: {  	_ =	shalt  }
0x45: {  	_ =	shalt  }
0x46: {  	_ =	shalt  }
0x47: {  	_ =	shalt  }
0x48: {  	_ =	shalt  }
0x49: {  	_ =	shalt  }
0x4a: {  	_ =	shalt  }
0x4b: {  	_ =	shalt  }
0x4c: {  	_ =	shalt  }
0x4d: {  	_ =	shalt  }
0x4e: {  	_ =	shalt  }
0x4f: {  	_ =	shalt  }
0x50: {  	_ =	shalt  }
0x51: {  	_ =	shalt  }
0x52: {  	_ =	shalt  }
0x53: {  	_ =	shalt  }
0x54: {  	_ =	shalt  }
0x55: {  	_ =	shalt  }
0x56: {  	_ =	shalt  }
0x57: {  	_ =	shalt  }
0x58: {  	_ =	shalt  }
0x59: {  	_ =	shalt  }
0x5a: {  	_ =	shalt  }
0x5b: {  	_ =	shalt  }
0x5c: {  	_ =	shalt  }
0x5d: {  	_ =	shalt  }
0x5e: {  	_ =	shalt  }
0x5f: {  	_ =	shalt  }
0x60: {  	_ =	shalt  }
0x61: {  	_ =	shalt  }
0x62: {  	_ =	shalt  }
0x63: {  	_ =	shalt  }
0x64: {  	_ =	shalt  }
0x65: {  	_ =	shalt  }
0x66: {  	_ =	shalt  }
0x67: {  	_ =	shalt  }
0x68: {  	_ =	shalt  }
0x69: {  	_ =	shalt  }
0x6a: {  	_ =	shalt  }
0x6b: {  	_ =	shalt  }
0x6c: {  	_ =	shalt  }
0x6d: {  	_ =	shalt  }
0x6e: {  	_ =	shalt  }
0x6f: {  	_ =	shalt  }
0x70: {  	_ =	shalt  }
0x71: {  	_ =	shalt  }
0x72: {  	_ =	shalt  }
0x73: {  	_ =	shalt  }
0x74: {  	_ =	shalt  }
0x75: {  	_ =	shalt  }
0x76: {  	_ =	shalt  }
0x77: {  	_ =	shalt  }
0x78: {  	_ =	shalt  }
0x79: {  	_ =	shalt  }
0x7a: {  	_ =	shalt  }
0x7b: {  	_ =	shalt  }
0x7c: {  	_ =	shalt  }
0x7d: {  	_ =	shalt  }
0x7e: {  	_ =	shalt  }
0x7f: {  	_ =	shalt  }
0x80: {  	_ =	shalt  }
0x81: {  	_ =	shalt  }
0x82: {  	_ =	shalt  }
0x83: {  	_ =	shalt  }
0x84: {  	_ =	shalt  }
0x85: {  	_ =	shalt  }
0x86: {  	_ =	shalt  }
0x87: {  	_ =	shalt  }
.Lfunc_end0:
.L_simem_size_0:
called_computation.3_lowered:
.L_overlay_start_0:
0x88: {  	s2 =	sld [smem:$0x3FD9]  }
0x89: {  	s3 =	sld [smem:$0x3FFE];
	_ =	sdelay $0x1  }
0x8a: {  	s1 =	srdreg.scid  }
0x8b: {  	s0 =	sand.u32 $0x1, s1  }
0x8c: {  	s16 =	sshll.u32 s0, $0xA;
	s2 =	sadd.s32 s3, s2  }
0x8d: {  	s2 =	sadd.s32 s2, s16  }
0x8e: {  	[smem:$0x3FB9] =	sst s2  }
0x8f: {  	_ = 	snop  }
0x90: {  	(tm) =	ssettm $0x1  }
0x91: {  	s17 =	sld [smem:$0x3FFB];
	_ =	sdelay $0x3  }
0x92: {  	_ =	strace s17  }
0x93: {  	s2 =	sld [smem:$0x3FFC];
	_ =	sdelay $0x3  }
0x94: {  	_ =	strace s2  }
0x95: {  	s2 =	sld [smem:$0x3FFD];
	_ =	sdelay $0x3  }
0x96: {  	_ =	strace s2  }
0x97: {  	_ =	strace $0x8FFFFFFF  }
0x98: {  	s18 =	sld [smem:$0x3FDB];
	_ =	sdelay $0x1  }
0x99: {  	s19 =	simm.s32 $_scs_section_size  }
0x9a: {  	s4 =	simm.s32 $_size__tile_overlayer_lowered;
	s5 =	simm.s32 $_tile_overlayer_lowered  }
0x9b: {  	s22 =	simm.s32 $0x1BFF;
	s21 =	sshll.u32 s5, $0x1;
	s2 =	sadd.s32 s19, s18  }
0x9c: {  	s6 =	simm.s32 $0x0;
	s20 =	sshll.u32 s4, $0x1;
	s4 =	sadd.s32 s21, s2  }
0x9d: {  	[timem:s6], [sflag:s22] =	dma.local [hbm:s4], s20  }
0x9e: {  	_ =	swait.ge [sflag:s22], s20  }
0x9f: {  	s3 =	ssub.s32 $0x0, s20;
	[sflag:s22] =	ssyncset.done $0x0  }
0xa0: {  	[sflag:s22] =	ssyncadd.s32 s3;
	_ =	sdelay $0x1  }
0xa1: {  	s23 =	simm.s32 $0x1B8B  }
0xa2: {  	_ =	swait.ge [sflag:s23], $0x1  }
0xa3: {  	[sflag:s23] =	ssyncset.done $0x0  }
0xa4: {  	s25 =	simm.s32 $0x1B8E;
	s24 =	sld [smem:$0x3FFE];
	[sflag:s23] =	ssyncadd.s32 $0xFFFFFFFF  }
0xa5: {  	s26 =	simm.s32 $execute0_lowered;
	[smem:$0x3FD2] =	sst s25  }
0xa6: {  	s4 =	sshll.u32 s26, $0x1;
	_ =	strace $0x8000004F;
	[dreg:$0x1] =	wrdreg $0xFFFFFFFF  }
0xa7: {  	s28 =	simm.s32 $_size_execute0_lowered;
	s2 =	sadd.s32 s2, s4;
	[dreg:$0x0] =	wrdreg $0x0  }
0xa8: {  	s4 =	sshll.u32 s28, $0x1;
	[dreg:$0x2] =	wrdreg s2  }
0xa9: {  	[dreg:$0x3] =	wrdreg s4  }
0xaa: {  	[dreg:$0x4] =	wrdreg $0xC0  }
0xab: {  	_ =	task [dreg:s6], $0x5FFFF  }
0xac: {  	[dreg:$0x1] =	wrdreg $0xFFFFFFFF  }
0xad: {  	[dreg:$0x0] =	wrdreg $0x60  }
0xae: {  	[dreg:$0x2] =	wrdreg s24  }
0xaf: {  	[dreg:$0x3] =	wrdreg $0xA8000  }
0xb0: {  	[dreg:$0x4] =	wrdreg $0x9  }
0xb1: {  	_ =	task.clear_ibuf [dreg:s6], $0x5FFFF;
	_ =	strace $0x9000004F  }
0xb2: {  	s29 =	simm.s32 $0x9;
	_ =	strace $0x80000051  }
0xb3: {  	_ =	swait.ge [sflag:s29], $0x1  }
0xb4: {  	[sflag:s29] =	ssyncadd.s32 $0xFFFFFFFF  }
0xb5: {  	_ =	strace $0x90000051  }
0xb6: {  	_ =	sfence  }
0xb7: {  	s30 =	sld [smem:$0x0];
	_ =	sdelay $0x2  }
0xb8: {  	s31 =	sshll.u32 s1, $0xD;
	s1 =	sshrl.u32 s1, $0x2  }
0xb9: {  	s3 =	sand.u32 $0x4000, s31;
	s1 =	sadd.s32 s1, s30  }
0xba: {  	s0 =	sor.u32 s3, s0;
	s1 =	sshll.u32 s1, $0x11  }
0xbb: {  	s0 =	sor.u32 s1, s0  }
0xbc: {  	s0 =	sadd.s32 $0x8F2B, s0  }
0xbd: {  	[sflag:s0] =	ssyncadd.remote.s32 $0x1  }
0xbe: {  	_ =	sfence.sel $0xFFFF  }
0xbf: {  	[dreg:$0x0] =	wrdreg $0xFFFFFFFF;
	(pc) =	sbr.abs _section_cstart, $3  }
0xc0: {  	[dreg:$0x1] =	wrdreg $0xFFFFFFFF  }
0xc1: {  	_ =	task.clear_ibuf [dreg:s6], $0x2FFFF;
	_ =	strace $0x9FFFFFFF  }
0xc2: {  	(tm) =	ssettm $0x7FFFFFFF  }
0xc3: {  	_ =	shalt  }
tec
execute0_lowered:
.L_overlay_start_1:
0x0: {  	(tag) =	ssettag $0x1  }
0x1: {  	s5 =	rddreg [dreg:$0x0]  }
0x2: {  	s2 =	rddreg [dreg:$0x1]  }
0x3: {  	s0 =	srdreg.scid;
	s1 =	rddreg [dreg:$0x2]  }
0x4: {  	s3 =	simm.s32 $0x0;
	s14 =	simm.s32 $0x2800;
	s15 =	simm.s32 $0x100  }
0x5: {  	s16 =	simm.s32 $0x6800;
	s17 =	simm.s32 $0x1;
	s18 =	simm.s32 $0x3  }
0x6: {  	s19 =	simm.s32 $0x200;
	s20 =	simm.s32 $0x2;
	s21 =	simm.s32 $0x180  }
0x7: {  	s22 =	simm.s32 $0x4;
	s23 =	simm.s32 $0x2700;
	s6 =	sand.u32 $0x1, s0  }
0x8: {  	s24 =	simm.s32 $0x2680;
	s0 =	stileid.u32;
	s7 =	smul.u32 $0x500, s6  }
0x9: {  	s25 =	simm.s32 $0x2780;
	s26 =	simm.s32 $0x0;
	s8 =	smul.u32 $0x50, s0  }
0xa: {  	[smem:$0x7FF] =	sst s3;
	s4 =	sadd.s32 $0x22C00, s5;
	s9 =	smul.u32 $0x13C00, s0  }
0xb: {  	s11 =	sadd.s32 $0x4A400, s5;
	s10 =	smul.u32 $0x13C000, s6;
	_ =	strace $0x80000050  }
0xc: {  	s29 =	ssub.s32 $0x2, s6;
	p0 =	seq.s32 s6, $0x1;
	s13 =	smov.u32 s4  }
0xd: {  	s31 =	sshll.u32 s0, $0x6;
	s12 =	sshrl.u32 s29, $0x1;
	s13 =	smov.u32 @p0 s11  }
0xe: {  	s7 =	sadd.s32 s8, s7;
	s28 =	sadd.s32 s9, s10;
	s10 =	ssub.s32 s29, s12  }
0xf: {  	s30 =	sadd.s32 s9, s2;
	s9 =	sshrl.u32 s9, $0x3;
	s12 =	simm.s32 $0x5  }
0x10: {  	s7 =	sshll.u32 s7, $0x5;
	s8 =	sshrl.u32 s28, $0x3;
	s9 =	sadd.s32 s13, s9  }
0x11: {  	s11 =	sshrl.u32 s30, $0x3;
	s13 =	simm.s32 $0x80;
	s7 =	sadd.s32 s7, s5  }
0x12: {  	s8 =	sadd.s32 s8, s5;
	s5 =	sadd.s32 $0xEC00, s7;
	s6 =	sadd.s32 $0xF100, s7  }
0x13: {  	s7 =	sadd.s32 $0x71C00, s8;
	s8 =	smax.u32 s10, $0x1;
	s10 =	sor.u32 $0x1C05, s31  }
.LBB2_1:
0x14: {  	[spmem:s11], [sflag:s10] =	dma.local [hbm:s9], $0x2780  }
0x15: {  	_ =	swait.ge [sflag:s12], $0x2780  }
0x16: {  	[sflag:s12] =	ssyncset.done $0x0  }
0x17: {  	[sflag:s12] =	ssyncadd.s32 $0xFFFFD880  }
0x18: {  	[bflag:$0x0] =	sbarrier.arrive $0xFFFF  }
0x19: {  	[tilespmem:s3], [sflag:$0x5] =	stream.linear.gather [hbm4b:s5+s3], $0x2800, $0x38;
	[tilespmem:$0x1E400] =	vst v63  }
0x1a: {  	_ =	swait.ge [sflag:s12], $0x2800  }
0x1b: {  	[sflag:s12] =	ssyncset.done $0x0  }
0x1c: {  	[sflag:s12] =	ssyncadd.s32 $0xFFFFD800  }
0x1d: {  	[tilespmem:s14], [sflag:$0x1] =	stream.indirect.gather [hbm4b:s4+s13], $0x80, s3, s13, $0xb8;
	[tilespmem:$0x1E400] =	vst v63  }
0x1e: {  	_ = 	snop  }
0x1f: {  	[tilespmem:s16], [sflag:$0x2] =	stream.indirect.gather [hbm4b:s4+s13], $0x80, s15, s13, $0xb8;
	[tilespmem:$0x1E400] =	vst v63  }
0x20: {  	_ =	swait.ge [sflag:s17], $0x4000  }
0x21: {  	[sflag:s17] =	ssyncset.done $0x0  }
0x22: {  	[sflag:s17] =	ssyncadd.s32 $0xFFFFC000  }
0x23: {  	[spmem:s2] =	stream.indirect.scatter.add.f32 [tilespmem:s14], [sflag:$0x3], $0x80, s13, s13, $0xb8;
	[tilespmem:$0x1E400] =	vst v63  }
0x24: {  	_ =	swait.ge [sflag:s18], $0x4000  }
0x25: {  	[sflag:s18] =	ssyncset.done $0x0  }
0x26: {  	[sflag:s18] =	ssyncadd.s32 $0xFFFFC000  }
0x27: {  	[tilespmem:s14], [sflag:$0x1] =	stream.indirect.gather [hbm4b:s4+s13], $0x80, s19, s13, $0xb8;
	[tilespmem:$0x1E400] =	vst v63  }
0x28: {  	_ =	swait.ge [sflag:s20], $0x4000  }
0x29: {  	[sflag:s20] =	ssyncset.done $0x0  }
0x2a: {  	[sflag:s20] =	ssyncadd.s32 $0xFFFFC000  }
0x2b: {  	[spmem:s2] =	stream.indirect.scatter.add.f32 [tilespmem:s16], [sflag:$0x4], $0x80, s21, s13, $0xb8;
	[tilespmem:$0x1E400] =	vst v63  }
0x2c: {  	_ =	swait.ge [sflag:s22], $0x4000  }
0x2d: {  	[sflag:s22] =	ssyncset.done $0x0  }
0x2e: {  	s28 =	simm.s32 $0x300;
	[sflag:s22] =	ssyncadd.s32 $0xFFFFC000  }
0x2f: {  	[tilespmem:s16], [sflag:$0x2] =	stream.indirect.gather [hbm4b:s4+s13], $0x80, s28, s13, $0xb8;
	[tilespmem:$0x1E400] =	vst v63  }
0x30: {  	_ =	swait.ge [sflag:s17], $0x4000  }
0x31: {  	[sflag:s17] =	ssyncset.done $0x0  }
0x32: {  	s28 =	simm.s32 $0x280;
	[sflag:s17] =	ssyncadd.s32 $0xFFFFC000  }
0x33: {  	[spmem:s2] =	stream.indirect.scatter.add.f32 [tilespmem:s14], [sflag:$0x3], $0x80, s28, s13, $0xb8;
	[tilespmem:$0x1E400] =	vst v63  }
0x34: {  	_ =	swait.ge [sflag:s18], $0x4000  }
0x35: {  	[sflag:s18] =	ssyncset.done $0x0  }
0x36: {  	s28 =	simm.s32 $0x400;
	[sflag:s18] =	ssyncadd.s32 $0xFFFFC000  }
0x37: {  	[tilespmem:s14], [sflag:$0x1] =	stream.indirect.gather [hbm4b:s4+s13], $0x80, s28, s13, $0xb8;
	[tilespmem:$0x1E400] =	vst v63  }
0x38: {  	_ =	swait.ge [sflag:s20], $0x4000  }
0x39: {  	[sflag:s20] =	ssyncset.done $0x0  }
0x3a: {  	s29 =	simm.s32 $0x380;
	s28 =	simm.s32 $0xFFFF7800;
	[sflag:s20] =	ssyncadd.s32 $0xFFFFC000  }
.LBB2_2:
0x3b: {  	[spmem:s2] =	stream.indirect.scatter.add.f32 [tilespmem:s16], [sflag:$0x4], $0x80, s29, s13, $0xb8;
	[tilespmem:$0x1E400] =	vst v63  }
0x3c: {  	s29 =	smov.u32 s28  }
0x3d: {  	p0 =	sne.s32 s28, $0xFFFFF800;
	s28 =	sadd.s32 $0x800, s28;
	_ =	swait.ge [sflag:s22], $0x4000  }
0x3e: {  	s29 =	sshra.s32 s29, $0x2;
	[sflag:s22] =	ssyncset.done $0x0  }
0x3f: {  	s30 =	sadd.s32 $0x2700, s29;
	[sflag:s22] =	ssyncadd.s32 $0xFFFFC000  }
0x40: {  	[tilespmem:s16], [sflag:$0x2] =	stream.indirect.gather [hbm4b:s4+s13], $0x80, s30, s13, $0xb8;
	[tilespmem:$0x1E400] =	vst v63  }
0x41: {  	_ =	swait.ge [sflag:s17], $0x4000  }
0x42: {  	[sflag:s17] =	ssyncset.done $0x0  }
0x43: {  	s30 =	sadd.s32 $0x2680, s29;
	[sflag:s17] =	ssyncadd.s32 $0xFFFFC000  }
0x44: {  	[spmem:s2] =	stream.indirect.scatter.add.f32 [tilespmem:s14], [sflag:$0x3], $0x80, s30, s13, $0xb8;
	[tilespmem:$0x1E400] =	vst v63  }
0x45: {  	_ =	swait.ge [sflag:s18], $0x4000  }
0x46: {  	[sflag:s18] =	ssyncset.done $0x0  }
.Ltmp0:
0x47: {  	s30 =	sadd.s32 $0x2800, s29;
	[sflag:s18] =	ssyncadd.s32 $0xFFFFC000;
	(pc) =	sbr.rel @p0 .LBB2_2-.Ltmp0, $4  }
0x48: {  	[tilespmem:s14], [sflag:$0x1] =	stream.indirect.gather [hbm4b:s4+s13], $0x80, s30, s13, $0xb8;
	[tilespmem:$0x1E400] =	vst v63  }
0x49: {  	_ =	swait.ge [sflag:s20], $0x4000  }
0x4a: {  	[sflag:s20] =	ssyncset.done $0x0  }
0x4b: {  	s29 =	sadd.s32 $0x2780, s29;
	[sflag:s20] =	ssyncadd.s32 $0xFFFFC000  }
0x4c: {  	[spmem:s2] =	stream.indirect.scatter.add.f32 [tilespmem:s16], [sflag:$0x4], $0x80, s29, s13, $0xb8;
	[tilespmem:$0x1E400] =	vst v63  }
0x4d: {  	_ =	swait.ge [sflag:s22], $0x4000  }
0x4e: {  	[sflag:s22] =	ssyncset.done $0x0  }
0x4f: {  	[sflag:s22] =	ssyncadd.s32 $0xFFFFC000  }
0x50: {  	[tilespmem:s16], [sflag:$0x2] =	stream.indirect.gather [hbm4b:s4+s13], $0x80, s23, s13, $0xb8;
	[tilespmem:$0x1E400] =	vst v63  }
0x51: {  	_ =	swait.ge [sflag:s17], $0x4000  }
0x52: {  	[sflag:s17] =	ssyncset.done $0x0  }
0x53: {  	[sflag:s17] =	ssyncadd.s32 $0xFFFFC000  }
0x54: {  	[spmem:s2] =	stream.indirect.scatter.add.f32 [tilespmem:s14], [sflag:$0x3], $0x80, s24, s13, $0xb8;
	[tilespmem:$0x1E400] =	vst v63  }
0x55: {  	_ =	swait.ge [sflag:s20], $0x4000  }
0x56: {  	[sflag:s20] =	ssyncset.done $0x0  }
0x57: {  	[sflag:s20] =	ssyncadd.s32 $0xFFFFC000  }
0x58: {  	[spmem:s2] =	stream.indirect.scatter.add.f32 [tilespmem:s16], [sflag:$0x4], $0x80, s25, s13, $0xb8;
	[tilespmem:$0x1E400] =	vst v63  }
0x59: {  	_ =	swait.ge [sflag:s18], $0x4000  }
0x5a: {  	[sflag:s18] =	ssyncset.done $0x0  }
0x5b: {  	[sflag:s18] =	ssyncadd.s32 $0xFFFFC000  }
0x5c: {  	_ =	swait.ge [sflag:s22], $0x4000  }
0x5d: {  	[sflag:s22] =	ssyncset.done $0x0  }
0x5e: {  	[sflag:s22] =	ssyncadd.s32 $0xFFFFC000  }
0x5f: {  	[tilespmem:s3], [sflag:$0x5] =	stream.linear.gather [hbm4b:s6+s3], $0x2800, $0x38;
	[tilespmem:$0x1E400] =	vst v63  }
0x60: {  	_ =	swait.ge [sflag:s12], $0x2800  }
0x61: {  	[sflag:s12] =	ssyncset.done $0x0  }
0x62: {  	[sflag:s12] =	ssyncadd.s32 $0xFFFFD800  }
0x63: {  	[tilespmem:s14], [sflag:$0x1] =	stream.indirect.gather [hbm4b:s4+s13], $0x80, s3, s13, $0xb8;
	[tilespmem:$0x1E400] =	vst v63  }
0x64: {  	_ = 	snop  }
0x65: {  	[tilespmem:s16], [sflag:$0x2] =	stream.indirect.gather [hbm4b:s4+s13], $0x80, s15, s13, $0xb8;
	[tilespmem:$0x1E400] =	vst v63  }
0x66: {  	_ =	swait.ge [sflag:s17], $0x4000  }
0x67: {  	[sflag:s17] =	ssyncset.done $0x0  }
0x68: {  	[sflag:s17] =	ssyncadd.s32 $0xFFFFC000  }
0x69: {  	[spmem:s2] =	stream.indirect.scatter.add.f32 [tilespmem:s14], [sflag:$0x3], $0x80, s13, s13, $0xb8;
	[tilespmem:$0x1E400] =	vst v63  }
0x6a: {  	_ =	swait.ge [sflag:s18], $0x4000  }
0x6b: {  	[sflag:s18] =	ssyncset.done $0x0  }
0x6c: {  	[sflag:s18] =	ssyncadd.s32 $0xFFFFC000  }
0x6d: {  	[tilespmem:s14], [sflag:$0x1] =	stream.indirect.gather [hbm4b:s4+s13], $0x80, s19, s13, $0xb8;
	[tilespmem:$0x1E400] =	vst v63  }
0x6e: {  	_ =	swait.ge [sflag:s20], $0x4000  }
0x6f: {  	[sflag:s20] =	ssyncset.done $0x0  }
0x70: {  	[sflag:s20] =	ssyncadd.s32 $0xFFFFC000  }
0x71: {  	[spmem:s2] =	stream.indirect.scatter.add.f32 [tilespmem:s16], [sflag:$0x4], $0x80, s21, s13, $0xb8;
	[tilespmem:$0x1E400] =	vst v63  }
0x72: {  	_ =	swait.ge [sflag:s22], $0x4000  }
0x73: {  	[sflag:s22] =	ssyncset.done $0x0  }
0x74: {  	s28 =	simm.s32 $0x300;
	[sflag:s22] =	ssyncadd.s32 $0xFFFFC000  }
0x75: {  	[tilespmem:s16], [sflag:$0x2] =	stream.indirect.gather [hbm4b:s4+s13], $0x80, s28, s13, $0xb8;
	[tilespmem:$0x1E400] =	vst v63  }
0x76: {  	_ =	swait.ge [sflag:s17], $0x4000  }
0x77: {  	[sflag:s17] =	ssyncset.done $0x0  }
0x78: {  	s28 =	simm.s32 $0x280;
	[sflag:s17] =	ssyncadd.s32 $0xFFFFC000  }
0x79: {  	[spmem:s2] =	stream.indirect.scatter.add.f32 [tilespmem:s14], [sflag:$0x3], $0x80, s28, s13, $0xb8;
	[tilespmem:$0x1E400] =	vst v63  }
0x7a: {  	_ =	swait.ge [sflag:s18], $0x4000  }
0x7b: {  	[sflag:s18] =	ssyncset.done $0x0  }
0x7c: {  	s28 =	simm.s32 $0x400;
	[sflag:s18] =	ssyncadd.s32 $0xFFFFC000  }
0x7d: {  	[tilespmem:s14], [sflag:$0x1] =	stream.indirect.gather [hbm4b:s4+s13], $0x80, s28, s13, $0xb8;
	[tilespmem:$0x1E400] =	vst v63  }
0x7e: {  	_ =	swait.ge [sflag:s20], $0x4000  }
0x7f: {  	[sflag:s20] =	ssyncset.done $0x0  }
0x80: {  	s29 =	simm.s32 $0x380;
	s28 =	simm.s32 $0xFFFF7800;
	[sflag:s20] =	ssyncadd.s32 $0xFFFFC000  }
.LBB2_4:
0x81: {  	[spmem:s2] =	stream.indirect.scatter.add.f32 [tilespmem:s16], [sflag:$0x4], $0x80, s29, s13, $0xb8;
	[tilespmem:$0x1E400] =	vst v63  }
0x82: {  	s29 =	smov.u32 s28  }
0x83: {  	p0 =	sne.s32 s28, $0xFFFFF800;
	s28 =	sadd.s32 $0x800, s28;
	_ =	swait.ge [sflag:s22], $0x4000  }
0x84: {  	s29 =	sshra.s32 s29, $0x2;
	[sflag:s22] =	ssyncset.done $0x0  }
0x85: {  	s30 =	sadd.s32 $0x2700, s29;
	[sflag:s22] =	ssyncadd.s32 $0xFFFFC000  }
0x86: {  	[tilespmem:s16], [sflag:$0x2] =	stream.indirect.gather [hbm4b:s4+s13], $0x80, s30, s13, $0xb8;
	[tilespmem:$0x1E400] =	vst v63  }
0x87: {  	_ =	swait.ge [sflag:s17], $0x4000  }
0x88: {  	[sflag:s17] =	ssyncset.done $0x0  }
0x89: {  	s30 =	sadd.s32 $0x2680, s29;
	[sflag:s17] =	ssyncadd.s32 $0xFFFFC000  }
0x8a: {  	[spmem:s2] =	stream.indirect.scatter.add.f32 [tilespmem:s14], [sflag:$0x3], $0x80, s30, s13, $0xb8;
	[tilespmem:$0x1E400] =	vst v63  }
0x8b: {  	_ =	swait.ge [sflag:s18], $0x4000  }
0x8c: {  	[sflag:s18] =	ssyncset.done $0x0  }
.Ltmp1:
0x8d: {  	s30 =	sadd.s32 $0x2800, s29;
	[sflag:s18] =	ssyncadd.s32 $0xFFFFC000;
	(pc) =	sbr.rel @p0 .LBB2_4-.Ltmp1, $4  }
0x8e: {  	[tilespmem:s14], [sflag:$0x1] =	stream.indirect.gather [hbm4b:s4+s13], $0x80, s30, s13, $0xb8;
	[tilespmem:$0x1E400] =	vst v63  }
0x8f: {  	_ =	swait.ge [sflag:s20], $0x4000  }
0x90: {  	[sflag:s20] =	ssyncset.done $0x0  }
0x91: {  	s29 =	sadd.s32 $0x2780, s29;
	[sflag:s20] =	ssyncadd.s32 $0xFFFFC000  }
0x92: {  	[spmem:s2] =	stream.indirect.scatter.add.f32 [tilespmem:s16], [sflag:$0x4], $0x80, s29, s13, $0xb8;
	[tilespmem:$0x1E400] =	vst v63  }
0x93: {  	_ =	swait.ge [sflag:s22], $0x4000  }
0x94: {  	[sflag:s22] =	ssyncset.done $0x0  }
0x95: {  	[sflag:s22] =	ssyncadd.s32 $0xFFFFC000  }
0x96: {  	[tilespmem:s16], [sflag:$0x2] =	stream.indirect.gather [hbm4b:s4+s13], $0x80, s23, s13, $0xb8;
	[tilespmem:$0x1E400] =	vst v63  }
0x97: {  	_ =	swait.ge [sflag:s17], $0x4000  }
0x98: {  	[sflag:s17] =	ssyncset.done $0x0  }
0x99: {  	[sflag:s17] =	ssyncadd.s32 $0xFFFFC000  }
0x9a: {  	[spmem:s2] =	stream.indirect.scatter.add.f32 [tilespmem:s14], [sflag:$0x3], $0x80, s24, s13, $0xb8;
	[tilespmem:$0x1E400] =	vst v63  }
0x9b: {  	_ =	swait.ge [sflag:s20], $0x4000  }
0x9c: {  	[sflag:s20] =	ssyncset.done $0x0  }
0x9d: {  	[sflag:s20] =	ssyncadd.s32 $0xFFFFC000  }
0x9e: {  	[spmem:s2] =	stream.indirect.scatter.add.f32 [tilespmem:s16], [sflag:$0x4], $0x80, s25, s13, $0xb8;
	[tilespmem:$0x1E400] =	vst v63  }
0x9f: {  	_ =	swait.ge [sflag:s18], $0x4000  }
0xa0: {  	[sflag:s18] =	ssyncset.done $0x0  }
0xa1: {  	[sflag:s18] =	ssyncadd.s32 $0xFFFFC000  }
0xa2: {  	_ =	swait.ge [sflag:s22], $0x4000  }
0xa3: {  	s26 =	sadd.s32 $0x1, s26;
	[sflag:s22] =	ssyncset.done $0x0  }
0xa4: {  	p0 =	sne.s32 s26, s8;
	[sflag:s22] =	ssyncadd.s32 $0xFFFFC000  }
.Ltmp2:
0xa5: {  	[bflag:$0x0] =	sbarrier.arrive $0xFFFF;
	(pc) =	sbr.rel @p0 .LBB2_1-.Ltmp2, $4  }
0xa6: {  	[hbm:s7], [sflag:s10] =	dma.local [spmem:s11], $0x2780  }
0xa7: {  	_ =	swait.ge [sflag:s12], $0x2780  }
0xa8: {  	[sflag:s12] =	ssyncset.done $0x0  }
0xa9: {  	[sflag:s12] =	ssyncadd.s32 $0xFFFFD880  }
0xaa: {  	_ =	sfence.sel $0x180000  }
0xab: {  	[bflag:$0x0] =	sbarrier.arrive $0xFFFF  }
0xac: {  	p0 =	sne.s32 s0, $0x0;
	_ =	strace $0x90000050  }
0xad: {  	s0 =	sadd.s32 @!p0 $0x100000, s1;
	[bflag:$0x2] =	sbarrier.arrive $0xFFFF  }
0xae: {  	[sflag:s0] =	ssyncadd.tile.s32 @!p0 $0x1;
	_ =	shalt  }
.Lfunc_end2:
_tile_overlayer_lowered:
.L_overlay_start_2:
0xaf: {  	(tag) =	ssettag $0x2  }
0xb0: {  	s0 =	rddreg [dreg:$0x0];
	s2 =	stileid.u32  }
0xb1: {  	s1 =	rddreg [dreg:$0x1];
	p0 =	sne.s32 s2, $0x0  }
0xb2: {  	s3 =	rddreg [dreg:$0x2];
	[bflag:$0x3] =	sbarrier.arrive $0xFFFF;
	s2 =	simm.s32 @!p0 $0x1C05  }
0xb3: {  	[timem:s3], [sflag:s2] =	dma.local @!p0 [hbm:s0], s1  }
0xb4: {  	s0 =	simm.s32 @!p0 $0x5  }
0xb5: {  	_ =	swait.ge @!p0 [sflag:s0], s1  }
0xb6: {  	s1 =	ssub.s32 @!p0 $0x0, s1;
	[sflag:s0] =	ssyncset.done @!p0 $0x0  }
0xb7: {  	[sflag:s0] =	ssyncadd.s32 @!p0 s1  }
0xb8: {  	[bflag:$0x3] =	sbarrier.arrive $0xFFFF  }
0xb9: {  	_ =	shalt  }

// kernel: kernel.26.cloned.1.call-start
scs
__scs_entry_jumppad:
0x0: {  	(pc) =	sbr.rel $0x88, $3  }
0x1: {  	(tag) =	ssettag $0x0;
	lr =	simm.s32 $0x1  }
0x2: {  	[smem:$0x3F92] =	sst lr;
	_ =	strace $0xD0000000  }
0x3: {  	_ = 	snop  }
0x4: {  	_ = 	snop  }
0x5: {  	_ = 	snop  }
0x6: {  	_ = 	snop  }
0x7: {  	_ = 	snop  }
__scs_overlays_trampoline_lowered:
0x8: {  	[smem:$0x3FA1] =	sst s0  }
0x9: {  	[smem:$0x3FA2] =	sst s1  }
0xa: {  	[smem:$0x3FA3] =	sst s2  }
0xb: {  	[smem:$0x3FA4] =	sst s3  }
0xc: {  	[smem:$0x3FA5] =	sst s4  }
0xd: {  	[smem:$0x3FA6] =	sst s5  }
0xe: {  	[smem:$0x3FA7] =	sst s6  }
0xf: {  	[smem:$0x3FA8] =	sst s7  }
0x10: {  	[smem:$0x3FA9] =	sst s8  }
0x11: {  	[smem:$0x3FAA] =	sst s9;
	s0 =	simm.s32 @!p0 $0x0  }
0x12: {  	s1 =	sld [smem:$0x3F90];
	s0 =	simm.s32 @p0 $0x1  }
0x13: {  	[smem:$0x3FAB] =	sst s0;
	s0 =	simm.s32 @!p1 $0x0  }
0x14: {  	s2 =	sld [smem:$0x3F8F];
	s0 =	simm.s32 @p1 $0x1  }
0x15: {  	[smem:$0x3FAC] =	sst s0;
	s0 =	simm.s32 @!p2 $0x0  }
0x16: {  	s3 =	sld [smem:$0x3FDB];
	s0 =	simm.s32 @p2 $0x1  }
0x17: {  	s4 =	simm.s32 $0x1BF5;
	[smem:$0x3FAE] =	sst s0  }
0x18: {  	s0 =	sld [smem:$0x3F91];
	_ =	swait.ge [sflag:s4], $0x0  }
0x19: {  	s7 =	sld [smem:$0x3F92]  }
0x1a: {  	s8 =	sadd.s32 $0xFFFFE003, lr  }
0x1b: {  	s9 =	sadd.s32 $0xFFFFFEF7, lr;
	s5 =	simm.s32 $0xFFFFFFFF;
	p2 =	slt.u32 s8, $0xFFFFF086  }
0x1c: {  	p1 =	slt.u32 s9, $0xF7A;
	s5 =	simm.s32 @!p2 $0x0  }
0x1d: {  	s5 =	simm.s32 @p1 $0x1;
	p0 =	seq.s32 s7, s2  }
0x1e: {  	s7 =	smul.u32 @!p0 $0xF7A, s2;
	p2 =	seq.s32 @!p0 s5, $0x0  }
0x1f: {  	s9 =	smul.u32 $0xF7A, s1;
	s8 =	simm.s32 @!p0 $0x1BF5;
	p2 =	por !p2, p0  }
0x20: {  	[sflag:s8] =	ssyncset.s32 @!p0 $0xFFFFF086;
	s6 =	sadd.s32 @!p0 s3, s7;
	s7 =	simm.s32 @!p0 $0x108  }
0x21: {  	s3 =	sadd.s32 s3, s9;
	s6 =	sadd.s32 @!p0 $0x88, s6;
	s7 =	simm.s32 @p2 $0x1082  }
0x22: {  	[simem:s7], [sflag:s8] =	dma.local @!p0 [hbm:s6], $0xF7A  }
0x23: {  	s9 =	sor.u32 $0xD0000000, s2;
	s6 =	simm.s32 $0x108;
	_ =	swait.ge @!p0 [sflag:s8], $0x0  }
0x24: {  	s3 =	sadd.s32 $0x88, s3;
	s6 =	simm.s32 @!p1 $0x1082;
	[sflag:s4] =	ssyncset.s32 $0xFFFFF086  }
0x25: {  	[simem:s6], [sflag:s4] =	dma.local [hbm:s3], $0xF7A  }
0x26: {  	[smem:$0x3F92] =	sst s1;
	(tag) =	ssettag s2;
	_ =	strace s9  }
0x27: {  	s1 =	sld [smem:$0x3FA2]  }
0x28: {  	s2 =	sld [smem:$0x3FA3]  }
0x29: {  	s4 =	sld [smem:$0x3FA5]  }
0x2a: {  	p0 =	seq.s32 s5, $0x0;
	s5 =	sld [smem:$0x3FA6]  }
0x2b: {  	s6 =	sld [smem:$0x3FA7]  }
0x2c: {  	s7 =	sld [smem:$0x3FA8]  }
0x2d: {  	s3 =	simm.s32 $0x108;
	s8 =	sld [smem:$0x3FA9]  }
0x2e: {  	s3 =	simm.s32 @!p0 $0x1082;
	s9 =	sld [smem:$0x3FAA]  }
0x2f: {  	lr =	sadd.s32 s0, s3;
	s0 =	sld [smem:$0x3FA1]  }
0x30: {  	s3 =	sld [smem:$0x3FA4]  }
0x31: {  	[smem:$0x3FAD] =	sst s10  }
0x32: {  	s10 =	sld [smem:$0x3FAB];
	_ =	sdelay $0x3  }
0x33: {  	p0 =	seq.s32 s10, $0x1;
	s10 =	sld [smem:$0x3FAD];
	_ =	sdelay $0x3  }
0x34: {  	[smem:$0x3FAD] =	sst s10  }
0x35: {  	s10 =	sld [smem:$0x3FAC];
	_ =	sdelay $0x3  }
0x36: {  	p1 =	seq.s32 s10, $0x1;
	s10 =	sld [smem:$0x3FAD];
	_ =	sdelay $0x3  }
0x37: {  	[smem:$0x3FAD] =	sst s10  }
0x38: {  	s10 =	sld [smem:$0x3FAE]  }
0x39: {  	_ = 	snop;
	(pc) =	sbr.ind lr, $3  }
0x3a: {  	_ = 	snop  }
0x3b: {  	_ = 	snop  }
0x3c: {  	p2 =	seq.s32 s10, $0x1;
	s10 =	sld [smem:$0x3FAD]  }
0x3d: {  	_ =	shalt  }
0x3e: {  	_ =	shalt  }
0x3f: {  	_ =	shalt  }
0x40: {  	_ =	shalt  }
0x41: {  	_ =	shalt  }
0x42: {  	_ =	shalt  }
0x43: {  	_ =	shalt  }
0x44: {  	_ =	shalt  }
0x45: {  	_ =	shalt  }
0x46: {  	_ =	shalt  }
0x47: {  	_ =	shalt  }
0x48: {  	_ =	shalt  }
0x49: {  	_ =	shalt  }
0x4a: {  	_ =	shalt  }
0x4b: {  	_ =	shalt  }
0x4c: {  	_ =	shalt  }
0x4d: {  	_ =	shalt  }
0x4e: {  	_ =	shalt  }
0x4f: {  	_ =	shalt  }
0x50: {  	_ =	shalt  }
0x51: {  	_ =	shalt  }
0x52: {  	_ =	shalt  }
0x53: {  	_ =	shalt  }
0x54: {  	_ =	shalt  }
0x55: {  	_ =	shalt  }
0x56: {  	_ =	shalt  }
0x57: {  	_ =	shalt  }
0x58: {  	_ =	shalt  }
0x59: {  	_ =	shalt  }
0x5a: {  	_ =	shalt  }
0x5b: {  	_ =	shalt  }
0x5c: {  	_ =	shalt  }
0x5d: {  	_ =	shalt  }
0x5e: {  	_ =	shalt  }
0x5f: {  	_ =	shalt  }
0x60: {  	_ =	shalt  }
0x61: {  	_ =	shalt  }
0x62: {  	_ =	shalt  }
0x63: {  	_ =	shalt  }
0x64: {  	_ =	shalt  }
0x65: {  	_ =	shalt  }
0x66: {  	_ =	shalt  }
0x67: {  	_ =	shalt  }
0x68: {  	_ =	shalt  }
0x69: {  	_ =	shalt  }
0x6a: {  	_ =	shalt  }
0x6b: {  	_ =	shalt  }
0x6c: {  	_ =	shalt  }
0x6d: {  	_ =	shalt  }
0x6e: {  	_ =	shalt  }
0x6f: {  	_ =	shalt  }
0x70: {  	_ =	shalt  }
0x71: {  	_ =	shalt  }
0x72: {  	_ =	shalt  }
0x73: {  	_ =	shalt  }
0x74: {  	_ =	shalt  }
0x75: {  	_ =	shalt  }
0x76: {  	_ =	shalt  }
0x77: {  	_ =	shalt  }
0x78: {  	_ =	shalt  }
0x79: {  	_ =	shalt  }
0x7a: {  	_ =	shalt  }
0x7b: {  	_ =	shalt  }
0x7c: {  	_ =	shalt  }
0x7d: {  	_ =	shalt  }
0x7e: {  	_ =	shalt  }
0x7f: {  	_ =	shalt  }
0x80: {  	_ =	shalt  }
0x81: {  	_ =	shalt  }
0x82: {  	_ =	shalt  }
0x83: {  	_ =	shalt  }
0x84: {  	_ =	shalt  }
0x85: {  	_ =	shalt  }
0x86: {  	_ =	shalt  }
0x87: {  	_ =	shalt  }
.Lfunc_end0:
.L_simem_size_0:
called_computation.4_lowered:
.L_overlay_start_0:
0x88: {  	s2 =	sld [smem:$0x3FD9]  }
0x89: {  	s3 =	sld [smem:$0x3FFE];
	_ =	sdelay $0x1  }
0x8a: {  	s1 =	srdreg.scid  }
0x8b: {  	s0 =	sand.u32 $0x1, s1  }
0x8c: {  	s16 =	sshll.u32 s0, $0xA;
	s2 =	sadd.s32 s3, s2  }
0x8d: {  	s2 =	sadd.s32 s2, s16  }
0x8e: {  	[smem:$0x3FB9] =	sst s2  }
0x8f: {  	_ = 	snop  }
0x90: {  	(tm) =	ssettm $0x1  }
0x91: {  	s17 =	sld [smem:$0x3FFB];
	_ =	sdelay $0x3  }
0x92: {  	_ =	strace s17  }
0x93: {  	s2 =	sld [smem:$0x3FFC];
	_ =	sdelay $0x3  }
0x94: {  	_ =	strace s2  }
0x95: {  	s2 =	sld [smem:$0x3FFD];
	_ =	sdelay $0x3  }
0x96: {  	_ =	strace s2  }
0x97: {  	_ =	strace $0x8FFFFFFF  }
0x98: {  	s18 =	sld [smem:$0x3FDB];
	_ =	sdelay $0x1  }
0x99: {  	s19 =	simm.s32 $_scs_section_size  }
0x9a: {  	s4 =	simm.s32 $_size__tile_overlayer_lowered;
	s5 =	simm.s32 $_tile_overlayer_lowered  }
0x9b: {  	s22 =	simm.s32 $0x1BFF;
	s21 =	sshll.u32 s5, $0x1;
	s2 =	sadd.s32 s19, s18  }
0x9c: {  	s6 =	simm.s32 $0x0;
	s20 =	sshll.u32 s4, $0x1;
	s4 =	sadd.s32 s21, s2  }
0x9d: {  	[timem:s6], [sflag:s22] =	dma.local [hbm:s4], s20  }
0x9e: {  	_ =	swait.ge [sflag:s22], s20  }
0x9f: {  	s3 =	ssub.s32 $0x0, s20;
	[sflag:s22] =	ssyncset.done $0x0  }
0xa0: {  	[sflag:s22] =	ssyncadd.s32 s3;
	_ =	sdelay $0x1  }
0xa1: {  	s23 =	simm.s32 $0x1B8B  }
0xa2: {  	_ =	swait.ge [sflag:s23], $0x1  }
0xa3: {  	[sflag:s23] =	ssyncset.done $0x0  }
0xa4: {  	s25 =	simm.s32 $0x1B8E;
	s24 =	sld [smem:$0x3FFE];
	[sflag:s23] =	ssyncadd.s32 $0xFFFFFFFF  }
0xa5: {  	s26 =	simm.s32 $execute0_lowered;
	[smem:$0x3FD2] =	sst s25  }
0xa6: {  	s4 =	sshll.u32 s26, $0x1;
	_ =	strace $0x80000052;
	[dreg:$0x1] =	wrdreg $0xFFFFFFFF  }
0xa7: {  	s28 =	simm.s32 $_size_execute0_lowered;
	s2 =	sadd.s32 s2, s4;
	[dreg:$0x0] =	wrdreg $0x0  }
0xa8: {  	s4 =	sshll.u32 s28, $0x1;
	[dreg:$0x2] =	wrdreg s2  }
0xa9: {  	[dreg:$0x3] =	wrdreg s4  }
0xaa: {  	[dreg:$0x4] =	wrdreg $0xC0  }
0xab: {  	_ =	task [dreg:s6], $0x5FFFF  }
0xac: {  	[dreg:$0x1] =	wrdreg $0xFFFFFFFF  }
0xad: {  	[dreg:$0x0] =	wrdreg $0x60  }
0xae: {  	[dreg:$0x2] =	wrdreg s24  }
0xaf: {  	[dreg:$0x3] =	wrdreg $0xD0000  }
0xb0: {  	[dreg:$0x4] =	wrdreg $0x9  }
0xb1: {  	_ =	task.clear_ibuf [dreg:s6], $0x5FFFF;
	_ =	strace $0x90000052  }
0xb2: {  	s29 =	simm.s32 $0x9;
	_ =	strace $0x80000054  }
0xb3: {  	_ =	swait.ge [sflag:s29], $0x1  }
0xb4: {  	[sflag:s29] =	ssyncadd.s32 $0xFFFFFFFF  }
0xb5: {  	_ =	strace $0x90000054  }
0xb6: {  	_ =	sfence  }
0xb7: {  	s30 =	sld [smem:$0x0];
	_ =	sdelay $0x2  }
0xb8: {  	s31 =	sshll.u32 s1, $0xD;
	s1 =	sshrl.u32 s1, $0x2  }
0xb9: {  	s3 =	sand.u32 $0x4000, s31;
	s1 =	sadd.s32 s1, s30  }
0xba: {  	s0 =	sor.u32 s3, s0;
	s1 =	sshll.u32 s1, $0x11  }
0xbb: {  	s0 =	sor.u32 s1, s0  }
0xbc: {  	s0 =	sadd.s32 $0x8F2B, s0  }
0xbd: {  	[sflag:s0] =	ssyncadd.remote.s32 $0x1  }
0xbe: {  	_ =	sfence.sel $0xFFFF  }
0xbf: {  	[dreg:$0x0] =	wrdreg $0xFFFFFFFF;
	(pc) =	sbr.abs _section_cstart, $3  }
0xc0: {  	[dreg:$0x1] =	wrdreg $0xFFFFFFFF  }
0xc1: {  	_ =	task.clear_ibuf [dreg:s6], $0x2FFFF;
	_ =	strace $0x9FFFFFFF  }
0xc2: {  	(tm) =	ssettm $0x7FFFFFFF  }
0xc3: {  	_ =	shalt  }
tec
execute0_lowered:
.L_overlay_start_1:
0x0: {  	(tag) =	ssettag $0x1  }
0x1: {  	s0 =	rddreg [dreg:$0x0]  }
0x2: {  	s1 =	srdreg.scid;
	s2 =	rddreg [dreg:$0x1]  }
0x3: {  	s10 =	stileid.u32;
	s3 =	simm.s32 $0x0;
	s11 =	simm.s32 $0x9  }
0x4: {  	s12 =	simm.s32 $0x80;
	s13 =	simm.s32 $0x5000;
	s15 =	simm.s32 $0x7000  }
0x5: {  	s17 =	simm.s32 $0x9000;
	s18 =	simm.s32 $0x1;
	s20 =	simm.s32 $0xB000  }
0x6: {  	s21 =	simm.s32 $0x2;
	s23 =	simm.s32 $0x5;
	s28 =	simm.s32 $0x6  }
0x7: {  	s30 =	simm.s32 $0x4;
	s14 =	simm.s32 $0x8;
	s6 =	smul.u32 $0x9E00, s10  }
0x8: {  	s16 =	simm.s32 $0x0;
	s1 =	sand.u32 $0x1, s1;
	s8 =	smul.u32 $0xA00, s10  }
0x9: {  	[smem:$0x7FF] =	sst s3;
	s4 =	sadd.s32 $0x22C00, s0;
	s5 =	smul.u32 $0xA000, s1  }
0xa: {  	s9 =	sadd.s32 $0x36800, s0;
	s31 =	sshll.u32 s10, $0x6;
	s7 =	smul.u32 $0x9E000, s1  }
0xb: {  	_ =	strace $0x80000053;
	s24 =	ssub.s32 $0x2, s1;
	p0 =	seq.s32 s1, $0x1  }
0xc: {  	s1 =	simm.s32 $0x600;
	s25 =	sshrl.u32 s24, $0x1;
	s26 =	sadd.s32 s6, s2  }
0xd: {  	s29 =	sshrl.u32 s6, $0x3;
	s7 =	sadd.s32 s6, s7;
	s5 =	sadd.s32 s8, s5  }
.Ltmp0:
0xe: {  	s10 =	sshrl.u32 s26, $0x3;
	s7 =	sshrl.u32 s7, $0x3;
	(pc) =	sbr.rel .LBB2_1-.Ltmp0, $4  }
0xf: {  	s5 =	sadd.s32 s5, s0;
	s0 =	sadd.s32 s7, s0;
	s7 =	ssub.s32 s24, s25  }
0x10: {  	s5 =	sadd.s32 $0xEC00, s5;
	s6 =	sadd.s32 $0x4A400, s0;
	s0 =	smov.u32 s4  }
0x11: {  	s25 =	simm.s32 $0x3;
	s7 =	smax.u32 s7, $0x1;
	s0 =	smov.u32 @p0 s9  }
0x12: {  	s9 =	sor.u32 $0x1C09, s31;
	s8 =	sadd.s32 s0, s29;
	s0 =	simm.s32 $0x7  }
.LBB2_4:
0x13: {  	_ =	swait.ge [sflag:s23], $0x2000  }
0x14: {  	[sflag:s23] =	ssyncset.done $0x0  }
0x15: {  	[sflag:s23] =	ssyncadd.s32 $0xFFFFE000  }
0x16: {  	_ =	swait.ge [sflag:s28], $0x2000  }
0x17: {  	[sflag:s28] =	ssyncset.done $0x0  }
0x18: {  	[sflag:s28] =	ssyncadd.s32 $0xFFFFE000  }
0x19: {  	_ =	swait.ge [sflag:s0], $0x2000  }
0x1a: {  	[sflag:s0] =	ssyncset.done $0x0  }
0x1b: {  	[sflag:s0] =	ssyncadd.s32 $0xFFFFE000  }
0x1c: {  	_ =	swait.ge [sflag:s14], $0x2000  }
0x1d: {  	s16 =	sadd.s32 $0x1, s16;
	[sflag:s14] =	ssyncset.done $0x0  }
0x1e: {  	p0 =	sne.s32 s16, s7;
	[sflag:s14] =	ssyncadd.s32 $0xFFFFE000  }
.Ltmp1:
0x1f: {  	[bflag:$0x0] =	sbarrier.arrive $0xFFFF;
	(pc) =	sbr.rel @!p0 .LBB2_5-.Ltmp1, $4  }
0x20: {  	[hbm:s6], [sflag:s9] =	dma.local [spmem:s10], $0x13C0  }
0x21: {  	_ =	swait.ge [sflag:s11], $0x13C0  }
0x22: {  	[sflag:s11] =	ssyncset.done $0x0  }
0x23: {  	[sflag:s11] =	ssyncadd.s32 $0xFFFFEC40  }
.LBB2_1:
0x24: {  	[spmem:s10], [sflag:s9] =	dma.local [hbm:s8], $0x13C0  }
0x25: {  	_ =	swait.ge [sflag:s11], $0x13C0  }
0x26: {  	[sflag:s11] =	ssyncset.done $0x0  }
0x27: {  	[sflag:s11] =	ssyncadd.s32 $0xFFFFEC40  }
0x28: {  	[bflag:$0x0] =	sbarrier.arrive $0xFFFF  }
0x29: {  	[tilespmem:s3], [sflag:$0x9] =	stream.linear.gather [hbm4b:s5+s3], $0x5000, $0x38;
	[tilespmem:$0x16E00] =	vst v63  }
0x2a: {  	_ =	swait.ge [sflag:s11], $0x5000  }
0x2b: {  	[sflag:s11] =	ssyncset.done $0x0  }
0x2c: {  	[sflag:s11] =	ssyncadd.s32 $0xFFFFB000  }
0x2d: {  	[tilespmem:s13], [sflag:$0x1] =	stream.indirect.gather [hbm4b:s4+s12], $0x40, s3, s12, $0xb8;
	[tilespmem:$0x16E00] =	vst v63  }
0x2e: {  	s19 =	simm.s32 $0x100  }
0x2f: {  	[tilespmem:s15], [sflag:$0x2] =	stream.indirect.gather [hbm4b:s4+s12], $0x40, s19, s12, $0xb8;
	[tilespmem:$0x16E00] =	vst v63  }
0x30: {  	s29 =	simm.s32 $0x200  }
0x31: {  	[tilespmem:s17], [sflag:$0x3] =	stream.indirect.gather [hbm4b:s4+s12], $0x40, s29, s12, $0xb8;
	[tilespmem:$0x16E00] =	vst v63  }
0x32: {  	_ =	swait.ge [sflag:s18], $0x2000  }
0x33: {  	[sflag:s18] =	ssyncset.done $0x0  }
0x34: {  	[sflag:s18] =	ssyncadd.s32 $0xFFFFE000  }
0x35: {  	[spmem:s2] =	stream.indirect.scatter.add.f32 [tilespmem:s13], [sflag:$0x5], $0x40, s12, s12, $0xb8;
	[tilespmem:$0x16E00] =	vst v63  }
0x36: {  	s31 =	simm.s32 $0x300  }
0x37: {  	[tilespmem:s20], [sflag:$0x4] =	stream.indirect.gather [hbm4b:s4+s12], $0x40, s31, s12, $0xb8;
	[tilespmem:$0x16E00] =	vst v63  }
0x38: {  	_ =	swait.ge [sflag:s21], $0x2000  }
0x39: {  	[sflag:s21] =	ssyncset.done $0x0  }
0x3a: {  	s22 =	simm.s32 $0x180;
	[sflag:s21] =	ssyncadd.s32 $0xFFFFE000  }
0x3b: {  	[spmem:s2] =	stream.indirect.scatter.add.f32 [tilespmem:s15], [sflag:$0x6], $0x40, s22, s12, $0xb8;
	[tilespmem:$0x16E00] =	vst v63  }
0x3c: {  	_ =	swait.ge [sflag:s23], $0x2000  }
0x3d: {  	[sflag:s23] =	ssyncset.done $0x0  }
0x3e: {  	s24 =	simm.s32 $0x400;
	[sflag:s23] =	ssyncadd.s32 $0xFFFFE000  }
0x3f: {  	[tilespmem:s13], [sflag:$0x1] =	stream.indirect.gather [hbm4b:s4+s12], $0x40, s24, s12, $0xb8;
	[tilespmem:$0x16E00] =	vst v63  }
0x40: {  	_ =	swait.ge [sflag:s25], $0x2000  }
0x41: {  	[sflag:s25] =	ssyncset.done $0x0  }
0x42: {  	s26 =	simm.s32 $0x280;
	[sflag:s25] =	ssyncadd.s32 $0xFFFFE000  }
0x43: {  	[spmem:s2] =	stream.indirect.scatter.add.f32 [tilespmem:s17], [sflag:$0x7], $0x40, s26, s12, $0xb8;
	[tilespmem:$0x16E00] =	vst v63  }
0x44: {  	_ =	swait.ge [sflag:s28], $0x2000  }
0x45: {  	[sflag:s28] =	ssyncset.done $0x0  }
0x46: {  	s29 =	simm.s32 $0x500;
	[sflag:s28] =	ssyncadd.s32 $0xFFFFE000  }
0x47: {  	[tilespmem:s15], [sflag:$0x2] =	stream.indirect.gather [hbm4b:s4+s12], $0x40, s29, s12, $0xb8;
	[tilespmem:$0x16E00] =	vst v63  }
0x48: {  	_ =	swait.ge [sflag:s30], $0x2000  }
0x49: {  	[sflag:s30] =	ssyncset.done $0x0  }
0x4a: {  	s31 =	simm.s32 $0x380;
	[sflag:s30] =	ssyncadd.s32 $0xFFFFE000  }
0x4b: {  	[spmem:s2] =	stream.indirect.scatter.add.f32 [tilespmem:s20], [sflag:$0x8], $0x40, s31, s12, $0xb8;
	[tilespmem:$0x16E00] =	vst v63  }
0x4c: {  	_ =	swait.ge [sflag:s0], $0x2000  }
0x4d: {  	[sflag:s0] =	ssyncset.done $0x0  }
0x4e: {  	s19 =	simm.s32 $0x0;
	[sflag:s0] =	ssyncadd.s32 $0xFFFFE000  }
0x4f: {  	[tilespmem:s17], [sflag:$0x3] =	stream.indirect.gather [hbm4b:s4+s12], $0x40, s1, s12, $0xb8;
	[tilespmem:$0x16E00] =	vst v63  }
.LBB2_2:
0x50: {  	_ =	swait.ge [sflag:s18], $0x2000  }
0x51: {  	s22 =	sshra.s32 s19, $0x2;
	[sflag:s18] =	ssyncset.done $0x0  }
0x52: {  	s24 =	sadd.s32 $0x480, s22;
	[sflag:s18] =	ssyncadd.s32 $0xFFFFE000  }
0x53: {  	[spmem:s2] =	stream.indirect.scatter.add.f32 [tilespmem:s13], [sflag:$0x5], $0x40, s24, s12, $0xb8;
	[tilespmem:$0x16E00] =	vst v63  }
0x54: {  	_ =	swait.ge [sflag:s14], $0x2000  }
0x55: {  	[sflag:s14] =	ssyncset.done $0x0  }
0x56: {  	s26 =	sadd.s32 $0x700, s22;
	[sflag:s14] =	ssyncadd.s32 $0xFFFFE000  }
0x57: {  	[tilespmem:s20], [sflag:$0x4] =	stream.indirect.gather [hbm4b:s4+s12], $0x40, s26, s12, $0xb8;
	[tilespmem:$0x16E00] =	vst v63  }
0x58: {  	_ =	swait.ge [sflag:s21], $0x2000  }
0x59: {  	p0 =	seq.s32 s19, $0x12000;
	[sflag:s21] =	ssyncset.done $0x0  }
0x5a: {  	s29 =	sadd.s32 $0x580, s22;
	s24 =	simm.s32 @p0 $0x3;
	[sflag:s21] =	ssyncadd.s32 $0xFFFFE000  }
0x5b: {  	[spmem:s2] =	stream.indirect.scatter.add.f32 [tilespmem:s15], [sflag:$0x6], $0x40, s29, s12, $0xb8;
	[tilespmem:$0x16E00] =	vst v63  }
0x5c: {  	_ =	swait.ge @p0 [sflag:s24], $0x2000  }
0x5d: {  	[sflag:s24] =	ssyncset.done @p0 $0x0  }
0x5e: {  	[sflag:s24] =	ssyncadd.s32 @p0 $0xFFFFE000;
	s24 =	sshra.s32 @p0 s19, $0x2  }
0x5f: {  	s26 =	simm.s32 @p0 $0x80;
	s29 =	simm.s32 @p0 $0x9000;
	s24 =	sadd.s32 @p0 $0x680, s24  }
0x60: {  	[spmem:s2] =	stream.indirect.scatter.add.f32 @p0 [tilespmem:s29], [sflag:$0x7], $0x40, s24, s26, $0xb8;
	[tilespmem:$0x16E00] =	vst v63  }
0x61: {  	s24 =	simm.s32 @!p0 $0x5  }
0x62: {  	_ =	swait.ge @!p0 [sflag:s24], $0x2000  }
0x63: {  	[sflag:s24] =	ssyncset.done @!p0 $0x0  }
0x64: {  	[sflag:s24] =	ssyncadd.s32 @!p0 $0xFFFFE000;
	s24 =	sshra.s32 @!p0 s19, $0x2  }
0x65: {  	s31 =	simm.s32 @!p0 $0x5000;
	s29 =	simm.s32 @!p0 $0x80;
	s26 =	sadd.s32 @!p0 $0x800, s24  }
0x66: {  	[tilespmem:s31], [sflag:$0x1] =	stream.indirect.gather @!p0 [hbm4b:s4+s29], $0x40, s26, s29, $0xb8;
	[tilespmem:$0x16E00] =	vst v63  }
0x67: {  	s26 =	simm.s32 @!p0 $0x3  }
0x68: {  	_ =	swait.ge @!p0 [sflag:s26], $0x2000  }
0x69: {  	[sflag:s26] =	ssyncset.done @!p0 $0x0  }
0x6a: {  	s31 =	simm.s32 @!p0 $0x9000;
	[sflag:s26] =	ssyncadd.s32 @!p0 $0xFFFFE000;
	s26 =	sadd.s32 @!p0 $0x680, s24  }
0x6b: {  	[spmem:s2] =	stream.indirect.scatter.add.f32 @!p0 [tilespmem:s31], [sflag:$0x7], $0x40, s26, s29, $0xb8;
	[tilespmem:$0x16E00] =	vst v63  }
0x6c: {  	s26 =	simm.s32 @!p0 $0x6  }
0x6d: {  	_ =	swait.ge @!p0 [sflag:s26], $0x2000  }
0x6e: {  	[sflag:s26] =	ssyncset.done @!p0 $0x0  }
0x6f: {  	s24 =	sadd.s32 @!p0 $0x900, s24;
	[sflag:s26] =	ssyncadd.s32 @!p0 $0xFFFFE000;
	s26 =	simm.s32 @!p0 $0x7000  }
0x70: {  	[tilespmem:s26], [sflag:$0x2] =	stream.indirect.gather @!p0 [hbm4b:s4+s29], $0x40, s24, s29, $0xb8;
	[tilespmem:$0x16E00] =	vst v63  }
.Ltmp2:
0x71: {  	_ = 	snop;
	(pc) =	sbr.rel @p0 .LBB2_4-.Ltmp2, $4  }
0x72: {  	_ =	swait.ge [sflag:s30], $0x2000  }
0x73: {  	[sflag:s30] =	ssyncset.done $0x0  }
0x74: {  	s31 =	sadd.s32 $0x780, s22;
	[sflag:s30] =	ssyncadd.s32 $0xFFFFE000  }
0x75: {  	[spmem:s2] =	stream.indirect.scatter.add.f32 [tilespmem:s20], [sflag:$0x8], $0x40, s31, s12, $0xb8;
	[tilespmem:$0x16E00] =	vst v63  }
.Ltmp3:
0x76: {  	(pc) =	sbr.rel .LBB2_2-.Ltmp3, $4  }
0x77: {  	_ =	swait.ge [sflag:s0], $0x2000  }
0x78: {  	[sflag:s0] =	ssyncset.done $0x0  }
0x79: {  	s22 =	sadd.s32 $0xA00, s22;
	s19 =	sadd.s32 $0x1000, s19;
	[sflag:s0] =	ssyncadd.s32 $0xFFFFE000  }
0x7a: {  	[tilespmem:s17], [sflag:$0x3] =	stream.indirect.gather [hbm4b:s4+s12], $0x40, s22, s12, $0xb8;
	[tilespmem:$0x16E00] =	vst v63  }
.LBB2_5:
0x7b: {  	_ =	sfence.sel $0x180000  }
0x7c: {  	[bflag:$0x0] =	sbarrier.arrive $0xFFFF  }
0x7d: {  	_ =	strace $0x90000053  }
0x7e: {  	s0 =	stileid.u32;
	[bflag:$0x2] =	sbarrier.arrive $0xFFFF  }
0x7f: {  	p0 =	sne.s32 s0, $0x0;
	s0 =	rddreg [dreg:$0x2]  }
0x80: {  	s0 =	sadd.s32 @!p0 $0x100000, s0  }
0x81: {  	[sflag:s0] =	ssyncadd.tile.s32 @!p0 $0x1;
	_ =	shalt  }
.Lfunc_end2:
_tile_overlayer_lowered:
.L_overlay_start_2:
0x82: {  	(tag) =	ssettag $0x2  }
0x83: {  	s0 =	rddreg [dreg:$0x0];
	s2 =	stileid.u32  }
0x84: {  	s1 =	rddreg [dreg:$0x1];
	p0 =	sne.s32 s2, $0x0  }
0x85: {  	s3 =	rddreg [dreg:$0x2];
	[bflag:$0x3] =	sbarrier.arrive $0xFFFF;
	s2 =	simm.s32 @!p0 $0x1C09  }
0x86: {  	[timem:s3], [sflag:s2] =	dma.local @!p0 [hbm:s0], s1  }
0x87: {  	s0 =	simm.s32 @!p0 $0x9  }
0x88: {  	_ =	swait.ge @!p0 [sflag:s0], s1  }
0x89: {  	s1 =	ssub.s32 @!p0 $0x0, s1;
	[sflag:s0] =	ssyncset.done @!p0 $0x0  }
0x8a: {  	[sflag:s0] =	ssyncadd.s32 @!p0 s1  }
0x8b: {  	[bflag:$0x3] =	sbarrier.arrive $0xFFFF  }
0x8c: {  	_ =	shalt  }

// kernel: kernel.29.cloned.1.call-start
scs
__scs_entry_jumppad:
0x0: {  	(pc) =	sbr.rel $0x88, $3  }
0x1: {  	(tag) =	ssettag $0x0;
	lr =	simm.s32 $0x1  }
0x2: {  	[smem:$0x3F92] =	sst lr;
	_ =	strace $0xD0000000  }
0x3: {  	_ = 	snop  }
0x4: {  	_ = 	snop  }
0x5: {  	_ = 	snop  }
0x6: {  	_ = 	snop  }
0x7: {  	_ = 	snop  }
__scs_overlays_trampoline_lowered:
0x8: {  	[smem:$0x3FA1] =	sst s0  }
0x9: {  	[smem:$0x3FA2] =	sst s1  }
0xa: {  	[smem:$0x3FA3] =	sst s2  }
0xb: {  	[smem:$0x3FA4] =	sst s3  }
0xc: {  	[smem:$0x3FA5] =	sst s4  }
0xd: {  	[smem:$0x3FA6] =	sst s5  }
0xe: {  	[smem:$0x3FA7] =	sst s6  }
0xf: {  	[smem:$0x3FA8] =	sst s7  }
0x10: {  	[smem:$0x3FA9] =	sst s8  }
0x11: {  	[smem:$0x3FAA] =	sst s9;
	s0 =	simm.s32 @!p0 $0x0  }
0x12: {  	s1 =	sld [smem:$0x3F90];
	s0 =	simm.s32 @p0 $0x1  }
0x13: {  	[smem:$0x3FAB] =	sst s0;
	s0 =	simm.s32 @!p1 $0x0  }
0x14: {  	s2 =	sld [smem:$0x3F8F];
	s0 =	simm.s32 @p1 $0x1  }
0x15: {  	[smem:$0x3FAC] =	sst s0;
	s0 =	simm.s32 @!p2 $0x0  }
0x16: {  	s3 =	sld [smem:$0x3FDB];
	s0 =	simm.s32 @p2 $0x1  }
0x17: {  	s4 =	simm.s32 $0x1BF5;
	[smem:$0x3FAE] =	sst s0  }
0x18: {  	s0 =	sld [smem:$0x3F91];
	_ =	swait.ge [sflag:s4], $0x0  }
0x19: {  	s7 =	sld [smem:$0x3F92]  }
0x1a: {  	s8 =	sadd.s32 $0xFFFFE003, lr  }
0x1b: {  	s9 =	sadd.s32 $0xFFFFFEF7, lr;
	s5 =	simm.s32 $0xFFFFFFFF;
	p2 =	slt.u32 s8, $0xFFFFF086  }
0x1c: {  	p1 =	slt.u32 s9, $0xF7A;
	s5 =	simm.s32 @!p2 $0x0  }
0x1d: {  	s5 =	simm.s32 @p1 $0x1;
	p0 =	seq.s32 s7, s2  }
0x1e: {  	s7 =	smul.u32 @!p0 $0xF7A, s2;
	p2 =	seq.s32 @!p0 s5, $0x0  }
0x1f: {  	s9 =	smul.u32 $0xF7A, s1;
	s8 =	simm.s32 @!p0 $0x1BF5;
	p2 =	por !p2, p0  }
0x20: {  	[sflag:s8] =	ssyncset.s32 @!p0 $0xFFFFF086;
	s6 =	sadd.s32 @!p0 s3, s7;
	s7 =	simm.s32 @!p0 $0x108  }
0x21: {  	s3 =	sadd.s32 s3, s9;
	s6 =	sadd.s32 @!p0 $0x88, s6;
	s7 =	simm.s32 @p2 $0x1082  }
0x22: {  	[simem:s7], [sflag:s8] =	dma.local @!p0 [hbm:s6], $0xF7A  }
0x23: {  	s9 =	sor.u32 $0xD0000000, s2;
	s6 =	simm.s32 $0x108;
	_ =	swait.ge @!p0 [sflag:s8], $0x0  }
0x24: {  	s3 =	sadd.s32 $0x88, s3;
	s6 =	simm.s32 @!p1 $0x1082;
	[sflag:s4] =	ssyncset.s32 $0xFFFFF086  }
0x25: {  	[simem:s6], [sflag:s4] =	dma.local [hbm:s3], $0xF7A  }
0x26: {  	[smem:$0x3F92] =	sst s1;
	(tag) =	ssettag s2;
	_ =	strace s9  }
0x27: {  	s1 =	sld [smem:$0x3FA2]  }
0x28: {  	s2 =	sld [smem:$0x3FA3]  }
0x29: {  	s4 =	sld [smem:$0x3FA5]  }
0x2a: {  	p0 =	seq.s32 s5, $0x0;
	s5 =	sld [smem:$0x3FA6]  }
0x2b: {  	s6 =	sld [smem:$0x3FA7]  }
0x2c: {  	s7 =	sld [smem:$0x3FA8]  }
0x2d: {  	s3 =	simm.s32 $0x108;
	s8 =	sld [smem:$0x3FA9]  }
0x2e: {  	s3 =	simm.s32 @!p0 $0x1082;
	s9 =	sld [smem:$0x3FAA]  }
0x2f: {  	lr =	sadd.s32 s0, s3;
	s0 =	sld [smem:$0x3FA1]  }
0x30: {  	s3 =	sld [smem:$0x3FA4]  }
0x31: {  	[smem:$0x3FAD] =	sst s10  }
0x32: {  	s10 =	sld [smem:$0x3FAB];
	_ =	sdelay $0x3  }
0x33: {  	p0 =	seq.s32 s10, $0x1;
	s10 =	sld [smem:$0x3FAD];
	_ =	sdelay $0x3  }
0x34: {  	[smem:$0x3FAD] =	sst s10  }
0x35: {  	s10 =	sld [smem:$0x3FAC];
	_ =	sdelay $0x3  }
0x36: {  	p1 =	seq.s32 s10, $0x1;
	s10 =	sld [smem:$0x3FAD];
	_ =	sdelay $0x3  }
0x37: {  	[smem:$0x3FAD] =	sst s10  }
0x38: {  	s10 =	sld [smem:$0x3FAE]  }
0x39: {  	_ = 	snop;
	(pc) =	sbr.ind lr, $3  }
0x3a: {  	_ = 	snop  }
0x3b: {  	_ = 	snop  }
0x3c: {  	p2 =	seq.s32 s10, $0x1;
	s10 =	sld [smem:$0x3FAD]  }
0x3d: {  	_ =	shalt  }
0x3e: {  	_ =	shalt  }
0x3f: {  	_ =	shalt  }
0x40: {  	_ =	shalt  }
0x41: {  	_ =	shalt  }
0x42: {  	_ =	shalt  }
0x43: {  	_ =	shalt  }
0x44: {  	_ =	shalt  }
0x45: {  	_ =	shalt  }
0x46: {  	_ =	shalt  }
0x47: {  	_ =	shalt  }
0x48: {  	_ =	shalt  }
0x49: {  	_ =	shalt  }
0x4a: {  	_ =	shalt  }
0x4b: {  	_ =	shalt  }
0x4c: {  	_ =	shalt  }
0x4d: {  	_ =	shalt  }
0x4e: {  	_ =	shalt  }
0x4f: {  	_ =	shalt  }
0x50: {  	_ =	shalt  }
0x51: {  	_ =	shalt  }
0x52: {  	_ =	shalt  }
0x53: {  	_ =	shalt  }
0x54: {  	_ =	shalt  }
0x55: {  	_ =	shalt  }
0x56: {  	_ =	shalt  }
0x57: {  	_ =	shalt  }
0x58: {  	_ =	shalt  }
0x59: {  	_ =	shalt  }
0x5a: {  	_ =	shalt  }
0x5b: {  	_ =	shalt  }
0x5c: {  	_ =	shalt  }
0x5d: {  	_ =	shalt  }
0x5e: {  	_ =	shalt  }
0x5f: {  	_ =	shalt  }
0x60: {  	_ =	shalt  }
0x61: {  	_ =	shalt  }
0x62: {  	_ =	shalt  }
0x63: {  	_ =	shalt  }
0x64: {  	_ =	shalt  }
0x65: {  	_ =	shalt  }
0x66: {  	_ =	shalt  }
0x67: {  	_ =	shalt  }
0x68: {  	_ =	shalt  }
0x69: {  	_ =	shalt  }
0x6a: {  	_ =	shalt  }
0x6b: {  	_ =	shalt  }
0x6c: {  	_ =	shalt  }
0x6d: {  	_ =	shalt  }
0x6e: {  	_ =	shalt  }
0x6f: {  	_ =	shalt  }
0x70: {  	_ =	shalt  }
0x71: {  	_ =	shalt  }
0x72: {  	_ =	shalt  }
0x73: {  	_ =	shalt  }
0x74: {  	_ =	shalt  }
0x75: {  	_ =	shalt  }
0x76: {  	_ =	shalt  }
0x77: {  	_ =	shalt  }
0x78: {  	_ =	shalt  }
0x79: {  	_ =	shalt  }
0x7a: {  	_ =	shalt  }
0x7b: {  	_ =	shalt  }
0x7c: {  	_ =	shalt  }
0x7d: {  	_ =	shalt  }
0x7e: {  	_ =	shalt  }
0x7f: {  	_ =	shalt  }
0x80: {  	_ =	shalt  }
0x81: {  	_ =	shalt  }
0x82: {  	_ =	shalt  }
0x83: {  	_ =	shalt  }
0x84: {  	_ =	shalt  }
0x85: {  	_ =	shalt  }
0x86: {  	_ =	shalt  }
0x87: {  	_ =	shalt  }
.Lfunc_end0:
.L_simem_size_0:
called_computation.5_lowered:
.L_overlay_start_0:
0x88: {  	s2 =	sld [smem:$0x3FD9]  }
0x89: {  	s3 =	sld [smem:$0x3FFE];
	_ =	sdelay $0x1  }
0x8a: {  	s1 =	srdreg.scid  }
0x8b: {  	s0 =	sand.u32 $0x1, s1  }
0x8c: {  	s16 =	sshll.u32 s0, $0xA;
	s2 =	sadd.s32 s3, s2  }
0x8d: {  	s2 =	sadd.s32 s2, s16  }
0x8e: {  	[smem:$0x3FB9] =	sst s2  }
0x8f: {  	_ = 	snop  }
0x90: {  	(tm) =	ssettm $0x1  }
0x91: {  	s17 =	sld [smem:$0x3FFB];
	_ =	sdelay $0x3  }
0x92: {  	_ =	strace s17  }
0x93: {  	s2 =	sld [smem:$0x3FFC];
	_ =	sdelay $0x3  }
0x94: {  	_ =	strace s2  }
0x95: {  	s2 =	sld [smem:$0x3FFD];
	_ =	sdelay $0x3  }
0x96: {  	_ =	strace s2  }
0x97: {  	_ =	strace $0x8FFFFFFF  }
0x98: {  	s18 =	sld [smem:$0x3FDB];
	_ =	sdelay $0x1  }
0x99: {  	s19 =	simm.s32 $_scs_section_size  }
0x9a: {  	s4 =	simm.s32 $_size__tile_overlayer_lowered;
	s5 =	simm.s32 $_tile_overlayer_lowered  }
0x9b: {  	s22 =	simm.s32 $0x1BFF;
	s21 =	sshll.u32 s5, $0x1;
	s2 =	sadd.s32 s19, s18  }
0x9c: {  	s6 =	simm.s32 $0x0;
	s20 =	sshll.u32 s4, $0x1;
	s4 =	sadd.s32 s21, s2  }
0x9d: {  	[timem:s6], [sflag:s22] =	dma.local [hbm:s4], s20  }
0x9e: {  	_ =	swait.ge [sflag:s22], s20  }
0x9f: {  	s3 =	ssub.s32 $0x0, s20;
	[sflag:s22] =	ssyncset.done $0x0  }
0xa0: {  	[sflag:s22] =	ssyncadd.s32 s3;
	_ =	sdelay $0x1  }
0xa1: {  	s23 =	simm.s32 $0x1B8B  }
0xa2: {  	_ =	swait.ge [sflag:s23], $0x1  }
0xa3: {  	[sflag:s23] =	ssyncset.done $0x0  }
0xa4: {  	s25 =	simm.s32 $0x1B8E;
	s24 =	sld [smem:$0x3FFE];
	[sflag:s23] =	ssyncadd.s32 $0xFFFFFFFF  }
0xa5: {  	s26 =	simm.s32 $execute0_lowered;
	[smem:$0x3FD2] =	sst s25  }
0xa6: {  	s4 =	sshll.u32 s26, $0x1;
	_ =	strace $0x80000055;
	[dreg:$0x1] =	wrdreg $0xFFFFFFFF  }
0xa7: {  	s28 =	simm.s32 $_size_execute0_lowered;
	s2 =	sadd.s32 s2, s4;
	[dreg:$0x0] =	wrdreg $0x0  }
0xa8: {  	s4 =	sshll.u32 s28, $0x1;
	[dreg:$0x2] =	wrdreg s2  }
0xa9: {  	[dreg:$0x3] =	wrdreg s4  }
0xaa: {  	[dreg:$0x4] =	wrdreg $0xC0  }
0xab: {  	_ =	task [dreg:s6], $0x5FFFF  }
0xac: {  	[dreg:$0x1] =	wrdreg $0xFFFFFFFF  }
0xad: {  	[dreg:$0x0] =	wrdreg $0x60  }
0xae: {  	[dreg:$0x2] =	wrdreg s24  }
0xaf: {  	[dreg:$0x3] =	wrdreg $0x90000  }
0xb0: {  	[dreg:$0x4] =	wrdreg $0x9  }
0xb1: {  	_ =	task.clear_ibuf [dreg:s6], $0x5FFFF;
	_ =	strace $0x90000055  }
0xb2: {  	s29 =	simm.s32 $0x9;
	_ =	strace $0x80000057  }
0xb3: {  	_ =	swait.ge [sflag:s29], $0x1  }
0xb4: {  	[sflag:s29] =	ssyncadd.s32 $0xFFFFFFFF  }
0xb5: {  	_ =	strace $0x90000057  }
0xb6: {  	_ =	sfence  }
0xb7: {  	s30 =	sld [smem:$0x0];
	_ =	sdelay $0x2  }
0xb8: {  	s31 =	sshll.u32 s1, $0xD;
	s1 =	sshrl.u32 s1, $0x2  }
0xb9: {  	s3 =	sand.u32 $0x4000, s31;
	s1 =	sadd.s32 s1, s30  }
0xba: {  	s0 =	sor.u32 s3, s0;
	s1 =	sshll.u32 s1, $0x11  }
0xbb: {  	s0 =	sor.u32 s1, s0  }
0xbc: {  	s0 =	sadd.s32 $0x8F2B, s0  }
0xbd: {  	[sflag:s0] =	ssyncadd.remote.s32 $0x1  }
0xbe: {  	_ =	sfence.sel $0xFFFF  }
0xbf: {  	[dreg:$0x0] =	wrdreg $0xFFFFFFFF;
	(pc) =	sbr.abs _section_cstart, $3  }
0xc0: {  	[dreg:$0x1] =	wrdreg $0xFFFFFFFF  }
0xc1: {  	_ =	task.clear_ibuf [dreg:s6], $0x2FFFF;
	_ =	strace $0x9FFFFFFF  }
0xc2: {  	(tm) =	ssettm $0x7FFFFFFF  }
0xc3: {  	_ =	shalt  }
tec
execute0_lowered:
.L_overlay_start_1:
0x0: {  	(tag) =	ssettag $0x1  }
0x1: {  	s0 =	rddreg [dreg:$0x0]  }
0x2: {  	s1 =	srdreg.scid;
	s2 =	rddreg [dreg:$0x1]  }
0x3: {  	s10 =	stileid.u32;
	s3 =	simm.s32 $0x0;
	s11 =	simm.s32 $0x9  }
0x4: {  	s12 =	simm.s32 $0x80;
	s13 =	simm.s32 $0x5000;
	s15 =	simm.s32 $0x6000  }
0x5: {  	s17 =	simm.s32 $0x7000;
	s18 =	simm.s32 $0x1;
	s20 =	simm.s32 $0x8000  }
0x6: {  	s21 =	simm.s32 $0x2;
	s23 =	simm.s32 $0x5;
	s28 =	simm.s32 $0x6  }
0x7: {  	s30 =	simm.s32 $0x4;
	s14 =	simm.s32 $0x8;
	s6 =	smul.u32 $0x4F00, s10  }
0x8: {  	s16 =	simm.s32 $0x0;
	s1 =	sand.u32 $0x1, s1;
	s8 =	smul.u32 $0xA00, s10  }
0x9: {  	[smem:$0x7FF] =	sst s3;
	s4 =	sadd.s32 $0x4200, s0;
	s5 =	smul.u32 $0xA000, s1  }
0xa: {  	s9 =	sadd.s32 $0x22C00, s0;
	s31 =	sshll.u32 s10, $0x6;
	s7 =	smul.u32 $0x4F000, s1  }
0xb: {  	_ =	strace $0x80000056;
	s24 =	ssub.s32 $0x2, s1;
	p0 =	seq.s32 s1, $0x1  }
0xc: {  	s1 =	simm.s32 $0x600;
	s25 =	sshrl.u32 s24, $0x1;
	s26 =	sadd.s32 s6, s2  }
0xd: {  	s29 =	sshrl.u32 s6, $0x3;
	s7 =	sadd.s32 s6, s7;
	s5 =	sadd.s32 s8, s5  }
.Ltmp0:
0xe: {  	s10 =	sshrl.u32 s26, $0x3;
	s7 =	sshrl.u32 s7, $0x3;
	(pc) =	sbr.rel .LBB2_1-.Ltmp0, $4  }
0xf: {  	s5 =	sadd.s32 s5, s0;
	s0 =	sadd.s32 s7, s0;
	s7 =	ssub.s32 s24, s25  }
0x10: {  	s5 =	sadd.s32 $0xEC00, s5;
	s6 =	sadd.s32 $0x2CA00, s0;
	s0 =	smov.u32 s4  }
0x11: {  	s25 =	simm.s32 $0x3;
	s7 =	smax.u32 s7, $0x1;
	s0 =	smov.u32 @p0 s9  }
0x12: {  	s9 =	sor.u32 $0x1C09, s31;
	s8 =	sadd.s32 s0, s29;
	s0 =	simm.s32 $0x7  }
.LBB2_4:
0x13: {  	_ =	swait.ge [sflag:s23], $0x1000  }
0x14: {  	[sflag:s23] =	ssyncset.done $0x0  }
0x15: {  	[sflag:s23] =	ssyncadd.s32 $0xFFFFF000  }
0x16: {  	_ =	swait.ge [sflag:s28], $0x1000  }
0x17: {  	[sflag:s28] =	ssyncset.done $0x0  }
0x18: {  	[sflag:s28] =	ssyncadd.s32 $0xFFFFF000  }
0x19: {  	_ =	swait.ge [sflag:s0], $0x1000  }
0x1a: {  	[sflag:s0] =	ssyncset.done $0x0  }
0x1b: {  	[sflag:s0] =	ssyncadd.s32 $0xFFFFF000  }
0x1c: {  	_ =	swait.ge [sflag:s14], $0x1000  }
0x1d: {  	s16 =	sadd.s32 $0x1, s16;
	[sflag:s14] =	ssyncset.done $0x0  }
0x1e: {  	p0 =	sne.s32 s16, s7;
	[sflag:s14] =	ssyncadd.s32 $0xFFFFF000  }
.Ltmp1:
0x1f: {  	[bflag:$0x0] =	sbarrier.arrive $0xFFFF;
	(pc) =	sbr.rel @!p0 .LBB2_5-.Ltmp1, $4  }
0x20: {  	[hbm:s6], [sflag:s9] =	dma.local [spmem:s10], $0x9E0  }
0x21: {  	_ =	swait.ge [sflag:s11], $0x9E0  }
0x22: {  	[sflag:s11] =	ssyncset.done $0x0  }
0x23: {  	[sflag:s11] =	ssyncadd.s32 $0xFFFFF620  }
.LBB2_1:
0x24: {  	[spmem:s10], [sflag:s9] =	dma.local [hbm:s8], $0x9E0  }
0x25: {  	_ =	swait.ge [sflag:s11], $0x9E0  }
0x26: {  	[sflag:s11] =	ssyncset.done $0x0  }
0x27: {  	[sflag:s11] =	ssyncadd.s32 $0xFFFFF620  }
0x28: {  	[bflag:$0x0] =	sbarrier.arrive $0xFFFF  }
0x29: {  	[tilespmem:s3], [sflag:$0x9] =	stream.linear.gather [hbm4b:s5+s3], $0x5000, $0x38;
	[tilespmem:$0xDF00] =	vst v63  }
0x2a: {  	_ =	swait.ge [sflag:s11], $0x5000  }
0x2b: {  	[sflag:s11] =	ssyncset.done $0x0  }
0x2c: {  	[sflag:s11] =	ssyncadd.s32 $0xFFFFB000  }
0x2d: {  	[tilespmem:s13], [sflag:$0x1] =	stream.indirect.gather [hbm4b:s4+s12], $0x20, s3, s12, $0xb8;
	[tilespmem:$0xDF00] =	vst v63  }
0x2e: {  	s19 =	simm.s32 $0x100  }
0x2f: {  	[tilespmem:s15], [sflag:$0x2] =	stream.indirect.gather [hbm4b:s4+s12], $0x20, s19, s12, $0xb8;
	[tilespmem:$0xDF00] =	vst v63  }
0x30: {  	s29 =	simm.s32 $0x200  }
0x31: {  	[tilespmem:s17], [sflag:$0x3] =	stream.indirect.gather [hbm4b:s4+s12], $0x20, s29, s12, $0xb8;
	[tilespmem:$0xDF00] =	vst v63  }
0x32: {  	_ =	swait.ge [sflag:s18], $0x1000  }
0x33: {  	[sflag:s18] =	ssyncset.done $0x0  }
0x34: {  	[sflag:s18] =	ssyncadd.s32 $0xFFFFF000  }
0x35: {  	[spmem:s2] =	stream.indirect.scatter.add.f32 [tilespmem:s13], [sflag:$0x5], $0x20, s12, s12, $0xb8;
	[tilespmem:$0xDF00] =	vst v63  }
0x36: {  	s31 =	simm.s32 $0x300  }
0x37: {  	[tilespmem:s20], [sflag:$0x4] =	stream.indirect.gather [hbm4b:s4+s12], $0x20, s31, s12, $0xb8;
	[tilespmem:$0xDF00] =	vst v63  }
0x38: {  	_ =	swait.ge [sflag:s21], $0x1000  }
0x39: {  	[sflag:s21] =	ssyncset.done $0x0  }
0x3a: {  	s22 =	simm.s32 $0x180;
	[sflag:s21] =	ssyncadd.s32 $0xFFFFF000  }
0x3b: {  	[spmem:s2] =	stream.indirect.scatter.add.f32 [tilespmem:s15], [sflag:$0x6], $0x20, s22, s12, $0xb8;
	[tilespmem:$0xDF00] =	vst v63  }
0x3c: {  	_ =	swait.ge [sflag:s23], $0x1000  }
0x3d: {  	[sflag:s23] =	ssyncset.done $0x0  }
0x3e: {  	s24 =	simm.s32 $0x400;
	[sflag:s23] =	ssyncadd.s32 $0xFFFFF000  }
0x3f: {  	[tilespmem:s13], [sflag:$0x1] =	stream.indirect.gather [hbm4b:s4+s12], $0x20, s24, s12, $0xb8;
	[tilespmem:$0xDF00] =	vst v63  }
0x40: {  	_ =	swait.ge [sflag:s25], $0x1000  }
0x41: {  	[sflag:s25] =	ssyncset.done $0x0  }
0x42: {  	s26 =	simm.s32 $0x280;
	[sflag:s25] =	ssyncadd.s32 $0xFFFFF000  }
0x43: {  	[spmem:s2] =	stream.indirect.scatter.add.f32 [tilespmem:s17], [sflag:$0x7], $0x20, s26, s12, $0xb8;
	[tilespmem:$0xDF00] =	vst v63  }
0x44: {  	_ =	swait.ge [sflag:s28], $0x1000  }
0x45: {  	[sflag:s28] =	ssyncset.done $0x0  }
0x46: {  	s29 =	simm.s32 $0x500;
	[sflag:s28] =	ssyncadd.s32 $0xFFFFF000  }
0x47: {  	[tilespmem:s15], [sflag:$0x2] =	stream.indirect.gather [hbm4b:s4+s12], $0x20, s29, s12, $0xb8;
	[tilespmem:$0xDF00] =	vst v63  }
0x48: {  	_ =	swait.ge [sflag:s30], $0x1000  }
0x49: {  	[sflag:s30] =	ssyncset.done $0x0  }
0x4a: {  	s31 =	simm.s32 $0x380;
	[sflag:s30] =	ssyncadd.s32 $0xFFFFF000  }
0x4b: {  	[spmem:s2] =	stream.indirect.scatter.add.f32 [tilespmem:s20], [sflag:$0x8], $0x20, s31, s12, $0xb8;
	[tilespmem:$0xDF00] =	vst v63  }
0x4c: {  	_ =	swait.ge [sflag:s0], $0x1000  }
0x4d: {  	[sflag:s0] =	ssyncset.done $0x0  }
0x4e: {  	s19 =	simm.s32 $0x0;
	[sflag:s0] =	ssyncadd.s32 $0xFFFFF000  }
0x4f: {  	[tilespmem:s17], [sflag:$0x3] =	stream.indirect.gather [hbm4b:s4+s12], $0x20, s1, s12, $0xb8;
	[tilespmem:$0xDF00] =	vst v63  }
.LBB2_2:
0x50: {  	_ =	swait.ge [sflag:s18], $0x1000  }
0x51: {  	s22 =	sshra.s32 s19, $0x2;
	[sflag:s18] =	ssyncset.done $0x0  }
0x52: {  	s24 =	sadd.s32 $0x480, s22;
	[sflag:s18] =	ssyncadd.s32 $0xFFFFF000  }
0x53: {  	[spmem:s2] =	stream.indirect.scatter.add.f32 [tilespmem:s13], [sflag:$0x5], $0x20, s24, s12, $0xb8;
	[tilespmem:$0xDF00] =	vst v63  }
0x54: {  	_ =	swait.ge [sflag:s14], $0x1000  }
0x55: {  	[sflag:s14] =	ssyncset.done $0x0  }
0x56: {  	s26 =	sadd.s32 $0x700, s22;
	[sflag:s14] =	ssyncadd.s32 $0xFFFFF000  }
0x57: {  	[tilespmem:s20], [sflag:$0x4] =	stream.indirect.gather [hbm4b:s4+s12], $0x20, s26, s12, $0xb8;
	[tilespmem:$0xDF00] =	vst v63  }
0x58: {  	_ =	swait.ge [sflag:s21], $0x1000  }
0x59: {  	p0 =	seq.s32 s19, $0x12000;
	[sflag:s21] =	ssyncset.done $0x0  }
0x5a: {  	s29 =	sadd.s32 $0x580, s22;
	s24 =	simm.s32 @p0 $0x3;
	[sflag:s21] =	ssyncadd.s32 $0xFFFFF000  }
0x5b: {  	[spmem:s2] =	stream.indirect.scatter.add.f32 [tilespmem:s15], [sflag:$0x6], $0x20, s29, s12, $0xb8;
	[tilespmem:$0xDF00] =	vst v63  }
0x5c: {  	_ =	swait.ge @p0 [sflag:s24], $0x1000  }
0x5d: {  	[sflag:s24] =	ssyncset.done @p0 $0x0  }
0x5e: {  	[sflag:s24] =	ssyncadd.s32 @p0 $0xFFFFF000;
	s24 =	sshra.s32 @p0 s19, $0x2  }
0x5f: {  	s26 =	simm.s32 @p0 $0x80;
	s29 =	simm.s32 @p0 $0x7000;
	s24 =	sadd.s32 @p0 $0x680, s24  }
0x60: {  	[spmem:s2] =	stream.indirect.scatter.add.f32 @p0 [tilespmem:s29], [sflag:$0x7], $0x20, s24, s26, $0xb8;
	[tilespmem:$0xDF00] =	vst v63  }
0x61: {  	s24 =	simm.s32 @!p0 $0x5  }
0x62: {  	_ =	swait.ge @!p0 [sflag:s24], $0x1000  }
0x63: {  	[sflag:s24] =	ssyncset.done @!p0 $0x0  }
0x64: {  	[sflag:s24] =	ssyncadd.s32 @!p0 $0xFFFFF000;
	s24 =	sshra.s32 @!p0 s19, $0x2  }
0x65: {  	s31 =	simm.s32 @!p0 $0x5000;
	s29 =	simm.s32 @!p0 $0x80;
	s26 =	sadd.s32 @!p0 $0x800, s24  }
0x66: {  	[tilespmem:s31], [sflag:$0x1] =	stream.indirect.gather @!p0 [hbm4b:s4+s29], $0x20, s26, s29, $0xb8;
	[tilespmem:$0xDF00] =	vst v63  }
0x67: {  	s26 =	simm.s32 @!p0 $0x3  }
0x68: {  	_ =	swait.ge @!p0 [sflag:s26], $0x1000  }
0x69: {  	[sflag:s26] =	ssyncset.done @!p0 $0x0  }
0x6a: {  	s31 =	simm.s32 @!p0 $0x7000;
	[sflag:s26] =	ssyncadd.s32 @!p0 $0xFFFFF000;
	s26 =	sadd.s32 @!p0 $0x680, s24  }
0x6b: {  	[spmem:s2] =	stream.indirect.scatter.add.f32 @!p0 [tilespmem:s31], [sflag:$0x7], $0x20, s26, s29, $0xb8;
	[tilespmem:$0xDF00] =	vst v63  }
0x6c: {  	s26 =	simm.s32 @!p0 $0x6  }
0x6d: {  	_ =	swait.ge @!p0 [sflag:s26], $0x1000  }
0x6e: {  	[sflag:s26] =	ssyncset.done @!p0 $0x0  }
0x6f: {  	s24 =	sadd.s32 @!p0 $0x900, s24;
	[sflag:s26] =	ssyncadd.s32 @!p0 $0xFFFFF000;
	s26 =	simm.s32 @!p0 $0x6000  }
0x70: {  	[tilespmem:s26], [sflag:$0x2] =	stream.indirect.gather @!p0 [hbm4b:s4+s29], $0x20, s24, s29, $0xb8;
	[tilespmem:$0xDF00] =	vst v63  }
.Ltmp2:
0x71: {  	_ = 	snop;
	(pc) =	sbr.rel @p0 .LBB2_4-.Ltmp2, $4  }
0x72: {  	_ =	swait.ge [sflag:s30], $0x1000  }
0x73: {  	[sflag:s30] =	ssyncset.done $0x0  }
0x74: {  	s31 =	sadd.s32 $0x780, s22;
	[sflag:s30] =	ssyncadd.s32 $0xFFFFF000  }
0x75: {  	[spmem:s2] =	stream.indirect.scatter.add.f32 [tilespmem:s20], [sflag:$0x8], $0x20, s31, s12, $0xb8;
	[tilespmem:$0xDF00] =	vst v63  }
.Ltmp3:
0x76: {  	(pc) =	sbr.rel .LBB2_2-.Ltmp3, $4  }
0x77: {  	_ =	swait.ge [sflag:s0], $0x1000  }
0x78: {  	[sflag:s0] =	ssyncset.done $0x0  }
0x79: {  	s22 =	sadd.s32 $0xA00, s22;
	s19 =	sadd.s32 $0x1000, s19;
	[sflag:s0] =	ssyncadd.s32 $0xFFFFF000  }
0x7a: {  	[tilespmem:s17], [sflag:$0x3] =	stream.indirect.gather [hbm4b:s4+s12], $0x20, s22, s12, $0xb8;
	[tilespmem:$0xDF00] =	vst v63  }
.LBB2_5:
0x7b: {  	_ =	sfence.sel $0x180000  }
0x7c: {  	[bflag:$0x0] =	sbarrier.arrive $0xFFFF  }
0x7d: {  	_ =	strace $0x90000056  }
0x7e: {  	s0 =	stileid.u32;
	[bflag:$0x2] =	sbarrier.arrive $0xFFFF  }
0x7f: {  	p0 =	sne.s32 s0, $0x0;
	s0 =	rddreg [dreg:$0x2]  }
0x80: {  	s0 =	sadd.s32 @!p0 $0x100000, s0  }
0x81: {  	[sflag:s0] =	ssyncadd.tile.s32 @!p0 $0x1;
	_ =	shalt  }
.Lfunc_end2:
_tile_overlayer_lowered:
.L_overlay_start_2:
0x82: {  	(tag) =	ssettag $0x2  }
0x83: {  	s0 =	rddreg [dreg:$0x0];
	s2 =	stileid.u32  }
0x84: {  	s1 =	rddreg [dreg:$0x1];
	p0 =	sne.s32 s2, $0x0  }
0x85: {  	s3 =	rddreg [dreg:$0x2];
	[bflag:$0x3] =	sbarrier.arrive $0xFFFF;
	s2 =	simm.s32 @!p0 $0x1C09  }
0x86: {  	[timem:s3], [sflag:s2] =	dma.local @!p0 [hbm:s0], s1  }
0x87: {  	s0 =	simm.s32 @!p0 $0x9  }
0x88: {  	_ =	swait.ge @!p0 [sflag:s0], s1  }
0x89: {  	s1 =	ssub.s32 @!p0 $0x0, s1;
	[sflag:s0] =	ssyncset.done @!p0 $0x0  }
0x8a: {  	[sflag:s0] =	ssyncadd.s32 @!p0 s1  }
0x8b: {  	[bflag:$0x3] =	sbarrier.arrive $0xFFFF  }
0x8c: {  	_ =	shalt  }

</sc_bundles>
